<compile_context>
chip_gen: v7x
topology: tpu7x:2x2x1
jax: 0.10.2.dev20260603
libtpu: 0.0.44.dev20260713+nightly
codegen_flags: <defaults>
</compile_context>

<pallas_src>
import numpy as np
import jax
import jax.numpy as jnp
from jax import lax
from jax.experimental import pallas as pl
from jax.experimental.pallas import tpu as pltpu
from jax.experimental.pallas import tpu_sc as plsc

_NUM_MATERIALS = 1000
_TBL = 1024
_FREQUENCY = 3.5e9
_EPS0 = 8.8541878128e-12
_NEG_INV_EPS_OMEGA = np.float32(
    -1.0 / (_EPS0 * np.float32(2.0 * np.pi * _FREQUENCY))
)

_L = 16
_NC, _NS = 2, 16
_NW = _NC * _NS
_N = 4 * 1048576
_PER_W = _N // _NW
_C = 8192
_NCHUNK = _PER_W // _C


def _body(obj_hbm, rp_hbm, cond_hbm, sch_hbm, xpd_hbm,
          ore_hbm, oim_hbm, osc_hbm, oxp_hbm,
          tbl_re, tbl_im, tbl_sc, tbl_xp,
          idx_v0, idx_v1, ore_v0, oim_v0, osc_v0, oxp_v0,
          ore_v1, oim_v1, osc_v1, oxp_v1,
          ore_v2, oim_v2, osc_v2, oxp_v2,
          sem_in0, sem_in1, sem_out0, sem_out1, sem_out2):
    cid = lax.axis_index("c")
    sid = lax.axis_index("s")
    wid = sid * _NC + cid
    base = wid * _PER_W
    idx_v = (idx_v0, idx_v1)
    outs_v = ((ore_v0, oim_v0, osc_v0, oxp_v0),
              (ore_v1, oim_v1, osc_v1, oxp_v1),
              (ore_v2, oim_v2, osc_v2, oxp_v2))
    sem_in = (sem_in0, sem_in1)
    sem_out = (sem_out0, sem_out1, sem_out2)
    outs_hbm = (ore_hbm, oim_hbm, osc_hbm, oxp_hbm)

    pltpu.sync_copy(rp_hbm, tbl_re.at[pl.ds(0, _NUM_MATERIALS)])
    pltpu.sync_copy(cond_hbm, tbl_im.at[pl.ds(0, _NUM_MATERIALS)])
    pltpu.sync_copy(sch_hbm, tbl_sc.at[pl.ds(0, _NUM_MATERIALS)])
    pltpu.sync_copy(xpd_hbm, tbl_xp.at[pl.ds(0, _NUM_MATERIALS)])

    lanes = lax.iota(jnp.int32, _L)

    @plsc.parallel_loop(0, _TBL, _L)
    def _activate(r):
        rows = lanes + r
        sent = rows == _NUM_MATERIALS
        p = tbl_re[pl.ds(r, _L)]
        tbl_re[pl.ds(r, _L)] = jnp.where(sent, 1000.0, 2.0 + jnp.exp(p))
        q = tbl_im[pl.ds(r, _L)]
        tbl_im[pl.ds(r, _L)] = jnp.where(
            sent, 0.0, jnp.exp(q) * _NEG_INV_EPS_OMEGA)
        s = tbl_sc[pl.ds(r, _L)]
        tbl_sc[pl.ds(r, _L)] = jnp.where(
            sent, 1000.0, 1.0 / (1.0 + jnp.exp(-s)))
        x = tbl_xp[pl.ds(r, _L)]
        tbl_xp[pl.ds(r, _L)] = jnp.where(
            sent, 1000.0, 1.0 / (1.0 + jnp.exp(-x)))

    pltpu.async_copy(obj_hbm.at[pl.ds(base, _C)], idx_v[0], sem_in[0])
    out_dmas = [None, None, None]
    for k in range(_NCHUNK):
        b = k % 2
        bo = k % 3
        off = base + k * _C
        if k + 1 < _NCHUNK:
            pltpu.async_copy(obj_hbm.at[pl.ds(off + _C, _C)],
                             idx_v[1 - b], sem_in[1 - b])
        if out_dmas[bo] is not None:
            for d in out_dmas[bo]:
                d.wait()
        pltpu.make_async_copy(obj_hbm.at[pl.ds(off, _C)], idx_v[b],
                              sem_in[b]).wait()
        ib = idx_v[b]
        rb, mb, sb, xb = outs_v[bo]

        @plsc.parallel_loop(0, _C, _L, unroll=8)
        def _gather(g):
            iv = ib[pl.ds(g, _L)]
            iv = jnp.where(iv < 0, _NUM_MATERIALS, iv)
            rb[pl.ds(g, _L)] = plsc.load_gather(tbl_re, [iv])
            mb[pl.ds(g, _L)] = plsc.load_gather(tbl_im, [iv])
            sb[pl.ds(g, _L)] = plsc.load_gather(tbl_sc, [iv])
            xb[pl.ds(g, _L)] = plsc.load_gather(tbl_xp, [iv])

        out_dmas[bo] = [
            pltpu.async_copy(v, h.at[pl.ds(off, _C)], sem_out[bo])
            for v, h in zip(outs_v[bo], outs_hbm)
        ]
    for dmas in out_dmas:
        if dmas is not None:
            for d in dmas:
                d.wait()


def _untile(x, shape):
    return x.reshape(shape[1] // 128, shape[0], 128).transpose(1, 0, 2) \
            .reshape(shape)


def kernel(objects, vertices, rp_param, cond_param, sc_param, xpd_param):
    del vertices
    shape = objects.shape
    obj_flat = objects.reshape(shape[0], shape[1] // 128, 128) \
                      .transpose(1, 0, 2).reshape(_N)
    mesh = plsc.VectorSubcoreMesh(
        core_axis_name="c", subcore_axis_name="s",
        num_cores=_NC, num_subcores=_NS)
    f32 = jnp.float32
    out_type = (
        jax.ShapeDtypeStruct((_N,), f32),
        jax.ShapeDtypeStruct((_N,), f32),
        jax.ShapeDtypeStruct((_N,), f32),
        jax.ShapeDtypeStruct((_N,), f32),
    )
    scratch = (
        [pltpu.VMEM((_TBL,), f32)] * 4
        + [pltpu.VMEM((_C,), jnp.int32)] * 2
        + [pltpu.VMEM((_C,), f32)] * 12
        + [pltpu.SemaphoreType.DMA] * 5
    )
    run = pl.kernel(_body, out_type=out_type, mesh=mesh,
                    scratch_types=scratch,
                    compiler_params=pltpu.CompilerParams(
                        needs_layout_passes=False))
    re, im, scg, xpg = run(obj_flat, rp_param, cond_param,
                           sc_param, xpd_param)
    crp = _untile(lax.complex(re, im), shape)
    return crp, _untile(scg, shape), _untile(xpg, shape)

# --- scband reference (transcript-rebuilt; emitter-appended) ---
"""Pipeline reference for scband-material-trainer-45827301048487 (READ-ONLY COPY).

The authoritative reference and input builder live on the scoring server;
editing this copy changes nothing except your own understanding.
"""

import jax, jax.numpy as jnp
import numpy as np

NUM_MATERIALS = 1000
FREQUENCY = 3.5e9
EPS0 = 8.8541878128e-12
PI = np.pi


def setup_inputs(seed: int = 0) -> dict:
    key = jax.random.key(seed)
    k1, k2, k3, k4, k5, k6 = jax.random.split(key, 6)
    objects = jax.random.randint(k1, (4, 1048576), 0, NUM_MATERIALS, dtype=jnp.int32)
    vertices = jax.random.normal(k2, (4, 1048576, 3), dtype=jnp.float32)
    # learned parameters, initialized as in the original constructor (inverse activations)
    # rp_inv(2.0) = log(2-1) = 0; cond_inv(0.1) = log(0.1); sc_inv(0.2) = logit(0.2);
    # xpd_inv(0.0) = -inf -> clamp to a large negative finite value for numerical safety.
    rp_param = jnp.zeros((NUM_MATERIALS,), dtype=jnp.float32) + 0.01 * jax.random.normal(k3, (NUM_MATERIALS,), dtype=jnp.float32)
    cond_param = jnp.full((NUM_MATERIALS,), np.log(0.1), dtype=jnp.float32) + 0.01 * jax.random.normal(k4, (NUM_MATERIALS,), dtype=jnp.float32)
    sc_param = jnp.full((NUM_MATERIALS,), np.log(0.2 / 0.8), dtype=jnp.float32) + 0.01 * jax.random.normal(k5, (NUM_MATERIALS,), dtype=jnp.float32)
    xpd_param = jnp.full((NUM_MATERIALS,), -10.0, dtype=jnp.float32) + 0.01 * jax.random.normal(k6, (NUM_MATERIALS,), dtype=jnp.float32)
    return {"objects": objects, "vertices": vertices, "rp_param": rp_param,
            "cond_param": cond_param, "sc_param": sc_param, "xpd_param": xpd_param}


def reference(objects, vertices, rp_param, cond_param, sc_param, xpd_param):
    # property activations
    rp = 1.0 + (1.0 + jnp.exp(rp_param))          # relative_permittivity = 1 + (1 + exp(p))
    c = jnp.exp(cond_param)                        # conductivity
    sc = jax.nn.sigmoid(sc_param)                  # scattering coefficient
    xpd = jax.nn.sigmoid(xpd_param)                # xpd coefficient
    omega = jnp.float32(2.0 * PI * FREQUENCY)
    crp = (rp - 1j * (c / (EPS0 * omega))).astype(jnp.complex64)
    # sentinel handling: objects == -1 -> index num_materials (extra padded row)
    valid_indices = jnp.where(objects == -1, NUM_MATERIALS, objects)
    rp_tensor = jnp.concatenate([crp, jnp.array([NUM_MATERIALS], dtype=jnp.complex64)], axis=0)
    sc_tensor = jnp.concatenate([sc, jnp.array([NUM_MATERIALS], dtype=jnp.float32)], axis=0)
    xpd_tensor = jnp.concatenate([xpd, jnp.array([NUM_MATERIALS], dtype=jnp.float32)], axis=0)
    rp_g = jnp.take(rp_tensor, valid_indices, axis=0)
    sc_g = jnp.take(sc_tensor, valid_indices, axis=0)
    xpd_g = jnp.take(xpd_tensor, valid_indices, axis=0)
    return (rp_g, sc_g, xpd_g)

if __name__ == "__main__":
    import jax
    _d = setup_inputs()
    print(jax.jit(kernel)(*tuple(_d.values())))

</pallas_src>

<mosaic_0001>
#map = affine_map<(d0, d1) -> (0)>
module attributes {stable_mosaic.version = 14 : i64} {
  func.func @_body(%arg0: i32, %arg1: i32, %arg2: memref<4194304xi32, #tpu.memory_space<hbm>>, %arg3: memref<1000xf32, #tpu.memory_space<hbm>>, %arg4: memref<1000xf32, #tpu.memory_space<hbm>>, %arg5: memref<1000xf32, #tpu.memory_space<hbm>>, %arg6: memref<1000xf32, #tpu.memory_space<hbm>>, %arg7: memref<4194304xf32, #tpu.memory_space<hbm>>, %arg8: memref<4194304xf32, #tpu.memory_space<hbm>>, %arg9: memref<4194304xf32, #tpu.memory_space<hbm>>, %arg10: memref<4194304xf32, #tpu.memory_space<hbm>>, %arg11: memref<1024xf32, #tpu.memory_space<vmem>>, %arg12: memref<1024xf32, #tpu.memory_space<vmem>>, %arg13: memref<1024xf32, #tpu.memory_space<vmem>>, %arg14: memref<1024xf32, #tpu.memory_space<vmem>>, %arg15: memref<8192xi32, #tpu.memory_space<vmem>>, %arg16: memref<8192xi32, #tpu.memory_space<vmem>>, %arg17: memref<8192xf32, #tpu.memory_space<vmem>>, %arg18: memref<8192xf32, #tpu.memory_space<vmem>>, %arg19: memref<8192xf32, #tpu.memory_space<vmem>>, %arg20: memref<8192xf32, #tpu.memory_space<vmem>>, %arg21: memref<8192xf32, #tpu.memory_space<vmem>>, %arg22: memref<8192xf32, #tpu.memory_space<vmem>>, %arg23: memref<8192xf32, #tpu.memory_space<vmem>>, %arg24: memref<8192xf32, #tpu.memory_space<vmem>>, %arg25: memref<8192xf32, #tpu.memory_space<vmem>>, %arg26: memref<8192xf32, #tpu.memory_space<vmem>>, %arg27: memref<8192xf32, #tpu.memory_space<vmem>>, %arg28: memref<8192xf32, #tpu.memory_space<vmem>>, %arg29: memref<!tpu.dma_semaphore, #tpu.memory_space<semaphore_mem>>, %arg30: memref<!tpu.dma_semaphore, #tpu.memory_space<semaphore_mem>>, %arg31: memref<!tpu.dma_semaphore, #tpu.memory_space<semaphore_mem>>, %arg32: memref<!tpu.dma_semaphore, #tpu.memory_space<semaphore_mem>>, %arg33: memref<!tpu.dma_semaphore, #tpu.memory_space<semaphore_mem>>) attributes {dimension_semantics = [#tpu.dimension_semantics<core_parallel>, #tpu.dimension_semantics<subcore_parallel>], iteration_bounds = array<i64: 2, 16>, scalar_prefetch = 0 : i64, scratch_operands = 23 : i64, tpu.core_type = #tpu.core_type<sc_vector_subcore>, window_params = [{transform_indices = #map}, {transform_indices = #map}, {transform_indices = #map}, {transform_indices = #map}, {transform_indices = #map}, {transform_indices = #map}, {transform_indices = #map}, {transform_indices = #map}, {transform_indices = #map}]} {
    %mul3A = arith.constant 2 : i32
    %mul3A_0 = arith.muli %arg1, %mul3A : i32
    %add3A = arith.addi %mul3A_0, %arg0 : i32
    %mul3A_1 = arith.constant 131072 : i32
    %mul3A_2 = arith.muli %add3A, %mul3A_1 : i32
    "tpu.region"() ({
      %run_scoped3A = tpu.sem_alloc : memref<!tpu.dma_semaphore, #tpu.memory_space<semaphore_mem>>
      %dma_start3A_433 = arith.constant 0 : i32
      %dma_start3A_434 = tpu.memref_slice %arg11[%dma_start3A_433] : memref<1024xf32, #tpu.memory_space<vmem>> -> memref<1000xf32, #tpu.memory_space<vmem>>
      %dma_start3A_435 = arith.constant 0 : i32
      %dma_start3A_436 = tpu.memref_slice %arg11[%dma_start3A_435] : memref<1024xf32, #tpu.memory_space<vmem>> -> memref<1000xf32, #tpu.memory_space<vmem>>
      tpu.enqueue_dma source(%arg3 : memref<1000xf32, #tpu.memory_space<hbm>>) target(%dma_start3A_436 : memref<1000xf32, #tpu.memory_space<vmem>>) target_semaphore(%run_scoped3A : memref<!tpu.dma_semaphore, #tpu.memory_space<semaphore_mem>>)
      %dma_wait3A_437 = arith.constant 0 : i32
      %dma_wait3A_438 = tpu.memref_slice %arg11[%dma_wait3A_437] : memref<1024xf32, #tpu.memory_space<vmem>> -> memref<1000xf32, #tpu.memory_space<vmem>>
      %dma_wait3A_439 = arith.constant 0 : i32
      %dma_wait3A_440 = tpu.memref_slice %arg11[%dma_wait3A_439] : memref<1024xf32, #tpu.memory_space<vmem>> -> memref<1000xf32, #tpu.memory_space<vmem>>
      tpu.wait_dma2 semaphore(%run_scoped3A : memref<!tpu.dma_semaphore, #tpu.memory_space<semaphore_mem>>) src(%arg3 : memref<1000xf32, #tpu.memory_space<hbm>>) dst(%dma_wait3A_440 : memref<1000xf32, #tpu.memory_space<vmem>>)
      tpu.yield
    }) : () -> ()
    "tpu.region"() ({
      %run_scoped3A = tpu.sem_alloc : memref<!tpu.dma_semaphore, #tpu.memory_space<semaphore_mem>>
      %dma_start3A_433 = arith.constant 0 : i32
      %dma_start3A_434 = tpu.memref_slice %arg12[%dma_start3A_433] : memref<1024xf32, #tpu.memory_space<vmem>> -> memref<1000xf32, #tpu.memory_space<vmem>>
      %dma_start3A_435 = arith.constant 0 : i32
      %dma_start3A_436 = tpu.memref_slice %arg12[%dma_start3A_435] : memref<1024xf32, #tpu.memory_space<vmem>> -> memref<1000xf32, #tpu.memory_space<vmem>>
      tpu.enqueue_dma source(%arg4 : memref<1000xf32, #tpu.memory_space<hbm>>) target(%dma_start3A_436 : memref<1000xf32, #tpu.memory_space<vmem>>) target_semaphore(%run_scoped3A : memref<!tpu.dma_semaphore, #tpu.memory_space<semaphore_mem>>)
      %dma_wait3A_437 = arith.constant 0 : i32
      %dma_wait3A_438 = tpu.memref_slice %arg12[%dma_wait3A_437] : memref<1024xf32, #tpu.memory_space<vmem>> -> memref<1000xf32, #tpu.memory_space<vmem>>
      %dma_wait3A_439 = arith.constant 0 : i32
      %dma_wait3A_440 = tpu.memref_slice %arg12[%dma_wait3A_439] : memref<1024xf32, #tpu.memory_space<vmem>> -> memref<1000xf32, #tpu.memory_space<vmem>>
      tpu.wait_dma2 semaphore(%run_scoped3A : memref<!tpu.dma_semaphore, #tpu.memory_space<semaphore_mem>>) src(%arg4 : memref<1000xf32, #tpu.memory_space<hbm>>) dst(%dma_wait3A_440 : memref<1000xf32, #tpu.memory_space<vmem>>)
      tpu.yield
    }) : () -> ()
    "tpu.region"() ({
      %run_scoped3A = tpu.sem_alloc : memref<!tpu.dma_semaphore, #tpu.memory_space<semaphore_mem>>
      %dma_start3A_433 = arith.constant 0 : i32
      %dma_start3A_434 = tpu.memref_slice %arg13[%dma_start3A_433] : memref<1024xf32, #tpu.memory_space<vmem>> -> memref<1000xf32, #tpu.memory_space<vmem>>
      %dma_start3A_435 = arith.constant 0 : i32
      %dma_start3A_436 = tpu.memref_slice %arg13[%dma_start3A_435] : memref<1024xf32, #tpu.memory_space<vmem>> -> memref<1000xf32, #tpu.memory_space<vmem>>
      tpu.enqueue_dma source(%arg5 : memref<1000xf32, #tpu.memory_space<hbm>>) target(%dma_start3A_436 : memref<1000xf32, #tpu.memory_space<vmem>>) target_semaphore(%run_scoped3A : memref<!tpu.dma_semaphore, #tpu.memory_space<semaphore_mem>>)
      %dma_wait3A_437 = arith.constant 0 : i32
      %dma_wait3A_438 = tpu.memref_slice %arg13[%dma_wait3A_437] : memref<1024xf32, #tpu.memory_space<vmem>> -> memref<1000xf32, #tpu.memory_space<vmem>>
      %dma_wait3A_439 = arith.constant 0 : i32
      %dma_wait3A_440 = tpu.memref_slice %arg13[%dma_wait3A_439] : memref<1024xf32, #tpu.memory_space<vmem>> -> memref<1000xf32, #tpu.memory_space<vmem>>
      tpu.wait_dma2 semaphore(%run_scoped3A : memref<!tpu.dma_semaphore, #tpu.memory_space<semaphore_mem>>) src(%arg5 : memref<1000xf32, #tpu.memory_space<hbm>>) dst(%dma_wait3A_440 : memref<1000xf32, #tpu.memory_space<vmem>>)
      tpu.yield
    }) : () -> ()
    "tpu.region"() ({
      %run_scoped3A = tpu.sem_alloc : memref<!tpu.dma_semaphore, #tpu.memory_space<semaphore_mem>>
      %dma_start3A_433 = arith.constant 0 : i32
      %dma_start3A_434 = tpu.memref_slice %arg14[%dma_start3A_433] : memref<1024xf32, #tpu.memory_space<vmem>> -> memref<1000xf32, #tpu.memory_space<vmem>>
      %dma_start3A_435 = arith.constant 0 : i32
      %dma_start3A_436 = tpu.memref_slice %arg14[%dma_start3A_435] : memref<1024xf32, #tpu.memory_space<vmem>> -> memref<1000xf32, #tpu.memory_space<vmem>>
      tpu.enqueue_dma source(%arg6 : memref<1000xf32, #tpu.memory_space<hbm>>) target(%dma_start3A_436 : memref<1000xf32, #tpu.memory_space<vmem>>) target_semaphore(%run_scoped3A : memref<!tpu.dma_semaphore, #tpu.memory_space<semaphore_mem>>)
      %dma_wait3A_437 = arith.constant 0 : i32
      %dma_wait3A_438 = tpu.memref_slice %arg14[%dma_wait3A_437] : memref<1024xf32, #tpu.memory_space<vmem>> -> memref<1000xf32, #tpu.memory_space<vmem>>
      %dma_wait3A_439 = arith.constant 0 : i32
      %dma_wait3A_440 = tpu.memref_slice %arg14[%dma_wait3A_439] : memref<1024xf32, #tpu.memory_space<vmem>> -> memref<1000xf32, #tpu.memory_space<vmem>>
      tpu.wait_dma2 semaphore(%run_scoped3A : memref<!tpu.dma_semaphore, #tpu.memory_space<semaphore_mem>>) src(%arg6 : memref<1000xf32, #tpu.memory_space<hbm>>) dst(%dma_wait3A_440 : memref<1000xf32, #tpu.memory_space<vmem>>)
      tpu.yield
    }) : () -> ()
    %iota3A = tpu.iota {dimensions = array<i32: 0>} : vector<16xi32>
    %parallel_loop3A = arith.constant 0 : i32
    %parallel_loop3A_3 = arith.constant 1024 : i32
    %parallel_loop3A_4 = arith.constant 16 : i32
    scf.for %parallel_loop3A_433 = %parallel_loop3A to %parallel_loop3A_3 step %parallel_loop3A_4  : i32 {
      %parallel_loop3A_434 = vector.broadcast %parallel_loop3A_433 : i32 to vector<16xi32>
      %parallel_loop3A_435 = arith.addi %iota3A, %parallel_loop3A_434 : vector<16xi32>
      %parallel_loop3A_436 = arith.constant 1000 : i32
      %parallel_loop3A_437 = vector.broadcast %parallel_loop3A_436 : i32 to vector<16xi32>
      %parallel_loop3A_438 = arith.cmpi eq, %parallel_loop3A_435, %parallel_loop3A_437 : vector<16xi32>
      %parallel_loop3A_439 = arith.index_cast %parallel_loop3A_433 : i32 to index
      %parallel_loop3A_440 = tpu.vector_load %arg11[%parallel_loop3A_439] {strides = array<i32>} : memref<1024xf32, #tpu.memory_space<vmem>>, vector<16xf32>,
      %parallel_loop3A_441 = math.exp %parallel_loop3A_440 : vector<16xf32>
      %parallel_loop3A_442 = arith.constant 2.000000e+00 : f32
      %parallel_loop3A_443 = vector.broadcast %parallel_loop3A_442 : f32 to vector<16xf32>
      %parallel_loop3A_444 = arith.addf %parallel_loop3A_443, %parallel_loop3A_441 : vector<16xf32>
      %parallel_loop3A_445 = arith.constant 1.000000e+03 : f32
      %parallel_loop3A_446 = vector.broadcast %parallel_loop3A_445 : f32 to vector<16xf32>
      %parallel_loop3A_447 = arith.select %parallel_loop3A_438, %parallel_loop3A_446, %parallel_loop3A_444 : vector<16xi1>, vector<16xf32>
      %parallel_loop3A_448 = arith.index_cast %parallel_loop3A_433 : i32 to index
      %parallel_loop3A_449 = tpu.vector_load %arg11[%parallel_loop3A_448] {strides = array<i32>} : memref<1024xf32, #tpu.memory_space<vmem>>, vector<16xf32>,
      tpu.vector_store %arg11[%parallel_loop3A_448], %parallel_loop3A_447 {strides = array<i32>} : memref<1024xf32, #tpu.memory_space<vmem>>, vector<16xf32>,
      %parallel_loop3A_450 = arith.index_cast %parallel_loop3A_433 : i32 to index
      %parallel_loop3A_451 = tpu.vector_load %arg12[%parallel_loop3A_450] {strides = array<i32>} : memref<1024xf32, #tpu.memory_space<vmem>>, vector<16xf32>,
      %parallel_loop3A_452 = math.exp %parallel_loop3A_451 : vector<16xf32>
      %parallel_loop3A_453 = arith.constant -5.13574362 : f32
      %parallel_loop3A_454 = vector.broadcast %parallel_loop3A_453 : f32 to vector<16xf32>
      %parallel_loop3A_455 = arith.mulf %parallel_loop3A_452, %parallel_loop3A_454 : vector<16xf32>
      %parallel_loop3A_456 = arith.constant 0.000000e+00 : f32
      %parallel_loop3A_457 = vector.broadcast %parallel_loop3A_456 : f32 to vector<16xf32>
      %parallel_loop3A_458 = arith.select %parallel_loop3A_438, %parallel_loop3A_457, %parallel_loop3A_455 : vector<16xi1>, vector<16xf32>
      %parallel_loop3A_459 = arith.index_cast %parallel_loop3A_433 : i32 to index
      %parallel_loop3A_460 = tpu.vector_load %arg12[%parallel_loop3A_459] {strides = array<i32>} : memref<1024xf32, #tpu.memory_space<vmem>>, vector<16xf32>,
      tpu.vector_store %arg12[%parallel_loop3A_459], %parallel_loop3A_458 {strides = array<i32>} : memref<1024xf32, #tpu.memory_space<vmem>>, vector<16xf32>,
      %parallel_loop3A_461 = arith.index_cast %parallel_loop3A_433 : i32 to index
      %parallel_loop3A_462 = tpu.vector_load %arg13[%parallel_loop3A_461] {strides = array<i32>} : memref<1024xf32, #tpu.memory_space<vmem>>, vector<16xf32>,
      %parallel_loop3A_463 = arith.constant 0.000000e+00 : f32
      %parallel_loop3A_464 = vector.broadcast %parallel_loop3A_463 : f32 to vector<16xf32>
      %parallel_loop3A_465 = arith.subf %parallel_loop3A_464, %parallel_loop3A_462 : vector<16xf32>
      %parallel_loop3A_466 = math.exp %parallel_loop3A_465 : vector<16xf32>
      %parallel_loop3A_467 = arith.constant 1.000000e+00 : f32
      %parallel_loop3A_468 = vector.broadcast %parallel_loop3A_467 : f32 to vector<16xf32>
      %parallel_loop3A_469 = arith.addf %parallel_loop3A_468, %parallel_loop3A_466 : vector<16xf32>
      %parallel_loop3A_470 = arith.constant 1.000000e+00 : f32
      %parallel_loop3A_471 = vector.broadcast %parallel_loop3A_470 : f32 to vector<16xf32>
      %parallel_loop3A_472 = arith.divf %parallel_loop3A_471, %parallel_loop3A_469 : vector<16xf32>
      %parallel_loop3A_473 = arith.constant 1.000000e+03 : f32
      %parallel_loop3A_474 = vector.broadcast %parallel_loop3A_473 : f32 to vector<16xf32>
      %parallel_loop3A_475 = arith.select %parallel_loop3A_438, %parallel_loop3A_474, %parallel_loop3A_472 : vector<16xi1>, vector<16xf32>
      %parallel_loop3A_476 = arith.index_cast %parallel_loop3A_433 : i32 to index
      %parallel_loop3A_477 = tpu.vector_load %arg13[%parallel_loop3A_476] {strides = array<i32>} : memref<1024xf32, #tpu.memory_space<vmem>>, vector<16xf32>,
      tpu.vector_store %arg13[%parallel_loop3A_476], %parallel_loop3A_475 {strides = array<i32>} : memref<1024xf32, #tpu.memory_space<vmem>>, vector<16xf32>,
      %parallel_loop3A_478 = arith.index_cast %parallel_loop3A_433 : i32 to index
      %parallel_loop3A_479 = tpu.vector_load %arg14[%parallel_loop3A_478] {strides = array<i32>} : memref<1024xf32, #tpu.memory_space<vmem>>, vector<16xf32>,
      %parallel_loop3A_480 = arith.constant 0.000000e+00 : f32
      %parallel_loop3A_481 = vector.broadcast %parallel_loop3A_480 : f32 to vector<16xf32>
      %parallel_loop3A_482 = arith.subf %parallel_loop3A_481, %parallel_loop3A_479 : vector<16xf32>
      %parallel_loop3A_483 = math.exp %parallel_loop3A_482 : vector<16xf32>
      %parallel_loop3A_484 = arith.constant 1.000000e+00 : f32
      %parallel_loop3A_485 = vector.broadcast %parallel_loop3A_484 : f32 to vector<16xf32>
      %parallel_loop3A_486 = arith.addf %parallel_loop3A_485, %parallel_loop3A_483 : vector<16xf32>
      %parallel_loop3A_487 = arith.constant 1.000000e+00 : f32
      %parallel_loop3A_488 = vector.broadcast %parallel_loop3A_487 : f32 to vector<16xf32>
      %parallel_loop3A_489 = arith.divf %parallel_loop3A_488, %parallel_loop3A_486 : vector<16xf32>
      %parallel_loop3A_490 = arith.constant 1.000000e+03 : f32
      %parallel_loop3A_491 = vector.broadcast %parallel_loop3A_490 : f32 to vector<16xf32>
      %parallel_loop3A_492 = arith.select %parallel_loop3A_438, %parallel_loop3A_491, %parallel_loop3A_489 : vector<16xi1>, vector<16xf32>
      %parallel_loop3A_493 = arith.index_cast %parallel_loop3A_433 : i32 to index
      %parallel_loop3A_494 = tpu.vector_load %arg14[%parallel_loop3A_493] {strides = array<i32>} : memref<1024xf32, #tpu.memory_space<vmem>>, vector<16xf32>,
      tpu.vector_store %arg14[%parallel_loop3A_493], %parallel_loop3A_492 {strides = array<i32>} : memref<1024xf32, #tpu.memory_space<vmem>>, vector<16xf32>,
    } {sc.loop_unroll_factor = 1 : i64, sc.parallel_access}
    %dma_start3A = tpu.memref_slice %arg2[%mul3A_2] : memref<4194304xi32, #tpu.memory_space<hbm>> -> memref<8192xi32, #tpu.memory_space<hbm>>
    %dma_start3A_5 = tpu.memref_slice %arg2[%mul3A_2] : memref<4194304xi32, #tpu.memory_space<hbm>> -> memref<8192xi32, #tpu.memory_space<hbm>>
    tpu.enqueue_dma source(%dma_start3A_5 : memref<8192xi32, #tpu.memory_space<hbm>>) target(%arg15 : memref<8192xi32, #tpu.memory_space<vmem>>) target_semaphore(%arg29 : memref<!tpu.dma_semaphore, #tpu.memory_space<semaphore_mem>>)
    %add3A_6 = arith.constant 0 : i32
    %add3A_7 = arith.addi %mul3A_2, %add3A_6 : i32
    %add3A_8 = arith.constant 8192 : i32
    %add3A_9 = arith.addi %add3A_7, %add3A_8 : i32
    %dma_start3A_10 = tpu.memref_slice %arg2[%add3A_9] : memref<4194304xi32, #tpu.memory_space<hbm>> -> memref<8192xi32, #tpu.memory_space<hbm>>
    %dma_start3A_11 = tpu.memref_slice %arg2[%add3A_9] : memref<4194304xi32, #tpu.memory_space<hbm>> -> memref<8192xi32, #tpu.memory_space<hbm>>
    tpu.enqueue_dma source(%dma_start3A_11 : memref<8192xi32, #tpu.memory_space<hbm>>) target(%arg16 : memref<8192xi32, #tpu.memory_space<vmem>>) target_semaphore(%arg30 : memref<!tpu.dma_semaphore, #tpu.memory_space<semaphore_mem>>)
    %dma_wait3A = tpu.memref_slice %arg2[%add3A_7] : memref<4194304xi32, #tpu.memory_space<hbm>> -> memref<8192xi32, #tpu.memory_space<hbm>>
    %dma_wait3A_12 = tpu.memref_slice %arg2[%add3A_7] : memref<4194304xi32, #tpu.memory_space<hbm>> -> memref<8192xi32, #tpu.memory_space<hbm>>
    tpu.wait_dma2 semaphore(%arg29 : memref<!tpu.dma_semaphore, #tpu.memory_space<semaphore_mem>>) src(%dma_wait3A_12 : memref<8192xi32, #tpu.memory_space<hbm>>) dst(%arg15 : memref<8192xi32, #tpu.memory_space<vmem>>)
    %parallel_loop3A_13 = arith.constant 0 : i32
    %parallel_loop3A_14 = arith.constant 8192 : i32
    %parallel_loop3A_15 = arith.constant 16 : i32
    scf.for %parallel_loop3A_433 = %parallel_loop3A_13 to %parallel_loop3A_14 step %parallel_loop3A_15  : i32 {
      %parallel_loop3A_434 = arith.index_cast %parallel_loop3A_433 : i32 to index
      %parallel_loop3A_435 = tpu.vector_load %arg15[%parallel_loop3A_434] {strides = array<i32>} : memref<8192xi32, #tpu.memory_space<vmem>>, vector<16xi32>,
      %parallel_loop3A_436 = arith.constant 0 : i32
      %parallel_loop3A_437 = vector.broadcast %parallel_loop3A_436 : i32 to vector<16xi32>
      %parallel_loop3A_438 = arith.cmpi slt, %parallel_loop3A_435, %parallel_loop3A_437 : vector<16xi32>
      %parallel_loop3A_439 = arith.constant 1000 : i32
      %parallel_loop3A_440 = vector.broadcast %parallel_loop3A_439 : i32 to vector<16xi32>
      %parallel_loop3A_441 = arith.select %parallel_loop3A_438, %parallel_loop3A_440, %parallel_loop3A_435 : vector<16xi1>, vector<16xi32>
      %parallel_loop3A_442 = tpu.vector_load_idx %arg11[%parallel_loop3A_441] : memref<1024xf32, #tpu.memory_space<vmem>>[vector<16xi32>], vector<16xf32>,
      %parallel_loop3A_443 = arith.index_cast %parallel_loop3A_433 : i32 to index
      %parallel_loop3A_444 = tpu.vector_load %arg17[%parallel_loop3A_443] {strides = array<i32>} : memref<8192xf32, #tpu.memory_space<vmem>>, vector<16xf32>,
      tpu.vector_store %arg17[%parallel_loop3A_443], %parallel_loop3A_442 {strides = array<i32>} : memref<8192xf32, #tpu.memory_space<vmem>>, vector<16xf32>,
      %parallel_loop3A_445 = tpu.vector_load_idx %arg12[%parallel_loop3A_441] : memref<1024xf32, #tpu.memory_space<vmem>>[vector<16xi32>], vector<16xf32>,
      %parallel_loop3A_446 = arith.index_cast %parallel_loop3A_433 : i32 to index
      %parallel_loop3A_447 = tpu.vector_load %arg18[%parallel_loop3A_446] {strides = array<i32>} : memref<8192xf32, #tpu.memory_space<vmem>>, vector<16xf32>,
      tpu.vector_store %arg18[%parallel_loop3A_446], %parallel_loop3A_445 {strides = array<i32>} : memref<8192xf32, #tpu.memory_space<vmem>>, vector<16xf32>,
      %parallel_loop3A_448 = tpu.vector_load_idx %arg13[%parallel_loop3A_441] : memref<1024xf32, #tpu.memory_space<vmem>>[vector<16xi32>], vector<16xf32>,
      %parallel_loop3A_449 = arith.index_cast %parallel_loop3A_433 : i32 to index
      %parallel_loop3A_450 = tpu.vector_load %arg19[%parallel_loop3A_449] {strides = array<i32>} : memref<8192xf32, #tpu.memory_space<vmem>>, vector<16xf32>,
      tpu.vector_store %arg19[%parallel_loop3A_449], %parallel_loop3A_448 {strides = array<i32>} : memref<8192xf32, #tpu.memory_space<vmem>>, vector<16xf32>,
      %parallel_loop3A_451 = tpu.vector_load_idx %arg14[%parallel_loop3A_441] : memref<1024xf32, #tpu.memory_space<vmem>>[vector<16xi32>], vector<16xf32>,
      %parallel_loop3A_452 = arith.index_cast %parallel_loop3A_433 : i32 to index
      %parallel_loop3A_453 = tpu.vector_load %arg20[%parallel_loop3A_452] {strides = array<i32>} : memref<8192xf32, #tpu.memory_space<vmem>>, vector<16xf32>,
      tpu.vector_store %arg20[%parallel_loop3A_452], %parallel_loop3A_451 {strides = array<i32>} : memref<8192xf32, #tpu.memory_space<vmem>>, vector<16xf32>,
    } {sc.loop_unroll_factor = 8 : i64, sc.parallel_access}
    %dma_start3A_16 = tpu.memref_slice %arg7[%add3A_7] : memref<4194304xf32, #tpu.memory_space<hbm>> -> memref<8192xf32, #tpu.memory_space<hbm>>
    %dma_start3A_17 = tpu.memref_slice %arg7[%add3A_7] : memref<4194304xf32, #tpu.memory_space<hbm>> -> memref<8192xf32, #tpu.memory_space<hbm>>
    tpu.enqueue_dma source(%arg17 : memref<8192xf32, #tpu.memory_space<vmem>>) target(%dma_start3A_17 : memref<8192xf32, #tpu.memory_space<hbm>>) target_semaphore(%arg31 : memref<!tpu.dma_semaphore, #tpu.memory_space<semaphore_mem>>)
    %dma_start3A_18 = tpu.memref_slice %arg8[%add3A_7] : memref<4194304xf32, #tpu.memory_space<hbm>> -> memref<8192xf32, #tpu.memory_space<hbm>>
    %dma_start3A_19 = tpu.memref_slice %arg8[%add3A_7] : memref<4194304xf32, #tpu.memory_space<hbm>> -> memref<8192xf32, #tpu.memory_space<hbm>>
    tpu.enqueue_dma source(%arg18 : memref<8192xf32, #tpu.memory_space<vmem>>) target(%dma_start3A_19 : memref<8192xf32, #tpu.memory_space<hbm>>) target_semaphore(%arg31 : memref<!tpu.dma_semaphore, #tpu.memory_space<semaphore_mem>>)
    %dma_start3A_20 = tpu.memref_slice %arg9[%add3A_7] : memref<4194304xf32, #tpu.memory_space<hbm>> -> memref<8192xf32, #tpu.memory_space<hbm>>
    %dma_start3A_21 = tpu.memref_slice %arg9[%add3A_7] : memref<4194304xf32, #tpu.memory_space<hbm>> -> memref<8192xf32, #tpu.memory_space<hbm>>
    tpu.enqueue_dma source(%arg19 : memref<8192xf32, #tpu.memory_space<vmem>>) target(%dma_start3A_21 : memref<8192xf32, #tpu.memory_space<hbm>>) target_semaphore(%arg31 : memref<!tpu.dma_semaphore, #tpu.memory_space<semaphore_mem>>)
    %dma_start3A_22 = tpu.memref_slice %arg10[%add3A_7] : memref<4194304xf32, #tpu.memory_space<hbm>> -> memref<8192xf32, #tpu.memory_space<hbm>>
    %dma_start3A_23 = tpu.memref_slice %arg10[%add3A_7] : memref<4194304xf32, #tpu.memory_space<hbm>> -> memref<8192xf32, #tpu.memory_space<hbm>>
    tpu.enqueue_dma source(%arg20 : memref<8192xf32, #tpu.memory_space<vmem>>) target(%dma_start3A_23 : memref<8192xf32, #tpu.memory_space<hbm>>) target_semaphore(%arg31 : memref<!tpu.dma_semaphore, #tpu.memory_space<semaphore_mem>>)
    %add3A_24 = arith.constant 8192 : i32
    %add3A_25 = arith.addi %mul3A_2, %add3A_24 : i32
    %add3A_26 = arith.constant 8192 : i32
    %add3A_27 = arith.addi %add3A_25, %add3A_26 : i32
    %dma_start3A_28 = tpu.memref_slice %arg2[%add3A_27] : memref<4194304xi32, #tpu.memory_space<hbm>> -> memref<8192xi32, #tpu.memory_space<hbm>>
    %dma_start3A_29 = tpu.memref_slice %arg2[%add3A_27] : memref<4194304xi32, #tpu.memory_space<hbm>> -> memref<8192xi32, #tpu.memory_space<hbm>>
    tpu.enqueue_dma source(%dma_start3A_29 : memref<8192xi32, #tpu.memory_space<hbm>>) target(%arg15 : memref<8192xi32, #tpu.memory_space<vmem>>) target_semaphore(%arg29 : memref<!tpu.dma_semaphore, #tpu.memory_space<semaphore_mem>>)
    %dma_wait3A_30 = tpu.memref_slice %arg2[%add3A_25] : memref<4194304xi32, #tpu.memory_space<hbm>> -> memref<8192xi32, #tpu.memory_space<hbm>>
    %dma_wait3A_31 = tpu.memref_slice %arg2[%add3A_25] : memref<4194304xi32, #tpu.memory_space<hbm>> -> memref<8192xi32, #tpu.memory_space<hbm>>
    tpu.wait_dma2 semaphore(%arg30 : memref<!tpu.dma_semaphore, #tpu.memory_space<semaphore_mem>>) src(%dma_wait3A_31 : memref<8192xi32, #tpu.memory_space<hbm>>) dst(%arg16 : memref<8192xi32, #tpu.memory_space<vmem>>)
    %parallel_loop3A_32 = arith.constant 0 : i32
    %parallel_loop3A_33 = arith.constant 8192 : i32
    %parallel_loop3A_34 = arith.constant 16 : i32
    scf.for %parallel_loop3A_433 = %parallel_loop3A_32 to %parallel_loop3A_33 step %parallel_loop3A_34  : i32 {
      %parallel_loop3A_434 = arith.index_cast %parallel_loop3A_433 : i32 to index
      %parallel_loop3A_435 = tpu.vector_load %arg16[%parallel_loop3A_434] {strides = array<i32>} : memref<8192xi32, #tpu.memory_space<vmem>>, vector<16xi32>,
      %parallel_loop3A_436 = arith.constant 0 : i32
      %parallel_loop3A_437 = vector.broadcast %parallel_loop3A_436 : i32 to vector<16xi32>
      %parallel_loop3A_438 = arith.cmpi slt, %parallel_loop3A_435, %parallel_loop3A_437 : vector<16xi32>
      %parallel_loop3A_439 = arith.constant 1000 : i32
      %parallel_loop3A_440 = vector.broadcast %parallel_loop3A_439 : i32 to vector<16xi32>
      %parallel_loop3A_441 = arith.select %parallel_loop3A_438, %parallel_loop3A_440, %parallel_loop3A_435 : vector<16xi1>, vector<16xi32>
      %parallel_loop3A_442 = tpu.vector_load_idx %arg11[%parallel_loop3A_441] : memref<1024xf32, #tpu.memory_space<vmem>>[vector<16xi32>], vector<16xf32>,
      %parallel_loop3A_443 = arith.index_cast %parallel_loop3A_433 : i32 to index
      %parallel_loop3A_444 = tpu.vector_load %arg21[%parallel_loop3A_443] {strides = array<i32>} : memref<8192xf32, #tpu.memory_space<vmem>>, vector<16xf32>,
      tpu.vector_store %arg21[%parallel_loop3A_443], %parallel_loop3A_442 {strides = array<i32>} : memref<8192xf32, #tpu.memory_space<vmem>>, vector<16xf32>,
      %parallel_loop3A_445 = tpu.vector_load_idx %arg12[%parallel_loop3A_441] : memref<1024xf32, #tpu.memory_space<vmem>>[vector<16xi32>], vector<16xf32>,
      %parallel_loop3A_446 = arith.index_cast %parallel_loop3A_433 : i32 to index
      %parallel_loop3A_447 = tpu.vector_load %arg22[%parallel_loop3A_446] {strides = array<i32>} : memref<8192xf32, #tpu.memory_space<vmem>>, vector<16xf32>,
      tpu.vector_store %arg22[%parallel_loop3A_446], %parallel_loop3A_445 {strides = array<i32>} : memref<8192xf32, #tpu.memory_space<vmem>>, vector<16xf32>,
      %parallel_loop3A_448 = tpu.vector_load_idx %arg13[%parallel_loop3A_441] : memref<1024xf32, #tpu.memory_space<vmem>>[vector<16xi32>], vector<16xf32>,
      %parallel_loop3A_449 = arith.index_cast %parallel_loop3A_433 : i32 to index
      %parallel_loop3A_450 = tpu.vector_load %arg23[%parallel_loop3A_449] {strides = array<i32>} : memref<8192xf32, #tpu.memory_space<vmem>>, vector<16xf32>,
      tpu.vector_store %arg23[%parallel_loop3A_449], %parallel_loop3A_448 {strides = array<i32>} : memref<8192xf32, #tpu.memory_space<vmem>>, vector<16xf32>,
      %parallel_loop3A_451 = tpu.vector_load_idx %arg14[%parallel_loop3A_441] : memref<1024xf32, #tpu.memory_space<vmem>>[vector<16xi32>], vector<16xf32>,
      %parallel_loop3A_452 = arith.index_cast %parallel_loop3A_433 : i32 to index
      %parallel_loop3A_453 = tpu.vector_load %arg24[%parallel_loop3A_452] {strides = array<i32>} : memref<8192xf32, #tpu.memory_space<vmem>>, vector<16xf32>,
      tpu.vector_store %arg24[%parallel_loop3A_452], %parallel_loop3A_451 {strides = array<i32>} : memref<8192xf32, #tpu.memory_space<vmem>>, vector<16xf32>,
    } {sc.loop_unroll_factor = 8 : i64, sc.parallel_access}
    %dma_start3A_35 = tpu.memref_slice %arg7[%add3A_25] : memref<4194304xf32, #tpu.memory_space<hbm>> -> memref<8192xf32, #tpu.memory_space<hbm>>
    %dma_start3A_36 = tpu.memref_slice %arg7[%add3A_25] : memref<4194304xf32, #tpu.memory_space<hbm>> -> memref<8192xf32, #tpu.memory_space<hbm>>
    tpu.enqueue_dma source(%arg21 : memref<8192xf32, #tpu.memory_space<vmem>>) target(%dma_start3A_36 : memref<8192xf32, #tpu.memory_space<hbm>>) target_semaphore(%arg32 : memref<!tpu.dma_semaphore, #tpu.memory_space<semaphore_mem>>)
    %dma_start3A_37 = tpu.memref_slice %arg8[%add3A_25] : memref<4194304xf32, #tpu.memory_space<hbm>> -> memref<8192xf32, #tpu.memory_space<hbm>>
    %dma_start3A_38 = tpu.memref_slice %arg8[%add3A_25] : memref<4194304xf32, #tpu.memory_space<hbm>> -> memref<8192xf32, #tpu.memory_space<hbm>>
    tpu.enqueue_dma source(%arg22 : memref<8192xf32, #tpu.memory_space<vmem>>) target(%dma_start3A_38 : memref<8192xf32, #tpu.memory_space<hbm>>) target_semaphore(%arg32 : memref<!tpu.dma_semaphore, #tpu.memory_space<semaphore_mem>>)
    %dma_start3A_39 = tpu.memref_slice %arg9[%add3A_25] : memref<4194304xf32, #tpu.memory_space<hbm>> -> memref<8192xf32, #tpu.memory_space<hbm>>
    %dma_start3A_40 = tpu.memref_slice %arg9[%add3A_25] : memref<4194304xf32, #tpu.memory_space<hbm>> -> memref<8192xf32, #tpu.memory_space<hbm>>
    tpu.enqueue_dma source(%arg23 : memref<8192xf32, #tpu.memory_space<vmem>>) target(%dma_start3A_40 : memref<8192xf32, #tpu.memory_space<hbm>>) target_semaphore(%arg32 : memref<!tpu.dma_semaphore, #tpu.memory_space<semaphore_mem>>)
    %dma_start3A_41 = tpu.memref_slice %arg10[%add3A_25] : memref<4194304xf32, #tpu.memory_space<hbm>> -> memref<8192xf32, #tpu.memory_space<hbm>>
    %dma_start3A_42 = tpu.memref_slice %arg10[%add3A_25] : memref<4194304xf32, #tpu.memory_space<hbm>> -> memref<8192xf32, #tpu.memory_space<hbm>>
    tpu.enqueue_dma source(%arg24 : memref<8192xf32, #tpu.memory_space<vmem>>) target(%dma_start3A_42 : memref<8192xf32, #tpu.memory_space<hbm>>) target_semaphore(%arg32 : memref<!tpu.dma_semaphore, #tpu.memory_space<semaphore_mem>>)
    %add3A_43 = arith.constant 16384 : i32
    %add3A_44 = arith.addi %mul3A_2, %add3A_43 : i32
    %add3A_45 = arith.constant 8192 : i32
    %add3A_46 = arith.addi %add3A_44, %add3A_45 : i32
    %dma_start3A_47 = tpu.memref_slice %arg2[%add3A_46] : memref<4194304xi32, #tpu.memory_space<hbm>> -> memref<8192xi32, #tpu.memory_space<hbm>>
    %dma_start3A_48 = tpu.memref_slice %arg2[%add3A_46] : memref<4194304xi32, #tpu.memory_space<hbm>> -> memref<8192xi32, #tpu.memory_space<hbm>>
    tpu.enqueue_dma source(%dma_start3A_48 : memref<8192xi32, #tpu.memory_space<hbm>>) target(%arg16 : memref<8192xi32, #tpu.memory_space<vmem>>) target_semaphore(%arg30 : memref<!tpu.dma_semaphore, #tpu.memory_space<semaphore_mem>>)
    %dma_wait3A_49 = tpu.memref_slice %arg2[%add3A_44] : memref<4194304xi32, #tpu.memory_space<hbm>> -> memref<8192xi32, #tpu.memory_space<hbm>>
    %dma_wait3A_50 = tpu.memref_slice %arg2[%add3A_44] : memref<4194304xi32, #tpu.memory_space<hbm>> -> memref<8192xi32, #tpu.memory_space<hbm>>
    tpu.wait_dma2 semaphore(%arg29 : memref<!tpu.dma_semaphore, #tpu.memory_space<semaphore_mem>>) src(%dma_wait3A_50 : memref<8192xi32, #tpu.memory_space<hbm>>) dst(%arg15 : memref<8192xi32, #tpu.memory_space<vmem>>)
    %parallel_loop3A_51 = arith.constant 0 : i32
    %parallel_loop3A_52 = arith.constant 8192 : i32
    %parallel_loop3A_53 = arith.constant 16 : i32
    scf.for %parallel_loop3A_433 = %parallel_loop3A_51 to %parallel_loop3A_52 step %parallel_loop3A_53  : i32 {
      %parallel_loop3A_434 = arith.index_cast %parallel_loop3A_433 : i32 to index
      %parallel_loop3A_435 = tpu.vector_load %arg15[%parallel_loop3A_434] {strides = array<i32>} : memref<8192xi32, #tpu.memory_space<vmem>>, vector<16xi32>,
      %parallel_loop3A_436 = arith.constant 0 : i32
      %parallel_loop3A_437 = vector.broadcast %parallel_loop3A_436 : i32 to vector<16xi32>
      %parallel_loop3A_438 = arith.cmpi slt, %parallel_loop3A_435, %parallel_loop3A_437 : vector<16xi32>
      %parallel_loop3A_439 = arith.constant 1000 : i32
      %parallel_loop3A_440 = vector.broadcast %parallel_loop3A_439 : i32 to vector<16xi32>
      %parallel_loop3A_441 = arith.select %parallel_loop3A_438, %parallel_loop3A_440, %parallel_loop3A_435 : vector<16xi1>, vector<16xi32>
      %parallel_loop3A_442 = tpu.vector_load_idx %arg11[%parallel_loop3A_441] : memref<1024xf32, #tpu.memory_space<vmem>>[vector<16xi32>], vector<16xf32>,
      %parallel_loop3A_443 = arith.index_cast %parallel_loop3A_433 : i32 to index
      %parallel_loop3A_444 = tpu.vector_load %arg25[%parallel_loop3A_443] {strides = array<i32>} : memref<8192xf32, #tpu.memory_space<vmem>>, vector<16xf32>,
      tpu.vector_store %arg25[%parallel_loop3A_443], %parallel_loop3A_442 {strides = array<i32>} : memref<8192xf32, #tpu.memory_space<vmem>>, vector<16xf32>,
      %parallel_loop3A_445 = tpu.vector_load_idx %arg12[%parallel_loop3A_441] : memref<1024xf32, #tpu.memory_space<vmem>>[vector<16xi32>], vector<16xf32>,
      %parallel_loop3A_446 = arith.index_cast %parallel_loop3A_433 : i32 to index
      %parallel_loop3A_447 = tpu.vector_load %arg26[%parallel_loop3A_446] {strides = array<i32>} : memref<8192xf32, #tpu.memory_space<vmem>>, vector<16xf32>,
      tpu.vector_store %arg26[%parallel_loop3A_446], %parallel_loop3A_445 {strides = array<i32>} : memref<8192xf32, #tpu.memory_space<vmem>>, vector<16xf32>,
      %parallel_loop3A_448 = tpu.vector_load_idx %arg13[%parallel_loop3A_441] : memref<1024xf32, #tpu.memory_space<vmem>>[vector<16xi32>], vector<16xf32>,
      %parallel_loop3A_449 = arith.index_cast %parallel_loop3A_433 : i32 to index
      %parallel_loop3A_450 = tpu.vector_load %arg27[%parallel_loop3A_449] {strides = array<i32>} : memref<8192xf32, #tpu.memory_space<vmem>>, vector<16xf32>,
      tpu.vector_store %arg27[%parallel_loop3A_449], %parallel_loop3A_448 {strides = array<i32>} : memref<8192xf32, #tpu.memory_space<vmem>>, vector<16xf32>,
      %parallel_loop3A_451 = tpu.vector_load_idx %arg14[%parallel_loop3A_441] : memref<1024xf32, #tpu.memory_space<vmem>>[vector<16xi32>], vector<16xf32>,
      %parallel_loop3A_452 = arith.index_cast %parallel_loop3A_433 : i32 to index
      %parallel_loop3A_453 = tpu.vector_load %arg28[%parallel_loop3A_452] {strides = array<i32>} : memref<8192xf32, #tpu.memory_space<vmem>>, vector<16xf32>,
      tpu.vector_store %arg28[%parallel_loop3A_452], %parallel_loop3A_451 {strides = array<i32>} : memref<8192xf32, #tpu.memory_space<vmem>>, vector<16xf32>,
    } {sc.loop_unroll_factor = 8 : i64, sc.parallel_access}
    %dma_start3A_54 = tpu.memref_slice %arg7[%add3A_44] : memref<4194304xf32, #tpu.memory_space<hbm>> -> memref<8192xf32, #tpu.memory_space<hbm>>
    %dma_start3A_55 = tpu.memref_slice %arg7[%add3A_44] : memref<4194304xf32, #tpu.memory_space<hbm>> -> memref<8192xf32, #tpu.memory_space<hbm>>
    tpu.enqueue_dma source(%arg25 : memref<8192xf32, #tpu.memory_space<vmem>>) target(%dma_start3A_55 : memref<8192xf32, #tpu.memory_space<hbm>>) target_semaphore(%arg33 : memref<!tpu.dma_semaphore, #tpu.memory_space<semaphore_mem>>)
    %dma_start3A_56 = tpu.memref_slice %arg8[%add3A_44] : memref<4194304xf32, #tpu.memory_space<hbm>> -> memref<8192xf32, #tpu.memory_space<hbm>>
    %dma_start3A_57 = tpu.memref_slice %arg8[%add3A_44] : memref<4194304xf32, #tpu.memory_space<hbm>> -> memref<8192xf32, #tpu.memory_space<hbm>>
    tpu.enqueue_dma source(%arg26 : memref<8192xf32, #tpu.memory_space<vmem>>) target(%dma_start3A_57 : memref<8192xf32, #tpu.memory_space<hbm>>) target_semaphore(%arg33 : memref<!tpu.dma_semaphore, #tpu.memory_space<semaphore_mem>>)
    %dma_start3A_58 = tpu.memref_slice %arg9[%add3A_44] : memref<4194304xf32, #tpu.memory_space<hbm>> -> memref<8192xf32, #tpu.memory_space<hbm>>
    %dma_start3A_59 = tpu.memref_slice %arg9[%add3A_44] : memref<4194304xf32, #tpu.memory_space<hbm>> -> memref<8192xf32, #tpu.memory_space<hbm>>
    tpu.enqueue_dma source(%arg27 : memref<8192xf32, #tpu.memory_space<vmem>>) target(%dma_start3A_59 : memref<8192xf32, #tpu.memory_space<hbm>>) target_semaphore(%arg33 : memref<!tpu.dma_semaphore, #tpu.memory_space<semaphore_mem>>)
    %dma_start3A_60 = tpu.memref_slice %arg10[%add3A_44] : memref<4194304xf32, #tpu.memory_space<hbm>> -> memref<8192xf32, #tpu.memory_space<hbm>>
    %dma_start3A_61 = tpu.memref_slice %arg10[%add3A_44] : memref<4194304xf32, #tpu.memory_space<hbm>> -> memref<8192xf32, #tpu.memory_space<hbm>>
    tpu.enqueue_dma source(%arg28 : memref<8192xf32, #tpu.memory_space<vmem>>) target(%dma_start3A_61 : memref<8192xf32, #tpu.memory_space<hbm>>) target_semaphore(%arg33 : memref<!tpu.dma_semaphore, #tpu.memory_space<semaphore_mem>>)
    %add3A_62 = arith.constant 24576 : i32
    %add3A_63 = arith.addi %mul3A_2, %add3A_62 : i32
    %add3A_64 = arith.constant 8192 : i32
    %add3A_65 = arith.addi %add3A_63, %add3A_64 : i32
    %dma_start3A_66 = tpu.memref_slice %arg2[%add3A_65] : memref<4194304xi32, #tpu.memory_space<hbm>> -> memref<8192xi32, #tpu.memory_space<hbm>>
    %dma_start3A_67 = tpu.memref_slice %arg2[%add3A_65] : memref<4194304xi32, #tpu.memory_space<hbm>> -> memref<8192xi32, #tpu.memory_space<hbm>>
    tpu.enqueue_dma source(%dma_start3A_67 : memref<8192xi32, #tpu.memory_space<hbm>>) target(%arg15 : memref<8192xi32, #tpu.memory_space<vmem>>) target_semaphore(%arg29 : memref<!tpu.dma_semaphore, #tpu.memory_space<semaphore_mem>>)
    %dma_wait3A_68 = tpu.memref_slice %arg7[%add3A_7] : memref<4194304xf32, #tpu.memory_space<hbm>> -> memref<8192xf32, #tpu.memory_space<hbm>>
    %dma_wait3A_69 = tpu.memref_slice %arg7[%add3A_7] : memref<4194304xf32, #tpu.memory_space<hbm>> -> memref<8192xf32, #tpu.memory_space<hbm>>
    tpu.wait_dma2 semaphore(%arg31 : memref<!tpu.dma_semaphore, #tpu.memory_space<semaphore_mem>>) src(%arg17 : memref<8192xf32, #tpu.memory_space<vmem>>) dst(%dma_wait3A_69 : memref<8192xf32, #tpu.memory_space<hbm>>)
    %dma_wait3A_70 = tpu.memref_slice %arg8[%add3A_7] : memref<4194304xf32, #tpu.memory_space<hbm>> -> memref<8192xf32, #tpu.memory_space<hbm>>
    %dma_wait3A_71 = tpu.memref_slice %arg8[%add3A_7] : memref<4194304xf32, #tpu.memory_space<hbm>> -> memref<8192xf32, #tpu.memory_space<hbm>>
    tpu.wait_dma2 semaphore(%arg31 : memref<!tpu.dma_semaphore, #tpu.memory_space<semaphore_mem>>) src(%arg18 : memref<8192xf32, #tpu.memory_space<vmem>>) dst(%dma_wait3A_71 : memref<8192xf32, #tpu.memory_space<hbm>>)
    %dma_wait3A_72 = tpu.memref_slice %arg9[%add3A_7] : memref<4194304xf32, #tpu.memory_space<hbm>> -> memref<8192xf32, #tpu.memory_space<hbm>>
    %dma_wait3A_73 = tpu.memref_slice %arg9[%add3A_7] : memref<4194304xf32, #tpu.memory_space<hbm>> -> memref<8192xf32, #tpu.memory_space<hbm>>
    tpu.wait_dma2 semaphore(%arg31 : memref<!tpu.dma_semaphore, #tpu.memory_space<semaphore_mem>>) src(%arg19 : memref<8192xf32, #tpu.memory_space<vmem>>) dst(%dma_wait3A_73 : memref<8192xf32, #tpu.memory_space<hbm>>)
    %dma_wait3A_74 = tpu.memref_slice %arg10[%add3A_7] : memref<4194304xf32, #tpu.memory_space<hbm>> -> memref<8192xf32, #tpu.memory_space<hbm>>
    %dma_wait3A_75 = tpu.memref_slice %arg10[%add3A_7] : memref<4194304xf32, #tpu.memory_space<hbm>> -> memref<8192xf32, #tpu.memory_space<hbm>>
    tpu.wait_dma2 semaphore(%arg31 : memref<!tpu.dma_semaphore, #tpu.memory_space<semaphore_mem>>) src(%arg20 : memref<8192xf32, #tpu.memory_space<vmem>>) dst(%dma_wait3A_75 : memref<8192xf32, #tpu.memory_space<hbm>>)
    %dma_wait3A_76 = tpu.memref_slice %arg2[%add3A_63] : memref<4194304xi32, #tpu.memory_space<hbm>> -> memref<8192xi32, #tpu.memory_space<hbm>>
    %dma_wait3A_77 = tpu.memref_slice %arg2[%add3A_63] : memref<4194304xi32, #tpu.memory_space<hbm>> -> memref<8192xi32, #tpu.memory_space<hbm>>
    tpu.wait_dma2 semaphore(%arg30 : memref<!tpu.dma_semaphore, #tpu.memory_space<semaphore_mem>>) src(%dma_wait3A_77 : memref<8192xi32, #tpu.memory_space<hbm>>) dst(%arg16 : memref<8192xi32, #tpu.memory_space<vmem>>)
    %parallel_loop3A_78 = arith.constant 0 : i32
    %parallel_loop3A_79 = arith.constant 8192 : i32
    %parallel_loop3A_80 = arith.constant 16 : i32
    scf.for %parallel_loop3A_433 = %parallel_loop3A_78 to %parallel_loop3A_79 step %parallel_loop3A_80  : i32 {
      %parallel_loop3A_434 = arith.index_cast %parallel_loop3A_433 : i32 to index
      %parallel_loop3A_435 = tpu.vector_load %arg16[%parallel_loop3A_434] {strides = array<i32>} : memref<8192xi32, #tpu.memory_space<vmem>>, vector<16xi32>,
      %parallel_loop3A_436 = arith.constant 0 : i32
      %parallel_loop3A_437 = vector.broadcast %parallel_loop3A_436 : i32 to vector<16xi32>
      %parallel_loop3A_438 = arith.cmpi slt, %parallel_loop3A_435, %parallel_loop3A_437 : vector<16xi32>
      %parallel_loop3A_439 = arith.constant 1000 : i32
      %parallel_loop3A_440 = vector.broadcast %parallel_loop3A_439 : i32 to vector<16xi32>
      %parallel_loop3A_441 = arith.select %parallel_loop3A_438, %parallel_loop3A_440, %parallel_loop3A_435 : vector<16xi1>, vector<16xi32>
      %parallel_loop3A_442 = tpu.vector_load_idx %arg11[%parallel_loop3A_441] : memref<1024xf32, #tpu.memory_space<vmem>>[vector<16xi32>], vector<16xf32>,
      %parallel_loop3A_443 = arith.index_cast %parallel_loop3A_433 : i32 to index
      %parallel_loop3A_444 = tpu.vector_load %arg17[%parallel_loop3A_443] {strides = array<i32>} : memref<8192xf32, #tpu.memory_space<vmem>>, vector<16xf32>,
      tpu.vector_store %arg17[%parallel_loop3A_443], %parallel_loop3A_442 {strides = array<i32>} : memref<8192xf32, #tpu.memory_space<vmem>>, vector<16xf32>,
      %parallel_loop3A_445 = tpu.vector_load_idx %arg12[%parallel_loop3A_441] : memref<1024xf32, #tpu.memory_space<vmem>>[vector<16xi32>], vector<16xf32>,
      %parallel_loop3A_446 = arith.index_cast %parallel_loop3A_433 : i32 to index
      %parallel_loop3A_447 = tpu.vector_load %arg18[%parallel_loop3A_446] {strides = array<i32>} : memref<8192xf32, #tpu.memory_space<vmem>>, vector<16xf32>,
      tpu.vector_store %arg18[%parallel_loop3A_446], %parallel_loop3A_445 {strides = array<i32>} : memref<8192xf32, #tpu.memory_space<vmem>>, vector<16xf32>,
      %parallel_loop3A_448 = tpu.vector_load_idx %arg13[%parallel_loop3A_441] : memref<1024xf32, #tpu.memory_space<vmem>>[vector<16xi32>], vector<16xf32>,
      %parallel_loop3A_449 = arith.index_cast %parallel_loop3A_433 : i32 to index
      %parallel_loop3A_450 = tpu.vector_load %arg19[%parallel_loop3A_449] {strides = array<i32>} : memref<8192xf32, #tpu.memory_space<vmem>>, vector<16xf32>,
      tpu.vector_store %arg19[%parallel_loop3A_449], %parallel_loop3A_448 {strides = array<i32>} : memref<8192xf32, #tpu.memory_space<vmem>>, vector<16xf32>,
      %parallel_loop3A_451 = tpu.vector_load_idx %arg14[%parallel_loop3A_441] : memref<1024xf32, #tpu.memory_space<vmem>>[vector<16xi32>], vector<16xf32>,
      %parallel_loop3A_452 = arith.index_cast %parallel_loop3A_433 : i32 to index
      %parallel_loop3A_453 = tpu.vector_load %arg20[%parallel_loop3A_452] {strides = array<i32>} : memref<8192xf32, #tpu.memory_space<vmem>>, vector<16xf32>,
      tpu.vector_store %arg20[%parallel_loop3A_452], %parallel_loop3A_451 {strides = array<i32>} : memref<8192xf32, #tpu.memory_space<vmem>>, vector<16xf32>,
    } {sc.loop_unroll_factor = 8 : i64, sc.parallel_access}
    %dma_start3A_81 = tpu.memref_slice %arg7[%add3A_63] : memref<4194304xf32, #tpu.memory_space<hbm>> -> memref<8192xf32, #tpu.memory_space<hbm>>
    %dma_start3A_82 = tpu.memref_slice %arg7[%add3A_63] : memref<4194304xf32, #tpu.memory_space<hbm>> -> memref<8192xf32, #tpu.memory_space<hbm>>
    tpu.enqueue_dma source(%arg17 : memref<8192xf32, #tpu.memory_space<vmem>>) target(%dma_start3A_82 : memref<8192xf32, #tpu.memory_space<hbm>>) target_semaphore(%arg31 : memref<!tpu.dma_semaphore, #tpu.memory_space<semaphore_mem>>)
    %dma_start3A_83 = tpu.memref_slice %arg8[%add3A_63] : memref<4194304xf32, #tpu.memory_space<hbm>> -> memref<8192xf32, #tpu.memory_space<hbm>>
    %dma_start3A_84 = tpu.memref_slice %arg8[%add3A_63] : memref<4194304xf32, #tpu.memory_space<hbm>> -> memref<8192xf32, #tpu.memory_space<hbm>>
    tpu.enqueue_dma source(%arg18 : memref<8192xf32, #tpu.memory_space<vmem>>) target(%dma_start3A_84 : memref<8192xf32, #tpu.memory_space<hbm>>) target_semaphore(%arg31 : memref<!tpu.dma_semaphore, #tpu.memory_space<semaphore_mem>>)
    %dma_start3A_85 = tpu.memref_slice %arg9[%add3A_63] : memref<4194304xf32, #tpu.memory_space<hbm>> -> memref<8192xf32, #tpu.memory_space<hbm>>
    %dma_start3A_86 = tpu.memref_slice %arg9[%add3A_63] : memref<4194304xf32, #tpu.memory_space<hbm>> -> memref<8192xf32, #tpu.memory_space<hbm>>
    tpu.enqueue_dma source(%arg19 : memref<8192xf32, #tpu.memory_space<vmem>>) target(%dma_start3A_86 : memref<8192xf32, #tpu.memory_space<hbm>>) target_semaphore(%arg31 : memref<!tpu.dma_semaphore, #tpu.memory_space<semaphore_mem>>)
    %dma_start3A_87 = tpu.memref_slice %arg10[%add3A_63] : memref<4194304xf32, #tpu.memory_space<hbm>> -> memref<8192xf32, #tpu.memory_space<hbm>>
    %dma_start3A_88 = tpu.memref_slice %arg10[%add3A_63] : memref<4194304xf32, #tpu.memory_space<hbm>> -> memref<8192xf32, #tpu.memory_space<hbm>>
    tpu.enqueue_dma source(%arg20 : memref<8192xf32, #tpu.memory_space<vmem>>) target(%dma_start3A_88 : memref<8192xf32, #tpu.memory_space<hbm>>) target_semaphore(%arg31 : memref<!tpu.dma_semaphore, #tpu.memory_space<semaphore_mem>>)
    %add3A_89 = arith.constant 32768 : i32
    %add3A_90 = arith.addi %mul3A_2, %add3A_89 : i32
    %add3A_91 = arith.constant 8192 : i32
    %add3A_92 = arith.addi %add3A_90, %add3A_91 : i32
    %dma_start3A_93 = tpu.memref_slice %arg2[%add3A_92] : memref<4194304xi32, #tpu.memory_space<hbm>> -> memref<8192xi32, #tpu.memory_space<hbm>>
    %dma_start3A_94 = tpu.memref_slice %arg2[%add3A_92] : memref<4194304xi32, #tpu.memory_space<hbm>> -> memref<8192xi32, #tpu.memory_space<hbm>>
    tpu.enqueue_dma source(%dma_start3A_94 : memref<8192xi32, #tpu.memory_space<hbm>>) target(%arg16 : memref<8192xi32, #tpu.memory_space<vmem>>) target_semaphore(%arg30 : memref<!tpu.dma_semaphore, #tpu.memory_space<semaphore_mem>>)
    %dma_wait3A_95 = tpu.memref_slice %arg7[%add3A_25] : memref<4194304xf32, #tpu.memory_space<hbm>> -> memref<8192xf32, #tpu.memory_space<hbm>>
    %dma_wait3A_96 = tpu.memref_slice %arg7[%add3A_25] : memref<4194304xf32, #tpu.memory_space<hbm>> -> memref<8192xf32, #tpu.memory_space<hbm>>
    tpu.wait_dma2 semaphore(%arg32 : memref<!tpu.dma_semaphore, #tpu.memory_space<semaphore_mem>>) src(%arg21 : memref<8192xf32, #tpu.memory_space<vmem>>) dst(%dma_wait3A_96 : memref<8192xf32, #tpu.memory_space<hbm>>)
    %dma_wait3A_97 = tpu.memref_slice %arg8[%add3A_25] : memref<4194304xf32, #tpu.memory_space<hbm>> -> memref<8192xf32, #tpu.memory_space<hbm>>
    %dma_wait3A_98 = tpu.memref_slice %arg8[%add3A_25] : memref<4194304xf32, #tpu.memory_space<hbm>> -> memref<8192xf32, #tpu.memory_space<hbm>>
    tpu.wait_dma2 semaphore(%arg32 : memref<!tpu.dma_semaphore, #tpu.memory_space<semaphore_mem>>) src(%arg22 : memref<8192xf32, #tpu.memory_space<vmem>>) dst(%dma_wait3A_98 : memref<8192xf32, #tpu.memory_space<hbm>>)
    %dma_wait3A_99 = tpu.memref_slice %arg9[%add3A_25] : memref<4194304xf32, #tpu.memory_space<hbm>> -> memref<8192xf32, #tpu.memory_space<hbm>>
    %dma_wait3A_100 = tpu.memref_slice %arg9[%add3A_25] : memref<4194304xf32, #tpu.memory_space<hbm>> -> memref<8192xf32, #tpu.memory_space<hbm>>
    tpu.wait_dma2 semaphore(%arg32 : memref<!tpu.dma_semaphore, #tpu.memory_space<semaphore_mem>>) src(%arg23 : memref<8192xf32, #tpu.memory_space<vmem>>) dst(%dma_wait3A_100 : memref<8192xf32, #tpu.memory_space<hbm>>)
    %dma_wait3A_101 = tpu.memref_slice %arg10[%add3A_25] : memref<4194304xf32, #tpu.memory_space<hbm>> -> memref<8192xf32, #tpu.memory_space<hbm>>
    %dma_wait3A_102 = tpu.memref_slice %arg10[%add3A_25] : memref<4194304xf32, #tpu.memory_space<hbm>> -> memref<8192xf32, #tpu.memory_space<hbm>>
    tpu.wait_dma2 semaphore(%arg32 : memref<!tpu.dma_semaphore, #tpu.memory_space<semaphore_mem>>) src(%arg24 : memref<8192xf32, #tpu.memory_space<vmem>>) dst(%dma_wait3A_102 : memref<8192xf32, #tpu.memory_space<hbm>>)
    %dma_wait3A_103 = tpu.memref_slice %arg2[%add3A_90] : memref<4194304xi32, #tpu.memory_space<hbm>> -> memref<8192xi32, #tpu.memory_space<hbm>>
    %dma_wait3A_104 = tpu.memref_slice %arg2[%add3A_90] : memref<4194304xi32, #tpu.memory_space<hbm>> -> memref<8192xi32, #tpu.memory_space<hbm>>
    tpu.wait_dma2 semaphore(%arg29 : memref<!tpu.dma_semaphore, #tpu.memory_space<semaphore_mem>>) src(%dma_wait3A_104 : memref<8192xi32, #tpu.memory_space<hbm>>) dst(%arg15 : memref<8192xi32, #tpu.memory_space<vmem>>)
    %parallel_loop3A_105 = arith.constant 0 : i32
    %parallel_loop3A_106 = arith.constant 8192 : i32
    %parallel_loop3A_107 = arith.constant 16 : i32
    scf.for %parallel_loop3A_433 = %parallel_loop3A_105 to %parallel_loop3A_106 step %parallel_loop3A_107  : i32 {
      %parallel_loop3A_434 = arith.index_cast %parallel_loop3A_433 : i32 to index
      %parallel_loop3A_435 = tpu.vector_load %arg15[%parallel_loop3A_434] {strides = array<i32>} : memref<8192xi32, #tpu.memory_space<vmem>>, vector<16xi32>,
      %parallel_loop3A_436 = arith.constant 0 : i32
      %parallel_loop3A_437 = vector.broadcast %parallel_loop3A_436 : i32 to vector<16xi32>
      %parallel_loop3A_438 = arith.cmpi slt, %parallel_loop3A_435, %parallel_loop3A_437 : vector<16xi32>
      %parallel_loop3A_439 = arith.constant 1000 : i32
      %parallel_loop3A_440 = vector.broadcast %parallel_loop3A_439 : i32 to vector<16xi32>
      %parallel_loop3A_441 = arith.select %parallel_loop3A_438, %parallel_loop3A_440, %parallel_loop3A_435 : vector<16xi1>, vector<16xi32>
      %parallel_loop3A_442 = tpu.vector_load_idx %arg11[%parallel_loop3A_441] : memref<1024xf32, #tpu.memory_space<vmem>>[vector<16xi32>], vector<16xf32>,
      %parallel_loop3A_443 = arith.index_cast %parallel_loop3A_433 : i32 to index
      %parallel_loop3A_444 = tpu.vector_load %arg21[%parallel_loop3A_443] {strides = array<i32>} : memref<8192xf32, #tpu.memory_space<vmem>>, vector<16xf32>,
      tpu.vector_store %arg21[%parallel_loop3A_443], %parallel_loop3A_442 {strides = array<i32>} : memref<8192xf32, #tpu.memory_space<vmem>>, vector<16xf32>,
      %parallel_loop3A_445 = tpu.vector_load_idx %arg12[%parallel_loop3A_441] : memref<1024xf32, #tpu.memory_space<vmem>>[vector<16xi32>], vector<16xf32>,
      %parallel_loop3A_446 = arith.index_cast %parallel_loop3A_433 : i32 to index
      %parallel_loop3A_447 = tpu.vector_load %arg22[%parallel_loop3A_446] {strides = array<i32>} : memref<8192xf32, #tpu.memory_space<vmem>>, vector<16xf32>,
      tpu.vector_store %arg22[%parallel_loop3A_446], %parallel_loop3A_445 {strides = array<i32>} : memref<8192xf32, #tpu.memory_space<vmem>>, vector<16xf32>,
      %parallel_loop3A_448 = tpu.vector_load_idx %arg13[%parallel_loop3A_441] : memref<1024xf32, #tpu.memory_space<vmem>>[vector<16xi32>], vector<16xf32>,
      %parallel_loop3A_449 = arith.index_cast %parallel_loop3A_433 : i32 to index
      %parallel_loop3A_450 = tpu.vector_load %arg23[%parallel_loop3A_449] {strides = array<i32>} : memref<8192xf32, #tpu.memory_space<vmem>>, vector<16xf32>,
      tpu.vector_store %arg23[%parallel_loop3A_449], %parallel_loop3A_448 {strides = array<i32>} : memref<8192xf32, #tpu.memory_space<vmem>>, vector<16xf32>,
      %parallel_loop3A_451 = tpu.vector_load_idx %arg14[%parallel_loop3A_441] : memref<1024xf32, #tpu.memory_space<vmem>>[vector<16xi32>], vector<16xf32>,
      %parallel_loop3A_452 = arith.index_cast %parallel_loop3A_433 : i32 to index
      %parallel_loop3A_453 = tpu.vector_load %arg24[%parallel_loop3A_452] {strides = array<i32>} : memref<8192xf32, #tpu.memory_space<vmem>>, vector<16xf32>,
      tpu.vector_store %arg24[%parallel_loop3A_452], %parallel_loop3A_451 {strides = array<i32>} : memref<8192xf32, #tpu.memory_space<vmem>>, vector<16xf32>,
    } {sc.loop_unroll_factor = 8 : i64, sc.parallel_access}
    %dma_start3A_108 = tpu.memref_slice %arg7[%add3A_90] : memref<4194304xf32, #tpu.memory_space<hbm>> -> memref<8192xf32, #tpu.memory_space<hbm>>
    %dma_start3A_109 = tpu.memref_slice %arg7[%add3A_90] : memref<4194304xf32, #tpu.memory_space<hbm>> -> memref<8192xf32, #tpu.memory_space<hbm>>
    tpu.enqueue_dma source(%arg21 : memref<8192xf32, #tpu.memory_space<vmem>>) target(%dma_start3A_109 : memref<8192xf32, #tpu.memory_space<hbm>>) target_semaphore(%arg32 : memref<!tpu.dma_semaphore, #tpu.memory_space<semaphore_mem>>)
    %dma_start3A_110 = tpu.memref_slice %arg8[%add3A_90] : memref<4194304xf32, #tpu.memory_space<hbm>> -> memref<8192xf32, #tpu.memory_space<hbm>>
    %dma_start3A_111 = tpu.memref_slice %arg8[%add3A_90] : memref<4194304xf32, #tpu.memory_space<hbm>> -> memref<8192xf32, #tpu.memory_space<hbm>>
    tpu.enqueue_dma source(%arg22 : memref<8192xf32, #tpu.memory_space<vmem>>) target(%dma_start3A_111 : memref<8192xf32, #tpu.memory_space<hbm>>) target_semaphore(%arg32 : memref<!tpu.dma_semaphore, #tpu.memory_space<semaphore_mem>>)
    %dma_start3A_112 = tpu.memref_slice %arg9[%add3A_90] : memref<4194304xf32, #tpu.memory_space<hbm>> -> memref<8192xf32, #tpu.memory_space<hbm>>
    %dma_start3A_113 = tpu.memref_slice %arg9[%add3A_90] : memref<4194304xf32, #tpu.memory_space<hbm>> -> memref<8192xf32, #tpu.memory_space<hbm>>
    tpu.enqueue_dma source(%arg23 : memref<8192xf32, #tpu.memory_space<vmem>>) target(%dma_start3A_113 : memref<8192xf32, #tpu.memory_space<hbm>>) target_semaphore(%arg32 : memref<!tpu.dma_semaphore, #tpu.memory_space<semaphore_mem>>)
    %dma_start3A_114 = tpu.memref_slice %arg10[%add3A_90] : memref<4194304xf32, #tpu.memory_space<hbm>> -> memref<8192xf32, #tpu.memory_space<hbm>>
    %dma_start3A_115 = tpu.memref_slice %arg10[%add3A_90] : memref<4194304xf32, #tpu.memory_space<hbm>> -> memref<8192xf32, #tpu.memory_space<hbm>>
    tpu.enqueue_dma source(%arg24 : memref<8192xf32, #tpu.memory_space<vmem>>) target(%dma_start3A_115 : memref<8192xf32, #tpu.memory_space<hbm>>) target_semaphore(%arg32 : memref<!tpu.dma_semaphore, #tpu.memory_space<semaphore_mem>>)
    %add3A_116 = arith.constant 40960 : i32
    %add3A_117 = arith.addi %mul3A_2, %add3A_116 : i32
    %add3A_118 = arith.constant 8192 : i32
    %add3A_119 = arith.addi %add3A_117, %add3A_118 : i32
    %dma_start3A_120 = tpu.memref_slice %arg2[%add3A_119] : memref<4194304xi32, #tpu.memory_space<hbm>> -> memref<8192xi32, #tpu.memory_space<hbm>>
    %dma_start3A_121 = tpu.memref_slice %arg2[%add3A_119] : memref<4194304xi32, #tpu.memory_space<hbm>> -> memref<8192xi32, #tpu.memory_space<hbm>>
    tpu.enqueue_dma source(%dma_start3A_121 : memref<8192xi32, #tpu.memory_space<hbm>>) target(%arg15 : memref<8192xi32, #tpu.memory_space<vmem>>) target_semaphore(%arg29 : memref<!tpu.dma_semaphore, #tpu.memory_space<semaphore_mem>>)
    %dma_wait3A_122 = tpu.memref_slice %arg7[%add3A_44] : memref<4194304xf32, #tpu.memory_space<hbm>> -> memref<8192xf32, #tpu.memory_space<hbm>>
    %dma_wait3A_123 = tpu.memref_slice %arg7[%add3A_44] : memref<4194304xf32, #tpu.memory_space<hbm>> -> memref<8192xf32, #tpu.memory_space<hbm>>
    tpu.wait_dma2 semaphore(%arg33 : memref<!tpu.dma_semaphore, #tpu.memory_space<semaphore_mem>>) src(%arg25 : memref<8192xf32, #tpu.memory_space<vmem>>) dst(%dma_wait3A_123 : memref<8192xf32, #tpu.memory_space<hbm>>)
    %dma_wait3A_124 = tpu.memref_slice %arg8[%add3A_44] : memref<4194304xf32, #tpu.memory_space<hbm>> -> memref<8192xf32, #tpu.memory_space<hbm>>
    %dma_wait3A_125 = tpu.memref_slice %arg8[%add3A_44] : memref<4194304xf32, #tpu.memory_space<hbm>> -> memref<8192xf32, #tpu.memory_space<hbm>>
    tpu.wait_dma2 semaphore(%arg33 : memref<!tpu.dma_semaphore, #tpu.memory_space<semaphore_mem>>) src(%arg26 : memref<8192xf32, #tpu.memory_space<vmem>>) dst(%dma_wait3A_125 : memref<8192xf32, #tpu.memory_space<hbm>>)
    %dma_wait3A_126 = tpu.memref_slice %arg9[%add3A_44] : memref<4194304xf32, #tpu.memory_space<hbm>> -> memref<8192xf32, #tpu.memory_space<hbm>>
    %dma_wait3A_127 = tpu.memref_slice %arg9[%add3A_44] : memref<4194304xf32, #tpu.memory_space<hbm>> -> memref<8192xf32, #tpu.memory_space<hbm>>
    tpu.wait_dma2 semaphore(%arg33 : memref<!tpu.dma_semaphore, #tpu.memory_space<semaphore_mem>>) src(%arg27 : memref<8192xf32, #tpu.memory_space<vmem>>) dst(%dma_wait3A_127 : memref<8192xf32, #tpu.memory_space<hbm>>)
    %dma_wait3A_128 = tpu.memref_slice %arg10[%add3A_44] : memref<4194304xf32, #tpu.memory_space<hbm>> -> memref<8192xf32, #tpu.memory_space<hbm>>
    %dma_wait3A_129 = tpu.memref_slice %arg10[%add3A_44] : memref<4194304xf32, #tpu.memory_space<hbm>> -> memref<8192xf32, #tpu.memory_space<hbm>>
    tpu.wait_dma2 semaphore(%arg33 : memref<!tpu.dma_semaphore, #tpu.memory_space<semaphore_mem>>) src(%arg28 : memref<8192xf32, #tpu.memory_space<vmem>>) dst(%dma_wait3A_129 : memref<8192xf32, #tpu.memory_space<hbm>>)
    %dma_wait3A_130 = tpu.memref_slice %arg2[%add3A_117] : memref<4194304xi32, #tpu.memory_space<hbm>> -> memref<8192xi32, #tpu.memory_space<hbm>>
    %dma_wait3A_131 = tpu.memref_slice %arg2[%add3A_117] : memref<4194304xi32, #tpu.memory_space<hbm>> -> memref<8192xi32, #tpu.memory_space<hbm>>
    tpu.wait_dma2 semaphore(%arg30 : memref<!tpu.dma_semaphore, #tpu.memory_space<semaphore_mem>>) src(%dma_wait3A_131 : memref<8192xi32, #tpu.memory_space<hbm>>) dst(%arg16 : memref<8192xi32, #tpu.memory_space<vmem>>)
    %parallel_loop3A_132 = arith.constant 0 : i32
    %parallel_loop3A_133 = arith.constant 8192 : i32
    %parallel_loop3A_134 = arith.constant 16 : i32
    scf.for %parallel_loop3A_433 = %parallel_loop3A_132 to %parallel_loop3A_133 step %parallel_loop3A_134  : i32 {
      %parallel_loop3A_434 = arith.index_cast %parallel_loop3A_433 : i32 to index
      %parallel_loop3A_435 = tpu.vector_load %arg16[%parallel_loop3A_434] {strides = array<i32>} : memref<8192xi32, #tpu.memory_space<vmem>>, vector<16xi32>,
      %parallel_loop3A_436 = arith.constant 0 : i32
      %parallel_loop3A_437 = vector.broadcast %parallel_loop3A_436 : i32 to vector<16xi32>
      %parallel_loop3A_438 = arith.cmpi slt, %parallel_loop3A_435, %parallel_loop3A_437 : vector<16xi32>
      %parallel_loop3A_439 = arith.constant 1000 : i32
      %parallel_loop3A_440 = vector.broadcast %parallel_loop3A_439 : i32 to vector<16xi32>
      %parallel_loop3A_441 = arith.select %parallel_loop3A_438, %parallel_loop3A_440, %parallel_loop3A_435 : vector<16xi1>, vector<16xi32>
      %parallel_loop3A_442 = tpu.vector_load_idx %arg11[%parallel_loop3A_441] : memref<1024xf32, #tpu.memory_space<vmem>>[vector<16xi32>], vector<16xf32>,
      %parallel_loop3A_443 = arith.index_cast %parallel_loop3A_433 : i32 to index
      %parallel_loop3A_444 = tpu.vector_load %arg25[%parallel_loop3A_443] {strides = array<i32>} : memref<8192xf32, #tpu.memory_space<vmem>>, vector<16xf32>,
      tpu.vector_store %arg25[%parallel_loop3A_443], %parallel_loop3A_442 {strides = array<i32>} : memref<8192xf32, #tpu.memory_space<vmem>>, vector<16xf32>,
      %parallel_loop3A_445 = tpu.vector_load_idx %arg12[%parallel_loop3A_441] : memref<1024xf32, #tpu.memory_space<vmem>>[vector<16xi32>], vector<16xf32>,
      %parallel_loop3A_446 = arith.index_cast %parallel_loop3A_433 : i32 to index
      %parallel_loop3A_447 = tpu.vector_load %arg26[%parallel_loop3A_446] {strides = array<i32>} : memref<8192xf32, #tpu.memory_space<vmem>>, vector<16xf32>,
      tpu.vector_store %arg26[%parallel_loop3A_446], %parallel_loop3A_445 {strides = array<i32>} : memref<8192xf32, #tpu.memory_space<vmem>>, vector<16xf32>,
      %parallel_loop3A_448 = tpu.vector_load_idx %arg13[%parallel_loop3A_441] : memref<1024xf32, #tpu.memory_space<vmem>>[vector<16xi32>], vector<16xf32>,
      %parallel_loop3A_449 = arith.index_cast %parallel_loop3A_433 : i32 to index
      %parallel_loop3A_450 = tpu.vector_load %arg27[%parallel_loop3A_449] {strides = array<i32>} : memref<8192xf32, #tpu.memory_space<vmem>>, vector<16xf32>,
      tpu.vector_store %arg27[%parallel_loop3A_449], %parallel_loop3A_448 {strides = array<i32>} : memref<8192xf32, #tpu.memory_space<vmem>>, vector<16xf32>,
      %parallel_loop3A_451 = tpu.vector_load_idx %arg14[%parallel_loop3A_441] : memref<1024xf32, #tpu.memory_space<vmem>>[vector<16xi32>], vector<16xf32>,
      %parallel_loop3A_452 = arith.index_cast %parallel_loop3A_433 : i32 to index
      %parallel_loop3A_453 = tpu.vector_load %arg28[%parallel_loop3A_452] {strides = array<i32>} : memref<8192xf32, #tpu.memory_space<vmem>>, vector<16xf32>,
      tpu.vector_store %arg28[%parallel_loop3A_452], %parallel_loop3A_451 {strides = array<i32>} : memref<8192xf32, #tpu.memory_space<vmem>>, vector<16xf32>,
    } {sc.loop_unroll_factor = 8 : i64, sc.parallel_access}
    %dma_start3A_135 = tpu.memref_slice %arg7[%add3A_117] : memref<4194304xf32, #tpu.memory_space<hbm>> -> memref<8192xf32, #tpu.memory_space<hbm>>
    %dma_start3A_136 = tpu.memref_slice %arg7[%add3A_117] : memref<4194304xf32, #tpu.memory_space<hbm>> -> memref<8192xf32, #tpu.memory_space<hbm>>
    tpu.enqueue_dma source(%arg25 : memref<8192xf32, #tpu.memory_space<vmem>>) target(%dma_start3A_136 : memref<8192xf32, #tpu.memory_space<hbm>>) target_semaphore(%arg33 : memref<!tpu.dma_semaphore, #tpu.memory_space<semaphore_mem>>)
    %dma_start3A_137 = tpu.memref_slice %arg8[%add3A_117] : memref<4194304xf32, #tpu.memory_space<hbm>> -> memref<8192xf32, #tpu.memory_space<hbm>>
    %dma_start3A_138 = tpu.memref_slice %arg8[%add3A_117] : memref<4194304xf32, #tpu.memory_space<hbm>> -> memref<8192xf32, #tpu.memory_space<hbm>>
    tpu.enqueue_dma source(%arg26 : memref<8192xf32, #tpu.memory_space<vmem>>) target(%dma_start3A_138 : memref<8192xf32, #tpu.memory_space<hbm>>) target_semaphore(%arg33 : memref<!tpu.dma_semaphore, #tpu.memory_space<semaphore_mem>>)
    %dma_start3A_139 = tpu.memref_slice %arg9[%add3A_117] : memref<4194304xf32, #tpu.memory_space<hbm>> -> memref<8192xf32, #tpu.memory_space<hbm>>
    %dma_start3A_140 = tpu.memref_slice %arg9[%add3A_117] : memref<4194304xf32, #tpu.memory_space<hbm>> -> memref<8192xf32, #tpu.memory_space<hbm>>
    tpu.enqueue_dma source(%arg27 : memref<8192xf32, #tpu.memory_space<vmem>>) target(%dma_start3A_140 : memref<8192xf32, #tpu.memory_space<hbm>>) target_semaphore(%arg33 : memref<!tpu.dma_semaphore, #tpu.memory_space<semaphore_mem>>)
    %dma_start3A_141 = tpu.memref_slice %arg10[%add3A_117] : memref<4194304xf32, #tpu.memory_space<hbm>> -> memref<8192xf32, #tpu.memory_space<hbm>>
    %dma_start3A_142 = tpu.memref_slice %arg10[%add3A_117] : memref<4194304xf32, #tpu.memory_space<hbm>> -> memref<8192xf32, #tpu.memory_space<hbm>>
    tpu.enqueue_dma source(%arg28 : memref<8192xf32, #tpu.memory_space<vmem>>) target(%dma_start3A_142 : memref<8192xf32, #tpu.memory_space<hbm>>) target_semaphore(%arg33 : memref<!tpu.dma_semaphore, #tpu.memory_space<semaphore_mem>>)
    %add3A_143 = arith.constant 49152 : i32
    %add3A_144 = arith.addi %mul3A_2, %add3A_143 : i32
    %add3A_145 = arith.constant 8192 : i32
    %add3A_146 = arith.addi %add3A_144, %add3A_145 : i32
    %dma_start3A_147 = tpu.memref_slice %arg2[%add3A_146] : memref<4194304xi32, #tpu.memory_space<hbm>> -> memref<8192xi32, #tpu.memory_space<hbm>>
    %dma_start3A_148 = tpu.memref_slice %arg2[%add3A_146] : memref<4194304xi32, #tpu.memory_space<hbm>> -> memref<8192xi32, #tpu.memory_space<hbm>>
    tpu.enqueue_dma source(%dma_start3A_148 : memref<8192xi32, #tpu.memory_space<hbm>>) target(%arg16 : memref<8192xi32, #tpu.memory_space<vmem>>) target_semaphore(%arg30 : memref<!tpu.dma_semaphore, #tpu.memory_space<semaphore_mem>>)
    %dma_wait3A_149 = tpu.memref_slice %arg7[%add3A_63] : memref<4194304xf32, #tpu.memory_space<hbm>> -> memref<8192xf32, #tpu.memory_space<hbm>>
    %dma_wait3A_150 = tpu.memref_slice %arg7[%add3A_63] : memref<4194304xf32, #tpu.memory_space<hbm>> -> memref<8192xf32, #tpu.memory_space<hbm>>
    tpu.wait_dma2 semaphore(%arg31 : memref<!tpu.dma_semaphore, #tpu.memory_space<semaphore_mem>>) src(%arg17 : memref<8192xf32, #tpu.memory_space<vmem>>) dst(%dma_wait3A_150 : memref<8192xf32, #tpu.memory_space<hbm>>)
    %dma_wait3A_151 = tpu.memref_slice %arg8[%add3A_63] : memref<4194304xf32, #tpu.memory_space<hbm>> -> memref<8192xf32, #tpu.memory_space<hbm>>
    %dma_wait3A_152 = tpu.memref_slice %arg8[%add3A_63] : memref<4194304xf32, #tpu.memory_space<hbm>> -> memref<8192xf32, #tpu.memory_space<hbm>>
    tpu.wait_dma2 semaphore(%arg31 : memref<!tpu.dma_semaphore, #tpu.memory_space<semaphore_mem>>) src(%arg18 : memref<8192xf32, #tpu.memory_space<vmem>>) dst(%dma_wait3A_152 : memref<8192xf32, #tpu.memory_space<hbm>>)
    %dma_wait3A_153 = tpu.memref_slice %arg9[%add3A_63] : memref<4194304xf32, #tpu.memory_space<hbm>> -> memref<8192xf32, #tpu.memory_space<hbm>>
    %dma_wait3A_154 = tpu.memref_slice %arg9[%add3A_63] : memref<4194304xf32, #tpu.memory_space<hbm>> -> memref<8192xf32, #tpu.memory_space<hbm>>
    tpu.wait_dma2 semaphore(%arg31 : memref<!tpu.dma_semaphore, #tpu.memory_space<semaphore_mem>>) src(%arg19 : memref<8192xf32, #tpu.memory_space<vmem>>) dst(%dma_wait3A_154 : memref<8192xf32, #tpu.memory_space<hbm>>)
    %dma_wait3A_155 = tpu.memref_slice %arg10[%add3A_63] : memref<4194304xf32, #tpu.memory_space<hbm>> -> memref<8192xf32, #tpu.memory_space<hbm>>
    %dma_wait3A_156 = tpu.memref_slice %arg10[%add3A_63] : memref<4194304xf32, #tpu.memory_space<hbm>> -> memref<8192xf32, #tpu.memory_space<hbm>>
    tpu.wait_dma2 semaphore(%arg31 : memref<!tpu.dma_semaphore, #tpu.memory_space<semaphore_mem>>) src(%arg20 : memref<8192xf32, #tpu.memory_space<vmem>>) dst(%dma_wait3A_156 : memref<8192xf32, #tpu.memory_space<hbm>>)
    %dma_wait3A_157 = tpu.memref_slice %arg2[%add3A_144] : memref<4194304xi32, #tpu.memory_space<hbm>> -> memref<8192xi32, #tpu.memory_space<hbm>>
    %dma_wait3A_158 = tpu.memref_slice %arg2[%add3A_144] : memref<4194304xi32, #tpu.memory_space<hbm>> -> memref<8192xi32, #tpu.memory_space<hbm>>
    tpu.wait_dma2 semaphore(%arg29 : memref<!tpu.dma_semaphore, #tpu.memory_space<semaphore_mem>>) src(%dma_wait3A_158 : memref<8192xi32, #tpu.memory_space<hbm>>) dst(%arg15 : memref<8192xi32, #tpu.memory_space<vmem>>)
    %parallel_loop3A_159 = arith.constant 0 : i32
    %parallel_loop3A_160 = arith.constant 8192 : i32
    %parallel_loop3A_161 = arith.constant 16 : i32
    scf.for %parallel_loop3A_433 = %parallel_loop3A_159 to %parallel_loop3A_160 step %parallel_loop3A_161  : i32 {
      %parallel_loop3A_434 = arith.index_cast %parallel_loop3A_433 : i32 to index
      %parallel_loop3A_435 = tpu.vector_load %arg15[%parallel_loop3A_434] {strides = array<i32>} : memref<8192xi32, #tpu.memory_space<vmem>>, vector<16xi32>,
      %parallel_loop3A_436 = arith.constant 0 : i32
      %parallel_loop3A_437 = vector.broadcast %parallel_loop3A_436 : i32 to vector<16xi32>
      %parallel_loop3A_438 = arith.cmpi slt, %parallel_loop3A_435, %parallel_loop3A_437 : vector<16xi32>
      %parallel_loop3A_439 = arith.constant 1000 : i32
      %parallel_loop3A_440 = vector.broadcast %parallel_loop3A_439 : i32 to vector<16xi32>
      %parallel_loop3A_441 = arith.select %parallel_loop3A_438, %parallel_loop3A_440, %parallel_loop3A_435 : vector<16xi1>, vector<16xi32>
      %parallel_loop3A_442 = tpu.vector_load_idx %arg11[%parallel_loop3A_441] : memref<1024xf32, #tpu.memory_space<vmem>>[vector<16xi32>], vector<16xf32>,
      %parallel_loop3A_443 = arith.index_cast %parallel_loop3A_433 : i32 to index
      %parallel_loop3A_444 = tpu.vector_load %arg17[%parallel_loop3A_443] {strides = array<i32>} : memref<8192xf32, #tpu.memory_space<vmem>>, vector<16xf32>,
      tpu.vector_store %arg17[%parallel_loop3A_443], %parallel_loop3A_442 {strides = array<i32>} : memref<8192xf32, #tpu.memory_space<vmem>>, vector<16xf32>,
      %parallel_loop3A_445 = tpu.vector_load_idx %arg12[%parallel_loop3A_441] : memref<1024xf32, #tpu.memory_space<vmem>>[vector<16xi32>], vector<16xf32>,
      %parallel_loop3A_446 = arith.index_cast %parallel_loop3A_433 : i32 to index
      %parallel_loop3A_447 = tpu.vector_load %arg18[%parallel_loop3A_446] {strides = array<i32>} : memref<8192xf32, #tpu.memory_space<vmem>>, vector<16xf32>,
      tpu.vector_store %arg18[%parallel_loop3A_446], %parallel_loop3A_445 {strides = array<i32>} : memref<8192xf32, #tpu.memory_space<vmem>>, vector<16xf32>,
      %parallel_loop3A_448 = tpu.vector_load_idx %arg13[%parallel_loop3A_441] : memref<1024xf32, #tpu.memory_space<vmem>>[vector<16xi32>], vector<16xf32>,
      %parallel_loop3A_449 = arith.index_cast %parallel_loop3A_433 : i32 to index
      %parallel_loop3A_450 = tpu.vector_load %arg19[%parallel_loop3A_449] {strides = array<i32>} : memref<8192xf32, #tpu.memory_space<vmem>>, vector<16xf32>,
      tpu.vector_store %arg19[%parallel_loop3A_449], %parallel_loop3A_448 {strides = array<i32>} : memref<8192xf32, #tpu.memory_space<vmem>>, vector<16xf32>,
      %parallel_loop3A_451 = tpu.vector_load_idx %arg14[%parallel_loop3A_441] : memref<1024xf32, #tpu.memory_space<vmem>>[vector<16xi32>], vector<16xf32>,
      %parallel_loop3A_452 = arith.index_cast %parallel_loop3A_433 : i32 to index
      %parallel_loop3A_453 = tpu.vector_load %arg20[%parallel_loop3A_452] {strides = array<i32>} : memref<8192xf32, #tpu.memory_space<vmem>>, vector<16xf32>,
      tpu.vector_store %arg20[%parallel_loop3A_452], %parallel_loop3A_451 {strides = array<i32>} : memref<8192xf32, #tpu.memory_space<vmem>>, vector<16xf32>,
    } {sc.loop_unroll_factor = 8 : i64, sc.parallel_access}
    %dma_start3A_162 = tpu.memref_slice %arg7[%add3A_144] : memref<4194304xf32, #tpu.memory_space<hbm>> -> memref<8192xf32, #tpu.memory_space<hbm>>
    %dma_start3A_163 = tpu.memref_slice %arg7[%add3A_144] : memref<4194304xf32, #tpu.memory_space<hbm>> -> memref<8192xf32, #tpu.memory_space<hbm>>
    tpu.enqueue_dma source(%arg17 : memref<8192xf32, #tpu.memory_space<vmem>>) target(%dma_start3A_163 : memref<8192xf32, #tpu.memory_space<hbm>>) target_semaphore(%arg31 : memref<!tpu.dma_semaphore, #tpu.memory_space<semaphore_mem>>)
    %dma_start3A_164 = tpu.memref_slice %arg8[%add3A_144] : memref<4194304xf32, #tpu.memory_space<hbm>> -> memref<8192xf32, #tpu.memory_space<hbm>>
    %dma_start3A_165 = tpu.memref_slice %arg8[%add3A_144] : memref<4194304xf32, #tpu.memory_space<hbm>> -> memref<8192xf32, #tpu.memory_space<hbm>>
    tpu.enqueue_dma source(%arg18 : memref<8192xf32, #tpu.memory_space<vmem>>) target(%dma_start3A_165 : memref<8192xf32, #tpu.memory_space<hbm>>) target_semaphore(%arg31 : memref<!tpu.dma_semaphore, #tpu.memory_space<semaphore_mem>>)
    %dma_start3A_166 = tpu.memref_slice %arg9[%add3A_144] : memref<4194304xf32, #tpu.memory_space<hbm>> -> memref<8192xf32, #tpu.memory_space<hbm>>
    %dma_start3A_167 = tpu.memref_slice %arg9[%add3A_144] : memref<4194304xf32, #tpu.memory_space<hbm>> -> memref<8192xf32, #tpu.memory_space<hbm>>
    tpu.enqueue_dma source(%arg19 : memref<8192xf32, #tpu.memory_space<vmem>>) target(%dma_start3A_167 : memref<8192xf32, #tpu.memory_space<hbm>>) target_semaphore(%arg31 : memref<!tpu.dma_semaphore, #tpu.memory_space<semaphore_mem>>)
    %dma_start3A_168 = tpu.memref_slice %arg10[%add3A_144] : memref<4194304xf32, #tpu.memory_space<hbm>> -> memref<8192xf32, #tpu.memory_space<hbm>>
    %dma_start3A_169 = tpu.memref_slice %arg10[%add3A_144] : memref<4194304xf32, #tpu.memory_space<hbm>> -> memref<8192xf32, #tpu.memory_space<hbm>>
    tpu.enqueue_dma source(%arg20 : memref<8192xf32, #tpu.memory_space<vmem>>) target(%dma_start3A_169 : memref<8192xf32, #tpu.memory_space<hbm>>) target_semaphore(%arg31 : memref<!tpu.dma_semaphore, #tpu.memory_space<semaphore_mem>>)
    %add3A_170 = arith.constant 57344 : i32
    %add3A_171 = arith.addi %mul3A_2, %add3A_170 : i32
    %add3A_172 = arith.constant 8192 : i32
    %add3A_173 = arith.addi %add3A_171, %add3A_172 : i32
    %dma_start3A_174 = tpu.memref_slice %arg2[%add3A_173] : memref<4194304xi32, #tpu.memory_space<hbm>> -> memref<8192xi32, #tpu.memory_space<hbm>>
    %dma_start3A_175 = tpu.memref_slice %arg2[%add3A_173] : memref<4194304xi32, #tpu.memory_space<hbm>> -> memref<8192xi32, #tpu.memory_space<hbm>>
    tpu.enqueue_dma source(%dma_start3A_175 : memref<8192xi32, #tpu.memory_space<hbm>>) target(%arg15 : memref<8192xi32, #tpu.memory_space<vmem>>) target_semaphore(%arg29 : memref<!tpu.dma_semaphore, #tpu.memory_space<semaphore_mem>>)
    %dma_wait3A_176 = tpu.memref_slice %arg7[%add3A_90] : memref<4194304xf32, #tpu.memory_space<hbm>> -> memref<8192xf32, #tpu.memory_space<hbm>>
    %dma_wait3A_177 = tpu.memref_slice %arg7[%add3A_90] : memref<4194304xf32, #tpu.memory_space<hbm>> -> memref<8192xf32, #tpu.memory_space<hbm>>
    tpu.wait_dma2 semaphore(%arg32 : memref<!tpu.dma_semaphore, #tpu.memory_space<semaphore_mem>>) src(%arg21 : memref<8192xf32, #tpu.memory_space<vmem>>) dst(%dma_wait3A_177 : memref<8192xf32, #tpu.memory_space<hbm>>)
    %dma_wait3A_178 = tpu.memref_slice %arg8[%add3A_90] : memref<4194304xf32, #tpu.memory_space<hbm>> -> memref<8192xf32, #tpu.memory_space<hbm>>
    %dma_wait3A_179 = tpu.memref_slice %arg8[%add3A_90] : memref<4194304xf32, #tpu.memory_space<hbm>> -> memref<8192xf32, #tpu.memory_space<hbm>>
    tpu.wait_dma2 semaphore(%arg32 : memref<!tpu.dma_semaphore, #tpu.memory_space<semaphore_mem>>) src(%arg22 : memref<8192xf32, #tpu.memory_space<vmem>>) dst(%dma_wait3A_179 : memref<8192xf32, #tpu.memory_space<hbm>>)
    %dma_wait3A_180 = tpu.memref_slice %arg9[%add3A_90] : memref<4194304xf32, #tpu.memory_space<hbm>> -> memref<8192xf32, #tpu.memory_space<hbm>>
    %dma_wait3A_181 = tpu.memref_slice %arg9[%add3A_90] : memref<4194304xf32, #tpu.memory_space<hbm>> -> memref<8192xf32, #tpu.memory_space<hbm>>
    tpu.wait_dma2 semaphore(%arg32 : memref<!tpu.dma_semaphore, #tpu.memory_space<semaphore_mem>>) src(%arg23 : memref<8192xf32, #tpu.memory_space<vmem>>) dst(%dma_wait3A_181 : memref<8192xf32, #tpu.memory_space<hbm>>)
    %dma_wait3A_182 = tpu.memref_slice %arg10[%add3A_90] : memref<4194304xf32, #tpu.memory_space<hbm>> -> memref<8192xf32, #tpu.memory_space<hbm>>
    %dma_wait3A_183 = tpu.memref_slice %arg10[%add3A_90] : memref<4194304xf32, #tpu.memory_space<hbm>> -> memref<8192xf32, #tpu.memory_space<hbm>>
    tpu.wait_dma2 semaphore(%arg32 : memref<!tpu.dma_semaphore, #tpu.memory_space<semaphore_mem>>) src(%arg24 : memref<8192xf32, #tpu.memory_space<vmem>>) dst(%dma_wait3A_183 : memref<8192xf32, #tpu.memory_space<hbm>>)
    %dma_wait3A_184 = tpu.memref_slice %arg2[%add3A_171] : memref<4194304xi32, #tpu.memory_space<hbm>> -> memref<8192xi32, #tpu.memory_space<hbm>>
    %dma_wait3A_185 = tpu.memref_slice %arg2[%add3A_171] : memref<4194304xi32, #tpu.memory_space<hbm>> -> memref<8192xi32, #tpu.memory_space<hbm>>
    tpu.wait_dma2 semaphore(%arg30 : memref<!tpu.dma_semaphore, #tpu.memory_space<semaphore_mem>>) src(%dma_wait3A_185 : memref<8192xi32, #tpu.memory_space<hbm>>) dst(%arg16 : memref<8192xi32, #tpu.memory_space<vmem>>)
    %parallel_loop3A_186 = arith.constant 0 : i32
    %parallel_loop3A_187 = arith.constant 8192 : i32
    %parallel_loop3A_188 = arith.constant 16 : i32
    scf.for %parallel_loop3A_433 = %parallel_loop3A_186 to %parallel_loop3A_187 step %parallel_loop3A_188  : i32 {
      %parallel_loop3A_434 = arith.index_cast %parallel_loop3A_433 : i32 to index
      %parallel_loop3A_435 = tpu.vector_load %arg16[%parallel_loop3A_434] {strides = array<i32>} : memref<8192xi32, #tpu.memory_space<vmem>>, vector<16xi32>,
      %parallel_loop3A_436 = arith.constant 0 : i32
      %parallel_loop3A_437 = vector.broadcast %parallel_loop3A_436 : i32 to vector<16xi32>
      %parallel_loop3A_438 = arith.cmpi slt, %parallel_loop3A_435, %parallel_loop3A_437 : vector<16xi32>
      %parallel_loop3A_439 = arith.constant 1000 : i32
      %parallel_loop3A_440 = vector.broadcast %parallel_loop3A_439 : i32 to vector<16xi32>
      %parallel_loop3A_441 = arith.select %parallel_loop3A_438, %parallel_loop3A_440, %parallel_loop3A_435 : vector<16xi1>, vector<16xi32>
      %parallel_loop3A_442 = tpu.vector_load_idx %arg11[%parallel_loop3A_441] : memref<1024xf32, #tpu.memory_space<vmem>>[vector<16xi32>], vector<16xf32>,
      %parallel_loop3A_443 = arith.index_cast %parallel_loop3A_433 : i32 to index
      %parallel_loop3A_444 = tpu.vector_load %arg21[%parallel_loop3A_443] {strides = array<i32>} : memref<8192xf32, #tpu.memory_space<vmem>>, vector<16xf32>,
      tpu.vector_store %arg21[%parallel_loop3A_443], %parallel_loop3A_442 {strides = array<i32>} : memref<8192xf32, #tpu.memory_space<vmem>>, vector<16xf32>,
      %parallel_loop3A_445 = tpu.vector_load_idx %arg12[%parallel_loop3A_441] : memref<1024xf32, #tpu.memory_space<vmem>>[vector<16xi32>], vector<16xf32>,
      %parallel_loop3A_446 = arith.index_cast %parallel_loop3A_433 : i32 to index
      %parallel_loop3A_447 = tpu.vector_load %arg22[%parallel_loop3A_446] {strides = array<i32>} : memref<8192xf32, #tpu.memory_space<vmem>>, vector<16xf32>,
      tpu.vector_store %arg22[%parallel_loop3A_446], %parallel_loop3A_445 {strides = array<i32>} : memref<8192xf32, #tpu.memory_space<vmem>>, vector<16xf32>,
      %parallel_loop3A_448 = tpu.vector_load_idx %arg13[%parallel_loop3A_441] : memref<1024xf32, #tpu.memory_space<vmem>>[vector<16xi32>], vector<16xf32>,
      %parallel_loop3A_449 = arith.index_cast %parallel_loop3A_433 : i32 to index
      %parallel_loop3A_450 = tpu.vector_load %arg23[%parallel_loop3A_449] {strides = array<i32>} : memref<8192xf32, #tpu.memory_space<vmem>>, vector<16xf32>,
      tpu.vector_store %arg23[%parallel_loop3A_449], %parallel_loop3A_448 {strides = array<i32>} : memref<8192xf32, #tpu.memory_space<vmem>>, vector<16xf32>,
      %parallel_loop3A_451 = tpu.vector_load_idx %arg14[%parallel_loop3A_441] : memref<1024xf32, #tpu.memory_space<vmem>>[vector<16xi32>], vector<16xf32>,
      %parallel_loop3A_452 = arith.index_cast %parallel_loop3A_433 : i32 to index
      %parallel_loop3A_453 = tpu.vector_load %arg24[%parallel_loop3A_452] {strides = array<i32>} : memref<8192xf32, #tpu.memory_space<vmem>>, vector<16xf32>,
      tpu.vector_store %arg24[%parallel_loop3A_452], %parallel_loop3A_451 {strides = array<i32>} : memref<8192xf32, #tpu.memory_space<vmem>>, vector<16xf32>,
    } {sc.loop_unroll_factor = 8 : i64, sc.parallel_access}
    %dma_start3A_189 = tpu.memref_slice %arg7[%add3A_171] : memref<4194304xf32, #tpu.memory_space<hbm>> -> memref<8192xf32, #tpu.memory_space<hbm>>
    %dma_start3A_190 = tpu.memref_slice %arg7[%add3A_171] : memref<4194304xf32, #tpu.memory_space<hbm>> -> memref<8192xf32, #tpu.memory_space<hbm>>
    tpu.enqueue_dma source(%arg21 : memref<8192xf32, #tpu.memory_space<vmem>>) target(%dma_start3A_190 : memref<8192xf32, #tpu.memory_space<hbm>>) target_semaphore(%arg32 : memref<!tpu.dma_semaphore, #tpu.memory_space<semaphore_mem>>)
    %dma_start3A_191 = tpu.memref_slice %arg8[%add3A_171] : memref<4194304xf32, #tpu.memory_space<hbm>> -> memref<8192xf32, #tpu.memory_space<hbm>>
    %dma_start3A_192 = tpu.memref_slice %arg8[%add3A_171] : memref<4194304xf32, #tpu.memory_space<hbm>> -> memref<8192xf32, #tpu.memory_space<hbm>>
    tpu.enqueue_dma source(%arg22 : memref<8192xf32, #tpu.memory_space<vmem>>) target(%dma_start3A_192 : memref<8192xf32, #tpu.memory_space<hbm>>) target_semaphore(%arg32 : memref<!tpu.dma_semaphore, #tpu.memory_space<semaphore_mem>>)
    %dma_start3A_193 = tpu.memref_slice %arg9[%add3A_171] : memref<4194304xf32, #tpu.memory_space<hbm>> -> memref<8192xf32, #tpu.memory_space<hbm>>
    %dma_start3A_194 = tpu.memref_slice %arg9[%add3A_171] : memref<4194304xf32, #tpu.memory_space<hbm>> -> memref<8192xf32, #tpu.memory_space<hbm>>
    tpu.enqueue_dma source(%arg23 : memref<8192xf32, #tpu.memory_space<vmem>>) target(%dma_start3A_194 : memref<8192xf32, #tpu.memory_space<hbm>>) target_semaphore(%arg32 : memref<!tpu.dma_semaphore, #tpu.memory_space<semaphore_mem>>)
    %dma_start3A_195 = tpu.memref_slice %arg10[%add3A_171] : memref<4194304xf32, #tpu.memory_space<hbm>> -> memref<8192xf32, #tpu.memory_space<hbm>>
    %dma_start3A_196 = tpu.memref_slice %arg10[%add3A_171] : memref<4194304xf32, #tpu.memory_space<hbm>> -> memref<8192xf32, #tpu.memory_space<hbm>>
    tpu.enqueue_dma source(%arg24 : memref<8192xf32, #tpu.memory_space<vmem>>) target(%dma_start3A_196 : memref<8192xf32, #tpu.memory_space<hbm>>) target_semaphore(%arg32 : memref<!tpu.dma_semaphore, #tpu.memory_space<semaphore_mem>>)
    %add3A_197 = arith.constant 65536 : i32
    %add3A_198 = arith.addi %mul3A_2, %add3A_197 : i32
    %add3A_199 = arith.constant 8192 : i32
    %add3A_200 = arith.addi %add3A_198, %add3A_199 : i32
    %dma_start3A_201 = tpu.memref_slice %arg2[%add3A_200] : memref<4194304xi32, #tpu.memory_space<hbm>> -> memref<8192xi32, #tpu.memory_space<hbm>>
    %dma_start3A_202 = tpu.memref_slice %arg2[%add3A_200] : memref<4194304xi32, #tpu.memory_space<hbm>> -> memref<8192xi32, #tpu.memory_space<hbm>>
    tpu.enqueue_dma source(%dma_start3A_202 : memref<8192xi32, #tpu.memory_space<hbm>>) target(%arg16 : memref<8192xi32, #tpu.memory_space<vmem>>) target_semaphore(%arg30 : memref<!tpu.dma_semaphore, #tpu.memory_space<semaphore_mem>>)
    %dma_wait3A_203 = tpu.memref_slice %arg7[%add3A_117] : memref<4194304xf32, #tpu.memory_space<hbm>> -> memref<8192xf32, #tpu.memory_space<hbm>>
    %dma_wait3A_204 = tpu.memref_slice %arg7[%add3A_117] : memref<4194304xf32, #tpu.memory_space<hbm>> -> memref<8192xf32, #tpu.memory_space<hbm>>
    tpu.wait_dma2 semaphore(%arg33 : memref<!tpu.dma_semaphore, #tpu.memory_space<semaphore_mem>>) src(%arg25 : memref<8192xf32, #tpu.memory_space<vmem>>) dst(%dma_wait3A_204 : memref<8192xf32, #tpu.memory_space<hbm>>)
    %dma_wait3A_205 = tpu.memref_slice %arg8[%add3A_117] : memref<4194304xf32, #tpu.memory_space<hbm>> -> memref<8192xf32, #tpu.memory_space<hbm>>
    %dma_wait3A_206 = tpu.memref_slice %arg8[%add3A_117] : memref<4194304xf32, #tpu.memory_space<hbm>> -> memref<8192xf32, #tpu.memory_space<hbm>>
    tpu.wait_dma2 semaphore(%arg33 : memref<!tpu.dma_semaphore, #tpu.memory_space<semaphore_mem>>) src(%arg26 : memref<8192xf32, #tpu.memory_space<vmem>>) dst(%dma_wait3A_206 : memref<8192xf32, #tpu.memory_space<hbm>>)
    %dma_wait3A_207 = tpu.memref_slice %arg9[%add3A_117] : memref<4194304xf32, #tpu.memory_space<hbm>> -> memref<8192xf32, #tpu.memory_space<hbm>>
    %dma_wait3A_208 = tpu.memref_slice %arg9[%add3A_117] : memref<4194304xf32, #tpu.memory_space<hbm>> -> memref<8192xf32, #tpu.memory_space<hbm>>
    tpu.wait_dma2 semaphore(%arg33 : memref<!tpu.dma_semaphore, #tpu.memory_space<semaphore_mem>>) src(%arg27 : memref<8192xf32, #tpu.memory_space<vmem>>) dst(%dma_wait3A_208 : memref<8192xf32, #tpu.memory_space<hbm>>)
    %dma_wait3A_209 = tpu.memref_slice %arg10[%add3A_117] : memref<4194304xf32, #tpu.memory_space<hbm>> -> memref<8192xf32, #tpu.memory_space<hbm>>
    %dma_wait3A_210 = tpu.memref_slice %arg10[%add3A_117] : memref<4194304xf32, #tpu.memory_space<hbm>> -> memref<8192xf32, #tpu.memory_space<hbm>>
    tpu.wait_dma2 semaphore(%arg33 : memref<!tpu.dma_semaphore, #tpu.memory_space<semaphore_mem>>) src(%arg28 : memref<8192xf32, #tpu.memory_space<vmem>>) dst(%dma_wait3A_210 : memref<8192xf32, #tpu.memory_space<hbm>>)
    %dma_wait3A_211 = tpu.memref_slice %arg2[%add3A_198] : memref<4194304xi32, #tpu.memory_space<hbm>> -> memref<8192xi32, #tpu.memory_space<hbm>>
    %dma_wait3A_212 = tpu.memref_slice %arg2[%add3A_198] : memref<4194304xi32, #tpu.memory_space<hbm>> -> memref<8192xi32, #tpu.memory_space<hbm>>
    tpu.wait_dma2 semaphore(%arg29 : memref<!tpu.dma_semaphore, #tpu.memory_space<semaphore_mem>>) src(%dma_wait3A_212 : memref<8192xi32, #tpu.memory_space<hbm>>) dst(%arg15 : memref<8192xi32, #tpu.memory_space<vmem>>)
    %parallel_loop3A_213 = arith.constant 0 : i32
    %parallel_loop3A_214 = arith.constant 8192 : i32
    %parallel_loop3A_215 = arith.constant 16 : i32
    scf.for %parallel_loop3A_433 = %parallel_loop3A_213 to %parallel_loop3A_214 step %parallel_loop3A_215  : i32 {
      %parallel_loop3A_434 = arith.index_cast %parallel_loop3A_433 : i32 to index
      %parallel_loop3A_435 = tpu.vector_load %arg15[%parallel_loop3A_434] {strides = array<i32>} : memref<8192xi32, #tpu.memory_space<vmem>>, vector<16xi32>,
      %parallel_loop3A_436 = arith.constant 0 : i32
      %parallel_loop3A_437 = vector.broadcast %parallel_loop3A_436 : i32 to vector<16xi32>
      %parallel_loop3A_438 = arith.cmpi slt, %parallel_loop3A_435, %parallel_loop3A_437 : vector<16xi32>
      %parallel_loop3A_439 = arith.constant 1000 : i32
      %parallel_loop3A_440 = vector.broadcast %parallel_loop3A_439 : i32 to vector<16xi32>
      %parallel_loop3A_441 = arith.select %parallel_loop3A_438, %parallel_loop3A_440, %parallel_loop3A_435 : vector<16xi1>, vector<16xi32>
      %parallel_loop3A_442 = tpu.vector_load_idx %arg11[%parallel_loop3A_441] : memref<1024xf32, #tpu.memory_space<vmem>>[vector<16xi32>], vector<16xf32>,
      %parallel_loop3A_443 = arith.index_cast %parallel_loop3A_433 : i32 to index
      %parallel_loop3A_444 = tpu.vector_load %arg25[%parallel_loop3A_443] {strides = array<i32>} : memref<8192xf32, #tpu.memory_space<vmem>>, vector<16xf32>,
      tpu.vector_store %arg25[%parallel_loop3A_443], %parallel_loop3A_442 {strides = array<i32>} : memref<8192xf32, #tpu.memory_space<vmem>>, vector<16xf32>,
      %parallel_loop3A_445 = tpu.vector_load_idx %arg12[%parallel_loop3A_441] : memref<1024xf32, #tpu.memory_space<vmem>>[vector<16xi32>], vector<16xf32>,
      %parallel_loop3A_446 = arith.index_cast %parallel_loop3A_433 : i32 to index
      %parallel_loop3A_447 = tpu.vector_load %arg26[%parallel_loop3A_446] {strides = array<i32>} : memref<8192xf32, #tpu.memory_space<vmem>>, vector<16xf32>,
      tpu.vector_store %arg26[%parallel_loop3A_446], %parallel_loop3A_445 {strides = array<i32>} : memref<8192xf32, #tpu.memory_space<vmem>>, vector<16xf32>,
      %parallel_loop3A_448 = tpu.vector_load_idx %arg13[%parallel_loop3A_441] : memref<1024xf32, #tpu.memory_space<vmem>>[vector<16xi32>], vector<16xf32>,
      %parallel_loop3A_449 = arith.index_cast %parallel_loop3A_433 : i32 to index
      %parallel_loop3A_450 = tpu.vector_load %arg27[%parallel_loop3A_449] {strides = array<i32>} : memref<8192xf32, #tpu.memory_space<vmem>>, vector<16xf32>,
      tpu.vector_store %arg27[%parallel_loop3A_449], %parallel_loop3A_448 {strides = array<i32>} : memref<8192xf32, #tpu.memory_space<vmem>>, vector<16xf32>,
      %parallel_loop3A_451 = tpu.vector_load_idx %arg14[%parallel_loop3A_441] : memref<1024xf32, #tpu.memory_space<vmem>>[vector<16xi32>], vector<16xf32>,
      %parallel_loop3A_452 = arith.index_cast %parallel_loop3A_433 : i32 to index
      %parallel_loop3A_453 = tpu.vector_load %arg28[%parallel_loop3A_452] {strides = array<i32>} : memref<8192xf32, #tpu.memory_space<vmem>>, vector<16xf32>,
      tpu.vector_store %arg28[%parallel_loop3A_452], %parallel_loop3A_451 {strides = array<i32>} : memref<8192xf32, #tpu.memory_space<vmem>>, vector<16xf32>,
    } {sc.loop_unroll_factor = 8 : i64, sc.parallel_access}
    %dma_start3A_216 = tpu.memref_slice %arg7[%add3A_198] : memref<4194304xf32, #tpu.memory_space<hbm>> -> memref<8192xf32, #tpu.memory_space<hbm>>
    %dma_start3A_217 = tpu.memref_slice %arg7[%add3A_198] : memref<4194304xf32, #tpu.memory_space<hbm>> -> memref<8192xf32, #tpu.memory_space<hbm>>
    tpu.enqueue_dma source(%arg25 : memref<8192xf32, #tpu.memory_space<vmem>>) target(%dma_start3A_217 : memref<8192xf32, #tpu.memory_space<hbm>>) target_semaphore(%arg33 : memref<!tpu.dma_semaphore, #tpu.memory_space<semaphore_mem>>)
    %dma_start3A_218 = tpu.memref_slice %arg8[%add3A_198] : memref<4194304xf32, #tpu.memory_space<hbm>> -> memref<8192xf32, #tpu.memory_space<hbm>>
    %dma_start3A_219 = tpu.memref_slice %arg8[%add3A_198] : memref<4194304xf32, #tpu.memory_space<hbm>> -> memref<8192xf32, #tpu.memory_space<hbm>>
    tpu.enqueue_dma source(%arg26 : memref<8192xf32, #tpu.memory_space<vmem>>) target(%dma_start3A_219 : memref<8192xf32, #tpu.memory_space<hbm>>) target_semaphore(%arg33 : memref<!tpu.dma_semaphore, #tpu.memory_space<semaphore_mem>>)
    %dma_start3A_220 = tpu.memref_slice %arg9[%add3A_198] : memref<4194304xf32, #tpu.memory_space<hbm>> -> memref<8192xf32, #tpu.memory_space<hbm>>
    %dma_start3A_221 = tpu.memref_slice %arg9[%add3A_198] : memref<4194304xf32, #tpu.memory_space<hbm>> -> memref<8192xf32, #tpu.memory_space<hbm>>
    tpu.enqueue_dma source(%arg27 : memref<8192xf32, #tpu.memory_space<vmem>>) target(%dma_start3A_221 : memref<8192xf32, #tpu.memory_space<hbm>>) target_semaphore(%arg33 : memref<!tpu.dma_semaphore, #tpu.memory_space<semaphore_mem>>)
    %dma_start3A_222 = tpu.memref_slice %arg10[%add3A_198] : memref<4194304xf32, #tpu.memory_space<hbm>> -> memref<8192xf32, #tpu.memory_space<hbm>>
    %dma_start3A_223 = tpu.memref_slice %arg10[%add3A_198] : memref<4194304xf32, #tpu.memory_space<hbm>> -> memref<8192xf32, #tpu.memory_space<hbm>>
    tpu.enqueue_dma source(%arg28 : memref<8192xf32, #tpu.memory_space<vmem>>) target(%dma_start3A_223 : memref<8192xf32, #tpu.memory_space<hbm>>) target_semaphore(%arg33 : memref<!tpu.dma_semaphore, #tpu.memory_space<semaphore_mem>>)
    %add3A_224 = arith.constant 73728 : i32
    %add3A_225 = arith.addi %mul3A_2, %add3A_224 : i32
    %add3A_226 = arith.constant 8192 : i32
    %add3A_227 = arith.addi %add3A_225, %add3A_226 : i32
    %dma_start3A_228 = tpu.memref_slice %arg2[%add3A_227] : memref<4194304xi32, #tpu.memory_space<hbm>> -> memref<8192xi32, #tpu.memory_space<hbm>>
    %dma_start3A_229 = tpu.memref_slice %arg2[%add3A_227] : memref<4194304xi32, #tpu.memory_space<hbm>> -> memref<8192xi32, #tpu.memory_space<hbm>>
    tpu.enqueue_dma source(%dma_start3A_229 : memref<8192xi32, #tpu.memory_space<hbm>>) target(%arg15 : memref<8192xi32, #tpu.memory_space<vmem>>) target_semaphore(%arg29 : memref<!tpu.dma_semaphore, #tpu.memory_space<semaphore_mem>>)
    %dma_wait3A_230 = tpu.memref_slice %arg7[%add3A_144] : memref<4194304xf32, #tpu.memory_space<hbm>> -> memref<8192xf32, #tpu.memory_space<hbm>>
    %dma_wait3A_231 = tpu.memref_slice %arg7[%add3A_144] : memref<4194304xf32, #tpu.memory_space<hbm>> -> memref<8192xf32, #tpu.memory_space<hbm>>
    tpu.wait_dma2 semaphore(%arg31 : memref<!tpu.dma_semaphore, #tpu.memory_space<semaphore_mem>>) src(%arg17 : memref<8192xf32, #tpu.memory_space<vmem>>) dst(%dma_wait3A_231 : memref<8192xf32, #tpu.memory_space<hbm>>)
    %dma_wait3A_232 = tpu.memref_slice %arg8[%add3A_144] : memref<4194304xf32, #tpu.memory_space<hbm>> -> memref<8192xf32, #tpu.memory_space<hbm>>
    %dma_wait3A_233 = tpu.memref_slice %arg8[%add3A_144] : memref<4194304xf32, #tpu.memory_space<hbm>> -> memref<8192xf32, #tpu.memory_space<hbm>>
    tpu.wait_dma2 semaphore(%arg31 : memref<!tpu.dma_semaphore, #tpu.memory_space<semaphore_mem>>) src(%arg18 : memref<8192xf32, #tpu.memory_space<vmem>>) dst(%dma_wait3A_233 : memref<8192xf32, #tpu.memory_space<hbm>>)
    %dma_wait3A_234 = tpu.memref_slice %arg9[%add3A_144] : memref<4194304xf32, #tpu.memory_space<hbm>> -> memref<8192xf32, #tpu.memory_space<hbm>>
    %dma_wait3A_235 = tpu.memref_slice %arg9[%add3A_144] : memref<4194304xf32, #tpu.memory_space<hbm>> -> memref<8192xf32, #tpu.memory_space<hbm>>
    tpu.wait_dma2 semaphore(%arg31 : memref<!tpu.dma_semaphore, #tpu.memory_space<semaphore_mem>>) src(%arg19 : memref<8192xf32, #tpu.memory_space<vmem>>) dst(%dma_wait3A_235 : memref<8192xf32, #tpu.memory_space<hbm>>)
    %dma_wait3A_236 = tpu.memref_slice %arg10[%add3A_144] : memref<4194304xf32, #tpu.memory_space<hbm>> -> memref<8192xf32, #tpu.memory_space<hbm>>
    %dma_wait3A_237 = tpu.memref_slice %arg10[%add3A_144] : memref<4194304xf32, #tpu.memory_space<hbm>> -> memref<8192xf32, #tpu.memory_space<hbm>>
    tpu.wait_dma2 semaphore(%arg31 : memref<!tpu.dma_semaphore, #tpu.memory_space<semaphore_mem>>) src(%arg20 : memref<8192xf32, #tpu.memory_space<vmem>>) dst(%dma_wait3A_237 : memref<8192xf32, #tpu.memory_space<hbm>>)
    %dma_wait3A_238 = tpu.memref_slice %arg2[%add3A_225] : memref<4194304xi32, #tpu.memory_space<hbm>> -> memref<8192xi32, #tpu.memory_space<hbm>>
    %dma_wait3A_239 = tpu.memref_slice %arg2[%add3A_225] : memref<4194304xi32, #tpu.memory_space<hbm>> -> memref<8192xi32, #tpu.memory_space<hbm>>
    tpu.wait_dma2 semaphore(%arg30 : memref<!tpu.dma_semaphore, #tpu.memory_space<semaphore_mem>>) src(%dma_wait3A_239 : memref<8192xi32, #tpu.memory_space<hbm>>) dst(%arg16 : memref<8192xi32, #tpu.memory_space<vmem>>)
    %parallel_loop3A_240 = arith.constant 0 : i32
    %parallel_loop3A_241 = arith.constant 8192 : i32
    %parallel_loop3A_242 = arith.constant 16 : i32
    scf.for %parallel_loop3A_433 = %parallel_loop3A_240 to %parallel_loop3A_241 step %parallel_loop3A_242  : i32 {
      %parallel_loop3A_434 = arith.index_cast %parallel_loop3A_433 : i32 to index
      %parallel_loop3A_435 = tpu.vector_load %arg16[%parallel_loop3A_434] {strides = array<i32>} : memref<8192xi32, #tpu.memory_space<vmem>>, vector<16xi32>,
      %parallel_loop3A_436 = arith.constant 0 : i32
      %parallel_loop3A_437 = vector.broadcast %parallel_loop3A_436 : i32 to vector<16xi32>
      %parallel_loop3A_438 = arith.cmpi slt, %parallel_loop3A_435, %parallel_loop3A_437 : vector<16xi32>
      %parallel_loop3A_439 = arith.constant 1000 : i32
      %parallel_loop3A_440 = vector.broadcast %parallel_loop3A_439 : i32 to vector<16xi32>
      %parallel_loop3A_441 = arith.select %parallel_loop3A_438, %parallel_loop3A_440, %parallel_loop3A_435 : vector<16xi1>, vector<16xi32>
      %parallel_loop3A_442 = tpu.vector_load_idx %arg11[%parallel_loop3A_441] : memref<1024xf32, #tpu.memory_space<vmem>>[vector<16xi32>], vector<16xf32>,
      %parallel_loop3A_443 = arith.index_cast %parallel_loop3A_433 : i32 to index
      %parallel_loop3A_444 = tpu.vector_load %arg17[%parallel_loop3A_443] {strides = array<i32>} : memref<8192xf32, #tpu.memory_space<vmem>>, vector<16xf32>,
      tpu.vector_store %arg17[%parallel_loop3A_443], %parallel_loop3A_442 {strides = array<i32>} : memref<8192xf32, #tpu.memory_space<vmem>>, vector<16xf32>,
      %parallel_loop3A_445 = tpu.vector_load_idx %arg12[%parallel_loop3A_441] : memref<1024xf32, #tpu.memory_space<vmem>>[vector<16xi32>], vector<16xf32>,
      %parallel_loop3A_446 = arith.index_cast %parallel_loop3A_433 : i32 to index
      %parallel_loop3A_447 = tpu.vector_load %arg18[%parallel_loop3A_446] {strides = array<i32>} : memref<8192xf32, #tpu.memory_space<vmem>>, vector<16xf32>,
      tpu.vector_store %arg18[%parallel_loop3A_446], %parallel_loop3A_445 {strides = array<i32>} : memref<8192xf32, #tpu.memory_space<vmem>>, vector<16xf32>,
      %parallel_loop3A_448 = tpu.vector_load_idx %arg13[%parallel_loop3A_441] : memref<1024xf32, #tpu.memory_space<vmem>>[vector<16xi32>], vector<16xf32>,
      %parallel_loop3A_449 = arith.index_cast %parallel_loop3A_433 : i32 to index
      %parallel_loop3A_450 = tpu.vector_load %arg19[%parallel_loop3A_449] {strides = array<i32>} : memref<8192xf32, #tpu.memory_space<vmem>>, vector<16xf32>,
      tpu.vector_store %arg19[%parallel_loop3A_449], %parallel_loop3A_448 {strides = array<i32>} : memref<8192xf32, #tpu.memory_space<vmem>>, vector<16xf32>,
      %parallel_loop3A_451 = tpu.vector_load_idx %arg14[%parallel_loop3A_441] : memref<1024xf32, #tpu.memory_space<vmem>>[vector<16xi32>], vector<16xf32>,
      %parallel_loop3A_452 = arith.index_cast %parallel_loop3A_433 : i32 to index
      %parallel_loop3A_453 = tpu.vector_load %arg20[%parallel_loop3A_452] {strides = array<i32>} : memref<8192xf32, #tpu.memory_space<vmem>>, vector<16xf32>,
      tpu.vector_store %arg20[%parallel_loop3A_452], %parallel_loop3A_451 {strides = array<i32>} : memref<8192xf32, #tpu.memory_space<vmem>>, vector<16xf32>,
    } {sc.loop_unroll_factor = 8 : i64, sc.parallel_access}
    %dma_start3A_243 = tpu.memref_slice %arg7[%add3A_225] : memref<4194304xf32, #tpu.memory_space<hbm>> -> memref<8192xf32, #tpu.memory_space<hbm>>
    %dma_start3A_244 = tpu.memref_slice %arg7[%add3A_225] : memref<4194304xf32, #tpu.memory_space<hbm>> -> memref<8192xf32, #tpu.memory_space<hbm>>
    tpu.enqueue_dma source(%arg17 : memref<8192xf32, #tpu.memory_space<vmem>>) target(%dma_start3A_244 : memref<8192xf32, #tpu.memory_space<hbm>>) target_semaphore(%arg31 : memref<!tpu.dma_semaphore, #tpu.memory_space<semaphore_mem>>)
    %dma_start3A_245 = tpu.memref_slice %arg8[%add3A_225] : memref<4194304xf32, #tpu.memory_space<hbm>> -> memref<8192xf32, #tpu.memory_space<hbm>>
    %dma_start3A_246 = tpu.memref_slice %arg8[%add3A_225] : memref<4194304xf32, #tpu.memory_space<hbm>> -> memref<8192xf32, #tpu.memory_space<hbm>>
    tpu.enqueue_dma source(%arg18 : memref<8192xf32, #tpu.memory_space<vmem>>) target(%dma_start3A_246 : memref<8192xf32, #tpu.memory_space<hbm>>) target_semaphore(%arg31 : memref<!tpu.dma_semaphore, #tpu.memory_space<semaphore_mem>>)
    %dma_start3A_247 = tpu.memref_slice %arg9[%add3A_225] : memref<4194304xf32, #tpu.memory_space<hbm>> -> memref<8192xf32, #tpu.memory_space<hbm>>
    %dma_start3A_248 = tpu.memref_slice %arg9[%add3A_225] : memref<4194304xf32, #tpu.memory_space<hbm>> -> memref<8192xf32, #tpu.memory_space<hbm>>
    tpu.enqueue_dma source(%arg19 : memref<8192xf32, #tpu.memory_space<vmem>>) target(%dma_start3A_248 : memref<8192xf32, #tpu.memory_space<hbm>>) target_semaphore(%arg31 : memref<!tpu.dma_semaphore, #tpu.memory_space<semaphore_mem>>)
    %dma_start3A_249 = tpu.memref_slice %arg10[%add3A_225] : memref<4194304xf32, #tpu.memory_space<hbm>> -> memref<8192xf32, #tpu.memory_space<hbm>>
    %dma_start3A_250 = tpu.memref_slice %arg10[%add3A_225] : memref<4194304xf32, #tpu.memory_space<hbm>> -> memref<8192xf32, #tpu.memory_space<hbm>>
    tpu.enqueue_dma source(%arg20 : memref<8192xf32, #tpu.memory_space<vmem>>) target(%dma_start3A_250 : memref<8192xf32, #tpu.memory_space<hbm>>) target_semaphore(%arg31 : memref<!tpu.dma_semaphore, #tpu.memory_space<semaphore_mem>>)
    %add3A_251 = arith.constant 81920 : i32
    %add3A_252 = arith.addi %mul3A_2, %add3A_251 : i32
    %add3A_253 = arith.constant 8192 : i32
    %add3A_254 = arith.addi %add3A_252, %add3A_253 : i32
    %dma_start3A_255 = tpu.memref_slice %arg2[%add3A_254] : memref<4194304xi32, #tpu.memory_space<hbm>> -> memref<8192xi32, #tpu.memory_space<hbm>>
    %dma_start3A_256 = tpu.memref_slice %arg2[%add3A_254] : memref<4194304xi32, #tpu.memory_space<hbm>> -> memref<8192xi32, #tpu.memory_space<hbm>>
    tpu.enqueue_dma source(%dma_start3A_256 : memref<8192xi32, #tpu.memory_space<hbm>>) target(%arg16 : memref<8192xi32, #tpu.memory_space<vmem>>) target_semaphore(%arg30 : memref<!tpu.dma_semaphore, #tpu.memory_space<semaphore_mem>>)
    %dma_wait3A_257 = tpu.memref_slice %arg7[%add3A_171] : memref<4194304xf32, #tpu.memory_space<hbm>> -> memref<8192xf32, #tpu.memory_space<hbm>>
    %dma_wait3A_258 = tpu.memref_slice %arg7[%add3A_171] : memref<4194304xf32, #tpu.memory_space<hbm>> -> memref<8192xf32, #tpu.memory_space<hbm>>
    tpu.wait_dma2 semaphore(%arg32 : memref<!tpu.dma_semaphore, #tpu.memory_space<semaphore_mem>>) src(%arg21 : memref<8192xf32, #tpu.memory_space<vmem>>) dst(%dma_wait3A_258 : memref<8192xf32, #tpu.memory_space<hbm>>)
    %dma_wait3A_259 = tpu.memref_slice %arg8[%add3A_171] : memref<4194304xf32, #tpu.memory_space<hbm>> -> memref<8192xf32, #tpu.memory_space<hbm>>
    %dma_wait3A_260 = tpu.memref_slice %arg8[%add3A_171] : memref<4194304xf32, #tpu.memory_space<hbm>> -> memref<8192xf32, #tpu.memory_space<hbm>>
    tpu.wait_dma2 semaphore(%arg32 : memref<!tpu.dma_semaphore, #tpu.memory_space<semaphore_mem>>) src(%arg22 : memref<8192xf32, #tpu.memory_space<vmem>>) dst(%dma_wait3A_260 : memref<8192xf32, #tpu.memory_space<hbm>>)
    %dma_wait3A_261 = tpu.memref_slice %arg9[%add3A_171] : memref<4194304xf32, #tpu.memory_space<hbm>> -> memref<8192xf32, #tpu.memory_space<hbm>>
    %dma_wait3A_262 = tpu.memref_slice %arg9[%add3A_171] : memref<4194304xf32, #tpu.memory_space<hbm>> -> memref<8192xf32, #tpu.memory_space<hbm>>
    tpu.wait_dma2 semaphore(%arg32 : memref<!tpu.dma_semaphore, #tpu.memory_space<semaphore_mem>>) src(%arg23 : memref<8192xf32, #tpu.memory_space<vmem>>) dst(%dma_wait3A_262 : memref<8192xf32, #tpu.memory_space<hbm>>)
    %dma_wait3A_263 = tpu.memref_slice %arg10[%add3A_171] : memref<4194304xf32, #tpu.memory_space<hbm>> -> memref<8192xf32, #tpu.memory_space<hbm>>
    %dma_wait3A_264 = tpu.memref_slice %arg10[%add3A_171] : memref<4194304xf32, #tpu.memory_space<hbm>> -> memref<8192xf32, #tpu.memory_space<hbm>>
    tpu.wait_dma2 semaphore(%arg32 : memref<!tpu.dma_semaphore, #tpu.memory_space<semaphore_mem>>) src(%arg24 : memref<8192xf32, #tpu.memory_space<vmem>>) dst(%dma_wait3A_264 : memref<8192xf32, #tpu.memory_space<hbm>>)
    %dma_wait3A_265 = tpu.memref_slice %arg2[%add3A_252] : memref<4194304xi32, #tpu.memory_space<hbm>> -> memref<8192xi32, #tpu.memory_space<hbm>>
    %dma_wait3A_266 = tpu.memref_slice %arg2[%add3A_252] : memref<4194304xi32, #tpu.memory_space<hbm>> -> memref<8192xi32, #tpu.memory_space<hbm>>
    tpu.wait_dma2 semaphore(%arg29 : memref<!tpu.dma_semaphore, #tpu.memory_space<semaphore_mem>>) src(%dma_wait3A_266 : memref<8192xi32, #tpu.memory_space<hbm>>) dst(%arg15 : memref<8192xi32, #tpu.memory_space<vmem>>)
    %parallel_loop3A_267 = arith.constant 0 : i32
    %parallel_loop3A_268 = arith.constant 8192 : i32
    %parallel_loop3A_269 = arith.constant 16 : i32
    scf.for %parallel_loop3A_433 = %parallel_loop3A_267 to %parallel_loop3A_268 step %parallel_loop3A_269  : i32 {
      %parallel_loop3A_434 = arith.index_cast %parallel_loop3A_433 : i32 to index
      %parallel_loop3A_435 = tpu.vector_load %arg15[%parallel_loop3A_434] {strides = array<i32>} : memref<8192xi32, #tpu.memory_space<vmem>>, vector<16xi32>,
      %parallel_loop3A_436 = arith.constant 0 : i32
      %parallel_loop3A_437 = vector.broadcast %parallel_loop3A_436 : i32 to vector<16xi32>
      %parallel_loop3A_438 = arith.cmpi slt, %parallel_loop3A_435, %parallel_loop3A_437 : vector<16xi32>
      %parallel_loop3A_439 = arith.constant 1000 : i32
      %parallel_loop3A_440 = vector.broadcast %parallel_loop3A_439 : i32 to vector<16xi32>
      %parallel_loop3A_441 = arith.select %parallel_loop3A_438, %parallel_loop3A_440, %parallel_loop3A_435 : vector<16xi1>, vector<16xi32>
      %parallel_loop3A_442 = tpu.vector_load_idx %arg11[%parallel_loop3A_441] : memref<1024xf32, #tpu.memory_space<vmem>>[vector<16xi32>], vector<16xf32>,
      %parallel_loop3A_443 = arith.index_cast %parallel_loop3A_433 : i32 to index
      %parallel_loop3A_444 = tpu.vector_load %arg21[%parallel_loop3A_443] {strides = array<i32>} : memref<8192xf32, #tpu.memory_space<vmem>>, vector<16xf32>,
      tpu.vector_store %arg21[%parallel_loop3A_443], %parallel_loop3A_442 {strides = array<i32>} : memref<8192xf32, #tpu.memory_space<vmem>>, vector<16xf32>,
      %parallel_loop3A_445 = tpu.vector_load_idx %arg12[%parallel_loop3A_441] : memref<1024xf32, #tpu.memory_space<vmem>>[vector<16xi32>], vector<16xf32>,
      %parallel_loop3A_446 = arith.index_cast %parallel_loop3A_433 : i32 to index
      %parallel_loop3A_447 = tpu.vector_load %arg22[%parallel_loop3A_446] {strides = array<i32>} : memref<8192xf32, #tpu.memory_space<vmem>>, vector<16xf32>,
      tpu.vector_store %arg22[%parallel_loop3A_446], %parallel_loop3A_445 {strides = array<i32>} : memref<8192xf32, #tpu.memory_space<vmem>>, vector<16xf32>,
      %parallel_loop3A_448 = tpu.vector_load_idx %arg13[%parallel_loop3A_441] : memref<1024xf32, #tpu.memory_space<vmem>>[vector<16xi32>], vector<16xf32>,
      %parallel_loop3A_449 = arith.index_cast %parallel_loop3A_433 : i32 to index
      %parallel_loop3A_450 = tpu.vector_load %arg23[%parallel_loop3A_449] {strides = array<i32>} : memref<8192xf32, #tpu.memory_space<vmem>>, vector<16xf32>,
      tpu.vector_store %arg23[%parallel_loop3A_449], %parallel_loop3A_448 {strides = array<i32>} : memref<8192xf32, #tpu.memory_space<vmem>>, vector<16xf32>,
      %parallel_loop3A_451 = tpu.vector_load_idx %arg14[%parallel_loop3A_441] : memref<1024xf32, #tpu.memory_space<vmem>>[vector<16xi32>], vector<16xf32>,
      %parallel_loop3A_452 = arith.index_cast %parallel_loop3A_433 : i32 to index
      %parallel_loop3A_453 = tpu.vector_load %arg24[%parallel_loop3A_452] {strides = array<i32>} : memref<8192xf32, #tpu.memory_space<vmem>>, vector<16xf32>,
      tpu.vector_store %arg24[%parallel_loop3A_452], %parallel_loop3A_451 {strides = array<i32>} : memref<8192xf32, #tpu.memory_space<vmem>>, vector<16xf32>,
    } {sc.loop_unroll_factor = 8 : i64, sc.parallel_access}
    %dma_start3A_270 = tpu.memref_slice %arg7[%add3A_252] : memref<4194304xf32, #tpu.memory_space<hbm>> -> memref<8192xf32, #tpu.memory_space<hbm>>
    %dma_start3A_271 = tpu.memref_slice %arg7[%add3A_252] : memref<4194304xf32, #tpu.memory_space<hbm>> -> memref<8192xf32, #tpu.memory_space<hbm>>
    tpu.enqueue_dma source(%arg21 : memref<8192xf32, #tpu.memory_space<vmem>>) target(%dma_start3A_271 : memref<8192xf32, #tpu.memory_space<hbm>>) target_semaphore(%arg32 : memref<!tpu.dma_semaphore, #tpu.memory_space<semaphore_mem>>)
    %dma_start3A_272 = tpu.memref_slice %arg8[%add3A_252] : memref<4194304xf32, #tpu.memory_space<hbm>> -> memref<8192xf32, #tpu.memory_space<hbm>>
    %dma_start3A_273 = tpu.memref_slice %arg8[%add3A_252] : memref<4194304xf32, #tpu.memory_space<hbm>> -> memref<8192xf32, #tpu.memory_space<hbm>>
    tpu.enqueue_dma source(%arg22 : memref<8192xf32, #tpu.memory_space<vmem>>) target(%dma_start3A_273 : memref<8192xf32, #tpu.memory_space<hbm>>) target_semaphore(%arg32 : memref<!tpu.dma_semaphore, #tpu.memory_space<semaphore_mem>>)
    %dma_start3A_274 = tpu.memref_slice %arg9[%add3A_252] : memref<4194304xf32, #tpu.memory_space<hbm>> -> memref<8192xf32, #tpu.memory_space<hbm>>
    %dma_start3A_275 = tpu.memref_slice %arg9[%add3A_252] : memref<4194304xf32, #tpu.memory_space<hbm>> -> memref<8192xf32, #tpu.memory_space<hbm>>
    tpu.enqueue_dma source(%arg23 : memref<8192xf32, #tpu.memory_space<vmem>>) target(%dma_start3A_275 : memref<8192xf32, #tpu.memory_space<hbm>>) target_semaphore(%arg32 : memref<!tpu.dma_semaphore, #tpu.memory_space<semaphore_mem>>)
    %dma_start3A_276 = tpu.memref_slice %arg10[%add3A_252] : memref<4194304xf32, #tpu.memory_space<hbm>> -> memref<8192xf32, #tpu.memory_space<hbm>>
    %dma_start3A_277 = tpu.memref_slice %arg10[%add3A_252] : memref<4194304xf32, #tpu.memory_space<hbm>> -> memref<8192xf32, #tpu.memory_space<hbm>>
    tpu.enqueue_dma source(%arg24 : memref<8192xf32, #tpu.memory_space<vmem>>) target(%dma_start3A_277 : memref<8192xf32, #tpu.memory_space<hbm>>) target_semaphore(%arg32 : memref<!tpu.dma_semaphore, #tpu.memory_space<semaphore_mem>>)
    %add3A_278 = arith.constant 90112 : i32
    %add3A_279 = arith.addi %mul3A_2, %add3A_278 : i32
    %add3A_280 = arith.constant 8192 : i32
    %add3A_281 = arith.addi %add3A_279, %add3A_280 : i32
    %dma_start3A_282 = tpu.memref_slice %arg2[%add3A_281] : memref<4194304xi32, #tpu.memory_space<hbm>> -> memref<8192xi32, #tpu.memory_space<hbm>>
    %dma_start3A_283 = tpu.memref_slice %arg2[%add3A_281] : memref<4194304xi32, #tpu.memory_space<hbm>> -> memref<8192xi32, #tpu.memory_space<hbm>>
    tpu.enqueue_dma source(%dma_start3A_283 : memref<8192xi32, #tpu.memory_space<hbm>>) target(%arg15 : memref<8192xi32, #tpu.memory_space<vmem>>) target_semaphore(%arg29 : memref<!tpu.dma_semaphore, #tpu.memory_space<semaphore_mem>>)
    %dma_wait3A_284 = tpu.memref_slice %arg7[%add3A_198] : memref<4194304xf32, #tpu.memory_space<hbm>> -> memref<8192xf32, #tpu.memory_space<hbm>>
    %dma_wait3A_285 = tpu.memref_slice %arg7[%add3A_198] : memref<4194304xf32, #tpu.memory_space<hbm>> -> memref<8192xf32, #tpu.memory_space<hbm>>
    tpu.wait_dma2 semaphore(%arg33 : memref<!tpu.dma_semaphore, #tpu.memory_space<semaphore_mem>>) src(%arg25 : memref<8192xf32, #tpu.memory_space<vmem>>) dst(%dma_wait3A_285 : memref<8192xf32, #tpu.memory_space<hbm>>)
    %dma_wait3A_286 = tpu.memref_slice %arg8[%add3A_198] : memref<4194304xf32, #tpu.memory_space<hbm>> -> memref<8192xf32, #tpu.memory_space<hbm>>
    %dma_wait3A_287 = tpu.memref_slice %arg8[%add3A_198] : memref<4194304xf32, #tpu.memory_space<hbm>> -> memref<8192xf32, #tpu.memory_space<hbm>>
    tpu.wait_dma2 semaphore(%arg33 : memref<!tpu.dma_semaphore, #tpu.memory_space<semaphore_mem>>) src(%arg26 : memref<8192xf32, #tpu.memory_space<vmem>>) dst(%dma_wait3A_287 : memref<8192xf32, #tpu.memory_space<hbm>>)
    %dma_wait3A_288 = tpu.memref_slice %arg9[%add3A_198] : memref<4194304xf32, #tpu.memory_space<hbm>> -> memref<8192xf32, #tpu.memory_space<hbm>>
    %dma_wait3A_289 = tpu.memref_slice %arg9[%add3A_198] : memref<4194304xf32, #tpu.memory_space<hbm>> -> memref<8192xf32, #tpu.memory_space<hbm>>
    tpu.wait_dma2 semaphore(%arg33 : memref<!tpu.dma_semaphore, #tpu.memory_space<semaphore_mem>>) src(%arg27 : memref<8192xf32, #tpu.memory_space<vmem>>) dst(%dma_wait3A_289 : memref<8192xf32, #tpu.memory_space<hbm>>)
    %dma_wait3A_290 = tpu.memref_slice %arg10[%add3A_198] : memref<4194304xf32, #tpu.memory_space<hbm>> -> memref<8192xf32, #tpu.memory_space<hbm>>
    %dma_wait3A_291 = tpu.memref_slice %arg10[%add3A_198] : memref<4194304xf32, #tpu.memory_space<hbm>> -> memref<8192xf32, #tpu.memory_space<hbm>>
    tpu.wait_dma2 semaphore(%arg33 : memref<!tpu.dma_semaphore, #tpu.memory_space<semaphore_mem>>) src(%arg28 : memref<8192xf32, #tpu.memory_space<vmem>>) dst(%dma_wait3A_291 : memref<8192xf32, #tpu.memory_space<hbm>>)
    %dma_wait3A_292 = tpu.memref_slice %arg2[%add3A_279] : memref<4194304xi32, #tpu.memory_space<hbm>> -> memref<8192xi32, #tpu.memory_space<hbm>>
    %dma_wait3A_293 = tpu.memref_slice %arg2[%add3A_279] : memref<4194304xi32, #tpu.memory_space<hbm>> -> memref<8192xi32, #tpu.memory_space<hbm>>
    tpu.wait_dma2 semaphore(%arg30 : memref<!tpu.dma_semaphore, #tpu.memory_space<semaphore_mem>>) src(%dma_wait3A_293 : memref<8192xi32, #tpu.memory_space<hbm>>) dst(%arg16 : memref<8192xi32, #tpu.memory_space<vmem>>)
    %parallel_loop3A_294 = arith.constant 0 : i32
    %parallel_loop3A_295 = arith.constant 8192 : i32
    %parallel_loop3A_296 = arith.constant 16 : i32
    scf.for %parallel_loop3A_433 = %parallel_loop3A_294 to %parallel_loop3A_295 step %parallel_loop3A_296  : i32 {
      %parallel_loop3A_434 = arith.index_cast %parallel_loop3A_433 : i32 to index
      %parallel_loop3A_435 = tpu.vector_load %arg16[%parallel_loop3A_434] {strides = array<i32>} : memref<8192xi32, #tpu.memory_space<vmem>>, vector<16xi32>,
      %parallel_loop3A_436 = arith.constant 0 : i32
      %parallel_loop3A_437 = vector.broadcast %parallel_loop3A_436 : i32 to vector<16xi32>
      %parallel_loop3A_438 = arith.cmpi slt, %parallel_loop3A_435, %parallel_loop3A_437 : vector<16xi32>
      %parallel_loop3A_439 = arith.constant 1000 : i32
      %parallel_loop3A_440 = vector.broadcast %parallel_loop3A_439 : i32 to vector<16xi32>
      %parallel_loop3A_441 = arith.select %parallel_loop3A_438, %parallel_loop3A_440, %parallel_loop3A_435 : vector<16xi1>, vector<16xi32>
      %parallel_loop3A_442 = tpu.vector_load_idx %arg11[%parallel_loop3A_441] : memref<1024xf32, #tpu.memory_space<vmem>>[vector<16xi32>], vector<16xf32>,
      %parallel_loop3A_443 = arith.index_cast %parallel_loop3A_433 : i32 to index
      %parallel_loop3A_444 = tpu.vector_load %arg25[%parallel_loop3A_443] {strides = array<i32>} : memref<8192xf32, #tpu.memory_space<vmem>>, vector<16xf32>,
      tpu.vector_store %arg25[%parallel_loop3A_443], %parallel_loop3A_442 {strides = array<i32>} : memref<8192xf32, #tpu.memory_space<vmem>>, vector<16xf32>,
      %parallel_loop3A_445 = tpu.vector_load_idx %arg12[%parallel_loop3A_441] : memref<1024xf32, #tpu.memory_space<vmem>>[vector<16xi32>], vector<16xf32>,
      %parallel_loop3A_446 = arith.index_cast %parallel_loop3A_433 : i32 to index
      %parallel_loop3A_447 = tpu.vector_load %arg26[%parallel_loop3A_446] {strides = array<i32>} : memref<8192xf32, #tpu.memory_space<vmem>>, vector<16xf32>,
      tpu.vector_store %arg26[%parallel_loop3A_446], %parallel_loop3A_445 {strides = array<i32>} : memref<8192xf32, #tpu.memory_space<vmem>>, vector<16xf32>,
      %parallel_loop3A_448 = tpu.vector_load_idx %arg13[%parallel_loop3A_441] : memref<1024xf32, #tpu.memory_space<vmem>>[vector<16xi32>], vector<16xf32>,
      %parallel_loop3A_449 = arith.index_cast %parallel_loop3A_433 : i32 to index
      %parallel_loop3A_450 = tpu.vector_load %arg27[%parallel_loop3A_449] {strides = array<i32>} : memref<8192xf32, #tpu.memory_space<vmem>>, vector<16xf32>,
      tpu.vector_store %arg27[%parallel_loop3A_449], %parallel_loop3A_448 {strides = array<i32>} : memref<8192xf32, #tpu.memory_space<vmem>>, vector<16xf32>,
      %parallel_loop3A_451 = tpu.vector_load_idx %arg14[%parallel_loop3A_441] : memref<1024xf32, #tpu.memory_space<vmem>>[vector<16xi32>], vector<16xf32>,
      %parallel_loop3A_452 = arith.index_cast %parallel_loop3A_433 : i32 to index
      %parallel_loop3A_453 = tpu.vector_load %arg28[%parallel_loop3A_452] {strides = array<i32>} : memref<8192xf32, #tpu.memory_space<vmem>>, vector<16xf32>,
      tpu.vector_store %arg28[%parallel_loop3A_452], %parallel_loop3A_451 {strides = array<i32>} : memref<8192xf32, #tpu.memory_space<vmem>>, vector<16xf32>,
    } {sc.loop_unroll_factor = 8 : i64, sc.parallel_access}
    %dma_start3A_297 = tpu.memref_slice %arg7[%add3A_279] : memref<4194304xf32, #tpu.memory_space<hbm>> -> memref<8192xf32, #tpu.memory_space<hbm>>
    %dma_start3A_298 = tpu.memref_slice %arg7[%add3A_279] : memref<4194304xf32, #tpu.memory_space<hbm>> -> memref<8192xf32, #tpu.memory_space<hbm>>
    tpu.enqueue_dma source(%arg25 : memref<8192xf32, #tpu.memory_space<vmem>>) target(%dma_start3A_298 : memref<8192xf32, #tpu.memory_space<hbm>>) target_semaphore(%arg33 : memref<!tpu.dma_semaphore, #tpu.memory_space<semaphore_mem>>)
    %dma_start3A_299 = tpu.memref_slice %arg8[%add3A_279] : memref<4194304xf32, #tpu.memory_space<hbm>> -> memref<8192xf32, #tpu.memory_space<hbm>>
    %dma_start3A_300 = tpu.memref_slice %arg8[%add3A_279] : memref<4194304xf32, #tpu.memory_space<hbm>> -> memref<8192xf32, #tpu.memory_space<hbm>>
    tpu.enqueue_dma source(%arg26 : memref<8192xf32, #tpu.memory_space<vmem>>) target(%dma_start3A_300 : memref<8192xf32, #tpu.memory_space<hbm>>) target_semaphore(%arg33 : memref<!tpu.dma_semaphore, #tpu.memory_space<semaphore_mem>>)
    %dma_start3A_301 = tpu.memref_slice %arg9[%add3A_279] : memref<4194304xf32, #tpu.memory_space<hbm>> -> memref<8192xf32, #tpu.memory_space<hbm>>
    %dma_start3A_302 = tpu.memref_slice %arg9[%add3A_279] : memref<4194304xf32, #tpu.memory_space<hbm>> -> memref<8192xf32, #tpu.memory_space<hbm>>
    tpu.enqueue_dma source(%arg27 : memref<8192xf32, #tpu.memory_space<vmem>>) target(%dma_start3A_302 : memref<8192xf32, #tpu.memory_space<hbm>>) target_semaphore(%arg33 : memref<!tpu.dma_semaphore, #tpu.memory_space<semaphore_mem>>)
    %dma_start3A_303 = tpu.memref_slice %arg10[%add3A_279] : memref<4194304xf32, #tpu.memory_space<hbm>> -> memref<8192xf32, #tpu.memory_space<hbm>>
    %dma_start3A_304 = tpu.memref_slice %arg10[%add3A_279] : memref<4194304xf32, #tpu.memory_space<hbm>> -> memref<8192xf32, #tpu.memory_space<hbm>>
    tpu.enqueue_dma source(%arg28 : memref<8192xf32, #tpu.memory_space<vmem>>) target(%dma_start3A_304 : memref<8192xf32, #tpu.memory_space<hbm>>) target_semaphore(%arg33 : memref<!tpu.dma_semaphore, #tpu.memory_space<semaphore_mem>>)
    %add3A_305 = arith.constant 98304 : i32
    %add3A_306 = arith.addi %mul3A_2, %add3A_305 : i32
    %add3A_307 = arith.constant 8192 : i32
    %add3A_308 = arith.addi %add3A_306, %add3A_307 : i32
    %dma_start3A_309 = tpu.memref_slice %arg2[%add3A_308] : memref<4194304xi32, #tpu.memory_space<hbm>> -> memref<8192xi32, #tpu.memory_space<hbm>>
    %dma_start3A_310 = tpu.memref_slice %arg2[%add3A_308] : memref<4194304xi32, #tpu.memory_space<hbm>> -> memref<8192xi32, #tpu.memory_space<hbm>>
    tpu.enqueue_dma source(%dma_start3A_310 : memref<8192xi32, #tpu.memory_space<hbm>>) target(%arg16 : memref<8192xi32, #tpu.memory_space<vmem>>) target_semaphore(%arg30 : memref<!tpu.dma_semaphore, #tpu.memory_space<semaphore_mem>>)
    %dma_wait3A_311 = tpu.memref_slice %arg7[%add3A_225] : memref<4194304xf32, #tpu.memory_space<hbm>> -> memref<8192xf32, #tpu.memory_space<hbm>>
    %dma_wait3A_312 = tpu.memref_slice %arg7[%add3A_225] : memref<4194304xf32, #tpu.memory_space<hbm>> -> memref<8192xf32, #tpu.memory_space<hbm>>
    tpu.wait_dma2 semaphore(%arg31 : memref<!tpu.dma_semaphore, #tpu.memory_space<semaphore_mem>>) src(%arg17 : memref<8192xf32, #tpu.memory_space<vmem>>) dst(%dma_wait3A_312 : memref<8192xf32, #tpu.memory_space<hbm>>)
    %dma_wait3A_313 = tpu.memref_slice %arg8[%add3A_225] : memref<4194304xf32, #tpu.memory_space<hbm>> -> memref<8192xf32, #tpu.memory_space<hbm>>
    %dma_wait3A_314 = tpu.memref_slice %arg8[%add3A_225] : memref<4194304xf32, #tpu.memory_space<hbm>> -> memref<8192xf32, #tpu.memory_space<hbm>>
    tpu.wait_dma2 semaphore(%arg31 : memref<!tpu.dma_semaphore, #tpu.memory_space<semaphore_mem>>) src(%arg18 : memref<8192xf32, #tpu.memory_space<vmem>>) dst(%dma_wait3A_314 : memref<8192xf32, #tpu.memory_space<hbm>>)
    %dma_wait3A_315 = tpu.memref_slice %arg9[%add3A_225] : memref<4194304xf32, #tpu.memory_space<hbm>> -> memref<8192xf32, #tpu.memory_space<hbm>>
    %dma_wait3A_316 = tpu.memref_slice %arg9[%add3A_225] : memref<4194304xf32, #tpu.memory_space<hbm>> -> memref<8192xf32, #tpu.memory_space<hbm>>
    tpu.wait_dma2 semaphore(%arg31 : memref<!tpu.dma_semaphore, #tpu.memory_space<semaphore_mem>>) src(%arg19 : memref<8192xf32, #tpu.memory_space<vmem>>) dst(%dma_wait3A_316 : memref<8192xf32, #tpu.memory_space<hbm>>)
    %dma_wait3A_317 = tpu.memref_slice %arg10[%add3A_225] : memref<4194304xf32, #tpu.memory_space<hbm>> -> memref<8192xf32, #tpu.memory_space<hbm>>
    %dma_wait3A_318 = tpu.memref_slice %arg10[%add3A_225] : memref<4194304xf32, #tpu.memory_space<hbm>> -> memref<8192xf32, #tpu.memory_space<hbm>>
    tpu.wait_dma2 semaphore(%arg31 : memref<!tpu.dma_semaphore, #tpu.memory_space<semaphore_mem>>) src(%arg20 : memref<8192xf32, #tpu.memory_space<vmem>>) dst(%dma_wait3A_318 : memref<8192xf32, #tpu.memory_space<hbm>>)
    %dma_wait3A_319 = tpu.memref_slice %arg2[%add3A_306] : memref<4194304xi32, #tpu.memory_space<hbm>> -> memref<8192xi32, #tpu.memory_space<hbm>>
    %dma_wait3A_320 = tpu.memref_slice %arg2[%add3A_306] : memref<4194304xi32, #tpu.memory_space<hbm>> -> memref<8192xi32, #tpu.memory_space<hbm>>
    tpu.wait_dma2 semaphore(%arg29 : memref<!tpu.dma_semaphore, #tpu.memory_space<semaphore_mem>>) src(%dma_wait3A_320 : memref<8192xi32, #tpu.memory_space<hbm>>) dst(%arg15 : memref<8192xi32, #tpu.memory_space<vmem>>)
    %parallel_loop3A_321 = arith.constant 0 : i32
    %parallel_loop3A_322 = arith.constant 8192 : i32
    %parallel_loop3A_323 = arith.constant 16 : i32
    scf.for %parallel_loop3A_433 = %parallel_loop3A_321 to %parallel_loop3A_322 step %parallel_loop3A_323  : i32 {
      %parallel_loop3A_434 = arith.index_cast %parallel_loop3A_433 : i32 to index
      %parallel_loop3A_435 = tpu.vector_load %arg15[%parallel_loop3A_434] {strides = array<i32>} : memref<8192xi32, #tpu.memory_space<vmem>>, vector<16xi32>,
      %parallel_loop3A_436 = arith.constant 0 : i32
      %parallel_loop3A_437 = vector.broadcast %parallel_loop3A_436 : i32 to vector<16xi32>
      %parallel_loop3A_438 = arith.cmpi slt, %parallel_loop3A_435, %parallel_loop3A_437 : vector<16xi32>
      %parallel_loop3A_439 = arith.constant 1000 : i32
      %parallel_loop3A_440 = vector.broadcast %parallel_loop3A_439 : i32 to vector<16xi32>
      %parallel_loop3A_441 = arith.select %parallel_loop3A_438, %parallel_loop3A_440, %parallel_loop3A_435 : vector<16xi1>, vector<16xi32>
      %parallel_loop3A_442 = tpu.vector_load_idx %arg11[%parallel_loop3A_441] : memref<1024xf32, #tpu.memory_space<vmem>>[vector<16xi32>], vector<16xf32>,
      %parallel_loop3A_443 = arith.index_cast %parallel_loop3A_433 : i32 to index
      %parallel_loop3A_444 = tpu.vector_load %arg17[%parallel_loop3A_443] {strides = array<i32>} : memref<8192xf32, #tpu.memory_space<vmem>>, vector<16xf32>,
      tpu.vector_store %arg17[%parallel_loop3A_443], %parallel_loop3A_442 {strides = array<i32>} : memref<8192xf32, #tpu.memory_space<vmem>>, vector<16xf32>,
      %parallel_loop3A_445 = tpu.vector_load_idx %arg12[%parallel_loop3A_441] : memref<1024xf32, #tpu.memory_space<vmem>>[vector<16xi32>], vector<16xf32>,
      %parallel_loop3A_446 = arith.index_cast %parallel_loop3A_433 : i32 to index
      %parallel_loop3A_447 = tpu.vector_load %arg18[%parallel_loop3A_446] {strides = array<i32>} : memref<8192xf32, #tpu.memory_space<vmem>>, vector<16xf32>,
      tpu.vector_store %arg18[%parallel_loop3A_446], %parallel_loop3A_445 {strides = array<i32>} : memref<8192xf32, #tpu.memory_space<vmem>>, vector<16xf32>,
      %parallel_loop3A_448 = tpu.vector_load_idx %arg13[%parallel_loop3A_441] : memref<1024xf32, #tpu.memory_space<vmem>>[vector<16xi32>], vector<16xf32>,
      %parallel_loop3A_449 = arith.index_cast %parallel_loop3A_433 : i32 to index
      %parallel_loop3A_450 = tpu.vector_load %arg19[%parallel_loop3A_449] {strides = array<i32>} : memref<8192xf32, #tpu.memory_space<vmem>>, vector<16xf32>,
      tpu.vector_store %arg19[%parallel_loop3A_449], %parallel_loop3A_448 {strides = array<i32>} : memref<8192xf32, #tpu.memory_space<vmem>>, vector<16xf32>,
      %parallel_loop3A_451 = tpu.vector_load_idx %arg14[%parallel_loop3A_441] : memref<1024xf32, #tpu.memory_space<vmem>>[vector<16xi32>], vector<16xf32>,
      %parallel_loop3A_452 = arith.index_cast %parallel_loop3A_433 : i32 to index
      %parallel_loop3A_453 = tpu.vector_load %arg20[%parallel_loop3A_452] {strides = array<i32>} : memref<8192xf32, #tpu.memory_space<vmem>>, vector<16xf32>,
      tpu.vector_store %arg20[%parallel_loop3A_452], %parallel_loop3A_451 {strides = array<i32>} : memref<8192xf32, #tpu.memory_space<vmem>>, vector<16xf32>,
    } {sc.loop_unroll_factor = 8 : i64, sc.parallel_access}
    %dma_start3A_324 = tpu.memref_slice %arg7[%add3A_306] : memref<4194304xf32, #tpu.memory_space<hbm>> -> memref<8192xf32, #tpu.memory_space<hbm>>
    %dma_start3A_325 = tpu.memref_slice %arg7[%add3A_306] : memref<4194304xf32, #tpu.memory_space<hbm>> -> memref<8192xf32, #tpu.memory_space<hbm>>
    tpu.enqueue_dma source(%arg17 : memref<8192xf32, #tpu.memory_space<vmem>>) target(%dma_start3A_325 : memref<8192xf32, #tpu.memory_space<hbm>>) target_semaphore(%arg31 : memref<!tpu.dma_semaphore, #tpu.memory_space<semaphore_mem>>)
    %dma_start3A_326 = tpu.memref_slice %arg8[%add3A_306] : memref<4194304xf32, #tpu.memory_space<hbm>> -> memref<8192xf32, #tpu.memory_space<hbm>>
    %dma_start3A_327 = tpu.memref_slice %arg8[%add3A_306] : memref<4194304xf32, #tpu.memory_space<hbm>> -> memref<8192xf32, #tpu.memory_space<hbm>>
    tpu.enqueue_dma source(%arg18 : memref<8192xf32, #tpu.memory_space<vmem>>) target(%dma_start3A_327 : memref<8192xf32, #tpu.memory_space<hbm>>) target_semaphore(%arg31 : memref<!tpu.dma_semaphore, #tpu.memory_space<semaphore_mem>>)
    %dma_start3A_328 = tpu.memref_slice %arg9[%add3A_306] : memref<4194304xf32, #tpu.memory_space<hbm>> -> memref<8192xf32, #tpu.memory_space<hbm>>
    %dma_start3A_329 = tpu.memref_slice %arg9[%add3A_306] : memref<4194304xf32, #tpu.memory_space<hbm>> -> memref<8192xf32, #tpu.memory_space<hbm>>
    tpu.enqueue_dma source(%arg19 : memref<8192xf32, #tpu.memory_space<vmem>>) target(%dma_start3A_329 : memref<8192xf32, #tpu.memory_space<hbm>>) target_semaphore(%arg31 : memref<!tpu.dma_semaphore, #tpu.memory_space<semaphore_mem>>)
    %dma_start3A_330 = tpu.memref_slice %arg10[%add3A_306] : memref<4194304xf32, #tpu.memory_space<hbm>> -> memref<8192xf32, #tpu.memory_space<hbm>>
    %dma_start3A_331 = tpu.memref_slice %arg10[%add3A_306] : memref<4194304xf32, #tpu.memory_space<hbm>> -> memref<8192xf32, #tpu.memory_space<hbm>>
    tpu.enqueue_dma source(%arg20 : memref<8192xf32, #tpu.memory_space<vmem>>) target(%dma_start3A_331 : memref<8192xf32, #tpu.memory_space<hbm>>) target_semaphore(%arg31 : memref<!tpu.dma_semaphore, #tpu.memory_space<semaphore_mem>>)
    %add3A_332 = arith.constant 106496 : i32
    %add3A_333 = arith.addi %mul3A_2, %add3A_332 : i32
    %add3A_334 = arith.constant 8192 : i32
    %add3A_335 = arith.addi %add3A_333, %add3A_334 : i32
    %dma_start3A_336 = tpu.memref_slice %arg2[%add3A_335] : memref<4194304xi32, #tpu.memory_space<hbm>> -> memref<8192xi32, #tpu.memory_space<hbm>>
    %dma_start3A_337 = tpu.memref_slice %arg2[%add3A_335] : memref<4194304xi32, #tpu.memory_space<hbm>> -> memref<8192xi32, #tpu.memory_space<hbm>>
    tpu.enqueue_dma source(%dma_start3A_337 : memref<8192xi32, #tpu.memory_space<hbm>>) target(%arg15 : memref<8192xi32, #tpu.memory_space<vmem>>) target_semaphore(%arg29 : memref<!tpu.dma_semaphore, #tpu.memory_space<semaphore_mem>>)
    %dma_wait3A_338 = tpu.memref_slice %arg7[%add3A_252] : memref<4194304xf32, #tpu.memory_space<hbm>> -> memref<8192xf32, #tpu.memory_space<hbm>>
    %dma_wait3A_339 = tpu.memref_slice %arg7[%add3A_252] : memref<4194304xf32, #tpu.memory_space<hbm>> -> memref<8192xf32, #tpu.memory_space<hbm>>
    tpu.wait_dma2 semaphore(%arg32 : memref<!tpu.dma_semaphore, #tpu.memory_space<semaphore_mem>>) src(%arg21 : memref<8192xf32, #tpu.memory_space<vmem>>) dst(%dma_wait3A_339 : memref<8192xf32, #tpu.memory_space<hbm>>)
    %dma_wait3A_340 = tpu.memref_slice %arg8[%add3A_252] : memref<4194304xf32, #tpu.memory_space<hbm>> -> memref<8192xf32, #tpu.memory_space<hbm>>
    %dma_wait3A_341 = tpu.memref_slice %arg8[%add3A_252] : memref<4194304xf32, #tpu.memory_space<hbm>> -> memref<8192xf32, #tpu.memory_space<hbm>>
    tpu.wait_dma2 semaphore(%arg32 : memref<!tpu.dma_semaphore, #tpu.memory_space<semaphore_mem>>) src(%arg22 : memref<8192xf32, #tpu.memory_space<vmem>>) dst(%dma_wait3A_341 : memref<8192xf32, #tpu.memory_space<hbm>>)
    %dma_wait3A_342 = tpu.memref_slice %arg9[%add3A_252] : memref<4194304xf32, #tpu.memory_space<hbm>> -> memref<8192xf32, #tpu.memory_space<hbm>>
    %dma_wait3A_343 = tpu.memref_slice %arg9[%add3A_252] : memref<4194304xf32, #tpu.memory_space<hbm>> -> memref<8192xf32, #tpu.memory_space<hbm>>
    tpu.wait_dma2 semaphore(%arg32 : memref<!tpu.dma_semaphore, #tpu.memory_space<semaphore_mem>>) src(%arg23 : memref<8192xf32, #tpu.memory_space<vmem>>) dst(%dma_wait3A_343 : memref<8192xf32, #tpu.memory_space<hbm>>)
    %dma_wait3A_344 = tpu.memref_slice %arg10[%add3A_252] : memref<4194304xf32, #tpu.memory_space<hbm>> -> memref<8192xf32, #tpu.memory_space<hbm>>
    %dma_wait3A_345 = tpu.memref_slice %arg10[%add3A_252] : memref<4194304xf32, #tpu.memory_space<hbm>> -> memref<8192xf32, #tpu.memory_space<hbm>>
    tpu.wait_dma2 semaphore(%arg32 : memref<!tpu.dma_semaphore, #tpu.memory_space<semaphore_mem>>) src(%arg24 : memref<8192xf32, #tpu.memory_space<vmem>>) dst(%dma_wait3A_345 : memref<8192xf32, #tpu.memory_space<hbm>>)
    %dma_wait3A_346 = tpu.memref_slice %arg2[%add3A_333] : memref<4194304xi32, #tpu.memory_space<hbm>> -> memref<8192xi32, #tpu.memory_space<hbm>>
    %dma_wait3A_347 = tpu.memref_slice %arg2[%add3A_333] : memref<4194304xi32, #tpu.memory_space<hbm>> -> memref<8192xi32, #tpu.memory_space<hbm>>
    tpu.wait_dma2 semaphore(%arg30 : memref<!tpu.dma_semaphore, #tpu.memory_space<semaphore_mem>>) src(%dma_wait3A_347 : memref<8192xi32, #tpu.memory_space<hbm>>) dst(%arg16 : memref<8192xi32, #tpu.memory_space<vmem>>)
    %parallel_loop3A_348 = arith.constant 0 : i32
    %parallel_loop3A_349 = arith.constant 8192 : i32
    %parallel_loop3A_350 = arith.constant 16 : i32
    scf.for %parallel_loop3A_433 = %parallel_loop3A_348 to %parallel_loop3A_349 step %parallel_loop3A_350  : i32 {
      %parallel_loop3A_434 = arith.index_cast %parallel_loop3A_433 : i32 to index
      %parallel_loop3A_435 = tpu.vector_load %arg16[%parallel_loop3A_434] {strides = array<i32>} : memref<8192xi32, #tpu.memory_space<vmem>>, vector<16xi32>,
      %parallel_loop3A_436 = arith.constant 0 : i32
      %parallel_loop3A_437 = vector.broadcast %parallel_loop3A_436 : i32 to vector<16xi32>
      %parallel_loop3A_438 = arith.cmpi slt, %parallel_loop3A_435, %parallel_loop3A_437 : vector<16xi32>
      %parallel_loop3A_439 = arith.constant 1000 : i32
      %parallel_loop3A_440 = vector.broadcast %parallel_loop3A_439 : i32 to vector<16xi32>
      %parallel_loop3A_441 = arith.select %parallel_loop3A_438, %parallel_loop3A_440, %parallel_loop3A_435 : vector<16xi1>, vector<16xi32>
      %parallel_loop3A_442 = tpu.vector_load_idx %arg11[%parallel_loop3A_441] : memref<1024xf32, #tpu.memory_space<vmem>>[vector<16xi32>], vector<16xf32>,
      %parallel_loop3A_443 = arith.index_cast %parallel_loop3A_433 : i32 to index
      %parallel_loop3A_444 = tpu.vector_load %arg21[%parallel_loop3A_443] {strides = array<i32>} : memref<8192xf32, #tpu.memory_space<vmem>>, vector<16xf32>,
      tpu.vector_store %arg21[%parallel_loop3A_443], %parallel_loop3A_442 {strides = array<i32>} : memref<8192xf32, #tpu.memory_space<vmem>>, vector<16xf32>,
      %parallel_loop3A_445 = tpu.vector_load_idx %arg12[%parallel_loop3A_441] : memref<1024xf32, #tpu.memory_space<vmem>>[vector<16xi32>], vector<16xf32>,
      %parallel_loop3A_446 = arith.index_cast %parallel_loop3A_433 : i32 to index
      %parallel_loop3A_447 = tpu.vector_load %arg22[%parallel_loop3A_446] {strides = array<i32>} : memref<8192xf32, #tpu.memory_space<vmem>>, vector<16xf32>,
      tpu.vector_store %arg22[%parallel_loop3A_446], %parallel_loop3A_445 {strides = array<i32>} : memref<8192xf32, #tpu.memory_space<vmem>>, vector<16xf32>,
      %parallel_loop3A_448 = tpu.vector_load_idx %arg13[%parallel_loop3A_441] : memref<1024xf32, #tpu.memory_space<vmem>>[vector<16xi32>], vector<16xf32>,
      %parallel_loop3A_449 = arith.index_cast %parallel_loop3A_433 : i32 to index
      %parallel_loop3A_450 = tpu.vector_load %arg23[%parallel_loop3A_449] {strides = array<i32>} : memref<8192xf32, #tpu.memory_space<vmem>>, vector<16xf32>,
      tpu.vector_store %arg23[%parallel_loop3A_449], %parallel_loop3A_448 {strides = array<i32>} : memref<8192xf32, #tpu.memory_space<vmem>>, vector<16xf32>,
      %parallel_loop3A_451 = tpu.vector_load_idx %arg14[%parallel_loop3A_441] : memref<1024xf32, #tpu.memory_space<vmem>>[vector<16xi32>], vector<16xf32>,
      %parallel_loop3A_452 = arith.index_cast %parallel_loop3A_433 : i32 to index
      %parallel_loop3A_453 = tpu.vector_load %arg24[%parallel_loop3A_452] {strides = array<i32>} : memref<8192xf32, #tpu.memory_space<vmem>>, vector<16xf32>,
      tpu.vector_store %arg24[%parallel_loop3A_452], %parallel_loop3A_451 {strides = array<i32>} : memref<8192xf32, #tpu.memory_space<vmem>>, vector<16xf32>,
    } {sc.loop_unroll_factor = 8 : i64, sc.parallel_access}
    %dma_start3A_351 = tpu.memref_slice %arg7[%add3A_333] : memref<4194304xf32, #tpu.memory_space<hbm>> -> memref<8192xf32, #tpu.memory_space<hbm>>
    %dma_start3A_352 = tpu.memref_slice %arg7[%add3A_333] : memref<4194304xf32, #tpu.memory_space<hbm>> -> memref<8192xf32, #tpu.memory_space<hbm>>
    tpu.enqueue_dma source(%arg21 : memref<8192xf32, #tpu.memory_space<vmem>>) target(%dma_start3A_352 : memref<8192xf32, #tpu.memory_space<hbm>>) target_semaphore(%arg32 : memref<!tpu.dma_semaphore, #tpu.memory_space<semaphore_mem>>)
    %dma_start3A_353 = tpu.memref_slice %arg8[%add3A_333] : memref<4194304xf32, #tpu.memory_space<hbm>> -> memref<8192xf32, #tpu.memory_space<hbm>>
    %dma_start3A_354 = tpu.memref_slice %arg8[%add3A_333] : memref<4194304xf32, #tpu.memory_space<hbm>> -> memref<8192xf32, #tpu.memory_space<hbm>>
    tpu.enqueue_dma source(%arg22 : memref<8192xf32, #tpu.memory_space<vmem>>) target(%dma_start3A_354 : memref<8192xf32, #tpu.memory_space<hbm>>) target_semaphore(%arg32 : memref<!tpu.dma_semaphore, #tpu.memory_space<semaphore_mem>>)
    %dma_start3A_355 = tpu.memref_slice %arg9[%add3A_333] : memref<4194304xf32, #tpu.memory_space<hbm>> -> memref<8192xf32, #tpu.memory_space<hbm>>
    %dma_start3A_356 = tpu.memref_slice %arg9[%add3A_333] : memref<4194304xf32, #tpu.memory_space<hbm>> -> memref<8192xf32, #tpu.memory_space<hbm>>
    tpu.enqueue_dma source(%arg23 : memref<8192xf32, #tpu.memory_space<vmem>>) target(%dma_start3A_356 : memref<8192xf32, #tpu.memory_space<hbm>>) target_semaphore(%arg32 : memref<!tpu.dma_semaphore, #tpu.memory_space<semaphore_mem>>)
    %dma_start3A_357 = tpu.memref_slice %arg10[%add3A_333] : memref<4194304xf32, #tpu.memory_space<hbm>> -> memref<8192xf32, #tpu.memory_space<hbm>>
    %dma_start3A_358 = tpu.memref_slice %arg10[%add3A_333] : memref<4194304xf32, #tpu.memory_space<hbm>> -> memref<8192xf32, #tpu.memory_space<hbm>>
    tpu.enqueue_dma source(%arg24 : memref<8192xf32, #tpu.memory_space<vmem>>) target(%dma_start3A_358 : memref<8192xf32, #tpu.memory_space<hbm>>) target_semaphore(%arg32 : memref<!tpu.dma_semaphore, #tpu.memory_space<semaphore_mem>>)
    %add3A_359 = arith.constant 114688 : i32
    %add3A_360 = arith.addi %mul3A_2, %add3A_359 : i32
    %add3A_361 = arith.constant 8192 : i32
    %add3A_362 = arith.addi %add3A_360, %add3A_361 : i32
    %dma_start3A_363 = tpu.memref_slice %arg2[%add3A_362] : memref<4194304xi32, #tpu.memory_space<hbm>> -> memref<8192xi32, #tpu.memory_space<hbm>>
    %dma_start3A_364 = tpu.memref_slice %arg2[%add3A_362] : memref<4194304xi32, #tpu.memory_space<hbm>> -> memref<8192xi32, #tpu.memory_space<hbm>>
    tpu.enqueue_dma source(%dma_start3A_364 : memref<8192xi32, #tpu.memory_space<hbm>>) target(%arg16 : memref<8192xi32, #tpu.memory_space<vmem>>) target_semaphore(%arg30 : memref<!tpu.dma_semaphore, #tpu.memory_space<semaphore_mem>>)
    %dma_wait3A_365 = tpu.memref_slice %arg7[%add3A_279] : memref<4194304xf32, #tpu.memory_space<hbm>> -> memref<8192xf32, #tpu.memory_space<hbm>>
    %dma_wait3A_366 = tpu.memref_slice %arg7[%add3A_279] : memref<4194304xf32, #tpu.memory_space<hbm>> -> memref<8192xf32, #tpu.memory_space<hbm>>
    tpu.wait_dma2 semaphore(%arg33 : memref<!tpu.dma_semaphore, #tpu.memory_space<semaphore_mem>>) src(%arg25 : memref<8192xf32, #tpu.memory_space<vmem>>) dst(%dma_wait3A_366 : memref<8192xf32, #tpu.memory_space<hbm>>)
    %dma_wait3A_367 = tpu.memref_slice %arg8[%add3A_279] : memref<4194304xf32, #tpu.memory_space<hbm>> -> memref<8192xf32, #tpu.memory_space<hbm>>
    %dma_wait3A_368 = tpu.memref_slice %arg8[%add3A_279] : memref<4194304xf32, #tpu.memory_space<hbm>> -> memref<8192xf32, #tpu.memory_space<hbm>>
    tpu.wait_dma2 semaphore(%arg33 : memref<!tpu.dma_semaphore, #tpu.memory_space<semaphore_mem>>) src(%arg26 : memref<8192xf32, #tpu.memory_space<vmem>>) dst(%dma_wait3A_368 : memref<8192xf32, #tpu.memory_space<hbm>>)
    %dma_wait3A_369 = tpu.memref_slice %arg9[%add3A_279] : memref<4194304xf32, #tpu.memory_space<hbm>> -> memref<8192xf32, #tpu.memory_space<hbm>>
    %dma_wait3A_370 = tpu.memref_slice %arg9[%add3A_279] : memref<4194304xf32, #tpu.memory_space<hbm>> -> memref<8192xf32, #tpu.memory_space<hbm>>
    tpu.wait_dma2 semaphore(%arg33 : memref<!tpu.dma_semaphore, #tpu.memory_space<semaphore_mem>>) src(%arg27 : memref<8192xf32, #tpu.memory_space<vmem>>) dst(%dma_wait3A_370 : memref<8192xf32, #tpu.memory_space<hbm>>)
    %dma_wait3A_371 = tpu.memref_slice %arg10[%add3A_279] : memref<4194304xf32, #tpu.memory_space<hbm>> -> memref<8192xf32, #tpu.memory_space<hbm>>
    %dma_wait3A_372 = tpu.memref_slice %arg10[%add3A_279] : memref<4194304xf32, #tpu.memory_space<hbm>> -> memref<8192xf32, #tpu.memory_space<hbm>>
    tpu.wait_dma2 semaphore(%arg33 : memref<!tpu.dma_semaphore, #tpu.memory_space<semaphore_mem>>) src(%arg28 : memref<8192xf32, #tpu.memory_space<vmem>>) dst(%dma_wait3A_372 : memref<8192xf32, #tpu.memory_space<hbm>>)
    %dma_wait3A_373 = tpu.memref_slice %arg2[%add3A_360] : memref<4194304xi32, #tpu.memory_space<hbm>> -> memref<8192xi32, #tpu.memory_space<hbm>>
    %dma_wait3A_374 = tpu.memref_slice %arg2[%add3A_360] : memref<4194304xi32, #tpu.memory_space<hbm>> -> memref<8192xi32, #tpu.memory_space<hbm>>
    tpu.wait_dma2 semaphore(%arg29 : memref<!tpu.dma_semaphore, #tpu.memory_space<semaphore_mem>>) src(%dma_wait3A_374 : memref<8192xi32, #tpu.memory_space<hbm>>) dst(%arg15 : memref<8192xi32, #tpu.memory_space<vmem>>)
    %parallel_loop3A_375 = arith.constant 0 : i32
    %parallel_loop3A_376 = arith.constant 8192 : i32
    %parallel_loop3A_377 = arith.constant 16 : i32
    scf.for %parallel_loop3A_433 = %parallel_loop3A_375 to %parallel_loop3A_376 step %parallel_loop3A_377  : i32 {
      %parallel_loop3A_434 = arith.index_cast %parallel_loop3A_433 : i32 to index
      %parallel_loop3A_435 = tpu.vector_load %arg15[%parallel_loop3A_434] {strides = array<i32>} : memref<8192xi32, #tpu.memory_space<vmem>>, vector<16xi32>,
      %parallel_loop3A_436 = arith.constant 0 : i32
      %parallel_loop3A_437 = vector.broadcast %parallel_loop3A_436 : i32 to vector<16xi32>
      %parallel_loop3A_438 = arith.cmpi slt, %parallel_loop3A_435, %parallel_loop3A_437 : vector<16xi32>
      %parallel_loop3A_439 = arith.constant 1000 : i32
      %parallel_loop3A_440 = vector.broadcast %parallel_loop3A_439 : i32 to vector<16xi32>
      %parallel_loop3A_441 = arith.select %parallel_loop3A_438, %parallel_loop3A_440, %parallel_loop3A_435 : vector<16xi1>, vector<16xi32>
      %parallel_loop3A_442 = tpu.vector_load_idx %arg11[%parallel_loop3A_441] : memref<1024xf32, #tpu.memory_space<vmem>>[vector<16xi32>], vector<16xf32>,
      %parallel_loop3A_443 = arith.index_cast %parallel_loop3A_433 : i32 to index
      %parallel_loop3A_444 = tpu.vector_load %arg25[%parallel_loop3A_443] {strides = array<i32>} : memref<8192xf32, #tpu.memory_space<vmem>>, vector<16xf32>,
      tpu.vector_store %arg25[%parallel_loop3A_443], %parallel_loop3A_442 {strides = array<i32>} : memref<8192xf32, #tpu.memory_space<vmem>>, vector<16xf32>,
      %parallel_loop3A_445 = tpu.vector_load_idx %arg12[%parallel_loop3A_441] : memref<1024xf32, #tpu.memory_space<vmem>>[vector<16xi32>], vector<16xf32>,
      %parallel_loop3A_446 = arith.index_cast %parallel_loop3A_433 : i32 to index
      %parallel_loop3A_447 = tpu.vector_load %arg26[%parallel_loop3A_446] {strides = array<i32>} : memref<8192xf32, #tpu.memory_space<vmem>>, vector<16xf32>,
      tpu.vector_store %arg26[%parallel_loop3A_446], %parallel_loop3A_445 {strides = array<i32>} : memref<8192xf32, #tpu.memory_space<vmem>>, vector<16xf32>,
      %parallel_loop3A_448 = tpu.vector_load_idx %arg13[%parallel_loop3A_441] : memref<1024xf32, #tpu.memory_space<vmem>>[vector<16xi32>], vector<16xf32>,
      %parallel_loop3A_449 = arith.index_cast %parallel_loop3A_433 : i32 to index
      %parallel_loop3A_450 = tpu.vector_load %arg27[%parallel_loop3A_449] {strides = array<i32>} : memref<8192xf32, #tpu.memory_space<vmem>>, vector<16xf32>,
      tpu.vector_store %arg27[%parallel_loop3A_449], %parallel_loop3A_448 {strides = array<i32>} : memref<8192xf32, #tpu.memory_space<vmem>>, vector<16xf32>,
      %parallel_loop3A_451 = tpu.vector_load_idx %arg14[%parallel_loop3A_441] : memref<1024xf32, #tpu.memory_space<vmem>>[vector<16xi32>], vector<16xf32>,
      %parallel_loop3A_452 = arith.index_cast %parallel_loop3A_433 : i32 to index
      %parallel_loop3A_453 = tpu.vector_load %arg28[%parallel_loop3A_452] {strides = array<i32>} : memref<8192xf32, #tpu.memory_space<vmem>>, vector<16xf32>,
      tpu.vector_store %arg28[%parallel_loop3A_452], %parallel_loop3A_451 {strides = array<i32>} : memref<8192xf32, #tpu.memory_space<vmem>>, vector<16xf32>,
    } {sc.loop_unroll_factor = 8 : i64, sc.parallel_access}
    %dma_start3A_378 = tpu.memref_slice %arg7[%add3A_360] : memref<4194304xf32, #tpu.memory_space<hbm>> -> memref<8192xf32, #tpu.memory_space<hbm>>
    %dma_start3A_379 = tpu.memref_slice %arg7[%add3A_360] : memref<4194304xf32, #tpu.memory_space<hbm>> -> memref<8192xf32, #tpu.memory_space<hbm>>
    tpu.enqueue_dma source(%arg25 : memref<8192xf32, #tpu.memory_space<vmem>>) target(%dma_start3A_379 : memref<8192xf32, #tpu.memory_space<hbm>>) target_semaphore(%arg33 : memref<!tpu.dma_semaphore, #tpu.memory_space<semaphore_mem>>)
    %dma_start3A_380 = tpu.memref_slice %arg8[%add3A_360] : memref<4194304xf32, #tpu.memory_space<hbm>> -> memref<8192xf32, #tpu.memory_space<hbm>>
    %dma_start3A_381 = tpu.memref_slice %arg8[%add3A_360] : memref<4194304xf32, #tpu.memory_space<hbm>> -> memref<8192xf32, #tpu.memory_space<hbm>>
    tpu.enqueue_dma source(%arg26 : memref<8192xf32, #tpu.memory_space<vmem>>) target(%dma_start3A_381 : memref<8192xf32, #tpu.memory_space<hbm>>) target_semaphore(%arg33 : memref<!tpu.dma_semaphore, #tpu.memory_space<semaphore_mem>>)
    %dma_start3A_382 = tpu.memref_slice %arg9[%add3A_360] : memref<4194304xf32, #tpu.memory_space<hbm>> -> memref<8192xf32, #tpu.memory_space<hbm>>
    %dma_start3A_383 = tpu.memref_slice %arg9[%add3A_360] : memref<4194304xf32, #tpu.memory_space<hbm>> -> memref<8192xf32, #tpu.memory_space<hbm>>
    tpu.enqueue_dma source(%arg27 : memref<8192xf32, #tpu.memory_space<vmem>>) target(%dma_start3A_383 : memref<8192xf32, #tpu.memory_space<hbm>>) target_semaphore(%arg33 : memref<!tpu.dma_semaphore, #tpu.memory_space<semaphore_mem>>)
    %dma_start3A_384 = tpu.memref_slice %arg10[%add3A_360] : memref<4194304xf32, #tpu.memory_space<hbm>> -> memref<8192xf32, #tpu.memory_space<hbm>>
    %dma_start3A_385 = tpu.memref_slice %arg10[%add3A_360] : memref<4194304xf32, #tpu.memory_space<hbm>> -> memref<8192xf32, #tpu.memory_space<hbm>>
    tpu.enqueue_dma source(%arg28 : memref<8192xf32, #tpu.memory_space<vmem>>) target(%dma_start3A_385 : memref<8192xf32, #tpu.memory_space<hbm>>) target_semaphore(%arg33 : memref<!tpu.dma_semaphore, #tpu.memory_space<semaphore_mem>>)
    %add3A_386 = arith.constant 122880 : i32
    %add3A_387 = arith.addi %mul3A_2, %add3A_386 : i32
    %dma_wait3A_388 = tpu.memref_slice %arg7[%add3A_306] : memref<4194304xf32, #tpu.memory_space<hbm>> -> memref<8192xf32, #tpu.memory_space<hbm>>
    %dma_wait3A_389 = tpu.memref_slice %arg7[%add3A_306] : memref<4194304xf32, #tpu.memory_space<hbm>> -> memref<8192xf32, #tpu.memory_space<hbm>>
    tpu.wait_dma2 semaphore(%arg31 : memref<!tpu.dma_semaphore, #tpu.memory_space<semaphore_mem>>) src(%arg17 : memref<8192xf32, #tpu.memory_space<vmem>>) dst(%dma_wait3A_389 : memref<8192xf32, #tpu.memory_space<hbm>>)
    %dma_wait3A_390 = tpu.memref_slice %arg8[%add3A_306] : memref<4194304xf32, #tpu.memory_space<hbm>> -> memref<8192xf32, #tpu.memory_space<hbm>>
    %dma_wait3A_391 = tpu.memref_slice %arg8[%add3A_306] : memref<4194304xf32, #tpu.memory_space<hbm>> -> memref<8192xf32, #tpu.memory_space<hbm>>
    tpu.wait_dma2 semaphore(%arg31 : memref<!tpu.dma_semaphore, #tpu.memory_space<semaphore_mem>>) src(%arg18 : memref<8192xf32, #tpu.memory_space<vmem>>) dst(%dma_wait3A_391 : memref<8192xf32, #tpu.memory_space<hbm>>)
    %dma_wait3A_392 = tpu.memref_slice %arg9[%add3A_306] : memref<4194304xf32, #tpu.memory_space<hbm>> -> memref<8192xf32, #tpu.memory_space<hbm>>
    %dma_wait3A_393 = tpu.memref_slice %arg9[%add3A_306] : memref<4194304xf32, #tpu.memory_space<hbm>> -> memref<8192xf32, #tpu.memory_space<hbm>>
    tpu.wait_dma2 semaphore(%arg31 : memref<!tpu.dma_semaphore, #tpu.memory_space<semaphore_mem>>) src(%arg19 : memref<8192xf32, #tpu.memory_space<vmem>>) dst(%dma_wait3A_393 : memref<8192xf32, #tpu.memory_space<hbm>>)
    %dma_wait3A_394 = tpu.memref_slice %arg10[%add3A_306] : memref<4194304xf32, #tpu.memory_space<hbm>> -> memref<8192xf32, #tpu.memory_space<hbm>>
    %dma_wait3A_395 = tpu.memref_slice %arg10[%add3A_306] : memref<4194304xf32, #tpu.memory_space<hbm>> -> memref<8192xf32, #tpu.memory_space<hbm>>
    tpu.wait_dma2 semaphore(%arg31 : memref<!tpu.dma_semaphore, #tpu.memory_space<semaphore_mem>>) src(%arg20 : memref<8192xf32, #tpu.memory_space<vmem>>) dst(%dma_wait3A_395 : memref<8192xf32, #tpu.memory_space<hbm>>)
    %dma_wait3A_396 = tpu.memref_slice %arg2[%add3A_387] : memref<4194304xi32, #tpu.memory_space<hbm>> -> memref<8192xi32, #tpu.memory_space<hbm>>
    %dma_wait3A_397 = tpu.memref_slice %arg2[%add3A_387] : memref<4194304xi32, #tpu.memory_space<hbm>> -> memref<8192xi32, #tpu.memory_space<hbm>>
    tpu.wait_dma2 semaphore(%arg30 : memref<!tpu.dma_semaphore, #tpu.memory_space<semaphore_mem>>) src(%dma_wait3A_397 : memref<8192xi32, #tpu.memory_space<hbm>>) dst(%arg16 : memref<8192xi32, #tpu.memory_space<vmem>>)
    %parallel_loop3A_398 = arith.constant 0 : i32
    %parallel_loop3A_399 = arith.constant 8192 : i32
    %parallel_loop3A_400 = arith.constant 16 : i32
    scf.for %parallel_loop3A_433 = %parallel_loop3A_398 to %parallel_loop3A_399 step %parallel_loop3A_400  : i32 {
      %parallel_loop3A_434 = arith.index_cast %parallel_loop3A_433 : i32 to index
      %parallel_loop3A_435 = tpu.vector_load %arg16[%parallel_loop3A_434] {strides = array<i32>} : memref<8192xi32, #tpu.memory_space<vmem>>, vector<16xi32>,
      %parallel_loop3A_436 = arith.constant 0 : i32
      %parallel_loop3A_437 = vector.broadcast %parallel_loop3A_436 : i32 to vector<16xi32>
      %parallel_loop3A_438 = arith.cmpi slt, %parallel_loop3A_435, %parallel_loop3A_437 : vector<16xi32>
      %parallel_loop3A_439 = arith.constant 1000 : i32
      %parallel_loop3A_440 = vector.broadcast %parallel_loop3A_439 : i32 to vector<16xi32>
      %parallel_loop3A_441 = arith.select %parallel_loop3A_438, %parallel_loop3A_440, %parallel_loop3A_435 : vector<16xi1>, vector<16xi32>
      %parallel_loop3A_442 = tpu.vector_load_idx %arg11[%parallel_loop3A_441] : memref<1024xf32, #tpu.memory_space<vmem>>[vector<16xi32>], vector<16xf32>,
      %parallel_loop3A_443 = arith.index_cast %parallel_loop3A_433 : i32 to index
      %parallel_loop3A_444 = tpu.vector_load %arg17[%parallel_loop3A_443] {strides = array<i32>} : memref<8192xf32, #tpu.memory_space<vmem>>, vector<16xf32>,
      tpu.vector_store %arg17[%parallel_loop3A_443], %parallel_loop3A_442 {strides = array<i32>} : memref<8192xf32, #tpu.memory_space<vmem>>, vector<16xf32>,
      %parallel_loop3A_445 = tpu.vector_load_idx %arg12[%parallel_loop3A_441] : memref<1024xf32, #tpu.memory_space<vmem>>[vector<16xi32>], vector<16xf32>,
      %parallel_loop3A_446 = arith.index_cast %parallel_loop3A_433 : i32 to index
      %parallel_loop3A_447 = tpu.vector_load %arg18[%parallel_loop3A_446] {strides = array<i32>} : memref<8192xf32, #tpu.memory_space<vmem>>, vector<16xf32>,
      tpu.vector_store %arg18[%parallel_loop3A_446], %parallel_loop3A_445 {strides = array<i32>} : memref<8192xf32, #tpu.memory_space<vmem>>, vector<16xf32>,
      %parallel_loop3A_448 = tpu.vector_load_idx %arg13[%parallel_loop3A_441] : memref<1024xf32, #tpu.memory_space<vmem>>[vector<16xi32>], vector<16xf32>,
      %parallel_loop3A_449 = arith.index_cast %parallel_loop3A_433 : i32 to index
      %parallel_loop3A_450 = tpu.vector_load %arg19[%parallel_loop3A_449] {strides = array<i32>} : memref<8192xf32, #tpu.memory_space<vmem>>, vector<16xf32>,
      tpu.vector_store %arg19[%parallel_loop3A_449], %parallel_loop3A_448 {strides = array<i32>} : memref<8192xf32, #tpu.memory_space<vmem>>, vector<16xf32>,
      %parallel_loop3A_451 = tpu.vector_load_idx %arg14[%parallel_loop3A_441] : memref<1024xf32, #tpu.memory_space<vmem>>[vector<16xi32>], vector<16xf32>,
      %parallel_loop3A_452 = arith.index_cast %parallel_loop3A_433 : i32 to index
      %parallel_loop3A_453 = tpu.vector_load %arg20[%parallel_loop3A_452] {strides = array<i32>} : memref<8192xf32, #tpu.memory_space<vmem>>, vector<16xf32>,
      tpu.vector_store %arg20[%parallel_loop3A_452], %parallel_loop3A_451 {strides = array<i32>} : memref<8192xf32, #tpu.memory_space<vmem>>, vector<16xf32>,
    } {sc.loop_unroll_factor = 8 : i64, sc.parallel_access}
    %dma_start3A_401 = tpu.memref_slice %arg7[%add3A_387] : memref<4194304xf32, #tpu.memory_space<hbm>> -> memref<8192xf32, #tpu.memory_space<hbm>>
    %dma_start3A_402 = tpu.memref_slice %arg7[%add3A_387] : memref<4194304xf32, #tpu.memory_space<hbm>> -> memref<8192xf32, #tpu.memory_space<hbm>>
    tpu.enqueue_dma source(%arg17 : memref<8192xf32, #tpu.memory_space<vmem>>) target(%dma_start3A_402 : memref<8192xf32, #tpu.memory_space<hbm>>) target_semaphore(%arg31 : memref<!tpu.dma_semaphore, #tpu.memory_space<semaphore_mem>>)
    %dma_start3A_403 = tpu.memref_slice %arg8[%add3A_387] : memref<4194304xf32, #tpu.memory_space<hbm>> -> memref<8192xf32, #tpu.memory_space<hbm>>
    %dma_start3A_404 = tpu.memref_slice %arg8[%add3A_387] : memref<4194304xf32, #tpu.memory_space<hbm>> -> memref<8192xf32, #tpu.memory_space<hbm>>
    tpu.enqueue_dma source(%arg18 : memref<8192xf32, #tpu.memory_space<vmem>>) target(%dma_start3A_404 : memref<8192xf32, #tpu.memory_space<hbm>>) target_semaphore(%arg31 : memref<!tpu.dma_semaphore, #tpu.memory_space<semaphore_mem>>)
    %dma_start3A_405 = tpu.memref_slice %arg9[%add3A_387] : memref<4194304xf32, #tpu.memory_space<hbm>> -> memref<8192xf32, #tpu.memory_space<hbm>>
    %dma_start3A_406 = tpu.memref_slice %arg9[%add3A_387] : memref<4194304xf32, #tpu.memory_space<hbm>> -> memref<8192xf32, #tpu.memory_space<hbm>>
    tpu.enqueue_dma source(%arg19 : memref<8192xf32, #tpu.memory_space<vmem>>) target(%dma_start3A_406 : memref<8192xf32, #tpu.memory_space<hbm>>) target_semaphore(%arg31 : memref<!tpu.dma_semaphore, #tpu.memory_space<semaphore_mem>>)
    %dma_start3A_407 = tpu.memref_slice %arg10[%add3A_387] : memref<4194304xf32, #tpu.memory_space<hbm>> -> memref<8192xf32, #tpu.memory_space<hbm>>
    %dma_start3A_408 = tpu.memref_slice %arg10[%add3A_387] : memref<4194304xf32, #tpu.memory_space<hbm>> -> memref<8192xf32, #tpu.memory_space<hbm>>
    tpu.enqueue_dma source(%arg20 : memref<8192xf32, #tpu.memory_space<vmem>>) target(%dma_start3A_408 : memref<8192xf32, #tpu.memory_space<hbm>>) target_semaphore(%arg31 : memref<!tpu.dma_semaphore, #tpu.memory_space<semaphore_mem>>)
    %dma_wait3A_409 = tpu.memref_slice %arg7[%add3A_387] : memref<4194304xf32, #tpu.memory_space<hbm>> -> memref<8192xf32, #tpu.memory_space<hbm>>
    %dma_wait3A_410 = tpu.memref_slice %arg7[%add3A_387] : memref<4194304xf32, #tpu.memory_space<hbm>> -> memref<8192xf32, #tpu.memory_space<hbm>>
    tpu.wait_dma2 semaphore(%arg31 : memref<!tpu.dma_semaphore, #tpu.memory_space<semaphore_mem>>) src(%arg17 : memref<8192xf32, #tpu.memory_space<vmem>>) dst(%dma_wait3A_410 : memref<8192xf32, #tpu.memory_space<hbm>>)
    %dma_wait3A_411 = tpu.memref_slice %arg8[%add3A_387] : memref<4194304xf32, #tpu.memory_space<hbm>> -> memref<8192xf32, #tpu.memory_space<hbm>>
    %dma_wait3A_412 = tpu.memref_slice %arg8[%add3A_387] : memref<4194304xf32, #tpu.memory_space<hbm>> -> memref<8192xf32, #tpu.memory_space<hbm>>
    tpu.wait_dma2 semaphore(%arg31 : memref<!tpu.dma_semaphore, #tpu.memory_space<semaphore_mem>>) src(%arg18 : memref<8192xf32, #tpu.memory_space<vmem>>) dst(%dma_wait3A_412 : memref<8192xf32, #tpu.memory_space<hbm>>)
    %dma_wait3A_413 = tpu.memref_slice %arg9[%add3A_387] : memref<4194304xf32, #tpu.memory_space<hbm>> -> memref<8192xf32, #tpu.memory_space<hbm>>
    %dma_wait3A_414 = tpu.memref_slice %arg9[%add3A_387] : memref<4194304xf32, #tpu.memory_space<hbm>> -> memref<8192xf32, #tpu.memory_space<hbm>>
    tpu.wait_dma2 semaphore(%arg31 : memref<!tpu.dma_semaphore, #tpu.memory_space<semaphore_mem>>) src(%arg19 : memref<8192xf32, #tpu.memory_space<vmem>>) dst(%dma_wait3A_414 : memref<8192xf32, #tpu.memory_space<hbm>>)
    %dma_wait3A_415 = tpu.memref_slice %arg10[%add3A_387] : memref<4194304xf32, #tpu.memory_space<hbm>> -> memref<8192xf32, #tpu.memory_space<hbm>>
    %dma_wait3A_416 = tpu.memref_slice %arg10[%add3A_387] : memref<4194304xf32, #tpu.memory_space<hbm>> -> memref<8192xf32, #tpu.memory_space<hbm>>
    tpu.wait_dma2 semaphore(%arg31 : memref<!tpu.dma_semaphore, #tpu.memory_space<semaphore_mem>>) src(%arg20 : memref<8192xf32, #tpu.memory_space<vmem>>) dst(%dma_wait3A_416 : memref<8192xf32, #tpu.memory_space<hbm>>)
    %dma_wait3A_417 = tpu.memref_slice %arg7[%add3A_333] : memref<4194304xf32, #tpu.memory_space<hbm>> -> memref<8192xf32, #tpu.memory_space<hbm>>
    %dma_wait3A_418 = tpu.memref_slice %arg7[%add3A_333] : memref<4194304xf32, #tpu.memory_space<hbm>> -> memref<8192xf32, #tpu.memory_space<hbm>>
    tpu.wait_dma2 semaphore(%arg32 : memref<!tpu.dma_semaphore, #tpu.memory_space<semaphore_mem>>) src(%arg21 : memref<8192xf32, #tpu.memory_space<vmem>>) dst(%dma_wait3A_418 : memref<8192xf32, #tpu.memory_space<hbm>>)
    %dma_wait3A_419 = tpu.memref_slice %arg8[%add3A_333] : memref<4194304xf32, #tpu.memory_space<hbm>> -> memref<8192xf32, #tpu.memory_space<hbm>>
    %dma_wait3A_420 = tpu.memref_slice %arg8[%add3A_333] : memref<4194304xf32, #tpu.memory_space<hbm>> -> memref<8192xf32, #tpu.memory_space<hbm>>
    tpu.wait_dma2 semaphore(%arg32 : memref<!tpu.dma_semaphore, #tpu.memory_space<semaphore_mem>>) src(%arg22 : memref<8192xf32, #tpu.memory_space<vmem>>) dst(%dma_wait3A_420 : memref<8192xf32, #tpu.memory_space<hbm>>)
    %dma_wait3A_421 = tpu.memref_slice %arg9[%add3A_333] : memref<4194304xf32, #tpu.memory_space<hbm>> -> memref<8192xf32, #tpu.memory_space<hbm>>
    %dma_wait3A_422 = tpu.memref_slice %arg9[%add3A_333] : memref<4194304xf32, #tpu.memory_space<hbm>> -> memref<8192xf32, #tpu.memory_space<hbm>>
    tpu.wait_dma2 semaphore(%arg32 : memref<!tpu.dma_semaphore, #tpu.memory_space<semaphore_mem>>) src(%arg23 : memref<8192xf32, #tpu.memory_space<vmem>>) dst(%dma_wait3A_422 : memref<8192xf32, #tpu.memory_space<hbm>>)
    %dma_wait3A_423 = tpu.memref_slice %arg10[%add3A_333] : memref<4194304xf32, #tpu.memory_space<hbm>> -> memref<8192xf32, #tpu.memory_space<hbm>>
    %dma_wait3A_424 = tpu.memref_slice %arg10[%add3A_333] : memref<4194304xf32, #tpu.memory_space<hbm>> -> memref<8192xf32, #tpu.memory_space<hbm>>
    tpu.wait_dma2 semaphore(%arg32 : memref<!tpu.dma_semaphore, #tpu.memory_space<semaphore_mem>>) src(%arg24 : memref<8192xf32, #tpu.memory_space<vmem>>) dst(%dma_wait3A_424 : memref<8192xf32, #tpu.memory_space<hbm>>)
    %dma_wait3A_425 = tpu.memref_slice %arg7[%add3A_360] : memref<4194304xf32, #tpu.memory_space<hbm>> -> memref<8192xf32, #tpu.memory_space<hbm>>
    %dma_wait3A_426 = tpu.memref_slice %arg7[%add3A_360] : memref<4194304xf32, #tpu.memory_space<hbm>> -> memref<8192xf32, #tpu.memory_space<hbm>>
    tpu.wait_dma2 semaphore(%arg33 : memref<!tpu.dma_semaphore, #tpu.memory_space<semaphore_mem>>) src(%arg25 : memref<8192xf32, #tpu.memory_space<vmem>>) dst(%dma_wait3A_426 : memref<8192xf32, #tpu.memory_space<hbm>>)
    %dma_wait3A_427 = tpu.memref_slice %arg8[%add3A_360] : memref<4194304xf32, #tpu.memory_space<hbm>> -> memref<8192xf32, #tpu.memory_space<hbm>>
    %dma_wait3A_428 = tpu.memref_slice %arg8[%add3A_360] : memref<4194304xf32, #tpu.memory_space<hbm>> -> memref<8192xf32, #tpu.memory_space<hbm>>
    tpu.wait_dma2 semaphore(%arg33 : memref<!tpu.dma_semaphore, #tpu.memory_space<semaphore_mem>>) src(%arg26 : memref<8192xf32, #tpu.memory_space<vmem>>) dst(%dma_wait3A_428 : memref<8192xf32, #tpu.memory_space<hbm>>)
    %dma_wait3A_429 = tpu.memref_slice %arg9[%add3A_360] : memref<4194304xf32, #tpu.memory_space<hbm>> -> memref<8192xf32, #tpu.memory_space<hbm>>
    %dma_wait3A_430 = tpu.memref_slice %arg9[%add3A_360] : memref<4194304xf32, #tpu.memory_space<hbm>> -> memref<8192xf32, #tpu.memory_space<hbm>>
    tpu.wait_dma2 semaphore(%arg33 : memref<!tpu.dma_semaphore, #tpu.memory_space<semaphore_mem>>) src(%arg27 : memref<8192xf32, #tpu.memory_space<vmem>>) dst(%dma_wait3A_430 : memref<8192xf32, #tpu.memory_space<hbm>>)
    %dma_wait3A_431 = tpu.memref_slice %arg10[%add3A_360] : memref<4194304xf32, #tpu.memory_space<hbm>> -> memref<8192xf32, #tpu.memory_space<hbm>>
    %dma_wait3A_432 = tpu.memref_slice %arg10[%add3A_360] : memref<4194304xf32, #tpu.memory_space<hbm>> -> memref<8192xf32, #tpu.memory_space<hbm>>
    tpu.wait_dma2 semaphore(%arg33 : memref<!tpu.dma_semaphore, #tpu.memory_space<semaphore_mem>>) src(%arg28 : memref<8192xf32, #tpu.memory_space<vmem>>) dst(%dma_wait3A_432 : memref<8192xf32, #tpu.memory_space<hbm>>)
    return
  }
}

</mosaic_0001>

<sc_bundles>
// kernel: kernel.3.cloned.1.call-start
scs
__scs_entry_jumppad:
0x0: {  	(pc) =	sbr.rel $0x88, $3  }
0x1: {  	(tag) =	ssettag $0x0;
	lr =	simm.s32 $0x1  }
0x2: {  	[smem:$0x3F9C] =	sst lr;
	_ =	strace $0xD0000000  }
0x3: {  	_ = 	snop  }
0x4: {  	_ = 	snop  }
0x5: {  	_ = 	snop  }
0x6: {  	_ = 	snop  }
0x7: {  	_ = 	snop  }
__scs_overlays_trampoline_lowered:
0x8: {  	[smem:$0x3FAB] =	sst s0  }
0x9: {  	[smem:$0x3FAC] =	sst s1  }
0xa: {  	[smem:$0x3FAD] =	sst s2  }
0xb: {  	[smem:$0x3FAE] =	sst s3  }
0xc: {  	[smem:$0x3FAF] =	sst s4  }
0xd: {  	[smem:$0x3FB0] =	sst s5  }
0xe: {  	[smem:$0x3FB1] =	sst s6  }
0xf: {  	[smem:$0x3FB2] =	sst s7  }
0x10: {  	[smem:$0x3FB3] =	sst s8  }
0x11: {  	[smem:$0x3FB4] =	sst s9;
	s0 =	simm.s32 @!p0 $0x0  }
0x12: {  	s1 =	sld [smem:$0x3F9A];
	s0 =	simm.s32 @p0 $0x1  }
0x13: {  	[smem:$0x3FB5] =	sst s0;
	s0 =	simm.s32 @!p1 $0x0  }
0x14: {  	s2 =	sld [smem:$0x3F99];
	s0 =	simm.s32 @p1 $0x1  }
0x15: {  	[smem:$0x3FB6] =	sst s0;
	s0 =	simm.s32 @!p2 $0x0  }
0x16: {  	s3 =	sld [smem:$0x3FDB];
	s0 =	simm.s32 @p2 $0x1  }
0x17: {  	s4 =	simm.s32 $0x1BF5;
	[smem:$0x3FB8] =	sst s0  }
0x18: {  	s0 =	sld [smem:$0x3F9B];
	_ =	swait.ge [sflag:s4], $0x0  }
0x19: {  	s7 =	sld [smem:$0x3F9C]  }
0x1a: {  	s8 =	sadd.s32 $0xFFFFE003, lr  }
0x1b: {  	s9 =	sadd.s32 $0xFFFFFEF7, lr;
	s5 =	simm.s32 $0xFFFFFFFF;
	p2 =	slt.u32 s8, $0xFFFFF086  }
0x1c: {  	p1 =	slt.u32 s9, $0xF7A;
	s5 =	simm.s32 @!p2 $0x0  }
0x1d: {  	s5 =	simm.s32 @p1 $0x1;
	p0 =	seq.s32 s7, s2  }
0x1e: {  	s7 =	smul.u32 @!p0 $0xF7A, s2;
	p2 =	seq.s32 @!p0 s5, $0x0  }
0x1f: {  	s9 =	smul.u32 $0xF7A, s1;
	s8 =	simm.s32 @!p0 $0x1BF5;
	p2 =	por !p2, p0  }
0x20: {  	[sflag:s8] =	ssyncset.s32 @!p0 $0xFFFFF086;
	s6 =	sadd.s32 @!p0 s3, s7;
	s7 =	simm.s32 @!p0 $0x108  }
0x21: {  	s3 =	sadd.s32 s3, s9;
	s6 =	sadd.s32 @!p0 $0x88, s6;
	s7 =	simm.s32 @p2 $0x1082  }
0x22: {  	[simem:s7], [sflag:s8] =	dma.local @!p0 [hbm:s6], $0xF7A  }
0x23: {  	s9 =	sor.u32 $0xD0000000, s2;
	s6 =	simm.s32 $0x108;
	_ =	swait.ge @!p0 [sflag:s8], $0x0  }
0x24: {  	s3 =	sadd.s32 $0x88, s3;
	s6 =	simm.s32 @!p1 $0x1082;
	[sflag:s4] =	ssyncset.s32 $0xFFFFF086  }
0x25: {  	[simem:s6], [sflag:s4] =	dma.local [hbm:s3], $0xF7A  }
0x26: {  	[smem:$0x3F9C] =	sst s1;
	(tag) =	ssettag s2;
	_ =	strace s9  }
0x27: {  	s1 =	sld [smem:$0x3FAC]  }
0x28: {  	s2 =	sld [smem:$0x3FAD]  }
0x29: {  	s4 =	sld [smem:$0x3FAF]  }
0x2a: {  	p0 =	seq.s32 s5, $0x0;
	s5 =	sld [smem:$0x3FB0]  }
0x2b: {  	s6 =	sld [smem:$0x3FB1]  }
0x2c: {  	s7 =	sld [smem:$0x3FB2]  }
0x2d: {  	s3 =	simm.s32 $0x108;
	s8 =	sld [smem:$0x3FB3]  }
0x2e: {  	s3 =	simm.s32 @!p0 $0x1082;
	s9 =	sld [smem:$0x3FB4]  }
0x2f: {  	lr =	sadd.s32 s0, s3;
	s0 =	sld [smem:$0x3FAB]  }
0x30: {  	s3 =	sld [smem:$0x3FAE]  }
0x31: {  	[smem:$0x3FB7] =	sst s10  }
0x32: {  	s10 =	sld [smem:$0x3FB5];
	_ =	sdelay $0x3  }
0x33: {  	p0 =	seq.s32 s10, $0x1;
	s10 =	sld [smem:$0x3FB7];
	_ =	sdelay $0x3  }
0x34: {  	[smem:$0x3FB7] =	sst s10  }
0x35: {  	s10 =	sld [smem:$0x3FB6];
	_ =	sdelay $0x3  }
0x36: {  	p1 =	seq.s32 s10, $0x1;
	s10 =	sld [smem:$0x3FB7];
	_ =	sdelay $0x3  }
0x37: {  	[smem:$0x3FB7] =	sst s10  }
0x38: {  	s10 =	sld [smem:$0x3FB8]  }
0x39: {  	_ = 	snop;
	(pc) =	sbr.ind lr, $3  }
0x3a: {  	_ = 	snop  }
0x3b: {  	_ = 	snop  }
0x3c: {  	p2 =	seq.s32 s10, $0x1;
	s10 =	sld [smem:$0x3FB7]  }
0x3d: {  	_ =	shalt  }
0x3e: {  	_ =	shalt  }
0x3f: {  	_ =	shalt  }
0x40: {  	_ =	shalt  }
0x41: {  	_ =	shalt  }
0x42: {  	_ =	shalt  }
0x43: {  	_ =	shalt  }
0x44: {  	_ =	shalt  }
0x45: {  	_ =	shalt  }
0x46: {  	_ =	shalt  }
0x47: {  	_ =	shalt  }
0x48: {  	_ =	shalt  }
0x49: {  	_ =	shalt  }
0x4a: {  	_ =	shalt  }
0x4b: {  	_ =	shalt  }
0x4c: {  	_ =	shalt  }
0x4d: {  	_ =	shalt  }
0x4e: {  	_ =	shalt  }
0x4f: {  	_ =	shalt  }
0x50: {  	_ =	shalt  }
0x51: {  	_ =	shalt  }
0x52: {  	_ =	shalt  }
0x53: {  	_ =	shalt  }
0x54: {  	_ =	shalt  }
0x55: {  	_ =	shalt  }
0x56: {  	_ =	shalt  }
0x57: {  	_ =	shalt  }
0x58: {  	_ =	shalt  }
0x59: {  	_ =	shalt  }
0x5a: {  	_ =	shalt  }
0x5b: {  	_ =	shalt  }
0x5c: {  	_ =	shalt  }
0x5d: {  	_ =	shalt  }
0x5e: {  	_ =	shalt  }
0x5f: {  	_ =	shalt  }
0x60: {  	_ =	shalt  }
0x61: {  	_ =	shalt  }
0x62: {  	_ =	shalt  }
0x63: {  	_ =	shalt  }
0x64: {  	_ =	shalt  }
0x65: {  	_ =	shalt  }
0x66: {  	_ =	shalt  }
0x67: {  	_ =	shalt  }
0x68: {  	_ =	shalt  }
0x69: {  	_ =	shalt  }
0x6a: {  	_ =	shalt  }
0x6b: {  	_ =	shalt  }
0x6c: {  	_ =	shalt  }
0x6d: {  	_ =	shalt  }
0x6e: {  	_ =	shalt  }
0x6f: {  	_ =	shalt  }
0x70: {  	_ =	shalt  }
0x71: {  	_ =	shalt  }
0x72: {  	_ =	shalt  }
0x73: {  	_ =	shalt  }
0x74: {  	_ =	shalt  }
0x75: {  	_ =	shalt  }
0x76: {  	_ =	shalt  }
0x77: {  	_ =	shalt  }
0x78: {  	_ =	shalt  }
0x79: {  	_ =	shalt  }
0x7a: {  	_ =	shalt  }
0x7b: {  	_ =	shalt  }
0x7c: {  	_ =	shalt  }
0x7d: {  	_ =	shalt  }
0x7e: {  	_ =	shalt  }
0x7f: {  	_ =	shalt  }
0x80: {  	_ =	shalt  }
0x81: {  	_ =	shalt  }
0x82: {  	_ =	shalt  }
0x83: {  	_ =	shalt  }
0x84: {  	_ =	shalt  }
0x85: {  	_ =	shalt  }
0x86: {  	_ =	shalt  }
0x87: {  	_ =	shalt  }
.Lfunc_end0:
.L_simem_size_0:
called_computation_lowered:
.L_overlay_start_0:
0x88: {  	s2 =	sld [smem:$0x3FD9]  }
0x89: {  	s3 =	sld [smem:$0x3FFE];
	_ =	sdelay $0x1  }
0x8a: {  	s1 =	srdreg.scid  }
0x8b: {  	s0 =	sand.u32 $0x1, s1  }
0x8c: {  	s14 =	sshll.u32 s0, $0xA;
	s2 =	sadd.s32 s3, s2  }
0x8d: {  	s2 =	sadd.s32 s2, s14  }
0x8e: {  	[smem:$0x3FC3] =	sst s2  }
0x8f: {  	_ = 	snop  }
0x90: {  	s2 =	sld [smem:$0x3FC9]  }
0x91: {  	s15 =	sld [smem:$0x3FC8]  }
0x92: {  	s4 =	sld [smem:$0x3FD0]  }
0x93: {  	s5 =	sld [smem:$0x3FC7]  }
0x94: {  	s6 =	sld [smem:$0x3FC6]  }
0x95: {  	s8 =	simm.s32 $0xA;
	s9 =	simm.s32 $0x10;
	s7 =	sld [smem:$0x3FC5]  }
0x96: {  	[smem:s9], [sflag:s8] =	dma.local [hbm:s4], $0x1  }
0x97: {  	_ =	swait.eq [sflag:s8], $0x1  }
0x98: {  	[sflag:s8] =	ssyncset.done $0x0  }
0x99: {  	s16 =	sld [smem:$0x11];
	[sflag:s8] =	ssyncadd.s32 $0xFFFFFFFF  }
0x9a: {  	s17 =	sld [smem:$0x12];
	(tm) =	ssettm $0x1  }
0x9b: {  	s18 =	sld [smem:$0x3FFB];
	_ =	sdelay $0x3  }
0x9c: {  	_ =	strace s18  }
0x9d: {  	s9 =	sld [smem:$0x3FFC];
	_ =	sdelay $0x3  }
0x9e: {  	_ =	strace s9  }
0x9f: {  	s9 =	sld [smem:$0x3FFD];
	_ =	sdelay $0x3  }
0xa0: {  	_ =	strace s9  }
0xa1: {  	_ =	strace $0x8FFFFFFF  }
0xa2: {  	s19 =	sld [smem:$0x3FDB];
	_ =	sdelay $0x1  }
0xa3: {  	s10 =	simm.s32 $_scs_section_size  }
0xa4: {  	s11 =	simm.s32 $_size__tile_overlayer_lowered;
	s12 =	simm.s32 $_tile_overlayer_lowered  }
0xa5: {  	s22 =	simm.s32 $0x1BFF;
	s21 =	sshll.u32 s12, $0x1;
	s9 =	sadd.s32 s10, s19  }
0xa6: {  	s13 =	simm.s32 $0x0;
	s20 =	sshll.u32 s11, $0x1;
	s11 =	sadd.s32 s21, s9  }
0xa7: {  	[timem:s13], [sflag:s22] =	dma.local [hbm:s11], s20  }
0xa8: {  	_ =	swait.ge [sflag:s22], s20  }
0xa9: {  	s10 =	ssub.s32 $0x0, s20;
	[sflag:s22] =	ssyncset.done $0x0  }
0xaa: {  	[sflag:s22] =	ssyncadd.s32 s10;
	_ =	sdelay $0x1  }
0xab: {  	s23 =	simm.s32 $0x1B8B  }
0xac: {  	_ =	swait.ge [sflag:s23], $0x1  }
0xad: {  	[sflag:s23] =	ssyncset.done $0x0  }
0xae: {  	s25 =	simm.s32 $0x1B8E;
	s24 =	sld [smem:$0x3FFE];
	[sflag:s23] =	ssyncadd.s32 $0xFFFFFFFF  }
0xaf: {  	s26 =	simm.s32 $execute0_lowered;
	[smem:$0x3FD2] =	sst s25  }
0xb0: {  	s11 =	sshll.u32 s26, $0x1;
	_ =	strace $0x80000046;
	[dreg:$0x1] =	wrdreg $0xFFFFFFFF  }
0xb1: {  	s28 =	simm.s32 $_size_execute0_lowered;
	s9 =	sadd.s32 s9, s11;
	[dreg:$0x0] =	wrdreg $0x0  }
0xb2: {  	s11 =	sshll.u32 s28, $0x1;
	[dreg:$0x2] =	wrdreg s9  }
0xb3: {  	[dreg:$0x3] =	wrdreg s11  }
0xb4: {  	[dreg:$0x4] =	wrdreg $0xC0  }
0xb5: {  	_ =	task [dreg:s13], $0x5FFFF  }
0xb6: {  	[dreg:$0x1] =	wrdreg $0xFFFFFFFF  }
0xb7: {  	[dreg:$0x0] =	wrdreg $0x60  }
0xb8: {  	[dreg:$0x2] =	wrdreg s2  }
0xb9: {  	[dreg:$0x3] =	wrdreg s15  }
0xba: {  	[dreg:$0x4] =	wrdreg s5  }
0xbb: {  	[dreg:$0x5] =	wrdreg s6  }
0xbc: {  	[dreg:$0x6] =	wrdreg s7  }
0xbd: {  	[dreg:$0x7] =	wrdreg s24  }
0xbe: {  	[dreg:$0x8] =	wrdreg s16  }
0xbf: {  	[dreg:$0x9] =	wrdreg s17  }
0xc0: {  	[dreg:$0xa] =	wrdreg $0x9  }
0xc1: {  	_ =	task.clear_ibuf [dreg:s13], $0xBFFFF;
	_ =	strace $0x90000046  }
0xc2: {  	s29 =	simm.s32 $0x9;
	_ =	strace $0x80000048  }
0xc3: {  	_ =	swait.ge [sflag:s29], $0x1  }
0xc4: {  	[sflag:s29] =	ssyncadd.s32 $0xFFFFFFFF  }
0xc5: {  	_ =	strace $0x90000048  }
0xc6: {  	_ =	sfence  }
0xc7: {  	s30 =	sld [smem:$0x0];
	_ =	sdelay $0x2  }
0xc8: {  	s31 =	sshll.u32 s1, $0xD;
	s1 =	sshrl.u32 s1, $0x2  }
0xc9: {  	s3 =	sand.u32 $0x4000, s31;
	s1 =	sadd.s32 s1, s30  }
0xca: {  	s0 =	sor.u32 s3, s0;
	s1 =	sshll.u32 s1, $0x11  }
0xcb: {  	s0 =	sor.u32 s1, s0  }
0xcc: {  	s0 =	sadd.s32 $0x8F2B, s0  }
0xcd: {  	[sflag:s0] =	ssyncadd.remote.s32 $0x1  }
0xce: {  	_ =	sfence.sel $0xFFFF  }
0xcf: {  	[dreg:$0x0] =	wrdreg $0xFFFFFFFF;
	(pc) =	sbr.abs _section_cstart, $3  }
0xd0: {  	[dreg:$0x1] =	wrdreg $0xFFFFFFFF  }
0xd1: {  	_ =	task.clear_ibuf [dreg:s13], $0x2FFFF;
	_ =	strace $0x9FFFFFFF  }
0xd2: {  	(tm) =	ssettm $0x7FFFFFFF  }
0xd3: {  	_ =	shalt  }
tec
execute0_lowered:
.L_overlay_start_1:
0x0: {  	(tag) =	ssettag $0x1  }
0x1: {  	s4 =	rddreg [dreg:$0x0];
	s5 =	srdreg.scid  }
0x2: {  	s3 =	rddreg [dreg:$0x5];
	s6 =	stileid.u32;
	s5 =	sand.u32 $0x1, s5  }
0x3: {  	s2 =	rddreg [dreg:$0x6];
	s7 =	sshll.u32 s6, $0xF;
	s8 =	sshll.u32 s5, $0xE  }
0x4: {  	s0 =	rddreg [dreg:$0x7];
	s1 =	simm.s32 $0x0;
	s7 =	sor.u32 s8, s7  }
0x5: {  	[smem:$0x7FF] =	sst s1;
	s8 =	sor.u32 $0x400, s7  }
0x6: {  	s6 =	sadd.s32 $0x800, s3;
	s16 =	sor.u32 $0x800, s7;
	s15 =	sadd.s32 s4, s8  }
0x7: {  	s9 =	ssub.s32 $0x2, s5;
	s10 =	sadd.s32 s4, s16;
	[dreg:$0x9] =	wrdreg s15  }
0x8: {  	s5 =	sadd.s32 $0x80800, s3;
	s17 =	sadd.s32 s6, s8;
	[dreg:$0xa] =	wrdreg s10  }
0x9: {  	s18 =	sadd.s32 s5, s8;
	[dreg:$0xb] =	wrdreg s17  }
0xa: {  	s19 =	sadd.s32 s2, s8;
	[dreg:$0xc] =	wrdreg s18  }
0xb: {  	s20 =	sor.u32 $0xC00, s7;
	s8 =	sadd.s32 s0, s8;
	[dreg:$0xd] =	wrdreg s19  }
0xc: {  	s21 =	sadd.s32 s4, s20;
	[dreg:$0xe] =	wrdreg s8  }
0xd: {  	s22 =	sadd.s32 s6, s16;
	[dreg:$0xf] =	wrdreg s21  }
0xe: {  	s14 =	sshrl.u32 s9, $0x1;
	s23 =	sadd.s32 s5, s16;
	[dreg:$0x10] =	wrdreg s22  }
0xf: {  	s3 =	ssub.s32 s9, s14;
	s24 =	sadd.s32 s2, s16;
	[dreg:$0x11] =	wrdreg s23  }
0x10: {  	s25 =	sor.u32 $0x1000, s7;
	s9 =	sadd.s32 s0, s16;
	[dreg:$0x12] =	wrdreg s24  }
0x11: {  	s26 =	sadd.s32 s4, s25;
	[dreg:$0x13] =	wrdreg s9  }
0x12: {  	s11 =	sadd.s32 s6, s20;
	[dreg:$0x14] =	wrdreg s26  }
0x13: {  	s12 =	sadd.s32 s5, s20;
	[dreg:$0x15] =	wrdreg s11  }
0x14: {  	s13 =	sadd.s32 s2, s20;
	[dreg:$0x16] =	wrdreg s12  }
0x15: {  	s16 =	sadd.s32 s5, s25;
	[dreg:$0x17] =	wrdreg s13  }
0x16: {  	s8 =	sadd.s32 s0, s20;
	[dreg:$0x1a] =	wrdreg s16  }
0x17: {  	s15 =	sadd.s32 s6, s25;
	[dreg:$0x18] =	wrdreg s8  }
0x18: {  	s17 =	sadd.s32 s2, s25;
	[dreg:$0x19] =	wrdreg s15  }
0x19: {  	s14 =	sor.u32 $0x1400, s7;
	s9 =	sadd.s32 s0, s25;
	[dreg:$0x1b] =	wrdreg s17  }
0x1a: {  	s18 =	sadd.s32 s4, s14;
	[dreg:$0x1c] =	wrdreg s9  }
0x1b: {  	s20 =	sadd.s32 s6, s14;
	[dreg:$0x1d] =	wrdreg s18  }
0x1c: {  	s21 =	sadd.s32 s5, s14;
	[dreg:$0x1e] =	wrdreg s20  }
0x1d: {  	s22 =	sadd.s32 s2, s14;
	[dreg:$0x1f] =	wrdreg s21  }
0x1e: {  	s19 =	sor.u32 $0x1800, s7;
	[smem:$0x7C4] =	sst s22;
	s8 =	sadd.s32 s0, s14  }
0x1f: {  	s23 =	sadd.s32 s4, s19;
	[smem:$0x7C5] =	sst s8  }
0x20: {  	s25 =	sadd.s32 s6, s19;
	[smem:$0x7C6] =	sst s23  }
0x21: {  	s26 =	sadd.s32 s5, s19;
	[smem:$0x7C7] =	sst s25  }
0x22: {  	s11 =	sadd.s32 s2, s19;
	[smem:$0x7C8] =	sst s26  }
0x23: {  	s24 =	sor.u32 $0x1C00, s7;
	s9 =	sadd.s32 s0, s19;
	[smem:$0x7C9] =	sst s11  }
0x24: {  	s12 =	sadd.s32 s4, s24;
	[smem:$0x7CA] =	sst s9  }
0x25: {  	s14 =	sadd.s32 s6, s24;
	[smem:$0x7CB] =	sst s12  }
0x26: {  	s15 =	sadd.s32 s5, s24;
	[smem:$0x7CC] =	sst s14  }
0x27: {  	s13 =	sor.u32 $0x2000, s7;
	s16 =	sadd.s32 s2, s24;
	[smem:$0x7CD] =	sst s15  }
0x28: {  	s17 =	sadd.s32 s4, s13;
	[smem:$0x7CE] =	sst s16  }
0x29: {  	s19 =	sadd.s32 s6, s13;
	[smem:$0x7D0] =	sst s17  }
0x2a: {  	s20 =	sadd.s32 s5, s13;
	[smem:$0x7D1] =	sst s19  }
0x2b: {  	s21 =	sadd.s32 s2, s13;
	[smem:$0x7D2] =	sst s20  }
0x2c: {  	s8 =	sadd.s32 s0, s24;
	[smem:$0x7D3] =	sst s21  }
0x2d: {  	s18 =	sor.u32 $0x2400, s7;
	s9 =	sadd.s32 s0, s13;
	[smem:$0x7CF] =	sst s8  }
0x2e: {  	s22 =	sadd.s32 s4, s18;
	[smem:$0x7D4] =	sst s9  }
0x2f: {  	s24 =	sadd.s32 s6, s18;
	[smem:$0x7D5] =	sst s22  }
0x30: {  	s25 =	sadd.s32 s5, s18;
	[smem:$0x7D6] =	sst s24  }
0x31: {  	s26 =	sadd.s32 s2, s18;
	[smem:$0x7D7] =	sst s25  }
0x32: {  	s23 =	sor.u32 $0x2800, s7;
	[smem:$0x7D8] =	sst s26;
	s8 =	sadd.s32 s0, s18  }
0x33: {  	s11 =	sadd.s32 s4, s23;
	[smem:$0x7D9] =	sst s8  }
0x34: {  	s13 =	sadd.s32 s6, s23;
	[smem:$0x7DA] =	sst s11  }
0x35: {  	s14 =	sadd.s32 s5, s23;
	[smem:$0x7DB] =	sst s13  }
0x36: {  	s15 =	sadd.s32 s2, s23;
	[smem:$0x7DC] =	sst s14  }
0x37: {  	s12 =	sor.u32 $0x2C00, s7;
	s9 =	sadd.s32 s0, s23;
	[smem:$0x7DD] =	sst s15  }
0x38: {  	s16 =	sadd.s32 s4, s12;
	[smem:$0x7DE] =	sst s9  }
0x39: {  	s18 =	sadd.s32 s6, s12;
	[smem:$0x7DF] =	sst s16  }
0x3a: {  	s19 =	sadd.s32 s5, s12;
	[smem:$0x7E0] =	sst s18  }
0x3b: {  	s17 =	sor.u32 $0x3000, s7;
	s20 =	sadd.s32 s2, s12;
	[smem:$0x7E1] =	sst s19  }
0x3c: {  	s21 =	sadd.s32 s4, s17;
	[smem:$0x7E2] =	sst s20  }
0x3d: {  	s23 =	sadd.s32 s6, s17;
	[smem:$0x7E4] =	sst s21  }
0x3e: {  	s24 =	sadd.s32 s5, s17;
	[smem:$0x7E5] =	sst s23  }
0x3f: {  	s25 =	sadd.s32 s2, s17;
	[smem:$0x7E6] =	sst s24  }
0x40: {  	s8 =	sadd.s32 s0, s12;
	[smem:$0x7E7] =	sst s25  }
0x41: {  	s22 =	sor.u32 $0x3400, s7;
	s9 =	sadd.s32 s0, s17;
	[smem:$0x7E3] =	sst s8  }
0x42: {  	s26 =	sadd.s32 s4, s22;
	[smem:$0x7E8] =	sst s9  }
0x43: {  	s10 =	sadd.s32 s6, s22;
	[smem:$0x7E9] =	sst s26  }
0x44: {  	s11 =	sadd.s32 s5, s22;
	[smem:$0x7EA] =	sst s10  }
0x45: {  	s12 =	sadd.s32 s2, s22;
	[smem:$0x7EB] =	sst s11  }
0x46: {  	s13 =	sadd.s32 s4, s7;
	[smem:$0x7EC] =	sst s12  }
0x47: {  	s14 =	sadd.s32 s6, s7;
	[smem:$0x7EE] =	sst s13  }
0x48: {  	s15 =	sadd.s32 s5, s7;
	[smem:$0x7EF] =	sst s14  }
0x49: {  	s16 =	sadd.s32 s2, s7;
	[smem:$0x7F0] =	sst s15  }
0x4a: {  	v0 =	vimm.s32 $0x3E7;
	vm0 =	vcmask $0x300;
	s17 =	sadd.s32 s0, s7;
	[smem:$0x7F1] =	sst s16  }
0x4b: {  	vm14 =	vcmask $0x704;
	v0 =	vsel vm0, $0x3E8, v0;
	s18 =	sor.u32 $0x3800, s7;
	s8 =	sadd.s32 s0, s22;
	[smem:$0x7F2] =	sst s17  }
0x4c: {  	vm15 =	vcmask $0xB08;
	v0 =	vsel vm14, $0x3E9, v0;
	s7 =	sor.u32 $0x3C00, s7;
	s19 =	sadd.s32 s4, s18;
	[smem:$0x7ED] =	sst s8  }
0x4d: {  	vm4 =	vcmask $0xF0C;
	s28 =	simm.s32 $0x400;
	v0 =	vsel vm15, $0x3EA, v0;
	s4 =	sadd.s32 s4, s7;
	[smem:$0x7F3] =	sst s19  }
0x4e: {  	vm5 =	vcmask $0x1310;
	s29 =	simm.s32 $0x800;
	v0 =	vsel vm4, $0x3EB, v0;
	s20 =	sadd.s32 s6, s18;
	[smem:$0x7F4] =	sst s4  }
0x4f: {  	vm6 =	vcmask $0x1714;
	s30 =	simm.s32 $0xC00;
	v0 =	vsel vm5, $0x3EC, v0;
	s21 =	sadd.s32 s5, s18;
	[smem:$0x7F5] =	sst s20  }
0x50: {  	vm7 =	vcmask $0x1B18;
	s31 =	simm.s32 $0x5000;
	v0 =	vsel vm6, $0x3ED, v0;
	s22 =	sadd.s32 s2, s18;
	[smem:$0x7F6] =	sst s21  }
0x51: {  	vm8 =	vcmask $0x1F1C;
	v0 =	vsel vm7, $0x3EE, v0;
	s23 =	sadd.s32 s0, s18;
	s24 =	sadd.s32 s6, s7;
	[smem:$0x7F7] =	sst s22  }
0x52: {  	vm9 =	vcmask $0x2320;
	v0 =	vsel vm8, $0x3EF, v0;
	s25 =	sadd.s32 s5, s7;
	s2 =	sadd.s32 s2, s7;
	[smem:$0x7F8] =	sst s23  }
0x53: {  	vm10 =	vcmask $0x2724;
	v0 =	vsel vm9, $0x3E0, v0;
	s0 =	sadd.s32 s0, s7;
	s26 =	smax.u32 s3, $0x1;
	[smem:$0x7F9] =	sst s24  }
0x54: {  	vm11 =	vcmask $0x2B28;
	v0 =	vsel vm10, $0x3E1, v0;
	s3 =	simm.s32 $0xB000;
	s12 =	simm.s32 $0x1B000;
	[smem:$0x7FA] =	sst s25  }
0x55: {  	vm12 =	vcmask $0x2F2C;
	v0 =	vsel vm11, $0x3E2, v0;
	s13 =	simm.s32 $0x3;
	s14 =	simm.s32 $0x4;
	[smem:$0x7FB] =	sst s2  }
0x56: {  	vm13 =	vcmask $0x3330;
	s15 =	simm.s32 $0x5;
	s16 =	simm.s32 $0x0;
	[smem:$0x7FC] =	sst s0;
	v0 =	vsel vm12, $0x3E3, v0  }
0x57: {  	vm14 =	vcmask $0x3734;
	s23 =	simm.s32 $0x6;
	s24 =	simm.s32 $0x1000;
	s25 =	simm.s32 $0x3000;
	v0 =	vsel vm13, $0x3E4, v0  }
0x58: {  	vm15 =	vcmask $0x3B38;
	s0 =	simm.s32 $0x7000;
	s2 =	simm.s32 $0x9000;
	s4 =	simm.s32 $0x2;
	v0 =	vsel vm14, $0x3E5, v0  }
0x59: {  	_ =	strace $0x80000047;
	[smem:$0x7FD] =	sst s26;
	s26 =	simm.s32 $0x1;
	v0 =	vsel vm15, $0x3E6, v0  }
.LBB2_1:
0x5a: {  	s5 =	rddreg [dreg:$0x1]  }
0x5b: {  	[tilespmem:s1], [sflag:$0x6] =	stream.linear.gather [hbm4b:s5+s1], $0x3E8, $0x38;
	[tilespmem:$0x1D000] =	vst v63  }
0x5c: {  	_ =	swait.ge [sflag:s23], $0x3E8  }
0x5d: {  	[sflag:s23] =	ssyncset.done $0x0  }
0x5e: {  	[sflag:s23] =	ssyncadd.s32 $0xFFFFFC18  }
0x5f: {  	s9 =	rddreg [dreg:$0x2]  }
0x60: {  	[tilespmem:s28], [sflag:$0x6] =	stream.linear.gather [hbm4b:s9+s1], $0x3E8, $0x38;
	[tilespmem:$0x1D000] =	vst v63  }
0x61: {  	_ =	swait.ge [sflag:s23], $0x3E8  }
0x62: {  	[sflag:s23] =	ssyncset.done $0x0  }
0x63: {  	[sflag:s23] =	ssyncadd.s32 $0xFFFFFC18  }
0x64: {  	s10 =	rddreg [dreg:$0x3]  }
0x65: {  	[tilespmem:s29], [sflag:$0x6] =	stream.linear.gather [hbm4b:s10+s1], $0x3E8, $0x38;
	[tilespmem:$0x1D000] =	vst v63  }
0x66: {  	_ =	swait.ge [sflag:s23], $0x3E8  }
0x67: {  	[sflag:s23] =	ssyncset.done $0x0  }
0x68: {  	[sflag:s23] =	ssyncadd.s32 $0xFFFFFC18  }
0x69: {  	s11 =	rddreg [dreg:$0x4]  }
0x6a: {  	[tilespmem:s30], [sflag:$0x6] =	stream.linear.gather [hbm4b:s11+s1], $0x3E8, $0x38;
	[tilespmem:$0x1D000] =	vst v63  }
0x6b: {  	_ =	swait.ge [sflag:s23], $0x3E8  }
0x6c: {  	[sflag:s23] =	ssyncset.done $0x0  }
0x6d: {  	[sflag:s23] =	ssyncadd.s32 $0xFFFFFC18  }
0x6e: {  	v1 =	vld [tilespmem:s1+$0x0];
	_ =	sdelay $0x4  }
0x6f: {  	v1 =	vmul.f32 $1.442695020e+00, v1;
	_ =	sdelay $0x1  }
0x70: {  	(erf) = vpow2.f32 v1;
	_ =	sdelay $0x3  }
0x71: {  	s17 =	simm.s32 $0x10  }
0x72: {  	v1 =	vld [tilespmem:s17+$0x0];
	_ =	sdelay $0x3  }
0x73: {  	s6 =	simm.s32 $0x0;
	v2 =	vpop (erf)  }
0x74: {  	v3 =	vmov s6;
	v1 =	vmul.f32 $1.442695020e+00, v1;
	v2 =	vadd.f32 $2.000000000e+00, v2  }
0x75: {  	vm0 =	veq.s32 v3, v0  }
0x76: {  	(erf) = vpow2.f32 v1;
	v1 =	vsel vm0, $0x447A0000, v2  }
0x77: {  	[tilespmem:s1+$0x0] =	vst v1  }
0x78: {  	s18 =	simm.s32 $0x20;
	v1 =	vld [tilespmem:s28+$0x0]  }
0x79: {  	v2 =	vld [tilespmem:s18+$0x0];
	_ =	sdelay $0x3  }
0x7a: {  	v1 =	vmul.f32 $1.442695020e+00, v1  }
0x7b: {  	v2 =	vmul.f32 $1.442695020e+00, v2  }
0x7c: {  	s7 =	simm.s32 $0x10;
	v3 =	vpop (erf);
	(erf) = vpow2.f32 v1  }
0x7d: {  	v4 =	vmov s7;
	v3 =	vadd.f32 $2.000000000e+00, v3;
	(erf) = vpow2.f32 v2  }
0x7e: {  	vm1 =	veq.s32 v4, v0  }
0x7f: {  	v1 =	vsel vm1, $0x447A0000, v3  }
0x80: {  	s19 =	simm.s32 $0x410;
	[tilespmem:s17+$0x0] =	vst v1  }
0x81: {  	s20 =	simm.s32 $0x30;
	v1 =	vld [tilespmem:s19+$0x0]  }
0x82: {  	v2 =	vld [tilespmem:s20+$0x0];
	_ =	sdelay $0x2  }
0x83: {  	vm0 =	vmmov vm0;
	v4 =	vpop (erf)  }
0x84: {  	s8 =	simm.s32 $0x20;
	vm2 =	vmmov vm0;
	v1 =	vmul.f32 $1.442695020e+00, v1;
	v4 =	vmul.f32 $-5.135743620e+00, v4;
	v5 =	vpop (erf)  }
0x85: {  	v3 =	vmov s8;
	v2 =	vmul.f32 $1.442695020e+00, v2;
	v5 =	vadd.f32 $2.000000000e+00, v5  }
0x86: {  	vm0 =	veq.s32 v3, v0;
	(erf) = vpow2.f32 v1;
	v1 =	vsel vm2, $0x0, v4  }
0x87: {  	(erf) = vpow2.f32 v2;
	v2 =	vsel vm0, $0x447A0000, v5;
	[tilespmem:s28+$0x0] =	vst v1  }
0x88: {  	s21 =	simm.s32 $0x420;
	[tilespmem:s18+$0x0] =	vst v2;
	v1 =	vld [tilespmem:s29+$0x0]  }
0x89: {  	s9 =	simm.s32 $0x40;
	v2 =	vld [tilespmem:s21+$0x0]  }
0x8a: {  	v3 =	vld [tilespmem:s9+$0x0];
	_ =	sdelay $0x2  }
0x8b: {  	v1 =	vsub.f32 $0.0e+00, v1  }
0x8c: {  	v2 =	vmul.f32 $1.442695020e+00, v2  }
0x8d: {  	vm1 =	vmmov vm1;
	v3 =	vmul.f32 $1.442695020e+00, v3;
	v5 =	vpop (erf);
	v1 =	vmul.f32 $1.442695020e+00, v1  }
0x8e: {  	s22 =	simm.s32 $0x30;
	vm1 =	vmmov vm1;
	v5 =	vmul.f32 $-5.135743620e+00, v5;
	v6 =	vpop (erf);
	(erf) = vpow2.f32 v2  }
0x8f: {  	v4 =	vmov s22;
	v6 =	vadd.f32 $2.000000000e+00, v6;
	(erf) = vpow2.f32 v1  }
0x90: {  	vm3 =	veq.s32 v4, v0;
	v2 =	vsel vm1, $0x0, v5;
	(erf) = vpow2.f32 v3  }
0x91: {  	s6 =	simm.s32 $0x810;
	v1 =	vsel vm3, $0x447A0000, v6;
	[tilespmem:s19+$0x0] =	vst v2  }
0x92: {  	s10 =	simm.s32 $0x430;
	[tilespmem:s20+$0x0] =	vst v1;
	v1 =	vld [tilespmem:s6+$0x0]  }
0x93: {  	v2 =	vld [tilespmem:s10+$0x0]  }
0x94: {  	s11 =	simm.s32 $0x50  }
0x95: {  	v3 =	vld [tilespmem:s11+$0x0];
	_ =	sdelay $0x1  }
0x96: {  	vm0 =	vmmov vm0;
	v1 =	vsub.f32 $0.0e+00, v1;
	v4 =	vpop (erf)  }
0x97: {  	s7 =	simm.s32 $0x40;
	vm0 =	vmmov vm0;
	v2 =	vmul.f32 $1.442695020e+00, v2;
	v54 =	vpop (erf)  }
0x98: {  	v5 =	vmov s7;
	v1 =	vmul.f32 $1.442695020e+00, v1;
	v4 =	vmul.f32 $-5.135743620e+00, v4;
	v7 =	vpop (erf)  }
0x99: {  	v3 =	vmul.f32 $1.442695020e+00, v3;
	(erf) = vpow2.f32 v2;
	v2 =	vadd.f32 $2.000000000e+00, v7  }
0x9a: {  	vm4 =	veq.s32 v5, v0;
	(erf) = vpow2.f32 v1;
	v1 =	vsel vm0, $0x0, v4  }
0x9b: {  	s18 =	simm.s32 $0x820;
	(erf) = vpow2.f32 v3;
	[tilespmem:s21+$0x0] =	vst v1;
	v2 =	vsel vm4, $0x447A0000, v2  }
0x9c: {  	s17 =	simm.s32 $0x440;
	v1 =	vadd.f32 $1.000000000e+00, v54;
	[tilespmem:s9+$0x0] =	vst v2;
	v2 =	vld [tilespmem:s18+$0x0]  }
0x9d: {  	s22 =	simm.s32 $0x60;
	v3 =	vld [tilespmem:s17+$0x0]  }
0x9e: {  	(erf) = vrcp.f32 v1;
	v1 =	vld [tilespmem:s22+$0x0];
	_ =	sdelay $0x2  }
0x9f: {  	v2 =	vsub.f32 $0.0e+00, v2  }
0xa0: {  	vm5 =	vmmov vm2;
	v4 =	vpop (erf);
	v3 =	vmul.f32 $1.442695020e+00, v3  }
0xa1: {  	vm2 =	vmmov vm3;
	v1 =	vmul.f32 $1.442695020e+00, v1;
	v55 =	vpop (erf);
	v2 =	vmul.f32 $1.442695020e+00, v2  }
0xa2: {  	vm2 =	vmmov vm2;
	s9 =	simm.s32 $0x50;
	v4 =	vmul.f32 $-5.135743620e+00, v4;
	v56 =	vpop (erf);
	(erf) = vpow2.f32 v3  }
0xa3: {  	v5 =	vmov s9;
	v7 =	vadd.f32 $2.000000000e+00, v56;
	(erf) = vpow2.f32 v2  }
0xa4: {  	vm3 =	veq.s32 v5, v0;
	v3 =	vsel vm2, $0x0, v4;
	(erf) = vpow2.f32 v1  }
0xa5: {  	s20 =	simm.s32 $0x830;
	[tilespmem:s10+$0x0] =	vst v3;
	v1 =	vsel vm3, $0x447A0000, v7  }
0xa6: {  	vm5 =	vmmov vm5;
	[tilespmem:s11+$0x0] =	vst v1;
	s11 =	simm.s32 $0x450;
	v1 =	vld [tilespmem:s20+$0x0]  }
0xa7: {  	vm5 =	vmmov vm5;
	v2 =	vadd.f32 $1.000000000e+00, v55;
	v3 =	vpop (erf);
	v4 =	vld [tilespmem:s11+$0x0]  }
0xa8: {  	s19 =	simm.s32 $0x70;
	v3 =	vsel vm5, $0x447A0000, v3  }
0xa9: {  	vm1 =	vmmov vm1;
	(erf) = vrcp.f32 v2;
	[tilespmem:s29+$0x0] =	vst v3;
	v3 =	vld [tilespmem:s19+$0x0]  }
0xaa: {  	vm1 =	vmmov vm1;
	v2 =	vld [tilespmem:s30+$0x0]  }
0xab: {  	vm6 =	vmmov vm4;
	s21 =	simm.s32 $0x60;
	vm4 =	vmmov vm1;
	v1 =	vsub.f32 $0.0e+00, v1;
	v57 =	vpop (erf)  }
0xac: {  	vm1 =	vmmov vm6;
	v5 =	vmov s21;
	v4 =	vmul.f32 $1.442695020e+00, v4;
	v58 =	vpop (erf)  }
0xad: {  	vm6 =	veq.s32 v5, v0;
	v1 =	vmul.f32 $1.442695020e+00, v1;
	v6 =	vmul.f32 $-5.135743620e+00, v57;
	v8 =	vpop (erf)  }
0xae: {  	v3 =	vmul.f32 $1.442695020e+00, v3;
	(erf) = vpow2.f32 v4;
	v4 =	vadd.f32 $2.000000000e+00, v8  }
0xaf: {  	v2 =	vsub.f32 $0.0e+00, v2;
	(erf) = vpow2.f32 v1;
	v5 =	vsel vm1, $0x0, v6  }
0xb0: {  	s21 =	simm.s32 $0x840;
	v1 =	vadd.f32 $1.000000000e+00, v58;
	(erf) = vpow2.f32 v3;
	[tilespmem:s17+$0x0] =	vst v5;
	v3 =	vsel vm6, $0x447A0000, v4  }
0xb1: {  	v2 =	vmul.f32 $1.442695020e+00, v2;
	[tilespmem:s22+$0x0] =	vst v3;
	v3 =	vld [tilespmem:s21+$0x0]  }
0xb2: {  	s5 =	simm.s32 $0x460;
	vm0 =	vmmov vm0;
	v59 =	vpop (erf);
	(erf) = vrcp.f32 v1  }
0xb3: {  	s7 =	simm.s32 $0x80;
	vm7 =	vmmov vm0;
	v4 =	vsel vm4, $0x447A0000, v59;
	(erf) = vpow2.f32 v2;
	v2 =	vld [tilespmem:s5+$0x0]  }
0xb4: {  	v60 =	vld [tilespmem:s7+$0x0];
	vm9 =	vmmov vm4;
	vm10 =	vmmov vm3;
	vm2 =	vmmov vm2;
	s17 =	simm.s32 $0xC10;
	s22 =	simm.s32 $0x70;
	[tilespmem:s6+$0x0] =	vst v4  }
0xb5: {  	vm8 =	vmmov vm2;
	vm5 =	vmmov vm5;
	v4 =	vmov s22;
	v5 =	vld [tilespmem:s17+$0x0]  }
0xb6: {  	vm3 =	vmmov vm7;
	vm0 =	vmmov vm5;
	v3 =	vsub.f32 $0.0e+00, v3  }
0xb7: {  	vm7 =	vmmov vm6;
	vm5 =	vmmov vm1;
	vm2 =	vmmov vm0;
	v61 =	vpop (erf)  }
0xb8: {  	vm6 =	veq.s32 v4, v0;
	v2 =	vmul.f32 $1.442695020e+00, v2;
	v4 =	vpop (erf);
	v3 =	vmul.f32 $1.442695020e+00, v3  }
0xb9: {  	v6 =	vmul.f32 $1.442695020e+00, v60;
	vm4 =	vmmov vm10;
	v7 =	vmul.f32 $-5.135743620e+00, v61;
	v62 =	vpop (erf)  }
0xba: {  	v5 =	vsub.f32 $0.0e+00, v5;
	(erf) = vpow2.f32 v2;
	v2 =	vadd.f32 $2.000000000e+00, v62  }
0xbb: {  	v4 =	vadd.f32 $1.000000000e+00, v4;
	v63 =	vpop (erf);
	v7 =	vsel vm4, $0x0, v7;
	(erf) = vpow2.f32 v3  }
0xbc: {  	s9 =	simm.s32 $0x850;
	v5 =	vmul.f32 $1.442695020e+00, v5;
	[tilespmem:s11+$0x0] =	vst v7;
	v2 =	vsel vm6, $0x447A0000, v2;
	v3 =	vpop (erf);
	(erf) = vpow2.f32 v6  }
0xbd: {  	s8 =	simm.s32 $0xC20;
	vm0 =	vmmov vm9;
	[tilespmem:s19+$0x0] =	vst v2;
	v2 =	vld [tilespmem:s9+$0x0];
	(erf) = vrcp.f32 v4;
	v4 =	vadd.f32 $1.000000000e+00, v3  }
0xbe: {  	s10 =	simm.s32 $0x80;
	vm1 =	vmmov vm8;
	s6 =	simm.s32 $0x470;
	s22 =	simm.s32 $0x850;
	v8 =	vsel vm3, $0x447A0000, v63;
	(erf) = vpow2.f32 v5  }
0xbf: {  	v1 =	vmov s10;
	s11 =	simm.s32 $0x80;
	vm3 =	vmmov vm3;
	[tilespmem:s18+$0x0] =	vst v8;
	s18 =	simm.s32 $0xC20;
	s19 =	simm.s32 $0xC00;
	v3 =	vld [tilespmem:s6+$0x0];
	(erf) = vrcp.f32 v4  }
.LBB2_2:
0xc0: {  	s10 =	sadd.s32 $0x10, s10;
	s7 =	sadd.s32 $0x10, s7;
	v4 =	vld [tilespmem:s8+$0x0];
	vm8 =	vmmov vm5;
	vm5 =	vmmov vm4;
	vm4 =	vmmov vm7  }
0xc1: {  	vm7 =	vmmov vm6;
	v5 =	vmov s10;
	v6 =	vld [tilespmem:s7+$0x0];
	p0 =	slt.u32 s10, $0x3F0  }
0xc2: {  	v2 =	vsub.f32 $0.0e+00, v2  }
0xc3: {  	s8 =	sadd.s32 $0x10, s8;
	v7 =	vpop (erf)  }
0xc4: {  	vm6 =	veq.s32 v1, v0;
	v9 =	vmul.f32 $1.442695020e+00, v3;
	v3 =	vmul.f32 $-5.135743620e+00, v7;
	v7 =	vpop (erf)  }
0xc5: {  	v2 =	vmul.f32 $1.442695020e+00, v2;
	v8 =	vpop (erf);
	v7 =	vadd.f32 $1.000000000e+00, v7;
	v10 =	vsub.f32 $0.0e+00, v4  }
0xc6: {  	s9 =	sadd.s32 $0x10, s9;
	v6 =	vmul.f32 $1.442695020e+00, v6;
	v8 =	vadd.f32 $2.000000000e+00, v8;
	(erf) = vpow2.f32 v9;
	v1 =	vpop (erf)  }
.Ltmp0:
0xc7: {  	v3 =	vsel vm4, $0x0, v3;
	(erf) = vpow2.f32 v2;
	v9 =	vsel vm1, $0x447A0000, v1;
	v1 =	vpop (erf);
	(pc) =	sbr.rel @p0 .LBB2_2-.Ltmp0, $4  }
0xc8: {  	(erf) = vpow2.f32 v6;
	v2 =	vsel vm6, $0x447A0000, v8;
	[tilespmem:s5+$0x0] =	vst v3;
	v3 =	vmul.f32 $1.442695020e+00, v10;
	v4 =	vpop (erf);
	s5 =	smov.u32 s6  }
0xc9: {  	s6 =	sadd.s32 $0x10, s6;
	v6 =	vadd.f32 $1.000000000e+00, v1;
	v1 =	vmovc v5;
	[tilespmem:s11+$0x0] =	vst v2;
	v2 =	vld [tilespmem:s9+$0x0];
	(erf) = vrcp.f32 v7;
	v4 =	vsel vm2, $0x447A0000, v4;
	s11 =	smov.u32 s7  }
0xca: {  	vm2 =	vmmov vm0;
	vm0 =	vmmov vm3;
	(erf) = vpow2.f32 v3;
	[tilespmem:s19+$0x0] =	vst v4;
	s19 =	smov.u32 s17;
	s17 =	smov.u32 s18;
	s18 =	smov.u32 s8  }
0xcb: {  	vm3 =	vmmov vm1;
	vm1 =	vmmov vm8;
	v3 =	vld [tilespmem:s6+$0x0];
	[tilespmem:s20+$0x0] =	vst v9;
	(erf) = vrcp.f32 v6;
	s20 =	smov.u32 s21;
	s21 =	smov.u32 s22;
	s22 =	smov.u32 s9  }
0xcc: {  	_ =	sdelay $0x2  }
0xcd: {  	v4 =	vpop (erf)  }
0xce: {  	v5 =	vpop (erf)  }
0xcf: {  	v6 =	vpop (erf)  }
0xd0: {  	v6 =	vadd.f32 $2.000000000e+00, v6  }
0xd1: {  	v7 =	vld [tilespmem:s8+$0x0];
	vm8 =	veq.s32 v1, v0  }
0xd2: {  	v2 =	vsub.f32 $0.0e+00, v2;
	v1 =	vsel vm8, $0x447A0000, v6  }
0xd3: {  	[tilespmem:s11+$0x0] =	vst v1;
	v1 =	vmul.f32 $1.442695020e+00, v3  }
0xd4: {  	s7 =	sadd.s32 $0x10, s6;
	v2 =	vmul.f32 $1.442695020e+00, v2  }
0xd5: {  	v4 =	vmul.f32 $-5.135743620e+00, v4;
	v3 =	vld [tilespmem:s7+$0x0]  }
0xd6: {  	vm7 =	vmmov vm7;
	v6 =	vsub.f32 $0.0e+00, v7;
	(erf) = vpow2.f32 v1  }
0xd7: {  	v5 =	vadd.f32 $1.000000000e+00, v5;
	v4 =	vsel vm7, $0x0, v4;
	v1 =	vpop (erf)  }
0xd8: {  	s9 =	sadd.s32 $0x10, s9;
	[tilespmem:s5+$0x0] =	vst v4;
	v6 =	vmul.f32 $1.442695020e+00, v6;
	(erf) = vpow2.f32 v2;
	v2 =	vpop (erf)  }
0xd9: {  	v4 =	vld [tilespmem:s9+$0x0];
	(erf) = vrcp.f32 v5;
	v2 =	vadd.f32 $1.000000000e+00, v2  }
0xda: {  	(erf) = vpow2.f32 v6;
	v3 =	vmul.f32 $1.442695020e+00, v3  }
0xdb: {  	v1 =	vsel vm1, $0x447A0000, v1;
	(erf) = vrcp.f32 v2  }
0xdc: {  	s5 =	sadd.s32 $0x10, s8;
	[tilespmem:s20+$0x0] =	vst v1;
	(erf) = vpow2.f32 v3  }
0xdd: {  	v1 =	vld [tilespmem:s5+$0x0]  }
0xde: {  	v3 =	vsub.f32 $0.0e+00, v4;
	v2 =	vpop (erf)  }
0xdf: {  	v4 =	vpop (erf)  }
0xe0: {  	vm6 =	vmmov vm6;
	v3 =	vmul.f32 $1.442695020e+00, v3;
	v4 =	vmul.f32 $-5.135743620e+00, v4  }
0xe1: {  	vm5 =	vmmov vm5;
	vm6 =	vmmov vm6;
	v5 =	vpop (erf)  }
0xe2: {  	v1 =	vsub.f32 $0.0e+00, v1;
	v6 =	vpop (erf);
	v5 =	vadd.f32 $1.000000000e+00, v5;
	v4 =	vsel vm6, $0x0, v4  }
0xe3: {  	vm5 =	vmmov vm5;
	s10 =	sadd.s32 $0x10, s9;
	(erf) = vpow2.f32 v3;
	v7 =	vpop (erf);
	[tilespmem:s6+$0x0] =	vst v4  }
0xe4: {  	v1 =	vmul.f32 $1.442695020e+00, v1;
	(erf) = vrcp.f32 v5;
	v5 =	vsel vm5, $0x447A0000, v6;
	v6 =	vld [tilespmem:s10+$0x0];
	v3 =	vpop (erf)  }
0xe5: {  	v4 =	vpop (erf)  }
0xe6: {  	vm8 =	vmmov vm8;
	(erf) = vpow2.f32 v1;
	v1 =	vmul.f32 $-5.135743620e+00, v4  }
0xe7: {  	vm8 =	vmmov vm8;
	s6 =	sadd.s32 $0x10, s5;
	[tilespmem:s21+$0x0] =	vst v5  }
0xe8: {  	v4 =	vld [tilespmem:s6+$0x0];
	v1 =	vsel vm8, $0x0, v1  }
0xe9: {  	s11 =	sadd.s32 $0x10, s10;
	v5 =	vsub.f32 $0.0e+00, v6;
	[tilespmem:s7+$0x0] =	vst v1  }
0xea: {  	v1 =	vld [tilespmem:s11+$0x0]  }
0xeb: {  	v5 =	vmul.f32 $1.442695020e+00, v5  }
0xec: {  	v6 =	vadd.f32 $1.000000000e+00, v7  }
0xed: {  	vm4 =	vmmov vm4;
	v7 =	vpop (erf);
	v4 =	vsub.f32 $0.0e+00, v4  }
0xee: {  	vm4 =	vmmov vm4;
	(erf) = vrcp.f32 v6;
	v6 =	vadd.f32 $1.000000000e+00, v7;
	v7 =	vpop (erf)  }
0xef: {  	(erf) = vpow2.f32 v5;
	v4 =	vmul.f32 $1.442695020e+00, v4;
	v5 =	vpop (erf);
	v1 =	vsub.f32 $0.0e+00, v1  }
0xf0: {  	vm4 =	vmmov vm4;
	(erf) = vrcp.f32 v6;
	v5 =	vadd.f32 $1.000000000e+00, v5  }
0xf1: {  	(erf) = vpow2.f32 v4;
	v4 =	vsel vm4, $0x447A0000, v7;
	v1 =	vmul.f32 $1.442695020e+00, v1  }
0xf2: {  	s8 =	sadd.s32 $0x10, s6;
	[tilespmem:s22+$0x0] =	vst v4;
	(erf) = vrcp.f32 v5  }
0xf3: {  	(erf) = vpow2.f32 v1;
	v1 =	vld [tilespmem:s8+$0x0];
	_ =	sdelay $0x3  }
0xf4: {  	v4 =	vpop (erf)  }
0xf5: {  	vm7 =	vmmov vm7;
	v5 =	vpop (erf);
	v1 =	vsub.f32 $0.0e+00, v1  }
0xf6: {  	vm7 =	vmmov vm7;
	v6 =	vpop (erf);
	v5 =	vadd.f32 $1.000000000e+00, v5  }
0xf7: {  	vm7 =	vmmov vm7;
	v7 =	vpop (erf);
	v1 =	vmul.f32 $1.442695020e+00, v1  }
0xf8: {  	v6 =	vsel vm7, $0x447A0000, v6;
	(erf) = vrcp.f32 v5;
	v5 =	vadd.f32 $1.000000000e+00, v7;
	v8 =	vpop (erf)  }
0xf9: {  	s21 =	sadd.s32 $0x10, s8;
	[tilespmem:s9+$0x0] =	vst v6;
	v7 =	vpop (erf);
	(erf) = vpow2.f32 v1  }
0xfa: {  	v1 =	vadd.f32 $1.000000000e+00, v7;
	(erf) = vrcp.f32 v5;
	v5 =	vld [tilespmem:s21+$0x0];
	_ =	sdelay $0x1  }
0xfb: {  	(erf) = vrcp.f32 v1;
	_ =	sdelay $0x2  }
0xfc: {  	v1 =	vsub.f32 $0.0e+00, v5;
	_ =	sdelay $0x1  }
0xfd: {  	vm6 =	vmmov vm6;
	v1 =	vmul.f32 $1.442695020e+00, v1  }
0xfe: {  	vm6 =	vmmov vm6;
	v5 =	vpop (erf)  }
0xff: {  	vm6 =	vmmov vm6;
	vm8 =	vmmov vm8;
	v6 =	vpop (erf)  }
0x100: {  	vm8 =	vmmov vm8;
	v5 =	vsel vm6, $0x447A0000, v5;
	v7 =	vpop (erf);
	(erf) = vpow2.f32 v1  }
0x101: {  	vm8 =	vmmov vm8;
	s22 =	sadd.s32 $0x10, s21;
	[tilespmem:s10+$0x0] =	vst v5;
	v1 =	vpop (erf)  }
0x102: {  	v5 =	vld [tilespmem:s22+$0x0];
	v1 =	vsel vm8, $0x447A0000, v1  }
0x103: {  	s20 =	sadd.s32 $0x10, s22;
	[tilespmem:s11+$0x0] =	vst v1  }
0x104: {  	v1 =	vld [tilespmem:s20+$0x0];
	_ =	sdelay $0x2  }
0x105: {  	v5 =	vsub.f32 $0.0e+00, v5  }
0x106: {  	v6 =	vadd.f32 $1.000000000e+00, v6  }
0x107: {  	v5 =	vmul.f32 $1.442695020e+00, v5;
	v9 =	vpop (erf);
	v1 =	vsub.f32 $0.0e+00, v1  }
0x108: {  	(erf) = vrcp.f32 v6;
	v6 =	vadd.f32 $1.000000000e+00, v9  }
0x109: {  	(erf) = vpow2.f32 v5;
	v1 =	vmul.f32 $1.442695020e+00, v1  }
0x10a: {  	(erf) = vrcp.f32 v6  }
0x10b: {  	(erf) = vpow2.f32 v1;
	_ =	sdelay $0x5  }
0x10c: {  	v1 =	vpop (erf)  }
0x10d: {  	v5 =	vpop (erf)  }
0x10e: {  	v6 =	vpop (erf)  }
0x10f: {  	v5 =	vadd.f32 $1.000000000e+00, v5;
	v9 =	vpop (erf)  }
0x110: {  	v9 =	vadd.f32 $1.000000000e+00, v9  }
0x111: {  	vm0 =	vmmov vm0;
	(erf) = vrcp.f32 v5  }
0x112: {  	vm10 =	vmmov vm3;
	vm13 =	vmmov vm5;
	(erf) = vrcp.f32 v9  }
0x113: {  	vm11 =	vmmov vm1;
	vm12 =	vmmov vm10;
	vm15 =	vmmov vm13  }
0x114: {  	vm10 =	vmmov vm7;
	vm1 =	vmmov vm11;
	v2 =	vsel vm2, $0x447A0000, v2  }
0x115: {  	vm14 =	vmmov vm1;
	[tilespmem:s19+$0x0] =	vst v2;
	vm5 =	vmmov vm15;
	v3 =	vsel vm0, $0x447A0000, v3  }
0x116: {  	vm13 =	vmmov vm6;
	[tilespmem:s17+$0x0] =	vst v3;
	vm4 =	vmmov vm4;
	v4 =	vsel vm12, $0x447A0000, v4  }
0x117: {  	vm15 =	vmmov vm13;
	vm9 =	vmmov vm4;
	[tilespmem:s18+$0x0] =	vst v4;
	v2 =	vsel vm14, $0x447A0000, v8  }
0x118: {  	vm11 =	vmmov vm9;
	vm12 =	vmmov vm10;
	[tilespmem:s5+$0x0] =	vst v2;
	v3 =	vsel vm5, $0x447A0000, v7  }
0x119: {  	vm4 =	vmmov vm8;
	vm14 =	vmmov vm12;
	[tilespmem:s6+$0x0] =	vst v3;
	v1 =	vsel vm11, $0x447A0000, v1  }
0x11a: {  	vm6 =	vmmov vm4;
	vm5 =	vmmov vm15;
	[tilespmem:s8+$0x0] =	vst v1;
	v1 =	vsel vm14, $0x447A0000, v6;
	v2 =	vpop (erf)  }
0x11b: {  	vm7 =	vmmov vm6;
	[tilespmem:s21+$0x0] =	vst v1;
	v1 =	vsel vm5, $0x447A0000, v2;
	v2 =	vpop (erf)  }
0x11c: {  	[tilespmem:s22+$0x0] =	vst v1;
	v1 =	vsel vm7, $0x447A0000, v2  }
0x11d: {  	[tilespmem:s20+$0x0] =	vst v1  }
0x11e: {  	s5 =	sld [smem:$0x7EE];
	_ =	sdelay $0x2  }
0x11f: {  	[tilespmem:s24], [sflag:$0x1] =	stream.linear.gather [hbm4b:s5+s1], $0x2000, $0x38;
	[tilespmem:$0x1D000] =	vst v63  }
0x120: {  	s21 =	rddreg [dreg:$0x9]  }
0x121: {  	[tilespmem:s25], [sflag:$0x2] =	stream.linear.gather [hbm4b:s21+s1], $0x2000, $0x38;
	[tilespmem:$0x1D000] =	vst v63  }
0x122: {  	_ =	swait.ge [sflag:s26], $0x2000  }
0x123: {  	[sflag:s26] =	ssyncset.done $0x0  }
0x124: {  	s22 =	simm.s32 $0x1040;
	[sflag:s26] =	ssyncadd.s32 $0xFFFFE000  }
0x125: {  	v1 =	vld [tilespmem:s22+$0x30]  }
0x126: {  	v2 =	vld [tilespmem:s22+$0xFFFFFFD0]  }
0x127: {  	v3 =	vld [tilespmem:s22+$0xFFFFFFE0]  }
0x128: {  	v4 =	vld [tilespmem:s22+$0xFFFFFFF0]  }
0x129: {  	v5 =	vld [tilespmem:s22+$0x0]  }
0x12a: {  	v6 =	vld [tilespmem:s22+$0x10];
	vm8 =	vlt.s32 v1, $0x0  }
0x12b: {  	v7 =	vld [tilespmem:s22+$0x20];
	vm9 =	vlt.s32 v2, $0x0;
	v8 =	vsel vm8, $0x3E8, v1  }
0x12c: {  	v10 =	vld [tilespmem:s22+$0xFFFFFFC0];
	vm10 =	vlt.s32 v3, $0x0;
	v9 =	vsel vm9, $0x3E8, v2  }
0x12d: {  	vm11 =	vlt.s32 v4, $0x0;
	v11 =	vsel vm10, $0x3E8, v3  }
0x12e: {  	vm12 =	vlt.s32 v5, $0x0;
	v12 =	vsel vm11, $0x3E8, v4  }
0x12f: {  	vm13 =	vlt.s32 v6, $0x0;
	v13 =	vsel vm12, $0x3E8, v5  }
0x130: {  	vm14 =	vlt.s32 v7, $0x0;
	v1 =	vsel vm13, $0x3E8, v6;
	v4 =	vld.idx.msk [tilespmem:v8+s1+$0x0], $0xffff  }
0x131: {  	vm15 =	vlt.s32 v10, $0x0;
	v2 =	vsel vm14, $0x3E8, v7;
	v5 =	vld.idx.msk [tilespmem:v9+s1+$0x0], $0xffff  }
0x132: {  	v3 =	vsel vm15, $0x3E8, v10;
	v6 =	vld.idx.msk [tilespmem:v11+s1+$0x0], $0xffff  }
0x133: {  	v7 =	vld.idx.msk [tilespmem:v12+s1+$0x0], $0xffff  }
0x134: {  	v10 =	vld.idx.msk [tilespmem:v13+s1+$0x0], $0xffff  }
0x135: {  	s17 =	simm.s32 $0x5040;
	v14 =	vld.idx.msk [tilespmem:v1+s1+$0x0], $0xffff  }
0x136: {  	v15 =	vld.idx.msk [tilespmem:v2+s1+$0x0], $0xffff;
	[tilespmem:s17+$0x30] =	vst v4  }
0x137: {  	[tilespmem:s17+$0xFFFFFFD0] =	vst v5;
	v5 =	vld.idx.msk [tilespmem:v3+s1+$0x0], $0xffff  }
0x138: {  	[tilespmem:s17+$0xFFFFFFE0] =	vst v6;
	v4 =	vld.idx.msk [tilespmem:v8+s28+$0x0], $0xffff  }
0x139: {  	[tilespmem:s17+$0xFFFFFFF0] =	vst v7;
	v6 =	vld.idx.msk [tilespmem:v9+s28+$0x0], $0xffff  }
0x13a: {  	[tilespmem:s17+$0x0] =	vst v10;
	v7 =	vld.idx.msk [tilespmem:v11+s28+$0x0], $0xffff  }
0x13b: {  	[tilespmem:s17+$0x10] =	vst v14;
	v10 =	vld.idx.msk [tilespmem:v12+s28+$0x0], $0xffff  }
0x13c: {  	[tilespmem:s17+$0x20] =	vst v15;
	v60 =	vld.idx.msk [tilespmem:v13+s28+$0x0], $0xffff  }
0x13d: {  	s18 =	simm.s32 $0x7040;
	v61 =	vld.idx.msk [tilespmem:v1+s28+$0x0], $0xffff;
	[tilespmem:s17+$0xFFFFFFC0] =	vst v5  }
0x13e: {  	[tilespmem:s18+$0x30] =	vst v4;
	v5 =	vld.idx.msk [tilespmem:v3+s28+$0x0], $0xffff  }
0x13f: {  	[tilespmem:s18+$0xFFFFFFD0] =	vst v6;
	v6 =	vld.idx.msk [tilespmem:v2+s28+$0x0], $0xffff  }
0x140: {  	[tilespmem:s18+$0xFFFFFFE0] =	vst v7;
	v4 =	vld.idx.msk [tilespmem:v8+s29+$0x0], $0xffff  }
0x141: {  	[tilespmem:s18+$0xFFFFFFF0] =	vst v10;
	v7 =	vld.idx.msk [tilespmem:v9+s29+$0x0], $0xffff  }
0x142: {  	[tilespmem:s18+$0x0] =	vst v60;
	v10 =	vld.idx.msk [tilespmem:v11+s29+$0x0], $0xffff  }
0x143: {  	[tilespmem:s18+$0x10] =	vst v61;
	v62 =	vld.idx.msk [tilespmem:v12+s29+$0x0], $0xffff  }
0x144: {  	v63 =	vld.idx.msk [tilespmem:v13+s29+$0x0], $0xffff;
	[tilespmem:s18+$0xFFFFFFC0] =	vst v5  }
0x145: {  	s5 =	simm.s32 $0x9040;
	[tilespmem:s18+$0x20] =	vst v6;
	v6 =	vld.idx.msk [tilespmem:v1+s29+$0x0], $0xffff  }
0x146: {  	[tilespmem:s5+$0x30] =	vst v4;
	v17 =	vld.idx.msk [tilespmem:v3+s29+$0x0], $0xffff  }
0x147: {  	[tilespmem:s5+$0xFFFFFFD0] =	vst v7;
	v16 =	vld.idx.msk [tilespmem:v8+s30+$0x0], $0xffff  }
0x148: {  	[tilespmem:s5+$0xFFFFFFE0] =	vst v10;
	v7 =	vld.idx.msk [tilespmem:v2+s29+$0x0], $0xffff  }
0x149: {  	[tilespmem:s5+$0xFFFFFFF0] =	vst v62;
	v4 =	vld.idx.msk [tilespmem:v9+s30+$0x0], $0xffff  }
0x14a: {  	[tilespmem:s5+$0x0] =	vst v63;
	v5 =	vld.idx.msk [tilespmem:v11+s30+$0x0], $0xffff  }
0x14b: {  	s19 =	simm.s32 $0xB040;
	v8 =	vld.idx.msk [tilespmem:v12+s30+$0x0], $0xffff;
	[tilespmem:s5+$0xFFFFFFC0] =	vst v17  }
0x14c: {  	s6 =	simm.s32 $0x0;
	s20 =	simm.s32 $0x10C0;
	v9 =	vld.idx.msk [tilespmem:v13+s30+$0x0], $0xffff;
	[tilespmem:s19+$0x30] =	vst v16  }
.LBB2_4:
0x14d: {  	v10 =	vld [tilespmem:s20+$0x30];
	s6 =	sadd.s32 $0x80, s6;
	[tilespmem:s5+$0x10] =	vst v6  }
0x14e: {  	v6 =	vld [tilespmem:s20+$0xFFFFFFD0];
	p0 =	slt.u32 s6, $0x1F80;
	[tilespmem:s5+$0x20] =	vst v7  }
0x14f: {  	v7 =	vld [tilespmem:s20+$0xFFFFFFE0];
	[tilespmem:s19+$0xFFFFFFD0] =	vst v4  }
0x150: {  	v4 =	vld [tilespmem:s20+$0xFFFFFFF0];
	[tilespmem:s19+$0xFFFFFFE0] =	vst v5  }
0x151: {  	v5 =	vld [tilespmem:s20+$0x0];
	[tilespmem:s19+$0xFFFFFFF0] =	vst v8  }
0x152: {  	v8 =	vld [tilespmem:s20+$0x10];
	vm0 =	vlt.s32 v10, $0x0;
	[tilespmem:s19+$0x0] =	vst v9  }
0x153: {  	vm1 =	vlt.s32 v6, $0x0;
	v9 =	vld [tilespmem:s20+$0x20];
	v10 =	vsel vm0, $0x3E8, v10  }
0x154: {  	v11 =	vld [tilespmem:s20+$0xFFFFFFC0];
	v12 =	vsel vm1, $0x3E8, v6;
	vm0 =	vlt.s32 v7, $0x0  }
0x155: {  	v13 =	vsel vm0, $0x3E8, v7;
	vm0 =	vlt.s32 v4, $0x0;
	v6 =	vld.idx.msk [tilespmem:v3+s30+$0x0], $0xffff  }
0x156: {  	v14 =	vsel vm0, $0x3E8, v4;
	vm0 =	vlt.s32 v5, $0x0;
	v4 =	vld.idx.msk [tilespmem:v1+s30+$0x0], $0xffff  }
0x157: {  	v15 =	vsel vm0, $0x3E8, v5;
	vm0 =	vlt.s32 v8, $0x0;
	v5 =	vld.idx.msk [tilespmem:v2+s30+$0x0], $0xffff  }
0x158: {  	v1 =	vsel vm0, $0x3E8, v8;
	vm0 =	vlt.s32 v9, $0x0;
	v7 =	vld.idx.msk [tilespmem:v10+s1+$0x0], $0xffff  }
0x159: {  	vm1 =	vlt.s32 v11, $0x0;
	v8 =	vld.idx.msk [tilespmem:v12+s1+$0x0], $0xffff;
	v2 =	vsel vm0, $0x3E8, v9  }
0x15a: {  	v3 =	vsel vm1, $0x3E8, v11;
	v9 =	vld.idx.msk [tilespmem:v13+s1+$0x0], $0xffff  }
0x15b: {  	v11 =	vld.idx.msk [tilespmem:v14+s1+$0x0], $0xffff;
	[tilespmem:s19+$0xFFFFFFC0] =	vst v6  }
0x15c: {  	v6 =	vld.idx.msk [tilespmem:v15+s1+$0x0], $0xffff;
	[tilespmem:s19+$0x10] =	vst v4  }
0x15d: {  	s17 =	sadd.s32 $0x80, s17;
	v4 =	vld.idx.msk [tilespmem:v1+s1+$0x0], $0xffff;
	[tilespmem:s19+$0x20] =	vst v5  }
0x15e: {  	v5 =	vld.idx.msk [tilespmem:v2+s1+$0x0], $0xffff;
	[tilespmem:s17+$0x30] =	vst v7  }
0x15f: {  	[tilespmem:s17+$0xFFFFFFD0] =	vst v8;
	v7 =	vld.idx.msk [tilespmem:v10+s28+$0x0], $0xffff  }
0x160: {  	v8 =	vld.idx.msk [tilespmem:v3+s1+$0x0], $0xffff;
	[tilespmem:s17+$0xFFFFFFE0] =	vst v9  }
0x161: {  	v9 =	vld.idx.msk [tilespmem:v12+s28+$0x0], $0xffff;
	[tilespmem:s17+$0xFFFFFFF0] =	vst v11  }
0x162: {  	v11 =	vld.idx.msk [tilespmem:v13+s28+$0x0], $0xffff;
	[tilespmem:s17+$0x0] =	vst v6  }
0x163: {  	v6 =	vld.idx.msk [tilespmem:v14+s28+$0x0], $0xffff;
	[tilespmem:s17+$0x10] =	vst v4  }
0x164: {  	s18 =	sadd.s32 $0x80, s18;
	v4 =	vld.idx.msk [tilespmem:v15+s28+$0x0], $0xffff;
	[tilespmem:s17+$0x20] =	vst v5  }
0x165: {  	v5 =	vld.idx.msk [tilespmem:v1+s28+$0x0], $0xffff;
	[tilespmem:s18+$0x30] =	vst v7  }
0x166: {  	[tilespmem:s17+$0xFFFFFFC0] =	vst v8;
	v7 =	vld.idx.msk [tilespmem:v10+s29+$0x0], $0xffff  }
0x167: {  	v8 =	vld.idx.msk [tilespmem:v3+s28+$0x0], $0xffff;
	[tilespmem:s18+$0xFFFFFFD0] =	vst v9  }
0x168: {  	[tilespmem:s18+$0xFFFFFFE0] =	vst v11;
	v9 =	vld.idx.msk [tilespmem:v2+s28+$0x0], $0xffff  }
0x169: {  	v11 =	vld.idx.msk [tilespmem:v12+s29+$0x0], $0xffff;
	[tilespmem:s18+$0xFFFFFFF0] =	vst v6  }
0x16a: {  	v16 =	vld.idx.msk [tilespmem:v13+s29+$0x0], $0xffff;
	[tilespmem:s18+$0x0] =	vst v4  }
0x16b: {  	s5 =	sadd.s32 $0x80, s5;
	v17 =	vld.idx.msk [tilespmem:v14+s29+$0x0], $0xffff;
	[tilespmem:s18+$0x10] =	vst v5  }
0x16c: {  	v18 =	vld.idx.msk [tilespmem:v15+s29+$0x0], $0xffff;
	[tilespmem:s5+$0x30] =	vst v7  }
0x16d: {  	[tilespmem:s18+$0xFFFFFFC0] =	vst v8;
	v10 =	vld.idx.msk [tilespmem:v10+s30+$0x0], $0xffff  }
0x16e: {  	v19 =	vld.idx.msk [tilespmem:v3+s29+$0x0], $0xffff;
	[tilespmem:s18+$0x20] =	vst v9  }
0x16f: {  	[tilespmem:s5+$0xFFFFFFD0] =	vst v11;
	v6 =	vld.idx.msk [tilespmem:v1+s29+$0x0], $0xffff  }
.Ltmp1:
0x170: {  	[tilespmem:s5+$0xFFFFFFE0] =	vst v16;
	v7 =	vld.idx.msk [tilespmem:v2+s29+$0x0], $0xffff;
	(pc) =	sbr.rel @p0 .LBB2_4-.Ltmp1, $4  }
0x171: {  	v4 =	vld.idx.msk [tilespmem:v12+s30+$0x0], $0xffff;
	[tilespmem:s5+$0xFFFFFFF0] =	vst v17  }
0x172: {  	s19 =	sadd.s32 $0x80, s19;
	v5 =	vld.idx.msk [tilespmem:v13+s30+$0x0], $0xffff;
	[tilespmem:s5+$0x0] =	vst v18  }
0x173: {  	v8 =	vld.idx.msk [tilespmem:v14+s30+$0x0], $0xffff;
	[tilespmem:s19+$0x30] =	vst v10  }
0x174: {  	s20 =	sadd.s32 $0x80, s20;
	[tilespmem:s5+$0xFFFFFFC0] =	vst v19;
	v9 =	vld.idx.msk [tilespmem:v15+s30+$0x0], $0xffff  }
0x175: {  	_ =	sdelay $0x2  }
0x176: {  	[tilespmem:s5+$0x10] =	vst v6  }
0x177: {  	[tilespmem:s5+$0x20] =	vst v7;
	v3 =	vld.idx.msk [tilespmem:v3+s30+$0x0], $0xffff  }
0x178: {  	[tilespmem:s19+$0xFFFFFFD0] =	vst v4;
	v1 =	vld.idx.msk [tilespmem:v1+s30+$0x0], $0xffff  }
0x179: {  	v2 =	vld.idx.msk [tilespmem:v2+s30+$0x0], $0xffff;
	[tilespmem:s19+$0xFFFFFFE0] =	vst v5  }
0x17a: {  	[tilespmem:s19+$0xFFFFFFF0] =	vst v8  }
0x17b: {  	[tilespmem:s19+$0x0] =	vst v9  }
0x17c: {  	[tilespmem:s19+$0xFFFFFFC0] =	vst v3  }
0x17d: {  	[tilespmem:s19+$0x10] =	vst v1  }
0x17e: {  	[tilespmem:s19+$0x20] =	vst v2  }
0x17f: {  	s5 =	sld [smem:$0x7EF];
	_ =	sdelay $0x1  }
0x180: {  	s18 =	sld [smem:$0x7F0]  }
0x181: {  	[hbm4b:s5+s1] =	stream.linear.scatter [tilespmem:s31], [sflag:$0x3], $0x2000, $0x38;
	[tilespmem:$0x1D000] =	vst v63  }
0x182: {  	s19 =	sld [smem:$0x7F1]  }
0x183: {  	[hbm4b:s18+s1] =	stream.linear.scatter [tilespmem:s0], [sflag:$0x3], $0x2000, $0x38;
	[tilespmem:$0x1D000] =	vst v63  }
0x184: {  	s20 =	sld [smem:$0x7F2]  }
0x185: {  	[hbm4b:s19+s1] =	stream.linear.scatter [tilespmem:s2], [sflag:$0x3], $0x2000, $0x38;
	[tilespmem:$0x1D000] =	vst v63  }
0x186: {  	_ = 	snop  }
0x187: {  	[hbm4b:s20+s1] =	stream.linear.scatter [tilespmem:s3], [sflag:$0x3], $0x2000, $0x38;
	[tilespmem:$0x1D000] =	vst v63  }
0x188: {  	s21 =	rddreg [dreg:$0xa]  }
0x189: {  	[tilespmem:s24], [sflag:$0x1] =	stream.linear.gather [hbm4b:s21+s1], $0x2000, $0x38;
	[tilespmem:$0x1D000] =	vst v63  }
0x18a: {  	_ =	swait.ge [sflag:s4], $0x2000  }
0x18b: {  	[sflag:s4] =	ssyncset.done $0x0  }
0x18c: {  	s22 =	simm.s32 $0x3040;
	[sflag:s4] =	ssyncadd.s32 $0xFFFFE000  }
0x18d: {  	v1 =	vld [tilespmem:s22+$0x30]  }
0x18e: {  	v2 =	vld [tilespmem:s22+$0xFFFFFFD0]  }
0x18f: {  	v3 =	vld [tilespmem:s22+$0xFFFFFFE0]  }
0x190: {  	v4 =	vld [tilespmem:s22+$0xFFFFFFF0]  }
0x191: {  	v5 =	vld [tilespmem:s22+$0x0]  }
0x192: {  	v6 =	vld [tilespmem:s22+$0x10];
	vm0 =	vlt.s32 v1, $0x0  }
0x193: {  	v7 =	vld [tilespmem:s22+$0x20];
	vm1 =	vlt.s32 v2, $0x0;
	v8 =	vsel vm0, $0x3E8, v1  }
0x194: {  	v10 =	vld [tilespmem:s22+$0xFFFFFFC0];
	vm10 =	vlt.s32 v3, $0x0;
	v9 =	vsel vm1, $0x3E8, v2  }
0x195: {  	vm11 =	vlt.s32 v4, $0x0;
	v11 =	vsel vm10, $0x3E8, v3  }
0x196: {  	vm12 =	vlt.s32 v5, $0x0;
	v12 =	vsel vm11, $0x3E8, v4  }
0x197: {  	vm13 =	vlt.s32 v6, $0x0;
	v13 =	vsel vm12, $0x3E8, v5  }
0x198: {  	vm14 =	vlt.s32 v7, $0x0;
	v1 =	vsel vm13, $0x3E8, v6;
	v4 =	vld.idx.msk [tilespmem:v8+s1+$0x0], $0xffff  }
0x199: {  	vm15 =	vlt.s32 v10, $0x0;
	v2 =	vsel vm14, $0x3E8, v7;
	v5 =	vld.idx.msk [tilespmem:v9+s1+$0x0], $0xffff  }
0x19a: {  	v3 =	vsel vm15, $0x3E8, v10;
	v6 =	vld.idx.msk [tilespmem:v11+s1+$0x0], $0xffff  }
0x19b: {  	v7 =	vld.idx.msk [tilespmem:v12+s1+$0x0], $0xffff  }
0x19c: {  	v10 =	vld.idx.msk [tilespmem:v13+s1+$0x0], $0xffff  }
0x19d: {  	s17 =	simm.s32 $0xD040;
	v14 =	vld.idx.msk [tilespmem:v1+s1+$0x0], $0xffff  }
0x19e: {  	v15 =	vld.idx.msk [tilespmem:v2+s1+$0x0], $0xffff;
	[tilespmem:s17+$0x30] =	vst v4  }
0x19f: {  	[tilespmem:s17+$0xFFFFFFD0] =	vst v5;
	v5 =	vld.idx.msk [tilespmem:v3+s1+$0x0], $0xffff  }
0x1a0: {  	[tilespmem:s17+$0xFFFFFFE0] =	vst v6;
	v4 =	vld.idx.msk [tilespmem:v8+s28+$0x0], $0xffff  }
0x1a1: {  	[tilespmem:s17+$0xFFFFFFF0] =	vst v7;
	v6 =	vld.idx.msk [tilespmem:v9+s28+$0x0], $0xffff  }
0x1a2: {  	[tilespmem:s17+$0x0] =	vst v10;
	v7 =	vld.idx.msk [tilespmem:v11+s28+$0x0], $0xffff  }
0x1a3: {  	[tilespmem:s17+$0x10] =	vst v14;
	v10 =	vld.idx.msk [tilespmem:v12+s28+$0x0], $0xffff  }
0x1a4: {  	[tilespmem:s17+$0x20] =	vst v15;
	v60 =	vld.idx.msk [tilespmem:v13+s28+$0x0], $0xffff  }
0x1a5: {  	s18 =	simm.s32 $0xF040;
	v61 =	vld.idx.msk [tilespmem:v1+s28+$0x0], $0xffff;
	[tilespmem:s17+$0xFFFFFFC0] =	vst v5  }
0x1a6: {  	[tilespmem:s18+$0x30] =	vst v4;
	v5 =	vld.idx.msk [tilespmem:v3+s28+$0x0], $0xffff  }
0x1a7: {  	[tilespmem:s18+$0xFFFFFFD0] =	vst v6;
	v6 =	vld.idx.msk [tilespmem:v2+s28+$0x0], $0xffff  }
0x1a8: {  	[tilespmem:s18+$0xFFFFFFE0] =	vst v7;
	v4 =	vld.idx.msk [tilespmem:v8+s29+$0x0], $0xffff  }
0x1a9: {  	[tilespmem:s18+$0xFFFFFFF0] =	vst v10;
	v7 =	vld.idx.msk [tilespmem:v9+s29+$0x0], $0xffff  }
0x1aa: {  	[tilespmem:s18+$0x0] =	vst v60;
	v10 =	vld.idx.msk [tilespmem:v11+s29+$0x0], $0xffff  }
0x1ab: {  	[tilespmem:s18+$0x10] =	vst v61;
	v62 =	vld.idx.msk [tilespmem:v12+s29+$0x0], $0xffff  }
0x1ac: {  	v63 =	vld.idx.msk [tilespmem:v13+s29+$0x0], $0xffff;
	[tilespmem:s18+$0xFFFFFFC0] =	vst v5  }
0x1ad: {  	s5 =	simm.s32 $0x11040;
	[tilespmem:s18+$0x20] =	vst v6;
	v6 =	vld.idx.msk [tilespmem:v1+s29+$0x0], $0xffff  }
0x1ae: {  	[tilespmem:s5+$0x30] =	vst v4;
	v17 =	vld.idx.msk [tilespmem:v3+s29+$0x0], $0xffff  }
0x1af: {  	[tilespmem:s5+$0xFFFFFFD0] =	vst v7;
	v16 =	vld.idx.msk [tilespmem:v8+s30+$0x0], $0xffff  }
0x1b0: {  	[tilespmem:s5+$0xFFFFFFE0] =	vst v10;
	v7 =	vld.idx.msk [tilespmem:v2+s29+$0x0], $0xffff  }
0x1b1: {  	s6 =	simm.s32 $0x0;
	[tilespmem:s5+$0xFFFFFFF0] =	vst v62;
	v4 =	vld.idx.msk [tilespmem:v9+s30+$0x0], $0xffff  }
0x1b2: {  	s7 =	simm.s32 $0xD000;
	s8 =	simm.s32 $0xF000;
	s9 =	simm.s32 $0x11000;
	[tilespmem:s5+$0x0] =	vst v63;
	v5 =	vld.idx.msk [tilespmem:v11+s30+$0x0], $0xffff  }
0x1b3: {  	s10 =	simm.s32 $0x13000;
	s11 =	simm.s32 $0x15000;
	s19 =	simm.s32 $0x13040;
	v8 =	vld.idx.msk [tilespmem:v12+s30+$0x0], $0xffff;
	[tilespmem:s5+$0xFFFFFFC0] =	vst v17  }
0x1b4: {  	s20 =	simm.s32 $0x30C0;
	s21 =	simm.s32 $0x17000;
	s22 =	simm.s32 $0x19000;
	v9 =	vld.idx.msk [tilespmem:v13+s30+$0x0], $0xffff;
	[tilespmem:s19+$0x30] =	vst v16  }
.LBB2_6:
0x1b5: {  	v10 =	vld [tilespmem:s20+$0x30];
	s6 =	sadd.s32 $0x80, s6;
	[tilespmem:s5+$0x10] =	vst v6  }
0x1b6: {  	v6 =	vld [tilespmem:s20+$0xFFFFFFD0];
	p0 =	slt.u32 s6, $0x1F80;
	[tilespmem:s5+$0x20] =	vst v7  }
0x1b7: {  	v7 =	vld [tilespmem:s20+$0xFFFFFFE0];
	[tilespmem:s19+$0xFFFFFFD0] =	vst v4  }
0x1b8: {  	v4 =	vld [tilespmem:s20+$0xFFFFFFF0];
	[tilespmem:s19+$0xFFFFFFE0] =	vst v5  }
0x1b9: {  	v5 =	vld [tilespmem:s20+$0x0];
	[tilespmem:s19+$0xFFFFFFF0] =	vst v8  }
0x1ba: {  	v8 =	vld [tilespmem:s20+$0x10];
	vm0 =	vlt.s32 v10, $0x0;
	[tilespmem:s19+$0x0] =	vst v9  }
0x1bb: {  	vm1 =	vlt.s32 v6, $0x0;
	v9 =	vld [tilespmem:s20+$0x20];
	v10 =	vsel vm0, $0x3E8, v10  }
0x1bc: {  	v11 =	vld [tilespmem:s20+$0xFFFFFFC0];
	v12 =	vsel vm1, $0x3E8, v6;
	vm0 =	vlt.s32 v7, $0x0  }
0x1bd: {  	v13 =	vsel vm0, $0x3E8, v7;
	vm0 =	vlt.s32 v4, $0x0;
	v6 =	vld.idx.msk [tilespmem:v3+s30+$0x0], $0xffff  }
0x1be: {  	v14 =	vsel vm0, $0x3E8, v4;
	vm0 =	vlt.s32 v5, $0x0;
	v4 =	vld.idx.msk [tilespmem:v1+s30+$0x0], $0xffff  }
0x1bf: {  	v15 =	vsel vm0, $0x3E8, v5;
	vm0 =	vlt.s32 v8, $0x0;
	v5 =	vld.idx.msk [tilespmem:v2+s30+$0x0], $0xffff  }
0x1c0: {  	v1 =	vsel vm0, $0x3E8, v8;
	vm0 =	vlt.s32 v9, $0x0;
	v7 =	vld.idx.msk [tilespmem:v10+s1+$0x0], $0xffff  }
0x1c1: {  	vm1 =	vlt.s32 v11, $0x0;
	v8 =	vld.idx.msk [tilespmem:v12+s1+$0x0], $0xffff;
	v2 =	vsel vm0, $0x3E8, v9  }
0x1c2: {  	v3 =	vsel vm1, $0x3E8, v11;
	v9 =	vld.idx.msk [tilespmem:v13+s1+$0x0], $0xffff  }
0x1c3: {  	v11 =	vld.idx.msk [tilespmem:v14+s1+$0x0], $0xffff;
	[tilespmem:s19+$0xFFFFFFC0] =	vst v6  }
0x1c4: {  	v6 =	vld.idx.msk [tilespmem:v15+s1+$0x0], $0xffff;
	[tilespmem:s19+$0x10] =	vst v4  }
0x1c5: {  	s17 =	sadd.s32 $0x80, s17;
	v4 =	vld.idx.msk [tilespmem:v1+s1+$0x0], $0xffff;
	[tilespmem:s19+$0x20] =	vst v5  }
0x1c6: {  	v5 =	vld.idx.msk [tilespmem:v2+s1+$0x0], $0xffff;
	[tilespmem:s17+$0x30] =	vst v7  }
0x1c7: {  	[tilespmem:s17+$0xFFFFFFD0] =	vst v8;
	v7 =	vld.idx.msk [tilespmem:v10+s28+$0x0], $0xffff  }
0x1c8: {  	v8 =	vld.idx.msk [tilespmem:v3+s1+$0x0], $0xffff;
	[tilespmem:s17+$0xFFFFFFE0] =	vst v9  }
0x1c9: {  	v9 =	vld.idx.msk [tilespmem:v12+s28+$0x0], $0xffff;
	[tilespmem:s17+$0xFFFFFFF0] =	vst v11  }
0x1ca: {  	v11 =	vld.idx.msk [tilespmem:v13+s28+$0x0], $0xffff;
	[tilespmem:s17+$0x0] =	vst v6  }
0x1cb: {  	v6 =	vld.idx.msk [tilespmem:v14+s28+$0x0], $0xffff;
	[tilespmem:s17+$0x10] =	vst v4  }
0x1cc: {  	s18 =	sadd.s32 $0x80, s18;
	v4 =	vld.idx.msk [tilespmem:v15+s28+$0x0], $0xffff;
	[tilespmem:s17+$0x20] =	vst v5  }
0x1cd: {  	v5 =	vld.idx.msk [tilespmem:v1+s28+$0x0], $0xffff;
	[tilespmem:s18+$0x30] =	vst v7  }
0x1ce: {  	[tilespmem:s17+$0xFFFFFFC0] =	vst v8;
	v7 =	vld.idx.msk [tilespmem:v10+s29+$0x0], $0xffff  }
0x1cf: {  	v8 =	vld.idx.msk [tilespmem:v3+s28+$0x0], $0xffff;
	[tilespmem:s18+$0xFFFFFFD0] =	vst v9  }
0x1d0: {  	[tilespmem:s18+$0xFFFFFFE0] =	vst v11;
	v9 =	vld.idx.msk [tilespmem:v2+s28+$0x0], $0xffff  }
0x1d1: {  	v11 =	vld.idx.msk [tilespmem:v12+s29+$0x0], $0xffff;
	[tilespmem:s18+$0xFFFFFFF0] =	vst v6  }
0x1d2: {  	v16 =	vld.idx.msk [tilespmem:v13+s29+$0x0], $0xffff;
	[tilespmem:s18+$0x0] =	vst v4  }
0x1d3: {  	s5 =	sadd.s32 $0x80, s5;
	v17 =	vld.idx.msk [tilespmem:v14+s29+$0x0], $0xffff;
	[tilespmem:s18+$0x10] =	vst v5  }
0x1d4: {  	v18 =	vld.idx.msk [tilespmem:v15+s29+$0x0], $0xffff;
	[tilespmem:s5+$0x30] =	vst v7  }
0x1d5: {  	[tilespmem:s18+$0xFFFFFFC0] =	vst v8;
	v10 =	vld.idx.msk [tilespmem:v10+s30+$0x0], $0xffff  }
0x1d6: {  	v19 =	vld.idx.msk [tilespmem:v3+s29+$0x0], $0xffff;
	[tilespmem:s18+$0x20] =	vst v9  }
0x1d7: {  	[tilespmem:s5+$0xFFFFFFD0] =	vst v11;
	v6 =	vld.idx.msk [tilespmem:v1+s29+$0x0], $0xffff  }
.Ltmp2:
0x1d8: {  	[tilespmem:s5+$0xFFFFFFE0] =	vst v16;
	v7 =	vld.idx.msk [tilespmem:v2+s29+$0x0], $0xffff;
	(pc) =	sbr.rel @p0 .LBB2_6-.Ltmp2, $4  }
0x1d9: {  	v4 =	vld.idx.msk [tilespmem:v12+s30+$0x0], $0xffff;
	[tilespmem:s5+$0xFFFFFFF0] =	vst v17  }
0x1da: {  	s19 =	sadd.s32 $0x80, s19;
	v5 =	vld.idx.msk [tilespmem:v13+s30+$0x0], $0xffff;
	[tilespmem:s5+$0x0] =	vst v18  }
0x1db: {  	v8 =	vld.idx.msk [tilespmem:v14+s30+$0x0], $0xffff;
	[tilespmem:s19+$0x30] =	vst v10  }
0x1dc: {  	s20 =	sadd.s32 $0x80, s20;
	[tilespmem:s5+$0xFFFFFFC0] =	vst v19;
	v9 =	vld.idx.msk [tilespmem:v15+s30+$0x0], $0xffff  }
0x1dd: {  	_ =	sdelay $0x2  }
0x1de: {  	[tilespmem:s5+$0x10] =	vst v6  }
0x1df: {  	[tilespmem:s5+$0x20] =	vst v7;
	v3 =	vld.idx.msk [tilespmem:v3+s30+$0x0], $0xffff  }
0x1e0: {  	[tilespmem:s19+$0xFFFFFFD0] =	vst v4;
	v1 =	vld.idx.msk [tilespmem:v1+s30+$0x0], $0xffff  }
0x1e1: {  	v2 =	vld.idx.msk [tilespmem:v2+s30+$0x0], $0xffff;
	[tilespmem:s19+$0xFFFFFFE0] =	vst v5  }
0x1e2: {  	[tilespmem:s19+$0xFFFFFFF0] =	vst v8  }
0x1e3: {  	[tilespmem:s19+$0x0] =	vst v9  }
0x1e4: {  	[tilespmem:s19+$0xFFFFFFC0] =	vst v3  }
0x1e5: {  	[tilespmem:s19+$0x10] =	vst v1  }
0x1e6: {  	[tilespmem:s19+$0x20] =	vst v2  }
0x1e7: {  	s5 =	rddreg [dreg:$0xb]  }
0x1e8: {  	[hbm4b:s5+s1] =	stream.linear.scatter [tilespmem:s7], [sflag:$0x4], $0x2000, $0x38;
	[tilespmem:$0x1D000] =	vst v63  }
0x1e9: {  	s6 =	rddreg [dreg:$0xc]  }
0x1ea: {  	[hbm4b:s6+s1] =	stream.linear.scatter [tilespmem:s8], [sflag:$0x4], $0x2000, $0x38;
	[tilespmem:$0x1D000] =	vst v63  }
0x1eb: {  	s17 =	rddreg [dreg:$0xd]  }
0x1ec: {  	[hbm4b:s17+s1] =	stream.linear.scatter [tilespmem:s9], [sflag:$0x4], $0x2000, $0x38;
	[tilespmem:$0x1D000] =	vst v63  }
0x1ed: {  	s18 =	rddreg [dreg:$0xe]  }
0x1ee: {  	[hbm4b:s18+s1] =	stream.linear.scatter [tilespmem:s10], [sflag:$0x4], $0x2000, $0x38;
	[tilespmem:$0x1D000] =	vst v63  }
0x1ef: {  	s19 =	rddreg [dreg:$0xf]  }
0x1f0: {  	[tilespmem:s25], [sflag:$0x2] =	stream.linear.gather [hbm4b:s19+s1], $0x2000, $0x38;
	[tilespmem:$0x1D000] =	vst v63  }
0x1f1: {  	_ =	swait.ge [sflag:s26], $0x2000  }
0x1f2: {  	[sflag:s26] =	ssyncset.done $0x0  }
0x1f3: {  	s20 =	simm.s32 $0x1040;
	[sflag:s26] =	ssyncadd.s32 $0xFFFFE000  }
0x1f4: {  	v1 =	vld [tilespmem:s20+$0x30]  }
0x1f5: {  	v2 =	vld [tilespmem:s20+$0xFFFFFFD0]  }
0x1f6: {  	v3 =	vld [tilespmem:s20+$0xFFFFFFE0]  }
0x1f7: {  	v4 =	vld [tilespmem:s20+$0xFFFFFFF0]  }
0x1f8: {  	v5 =	vld [tilespmem:s20+$0x0]  }
0x1f9: {  	v6 =	vld [tilespmem:s20+$0x10];
	vm0 =	vlt.s32 v1, $0x0  }
0x1fa: {  	v7 =	vld [tilespmem:s20+$0x20];
	vm1 =	vlt.s32 v2, $0x0;
	v8 =	vsel vm0, $0x3E8, v1  }
0x1fb: {  	v10 =	vld [tilespmem:s20+$0xFFFFFFC0];
	vm10 =	vlt.s32 v3, $0x0;
	v9 =	vsel vm1, $0x3E8, v2  }
0x1fc: {  	vm11 =	vlt.s32 v4, $0x0;
	v11 =	vsel vm10, $0x3E8, v3  }
0x1fd: {  	vm12 =	vlt.s32 v5, $0x0;
	v12 =	vsel vm11, $0x3E8, v4  }
0x1fe: {  	vm13 =	vlt.s32 v6, $0x0;
	v13 =	vsel vm12, $0x3E8, v5  }
0x1ff: {  	vm14 =	vlt.s32 v7, $0x0;
	v1 =	vsel vm13, $0x3E8, v6;
	v4 =	vld.idx.msk [tilespmem:v8+s1+$0x0], $0xffff  }
0x200: {  	vm15 =	vlt.s32 v10, $0x0;
	v2 =	vsel vm14, $0x3E8, v7;
	v5 =	vld.idx.msk [tilespmem:v9+s1+$0x0], $0xffff  }
0x201: {  	v3 =	vsel vm15, $0x3E8, v10;
	v6 =	vld.idx.msk [tilespmem:v11+s1+$0x0], $0xffff  }
0x202: {  	v7 =	vld.idx.msk [tilespmem:v12+s1+$0x0], $0xffff  }
0x203: {  	v10 =	vld.idx.msk [tilespmem:v13+s1+$0x0], $0xffff  }
0x204: {  	s17 =	simm.s32 $0x15040;
	v14 =	vld.idx.msk [tilespmem:v1+s1+$0x0], $0xffff  }
0x205: {  	v15 =	vld.idx.msk [tilespmem:v2+s1+$0x0], $0xffff;
	[tilespmem:s17+$0x30] =	vst v4  }
0x206: {  	[tilespmem:s17+$0xFFFFFFD0] =	vst v5;
	v5 =	vld.idx.msk [tilespmem:v3+s1+$0x0], $0xffff  }
0x207: {  	[tilespmem:s17+$0xFFFFFFE0] =	vst v6;
	v4 =	vld.idx.msk [tilespmem:v8+s28+$0x0], $0xffff  }
0x208: {  	[tilespmem:s17+$0xFFFFFFF0] =	vst v7;
	v6 =	vld.idx.msk [tilespmem:v9+s28+$0x0], $0xffff  }
0x209: {  	[tilespmem:s17+$0x0] =	vst v10;
	v7 =	vld.idx.msk [tilespmem:v11+s28+$0x0], $0xffff  }
0x20a: {  	[tilespmem:s17+$0x10] =	vst v14;
	v10 =	vld.idx.msk [tilespmem:v12+s28+$0x0], $0xffff  }
0x20b: {  	[tilespmem:s17+$0x20] =	vst v15;
	v60 =	vld.idx.msk [tilespmem:v13+s28+$0x0], $0xffff  }
0x20c: {  	s18 =	simm.s32 $0x17040;
	v61 =	vld.idx.msk [tilespmem:v1+s28+$0x0], $0xffff;
	[tilespmem:s17+$0xFFFFFFC0] =	vst v5  }
0x20d: {  	[tilespmem:s18+$0x30] =	vst v4;
	v5 =	vld.idx.msk [tilespmem:v3+s28+$0x0], $0xffff  }
0x20e: {  	[tilespmem:s18+$0xFFFFFFD0] =	vst v6;
	v6 =	vld.idx.msk [tilespmem:v2+s28+$0x0], $0xffff  }
0x20f: {  	[tilespmem:s18+$0xFFFFFFE0] =	vst v7;
	v4 =	vld.idx.msk [tilespmem:v8+s29+$0x0], $0xffff  }
0x210: {  	[tilespmem:s18+$0xFFFFFFF0] =	vst v10;
	v7 =	vld.idx.msk [tilespmem:v9+s29+$0x0], $0xffff  }
0x211: {  	[tilespmem:s18+$0x0] =	vst v60;
	v10 =	vld.idx.msk [tilespmem:v11+s29+$0x0], $0xffff  }
0x212: {  	[tilespmem:s18+$0x10] =	vst v61;
	v62 =	vld.idx.msk [tilespmem:v12+s29+$0x0], $0xffff  }
0x213: {  	v63 =	vld.idx.msk [tilespmem:v13+s29+$0x0], $0xffff;
	[tilespmem:s18+$0xFFFFFFC0] =	vst v5  }
0x214: {  	s5 =	simm.s32 $0x19040;
	[tilespmem:s18+$0x20] =	vst v6;
	v6 =	vld.idx.msk [tilespmem:v1+s29+$0x0], $0xffff  }
0x215: {  	[tilespmem:s5+$0x30] =	vst v4;
	v17 =	vld.idx.msk [tilespmem:v3+s29+$0x0], $0xffff  }
0x216: {  	[tilespmem:s5+$0xFFFFFFD0] =	vst v7;
	v16 =	vld.idx.msk [tilespmem:v8+s30+$0x0], $0xffff  }
0x217: {  	[tilespmem:s5+$0xFFFFFFE0] =	vst v10;
	v7 =	vld.idx.msk [tilespmem:v2+s29+$0x0], $0xffff  }
0x218: {  	[tilespmem:s5+$0xFFFFFFF0] =	vst v62;
	v4 =	vld.idx.msk [tilespmem:v9+s30+$0x0], $0xffff  }
0x219: {  	[tilespmem:s5+$0x0] =	vst v63;
	v5 =	vld.idx.msk [tilespmem:v11+s30+$0x0], $0xffff  }
0x21a: {  	s19 =	simm.s32 $0x1B040;
	v8 =	vld.idx.msk [tilespmem:v12+s30+$0x0], $0xffff;
	[tilespmem:s5+$0xFFFFFFC0] =	vst v17  }
0x21b: {  	s6 =	simm.s32 $0x0;
	s20 =	simm.s32 $0x10C0;
	v9 =	vld.idx.msk [tilespmem:v13+s30+$0x0], $0xffff;
	[tilespmem:s19+$0x30] =	vst v16  }
.LBB2_8:
0x21c: {  	v10 =	vld [tilespmem:s20+$0x30];
	s6 =	sadd.s32 $0x80, s6;
	[tilespmem:s5+$0x10] =	vst v6  }
0x21d: {  	v6 =	vld [tilespmem:s20+$0xFFFFFFD0];
	p0 =	slt.u32 s6, $0x1F80;
	[tilespmem:s5+$0x20] =	vst v7  }
0x21e: {  	v7 =	vld [tilespmem:s20+$0xFFFFFFE0];
	[tilespmem:s19+$0xFFFFFFD0] =	vst v4  }
0x21f: {  	v4 =	vld [tilespmem:s20+$0xFFFFFFF0];
	[tilespmem:s19+$0xFFFFFFE0] =	vst v5  }
0x220: {  	v5 =	vld [tilespmem:s20+$0x0];
	[tilespmem:s19+$0xFFFFFFF0] =	vst v8  }
0x221: {  	v8 =	vld [tilespmem:s20+$0x10];
	vm0 =	vlt.s32 v10, $0x0;
	[tilespmem:s19+$0x0] =	vst v9  }
0x222: {  	vm1 =	vlt.s32 v6, $0x0;
	v9 =	vld [tilespmem:s20+$0x20];
	v10 =	vsel vm0, $0x3E8, v10  }
0x223: {  	v11 =	vld [tilespmem:s20+$0xFFFFFFC0];
	v12 =	vsel vm1, $0x3E8, v6;
	vm0 =	vlt.s32 v7, $0x0  }
0x224: {  	v13 =	vsel vm0, $0x3E8, v7;
	vm0 =	vlt.s32 v4, $0x0;
	v6 =	vld.idx.msk [tilespmem:v3+s30+$0x0], $0xffff  }
0x225: {  	v14 =	vsel vm0, $0x3E8, v4;
	vm0 =	vlt.s32 v5, $0x0;
	v4 =	vld.idx.msk [tilespmem:v1+s30+$0x0], $0xffff  }
0x226: {  	v15 =	vsel vm0, $0x3E8, v5;
	vm0 =	vlt.s32 v8, $0x0;
	v5 =	vld.idx.msk [tilespmem:v2+s30+$0x0], $0xffff  }
0x227: {  	v1 =	vsel vm0, $0x3E8, v8;
	vm0 =	vlt.s32 v9, $0x0;
	v7 =	vld.idx.msk [tilespmem:v10+s1+$0x0], $0xffff  }
0x228: {  	vm1 =	vlt.s32 v11, $0x0;
	v8 =	vld.idx.msk [tilespmem:v12+s1+$0x0], $0xffff;
	v2 =	vsel vm0, $0x3E8, v9  }
0x229: {  	v3 =	vsel vm1, $0x3E8, v11;
	v9 =	vld.idx.msk [tilespmem:v13+s1+$0x0], $0xffff  }
0x22a: {  	v11 =	vld.idx.msk [tilespmem:v14+s1+$0x0], $0xffff;
	[tilespmem:s19+$0xFFFFFFC0] =	vst v6  }
0x22b: {  	v6 =	vld.idx.msk [tilespmem:v15+s1+$0x0], $0xffff;
	[tilespmem:s19+$0x10] =	vst v4  }
0x22c: {  	s17 =	sadd.s32 $0x80, s17;
	v4 =	vld.idx.msk [tilespmem:v1+s1+$0x0], $0xffff;
	[tilespmem:s19+$0x20] =	vst v5  }
0x22d: {  	v5 =	vld.idx.msk [tilespmem:v2+s1+$0x0], $0xffff;
	[tilespmem:s17+$0x30] =	vst v7  }
0x22e: {  	[tilespmem:s17+$0xFFFFFFD0] =	vst v8;
	v7 =	vld.idx.msk [tilespmem:v10+s28+$0x0], $0xffff  }
0x22f: {  	v8 =	vld.idx.msk [tilespmem:v3+s1+$0x0], $0xffff;
	[tilespmem:s17+$0xFFFFFFE0] =	vst v9  }
0x230: {  	v9 =	vld.idx.msk [tilespmem:v12+s28+$0x0], $0xffff;
	[tilespmem:s17+$0xFFFFFFF0] =	vst v11  }
0x231: {  	v11 =	vld.idx.msk [tilespmem:v13+s28+$0x0], $0xffff;
	[tilespmem:s17+$0x0] =	vst v6  }
0x232: {  	v6 =	vld.idx.msk [tilespmem:v14+s28+$0x0], $0xffff;
	[tilespmem:s17+$0x10] =	vst v4  }
0x233: {  	s18 =	sadd.s32 $0x80, s18;
	v4 =	vld.idx.msk [tilespmem:v15+s28+$0x0], $0xffff;
	[tilespmem:s17+$0x20] =	vst v5  }
0x234: {  	v5 =	vld.idx.msk [tilespmem:v1+s28+$0x0], $0xffff;
	[tilespmem:s18+$0x30] =	vst v7  }
0x235: {  	[tilespmem:s17+$0xFFFFFFC0] =	vst v8;
	v7 =	vld.idx.msk [tilespmem:v10+s29+$0x0], $0xffff  }
0x236: {  	v8 =	vld.idx.msk [tilespmem:v3+s28+$0x0], $0xffff;
	[tilespmem:s18+$0xFFFFFFD0] =	vst v9  }
0x237: {  	[tilespmem:s18+$0xFFFFFFE0] =	vst v11;
	v9 =	vld.idx.msk [tilespmem:v2+s28+$0x0], $0xffff  }
0x238: {  	v11 =	vld.idx.msk [tilespmem:v12+s29+$0x0], $0xffff;
	[tilespmem:s18+$0xFFFFFFF0] =	vst v6  }
0x239: {  	v16 =	vld.idx.msk [tilespmem:v13+s29+$0x0], $0xffff;
	[tilespmem:s18+$0x0] =	vst v4  }
0x23a: {  	s5 =	sadd.s32 $0x80, s5;
	v17 =	vld.idx.msk [tilespmem:v14+s29+$0x0], $0xffff;
	[tilespmem:s18+$0x10] =	vst v5  }
0x23b: {  	v18 =	vld.idx.msk [tilespmem:v15+s29+$0x0], $0xffff;
	[tilespmem:s5+$0x30] =	vst v7  }
0x23c: {  	[tilespmem:s18+$0xFFFFFFC0] =	vst v8;
	v10 =	vld.idx.msk [tilespmem:v10+s30+$0x0], $0xffff  }
0x23d: {  	v19 =	vld.idx.msk [tilespmem:v3+s29+$0x0], $0xffff;
	[tilespmem:s18+$0x20] =	vst v9  }
0x23e: {  	[tilespmem:s5+$0xFFFFFFD0] =	vst v11;
	v6 =	vld.idx.msk [tilespmem:v1+s29+$0x0], $0xffff  }
.Ltmp3:
0x23f: {  	[tilespmem:s5+$0xFFFFFFE0] =	vst v16;
	v7 =	vld.idx.msk [tilespmem:v2+s29+$0x0], $0xffff;
	(pc) =	sbr.rel @p0 .LBB2_8-.Ltmp3, $4  }
0x240: {  	v4 =	vld.idx.msk [tilespmem:v12+s30+$0x0], $0xffff;
	[tilespmem:s5+$0xFFFFFFF0] =	vst v17  }
0x241: {  	s19 =	sadd.s32 $0x80, s19;
	v5 =	vld.idx.msk [tilespmem:v13+s30+$0x0], $0xffff;
	[tilespmem:s5+$0x0] =	vst v18  }
0x242: {  	v8 =	vld.idx.msk [tilespmem:v14+s30+$0x0], $0xffff;
	[tilespmem:s19+$0x30] =	vst v10  }
0x243: {  	s20 =	sadd.s32 $0x80, s20;
	[tilespmem:s5+$0xFFFFFFC0] =	vst v19;
	v9 =	vld.idx.msk [tilespmem:v15+s30+$0x0], $0xffff  }
0x244: {  	_ =	sdelay $0x2  }
0x245: {  	[tilespmem:s5+$0x10] =	vst v6  }
0x246: {  	[tilespmem:s5+$0x20] =	vst v7;
	v3 =	vld.idx.msk [tilespmem:v3+s30+$0x0], $0xffff  }
0x247: {  	[tilespmem:s19+$0xFFFFFFD0] =	vst v4;
	v1 =	vld.idx.msk [tilespmem:v1+s30+$0x0], $0xffff  }
0x248: {  	v2 =	vld.idx.msk [tilespmem:v2+s30+$0x0], $0xffff;
	[tilespmem:s19+$0xFFFFFFE0] =	vst v5  }
0x249: {  	[tilespmem:s19+$0xFFFFFFF0] =	vst v8  }
0x24a: {  	[tilespmem:s19+$0x0] =	vst v9  }
0x24b: {  	[tilespmem:s19+$0xFFFFFFC0] =	vst v3  }
0x24c: {  	[tilespmem:s19+$0x10] =	vst v1  }
0x24d: {  	[tilespmem:s19+$0x20] =	vst v2  }
0x24e: {  	s5 =	rddreg [dreg:$0x10]  }
0x24f: {  	[hbm4b:s5+s1] =	stream.linear.scatter [tilespmem:s11], [sflag:$0x5], $0x2000, $0x38;
	[tilespmem:$0x1D000] =	vst v63  }
0x250: {  	s6 =	rddreg [dreg:$0x11]  }
0x251: {  	[hbm4b:s6+s1] =	stream.linear.scatter [tilespmem:s21], [sflag:$0x5], $0x2000, $0x38;
	[tilespmem:$0x1D000] =	vst v63  }
0x252: {  	s17 =	rddreg [dreg:$0x12]  }
0x253: {  	[hbm4b:s17+s1] =	stream.linear.scatter [tilespmem:s22], [sflag:$0x5], $0x2000, $0x38;
	[tilespmem:$0x1D000] =	vst v63  }
0x254: {  	s18 =	rddreg [dreg:$0x13]  }
0x255: {  	[hbm4b:s18+s1] =	stream.linear.scatter [tilespmem:s12], [sflag:$0x5], $0x2000, $0x38;
	[tilespmem:$0x1D000] =	vst v63  }
0x256: {  	s19 =	rddreg [dreg:$0x14]  }
0x257: {  	[tilespmem:s24], [sflag:$0x1] =	stream.linear.gather [hbm4b:s19+s1], $0x2000, $0x38;
	[tilespmem:$0x1D000] =	vst v63  }
0x258: {  	_ =	swait.ge [sflag:s13], $0x2000  }
0x259: {  	[sflag:s13] =	ssyncset.done $0x0  }
0x25a: {  	[sflag:s13] =	ssyncadd.s32 $0xFFFFE000  }
0x25b: {  	_ =	swait.ge [sflag:s13], $0x2000  }
0x25c: {  	[sflag:s13] =	ssyncset.done $0x0  }
0x25d: {  	[sflag:s13] =	ssyncadd.s32 $0xFFFFE000  }
0x25e: {  	_ =	swait.ge [sflag:s13], $0x2000  }
0x25f: {  	[sflag:s13] =	ssyncset.done $0x0  }
0x260: {  	[sflag:s13] =	ssyncadd.s32 $0xFFFFE000  }
0x261: {  	_ =	swait.ge [sflag:s13], $0x2000  }
0x262: {  	[sflag:s13] =	ssyncset.done $0x0  }
0x263: {  	[sflag:s13] =	ssyncadd.s32 $0xFFFFE000  }
0x264: {  	_ =	swait.ge [sflag:s4], $0x2000  }
0x265: {  	[sflag:s4] =	ssyncset.done $0x0  }
0x266: {  	s20 =	simm.s32 $0x3040;
	[sflag:s4] =	ssyncadd.s32 $0xFFFFE000  }
0x267: {  	v1 =	vld [tilespmem:s20+$0x30]  }
0x268: {  	v2 =	vld [tilespmem:s20+$0xFFFFFFD0]  }
0x269: {  	v3 =	vld [tilespmem:s20+$0xFFFFFFE0]  }
0x26a: {  	v4 =	vld [tilespmem:s20+$0xFFFFFFF0]  }
0x26b: {  	v5 =	vld [tilespmem:s20+$0x0]  }
0x26c: {  	v6 =	vld [tilespmem:s20+$0x10];
	vm0 =	vlt.s32 v1, $0x0  }
0x26d: {  	v7 =	vld [tilespmem:s20+$0x20];
	vm1 =	vlt.s32 v2, $0x0;
	v8 =	vsel vm0, $0x3E8, v1  }
0x26e: {  	v10 =	vld [tilespmem:s20+$0xFFFFFFC0];
	vm10 =	vlt.s32 v3, $0x0;
	v9 =	vsel vm1, $0x3E8, v2  }
0x26f: {  	vm11 =	vlt.s32 v4, $0x0;
	v11 =	vsel vm10, $0x3E8, v3  }
0x270: {  	vm12 =	vlt.s32 v5, $0x0;
	v12 =	vsel vm11, $0x3E8, v4  }
0x271: {  	vm13 =	vlt.s32 v6, $0x0;
	v13 =	vsel vm12, $0x3E8, v5  }
0x272: {  	vm14 =	vlt.s32 v7, $0x0;
	v1 =	vsel vm13, $0x3E8, v6;
	v4 =	vld.idx.msk [tilespmem:v8+s1+$0x0], $0xffff  }
0x273: {  	vm15 =	vlt.s32 v10, $0x0;
	v2 =	vsel vm14, $0x3E8, v7;
	v5 =	vld.idx.msk [tilespmem:v9+s1+$0x0], $0xffff  }
0x274: {  	v3 =	vsel vm15, $0x3E8, v10;
	v6 =	vld.idx.msk [tilespmem:v11+s1+$0x0], $0xffff  }
0x275: {  	v7 =	vld.idx.msk [tilespmem:v12+s1+$0x0], $0xffff  }
0x276: {  	v10 =	vld.idx.msk [tilespmem:v13+s1+$0x0], $0xffff  }
0x277: {  	s17 =	simm.s32 $0x5040;
	v14 =	vld.idx.msk [tilespmem:v1+s1+$0x0], $0xffff  }
0x278: {  	v15 =	vld.idx.msk [tilespmem:v2+s1+$0x0], $0xffff;
	[tilespmem:s17+$0x30] =	vst v4  }
0x279: {  	[tilespmem:s17+$0xFFFFFFD0] =	vst v5;
	v5 =	vld.idx.msk [tilespmem:v3+s1+$0x0], $0xffff  }
0x27a: {  	[tilespmem:s17+$0xFFFFFFE0] =	vst v6;
	v4 =	vld.idx.msk [tilespmem:v8+s28+$0x0], $0xffff  }
0x27b: {  	[tilespmem:s17+$0xFFFFFFF0] =	vst v7;
	v6 =	vld.idx.msk [tilespmem:v9+s28+$0x0], $0xffff  }
0x27c: {  	[tilespmem:s17+$0x0] =	vst v10;
	v7 =	vld.idx.msk [tilespmem:v11+s28+$0x0], $0xffff  }
0x27d: {  	[tilespmem:s17+$0x10] =	vst v14;
	v10 =	vld.idx.msk [tilespmem:v12+s28+$0x0], $0xffff  }
0x27e: {  	[tilespmem:s17+$0x20] =	vst v15;
	v60 =	vld.idx.msk [tilespmem:v13+s28+$0x0], $0xffff  }
0x27f: {  	s18 =	simm.s32 $0x7040;
	v61 =	vld.idx.msk [tilespmem:v1+s28+$0x0], $0xffff;
	[tilespmem:s17+$0xFFFFFFC0] =	vst v5  }
0x280: {  	[tilespmem:s18+$0x30] =	vst v4;
	v5 =	vld.idx.msk [tilespmem:v3+s28+$0x0], $0xffff  }
0x281: {  	[tilespmem:s18+$0xFFFFFFD0] =	vst v6;
	v6 =	vld.idx.msk [tilespmem:v2+s28+$0x0], $0xffff  }
0x282: {  	[tilespmem:s18+$0xFFFFFFE0] =	vst v7;
	v4 =	vld.idx.msk [tilespmem:v8+s29+$0x0], $0xffff  }
0x283: {  	[tilespmem:s18+$0xFFFFFFF0] =	vst v10;
	v7 =	vld.idx.msk [tilespmem:v9+s29+$0x0], $0xffff  }
0x284: {  	[tilespmem:s18+$0x0] =	vst v60;
	v10 =	vld.idx.msk [tilespmem:v11+s29+$0x0], $0xffff  }
0x285: {  	[tilespmem:s18+$0x10] =	vst v61;
	v62 =	vld.idx.msk [tilespmem:v12+s29+$0x0], $0xffff  }
0x286: {  	v63 =	vld.idx.msk [tilespmem:v13+s29+$0x0], $0xffff;
	[tilespmem:s18+$0xFFFFFFC0] =	vst v5  }
0x287: {  	s5 =	simm.s32 $0x9040;
	[tilespmem:s18+$0x20] =	vst v6;
	v6 =	vld.idx.msk [tilespmem:v1+s29+$0x0], $0xffff  }
0x288: {  	[tilespmem:s5+$0x30] =	vst v4;
	v17 =	vld.idx.msk [tilespmem:v3+s29+$0x0], $0xffff  }
0x289: {  	[tilespmem:s5+$0xFFFFFFD0] =	vst v7;
	v16 =	vld.idx.msk [tilespmem:v8+s30+$0x0], $0xffff  }
0x28a: {  	[tilespmem:s5+$0xFFFFFFE0] =	vst v10;
	v7 =	vld.idx.msk [tilespmem:v2+s29+$0x0], $0xffff  }
0x28b: {  	[tilespmem:s5+$0xFFFFFFF0] =	vst v62;
	v4 =	vld.idx.msk [tilespmem:v9+s30+$0x0], $0xffff  }
0x28c: {  	[tilespmem:s5+$0x0] =	vst v63;
	v5 =	vld.idx.msk [tilespmem:v11+s30+$0x0], $0xffff  }
0x28d: {  	s19 =	simm.s32 $0xB040;
	v8 =	vld.idx.msk [tilespmem:v12+s30+$0x0], $0xffff;
	[tilespmem:s5+$0xFFFFFFC0] =	vst v17  }
0x28e: {  	s6 =	simm.s32 $0x0;
	s20 =	simm.s32 $0x30C0;
	v9 =	vld.idx.msk [tilespmem:v13+s30+$0x0], $0xffff;
	[tilespmem:s19+$0x30] =	vst v16  }
.LBB2_10:
0x28f: {  	v10 =	vld [tilespmem:s20+$0x30];
	s6 =	sadd.s32 $0x80, s6;
	[tilespmem:s5+$0x10] =	vst v6  }
0x290: {  	v6 =	vld [tilespmem:s20+$0xFFFFFFD0];
	p0 =	slt.u32 s6, $0x1F80;
	[tilespmem:s5+$0x20] =	vst v7  }
0x291: {  	v7 =	vld [tilespmem:s20+$0xFFFFFFE0];
	[tilespmem:s19+$0xFFFFFFD0] =	vst v4  }
0x292: {  	v4 =	vld [tilespmem:s20+$0xFFFFFFF0];
	[tilespmem:s19+$0xFFFFFFE0] =	vst v5  }
0x293: {  	v5 =	vld [tilespmem:s20+$0x0];
	[tilespmem:s19+$0xFFFFFFF0] =	vst v8  }
0x294: {  	v8 =	vld [tilespmem:s20+$0x10];
	vm0 =	vlt.s32 v10, $0x0;
	[tilespmem:s19+$0x0] =	vst v9  }
0x295: {  	vm1 =	vlt.s32 v6, $0x0;
	v9 =	vld [tilespmem:s20+$0x20];
	v10 =	vsel vm0, $0x3E8, v10  }
0x296: {  	v11 =	vld [tilespmem:s20+$0xFFFFFFC0];
	v12 =	vsel vm1, $0x3E8, v6;
	vm0 =	vlt.s32 v7, $0x0  }
0x297: {  	v13 =	vsel vm0, $0x3E8, v7;
	vm0 =	vlt.s32 v4, $0x0;
	v6 =	vld.idx.msk [tilespmem:v3+s30+$0x0], $0xffff  }
0x298: {  	v14 =	vsel vm0, $0x3E8, v4;
	vm0 =	vlt.s32 v5, $0x0;
	v4 =	vld.idx.msk [tilespmem:v1+s30+$0x0], $0xffff  }
0x299: {  	v15 =	vsel vm0, $0x3E8, v5;
	vm0 =	vlt.s32 v8, $0x0;
	v5 =	vld.idx.msk [tilespmem:v2+s30+$0x0], $0xffff  }
0x29a: {  	v1 =	vsel vm0, $0x3E8, v8;
	vm0 =	vlt.s32 v9, $0x0;
	v7 =	vld.idx.msk [tilespmem:v10+s1+$0x0], $0xffff  }
0x29b: {  	vm1 =	vlt.s32 v11, $0x0;
	v8 =	vld.idx.msk [tilespmem:v12+s1+$0x0], $0xffff;
	v2 =	vsel vm0, $0x3E8, v9  }
0x29c: {  	v3 =	vsel vm1, $0x3E8, v11;
	v9 =	vld.idx.msk [tilespmem:v13+s1+$0x0], $0xffff  }
0x29d: {  	v11 =	vld.idx.msk [tilespmem:v14+s1+$0x0], $0xffff;
	[tilespmem:s19+$0xFFFFFFC0] =	vst v6  }
0x29e: {  	v6 =	vld.idx.msk [tilespmem:v15+s1+$0x0], $0xffff;
	[tilespmem:s19+$0x10] =	vst v4  }
0x29f: {  	s17 =	sadd.s32 $0x80, s17;
	v4 =	vld.idx.msk [tilespmem:v1+s1+$0x0], $0xffff;
	[tilespmem:s19+$0x20] =	vst v5  }
0x2a0: {  	v5 =	vld.idx.msk [tilespmem:v2+s1+$0x0], $0xffff;
	[tilespmem:s17+$0x30] =	vst v7  }
0x2a1: {  	[tilespmem:s17+$0xFFFFFFD0] =	vst v8;
	v7 =	vld.idx.msk [tilespmem:v10+s28+$0x0], $0xffff  }
0x2a2: {  	v8 =	vld.idx.msk [tilespmem:v3+s1+$0x0], $0xffff;
	[tilespmem:s17+$0xFFFFFFE0] =	vst v9  }
0x2a3: {  	v9 =	vld.idx.msk [tilespmem:v12+s28+$0x0], $0xffff;
	[tilespmem:s17+$0xFFFFFFF0] =	vst v11  }
0x2a4: {  	v11 =	vld.idx.msk [tilespmem:v13+s28+$0x0], $0xffff;
	[tilespmem:s17+$0x0] =	vst v6  }
0x2a5: {  	v6 =	vld.idx.msk [tilespmem:v14+s28+$0x0], $0xffff;
	[tilespmem:s17+$0x10] =	vst v4  }
0x2a6: {  	s18 =	sadd.s32 $0x80, s18;
	v4 =	vld.idx.msk [tilespmem:v15+s28+$0x0], $0xffff;
	[tilespmem:s17+$0x20] =	vst v5  }
0x2a7: {  	v5 =	vld.idx.msk [tilespmem:v1+s28+$0x0], $0xffff;
	[tilespmem:s18+$0x30] =	vst v7  }
0x2a8: {  	[tilespmem:s17+$0xFFFFFFC0] =	vst v8;
	v7 =	vld.idx.msk [tilespmem:v10+s29+$0x0], $0xffff  }
0x2a9: {  	v8 =	vld.idx.msk [tilespmem:v3+s28+$0x0], $0xffff;
	[tilespmem:s18+$0xFFFFFFD0] =	vst v9  }
0x2aa: {  	[tilespmem:s18+$0xFFFFFFE0] =	vst v11;
	v9 =	vld.idx.msk [tilespmem:v2+s28+$0x0], $0xffff  }
0x2ab: {  	v11 =	vld.idx.msk [tilespmem:v12+s29+$0x0], $0xffff;
	[tilespmem:s18+$0xFFFFFFF0] =	vst v6  }
0x2ac: {  	v16 =	vld.idx.msk [tilespmem:v13+s29+$0x0], $0xffff;
	[tilespmem:s18+$0x0] =	vst v4  }
0x2ad: {  	s5 =	sadd.s32 $0x80, s5;
	v17 =	vld.idx.msk [tilespmem:v14+s29+$0x0], $0xffff;
	[tilespmem:s18+$0x10] =	vst v5  }
0x2ae: {  	v18 =	vld.idx.msk [tilespmem:v15+s29+$0x0], $0xffff;
	[tilespmem:s5+$0x30] =	vst v7  }
0x2af: {  	[tilespmem:s18+$0xFFFFFFC0] =	vst v8;
	v10 =	vld.idx.msk [tilespmem:v10+s30+$0x0], $0xffff  }
0x2b0: {  	v19 =	vld.idx.msk [tilespmem:v3+s29+$0x0], $0xffff;
	[tilespmem:s18+$0x20] =	vst v9  }
0x2b1: {  	[tilespmem:s5+$0xFFFFFFD0] =	vst v11;
	v6 =	vld.idx.msk [tilespmem:v1+s29+$0x0], $0xffff  }
.Ltmp4:
0x2b2: {  	[tilespmem:s5+$0xFFFFFFE0] =	vst v16;
	v7 =	vld.idx.msk [tilespmem:v2+s29+$0x0], $0xffff;
	(pc) =	sbr.rel @p0 .LBB2_10-.Ltmp4, $4  }
0x2b3: {  	v4 =	vld.idx.msk [tilespmem:v12+s30+$0x0], $0xffff;
	[tilespmem:s5+$0xFFFFFFF0] =	vst v17  }
0x2b4: {  	s19 =	sadd.s32 $0x80, s19;
	v5 =	vld.idx.msk [tilespmem:v13+s30+$0x0], $0xffff;
	[tilespmem:s5+$0x0] =	vst v18  }
0x2b5: {  	v8 =	vld.idx.msk [tilespmem:v14+s30+$0x0], $0xffff;
	[tilespmem:s19+$0x30] =	vst v10  }
0x2b6: {  	s20 =	sadd.s32 $0x80, s20;
	[tilespmem:s5+$0xFFFFFFC0] =	vst v19;
	v9 =	vld.idx.msk [tilespmem:v15+s30+$0x0], $0xffff  }
0x2b7: {  	_ =	sdelay $0x2  }
0x2b8: {  	[tilespmem:s5+$0x10] =	vst v6  }
0x2b9: {  	[tilespmem:s5+$0x20] =	vst v7;
	v3 =	vld.idx.msk [tilespmem:v3+s30+$0x0], $0xffff  }
0x2ba: {  	[tilespmem:s19+$0xFFFFFFD0] =	vst v4;
	v1 =	vld.idx.msk [tilespmem:v1+s30+$0x0], $0xffff  }
0x2bb: {  	v2 =	vld.idx.msk [tilespmem:v2+s30+$0x0], $0xffff;
	[tilespmem:s19+$0xFFFFFFE0] =	vst v5  }
0x2bc: {  	[tilespmem:s19+$0xFFFFFFF0] =	vst v8  }
0x2bd: {  	[tilespmem:s19+$0x0] =	vst v9  }
0x2be: {  	[tilespmem:s19+$0xFFFFFFC0] =	vst v3  }
0x2bf: {  	[tilespmem:s19+$0x10] =	vst v1  }
0x2c0: {  	[tilespmem:s19+$0x20] =	vst v2  }
0x2c1: {  	s5 =	rddreg [dreg:$0x15]  }
0x2c2: {  	[hbm4b:s5+s1] =	stream.linear.scatter [tilespmem:s31], [sflag:$0x3], $0x2000, $0x38;
	[tilespmem:$0x1D000] =	vst v63  }
0x2c3: {  	s6 =	rddreg [dreg:$0x16]  }
0x2c4: {  	[hbm4b:s6+s1] =	stream.linear.scatter [tilespmem:s0], [sflag:$0x3], $0x2000, $0x38;
	[tilespmem:$0x1D000] =	vst v63  }
0x2c5: {  	s17 =	rddreg [dreg:$0x17]  }
0x2c6: {  	[hbm4b:s17+s1] =	stream.linear.scatter [tilespmem:s2], [sflag:$0x3], $0x2000, $0x38;
	[tilespmem:$0x1D000] =	vst v63  }
0x2c7: {  	s18 =	rddreg [dreg:$0x18]  }
0x2c8: {  	[hbm4b:s18+s1] =	stream.linear.scatter [tilespmem:s3], [sflag:$0x3], $0x2000, $0x38;
	[tilespmem:$0x1D000] =	vst v63  }
0x2c9: {  	s19 =	rddreg [dreg:$0x1d]  }
0x2ca: {  	[tilespmem:s25], [sflag:$0x2] =	stream.linear.gather [hbm4b:s19+s1], $0x2000, $0x38;
	[tilespmem:$0x1D000] =	vst v63  }
0x2cb: {  	_ =	swait.ge [sflag:s14], $0x2000  }
0x2cc: {  	[sflag:s14] =	ssyncset.done $0x0  }
0x2cd: {  	[sflag:s14] =	ssyncadd.s32 $0xFFFFE000  }
0x2ce: {  	_ =	swait.ge [sflag:s14], $0x2000  }
0x2cf: {  	[sflag:s14] =	ssyncset.done $0x0  }
0x2d0: {  	[sflag:s14] =	ssyncadd.s32 $0xFFFFE000  }
0x2d1: {  	_ =	swait.ge [sflag:s14], $0x2000  }
0x2d2: {  	[sflag:s14] =	ssyncset.done $0x0  }
0x2d3: {  	[sflag:s14] =	ssyncadd.s32 $0xFFFFE000  }
0x2d4: {  	_ =	swait.ge [sflag:s14], $0x2000  }
0x2d5: {  	[sflag:s14] =	ssyncset.done $0x0  }
0x2d6: {  	[sflag:s14] =	ssyncadd.s32 $0xFFFFE000  }
0x2d7: {  	_ =	swait.ge [sflag:s26], $0x2000  }
0x2d8: {  	[sflag:s26] =	ssyncset.done $0x0  }
0x2d9: {  	s20 =	simm.s32 $0x1040;
	[sflag:s26] =	ssyncadd.s32 $0xFFFFE000  }
0x2da: {  	v1 =	vld [tilespmem:s20+$0x30]  }
0x2db: {  	v2 =	vld [tilespmem:s20+$0xFFFFFFD0]  }
0x2dc: {  	v3 =	vld [tilespmem:s20+$0xFFFFFFE0]  }
0x2dd: {  	v4 =	vld [tilespmem:s20+$0xFFFFFFF0]  }
0x2de: {  	v5 =	vld [tilespmem:s20+$0x0]  }
0x2df: {  	v6 =	vld [tilespmem:s20+$0x10];
	vm0 =	vlt.s32 v1, $0x0  }
0x2e0: {  	v7 =	vld [tilespmem:s20+$0x20];
	vm1 =	vlt.s32 v2, $0x0;
	v8 =	vsel vm0, $0x3E8, v1  }
0x2e1: {  	v10 =	vld [tilespmem:s20+$0xFFFFFFC0];
	vm10 =	vlt.s32 v3, $0x0;
	v9 =	vsel vm1, $0x3E8, v2  }
0x2e2: {  	vm11 =	vlt.s32 v4, $0x0;
	v11 =	vsel vm10, $0x3E8, v3  }
0x2e3: {  	vm12 =	vlt.s32 v5, $0x0;
	v12 =	vsel vm11, $0x3E8, v4  }
0x2e4: {  	vm13 =	vlt.s32 v6, $0x0;
	v13 =	vsel vm12, $0x3E8, v5  }
0x2e5: {  	vm14 =	vlt.s32 v7, $0x0;
	v1 =	vsel vm13, $0x3E8, v6;
	v4 =	vld.idx.msk [tilespmem:v8+s1+$0x0], $0xffff  }
0x2e6: {  	vm15 =	vlt.s32 v10, $0x0;
	v2 =	vsel vm14, $0x3E8, v7;
	v5 =	vld.idx.msk [tilespmem:v9+s1+$0x0], $0xffff  }
0x2e7: {  	v3 =	vsel vm15, $0x3E8, v10;
	v6 =	vld.idx.msk [tilespmem:v11+s1+$0x0], $0xffff  }
0x2e8: {  	v7 =	vld.idx.msk [tilespmem:v12+s1+$0x0], $0xffff  }
0x2e9: {  	v10 =	vld.idx.msk [tilespmem:v13+s1+$0x0], $0xffff  }
0x2ea: {  	s17 =	simm.s32 $0xD040;
	v14 =	vld.idx.msk [tilespmem:v1+s1+$0x0], $0xffff  }
0x2eb: {  	v15 =	vld.idx.msk [tilespmem:v2+s1+$0x0], $0xffff;
	[tilespmem:s17+$0x30] =	vst v4  }
0x2ec: {  	[tilespmem:s17+$0xFFFFFFD0] =	vst v5;
	v5 =	vld.idx.msk [tilespmem:v3+s1+$0x0], $0xffff  }
0x2ed: {  	[tilespmem:s17+$0xFFFFFFE0] =	vst v6;
	v4 =	vld.idx.msk [tilespmem:v8+s28+$0x0], $0xffff  }
0x2ee: {  	[tilespmem:s17+$0xFFFFFFF0] =	vst v7;
	v6 =	vld.idx.msk [tilespmem:v9+s28+$0x0], $0xffff  }
0x2ef: {  	[tilespmem:s17+$0x0] =	vst v10;
	v7 =	vld.idx.msk [tilespmem:v11+s28+$0x0], $0xffff  }
0x2f0: {  	[tilespmem:s17+$0x10] =	vst v14;
	v10 =	vld.idx.msk [tilespmem:v12+s28+$0x0], $0xffff  }
0x2f1: {  	[tilespmem:s17+$0x20] =	vst v15;
	v60 =	vld.idx.msk [tilespmem:v13+s28+$0x0], $0xffff  }
0x2f2: {  	s18 =	simm.s32 $0xF040;
	v61 =	vld.idx.msk [tilespmem:v1+s28+$0x0], $0xffff;
	[tilespmem:s17+$0xFFFFFFC0] =	vst v5  }
0x2f3: {  	[tilespmem:s18+$0x30] =	vst v4;
	v5 =	vld.idx.msk [tilespmem:v3+s28+$0x0], $0xffff  }
0x2f4: {  	[tilespmem:s18+$0xFFFFFFD0] =	vst v6;
	v6 =	vld.idx.msk [tilespmem:v2+s28+$0x0], $0xffff  }
0x2f5: {  	[tilespmem:s18+$0xFFFFFFE0] =	vst v7;
	v4 =	vld.idx.msk [tilespmem:v8+s29+$0x0], $0xffff  }
0x2f6: {  	[tilespmem:s18+$0xFFFFFFF0] =	vst v10;
	v7 =	vld.idx.msk [tilespmem:v9+s29+$0x0], $0xffff  }
0x2f7: {  	[tilespmem:s18+$0x0] =	vst v60;
	v10 =	vld.idx.msk [tilespmem:v11+s29+$0x0], $0xffff  }
0x2f8: {  	[tilespmem:s18+$0x10] =	vst v61;
	v62 =	vld.idx.msk [tilespmem:v12+s29+$0x0], $0xffff  }
0x2f9: {  	v63 =	vld.idx.msk [tilespmem:v13+s29+$0x0], $0xffff;
	[tilespmem:s18+$0xFFFFFFC0] =	vst v5  }
0x2fa: {  	s5 =	simm.s32 $0x11040;
	[tilespmem:s18+$0x20] =	vst v6;
	v6 =	vld.idx.msk [tilespmem:v1+s29+$0x0], $0xffff  }
0x2fb: {  	[tilespmem:s5+$0x30] =	vst v4;
	v17 =	vld.idx.msk [tilespmem:v3+s29+$0x0], $0xffff  }
0x2fc: {  	[tilespmem:s5+$0xFFFFFFD0] =	vst v7;
	v16 =	vld.idx.msk [tilespmem:v8+s30+$0x0], $0xffff  }
0x2fd: {  	[tilespmem:s5+$0xFFFFFFE0] =	vst v10;
	v7 =	vld.idx.msk [tilespmem:v2+s29+$0x0], $0xffff  }
0x2fe: {  	[tilespmem:s5+$0xFFFFFFF0] =	vst v62;
	v4 =	vld.idx.msk [tilespmem:v9+s30+$0x0], $0xffff  }
0x2ff: {  	[tilespmem:s5+$0x0] =	vst v63;
	v5 =	vld.idx.msk [tilespmem:v11+s30+$0x0], $0xffff  }
0x300: {  	s19 =	simm.s32 $0x13040;
	v8 =	vld.idx.msk [tilespmem:v12+s30+$0x0], $0xffff;
	[tilespmem:s5+$0xFFFFFFC0] =	vst v17  }
0x301: {  	s6 =	simm.s32 $0x0;
	s20 =	simm.s32 $0x10C0;
	v9 =	vld.idx.msk [tilespmem:v13+s30+$0x0], $0xffff;
	[tilespmem:s19+$0x30] =	vst v16  }
.LBB2_12:
0x302: {  	v10 =	vld [tilespmem:s20+$0x30];
	s6 =	sadd.s32 $0x80, s6;
	[tilespmem:s5+$0x10] =	vst v6  }
0x303: {  	v6 =	vld [tilespmem:s20+$0xFFFFFFD0];
	p0 =	slt.u32 s6, $0x1F80;
	[tilespmem:s5+$0x20] =	vst v7  }
0x304: {  	v7 =	vld [tilespmem:s20+$0xFFFFFFE0];
	[tilespmem:s19+$0xFFFFFFD0] =	vst v4  }
0x305: {  	v4 =	vld [tilespmem:s20+$0xFFFFFFF0];
	[tilespmem:s19+$0xFFFFFFE0] =	vst v5  }
0x306: {  	v5 =	vld [tilespmem:s20+$0x0];
	[tilespmem:s19+$0xFFFFFFF0] =	vst v8  }
0x307: {  	v8 =	vld [tilespmem:s20+$0x10];
	vm0 =	vlt.s32 v10, $0x0;
	[tilespmem:s19+$0x0] =	vst v9  }
0x308: {  	vm1 =	vlt.s32 v6, $0x0;
	v9 =	vld [tilespmem:s20+$0x20];
	v10 =	vsel vm0, $0x3E8, v10  }
0x309: {  	v11 =	vld [tilespmem:s20+$0xFFFFFFC0];
	v12 =	vsel vm1, $0x3E8, v6;
	vm0 =	vlt.s32 v7, $0x0  }
0x30a: {  	v13 =	vsel vm0, $0x3E8, v7;
	vm0 =	vlt.s32 v4, $0x0;
	v6 =	vld.idx.msk [tilespmem:v3+s30+$0x0], $0xffff  }
0x30b: {  	v14 =	vsel vm0, $0x3E8, v4;
	vm0 =	vlt.s32 v5, $0x0;
	v4 =	vld.idx.msk [tilespmem:v1+s30+$0x0], $0xffff  }
0x30c: {  	v15 =	vsel vm0, $0x3E8, v5;
	vm0 =	vlt.s32 v8, $0x0;
	v5 =	vld.idx.msk [tilespmem:v2+s30+$0x0], $0xffff  }
0x30d: {  	v1 =	vsel vm0, $0x3E8, v8;
	vm0 =	vlt.s32 v9, $0x0;
	v7 =	vld.idx.msk [tilespmem:v10+s1+$0x0], $0xffff  }
0x30e: {  	vm1 =	vlt.s32 v11, $0x0;
	v8 =	vld.idx.msk [tilespmem:v12+s1+$0x0], $0xffff;
	v2 =	vsel vm0, $0x3E8, v9  }
0x30f: {  	v3 =	vsel vm1, $0x3E8, v11;
	v9 =	vld.idx.msk [tilespmem:v13+s1+$0x0], $0xffff  }
0x310: {  	v11 =	vld.idx.msk [tilespmem:v14+s1+$0x0], $0xffff;
	[tilespmem:s19+$0xFFFFFFC0] =	vst v6  }
0x311: {  	v6 =	vld.idx.msk [tilespmem:v15+s1+$0x0], $0xffff;
	[tilespmem:s19+$0x10] =	vst v4  }
0x312: {  	s17 =	sadd.s32 $0x80, s17;
	v4 =	vld.idx.msk [tilespmem:v1+s1+$0x0], $0xffff;
	[tilespmem:s19+$0x20] =	vst v5  }
0x313: {  	v5 =	vld.idx.msk [tilespmem:v2+s1+$0x0], $0xffff;
	[tilespmem:s17+$0x30] =	vst v7  }
0x314: {  	[tilespmem:s17+$0xFFFFFFD0] =	vst v8;
	v7 =	vld.idx.msk [tilespmem:v10+s28+$0x0], $0xffff  }
0x315: {  	v8 =	vld.idx.msk [tilespmem:v3+s1+$0x0], $0xffff;
	[tilespmem:s17+$0xFFFFFFE0] =	vst v9  }
0x316: {  	v9 =	vld.idx.msk [tilespmem:v12+s28+$0x0], $0xffff;
	[tilespmem:s17+$0xFFFFFFF0] =	vst v11  }
0x317: {  	v11 =	vld.idx.msk [tilespmem:v13+s28+$0x0], $0xffff;
	[tilespmem:s17+$0x0] =	vst v6  }
0x318: {  	v6 =	vld.idx.msk [tilespmem:v14+s28+$0x0], $0xffff;
	[tilespmem:s17+$0x10] =	vst v4  }
0x319: {  	s18 =	sadd.s32 $0x80, s18;
	v4 =	vld.idx.msk [tilespmem:v15+s28+$0x0], $0xffff;
	[tilespmem:s17+$0x20] =	vst v5  }
0x31a: {  	v5 =	vld.idx.msk [tilespmem:v1+s28+$0x0], $0xffff;
	[tilespmem:s18+$0x30] =	vst v7  }
0x31b: {  	[tilespmem:s17+$0xFFFFFFC0] =	vst v8;
	v7 =	vld.idx.msk [tilespmem:v10+s29+$0x0], $0xffff  }
0x31c: {  	v8 =	vld.idx.msk [tilespmem:v3+s28+$0x0], $0xffff;
	[tilespmem:s18+$0xFFFFFFD0] =	vst v9  }
0x31d: {  	[tilespmem:s18+$0xFFFFFFE0] =	vst v11;
	v9 =	vld.idx.msk [tilespmem:v2+s28+$0x0], $0xffff  }
0x31e: {  	v11 =	vld.idx.msk [tilespmem:v12+s29+$0x0], $0xffff;
	[tilespmem:s18+$0xFFFFFFF0] =	vst v6  }
0x31f: {  	v16 =	vld.idx.msk [tilespmem:v13+s29+$0x0], $0xffff;
	[tilespmem:s18+$0x0] =	vst v4  }
0x320: {  	s5 =	sadd.s32 $0x80, s5;
	v17 =	vld.idx.msk [tilespmem:v14+s29+$0x0], $0xffff;
	[tilespmem:s18+$0x10] =	vst v5  }
0x321: {  	v18 =	vld.idx.msk [tilespmem:v15+s29+$0x0], $0xffff;
	[tilespmem:s5+$0x30] =	vst v7  }
0x322: {  	[tilespmem:s18+$0xFFFFFFC0] =	vst v8;
	v10 =	vld.idx.msk [tilespmem:v10+s30+$0x0], $0xffff  }
0x323: {  	v19 =	vld.idx.msk [tilespmem:v3+s29+$0x0], $0xffff;
	[tilespmem:s18+$0x20] =	vst v9  }
0x324: {  	[tilespmem:s5+$0xFFFFFFD0] =	vst v11;
	v6 =	vld.idx.msk [tilespmem:v1+s29+$0x0], $0xffff  }
.Ltmp5:
0x325: {  	[tilespmem:s5+$0xFFFFFFE0] =	vst v16;
	v7 =	vld.idx.msk [tilespmem:v2+s29+$0x0], $0xffff;
	(pc) =	sbr.rel @p0 .LBB2_12-.Ltmp5, $4  }
0x326: {  	v4 =	vld.idx.msk [tilespmem:v12+s30+$0x0], $0xffff;
	[tilespmem:s5+$0xFFFFFFF0] =	vst v17  }
0x327: {  	s19 =	sadd.s32 $0x80, s19;
	v5 =	vld.idx.msk [tilespmem:v13+s30+$0x0], $0xffff;
	[tilespmem:s5+$0x0] =	vst v18  }
0x328: {  	v8 =	vld.idx.msk [tilespmem:v14+s30+$0x0], $0xffff;
	[tilespmem:s19+$0x30] =	vst v10  }
0x329: {  	s20 =	sadd.s32 $0x80, s20;
	[tilespmem:s5+$0xFFFFFFC0] =	vst v19;
	v9 =	vld.idx.msk [tilespmem:v15+s30+$0x0], $0xffff  }
0x32a: {  	_ =	sdelay $0x2  }
0x32b: {  	[tilespmem:s5+$0x10] =	vst v6  }
0x32c: {  	[tilespmem:s5+$0x20] =	vst v7;
	v3 =	vld.idx.msk [tilespmem:v3+s30+$0x0], $0xffff  }
0x32d: {  	[tilespmem:s19+$0xFFFFFFD0] =	vst v4;
	v1 =	vld.idx.msk [tilespmem:v1+s30+$0x0], $0xffff  }
0x32e: {  	v2 =	vld.idx.msk [tilespmem:v2+s30+$0x0], $0xffff;
	[tilespmem:s19+$0xFFFFFFE0] =	vst v5  }
0x32f: {  	[tilespmem:s19+$0xFFFFFFF0] =	vst v8  }
0x330: {  	[tilespmem:s19+$0x0] =	vst v9  }
0x331: {  	[tilespmem:s19+$0xFFFFFFC0] =	vst v3  }
0x332: {  	[tilespmem:s19+$0x10] =	vst v1  }
0x333: {  	[tilespmem:s19+$0x20] =	vst v2  }
0x334: {  	s5 =	rddreg [dreg:$0x19]  }
0x335: {  	s6 =	rddreg [dreg:$0x1a]  }
0x336: {  	[hbm4b:s5+s1] =	stream.linear.scatter [tilespmem:s7], [sflag:$0x4], $0x2000, $0x38;
	[tilespmem:$0x1D000] =	vst v63  }
0x337: {  	s17 =	rddreg [dreg:$0x1b]  }
0x338: {  	[hbm4b:s6+s1] =	stream.linear.scatter [tilespmem:s8], [sflag:$0x4], $0x2000, $0x38;
	[tilespmem:$0x1D000] =	vst v63  }
0x339: {  	s18 =	rddreg [dreg:$0x1c]  }
0x33a: {  	[hbm4b:s17+s1] =	stream.linear.scatter [tilespmem:s9], [sflag:$0x4], $0x2000, $0x38;
	[tilespmem:$0x1D000] =	vst v63  }
0x33b: {  	s19 =	sld [smem:$0x7C6]  }
0x33c: {  	[hbm4b:s18+s1] =	stream.linear.scatter [tilespmem:s10], [sflag:$0x4], $0x2000, $0x38;
	[tilespmem:$0x1D000] =	vst v63  }
0x33d: {  	_ = 	snop  }
0x33e: {  	[tilespmem:s24], [sflag:$0x1] =	stream.linear.gather [hbm4b:s19+s1], $0x2000, $0x38;
	[tilespmem:$0x1D000] =	vst v63  }
0x33f: {  	_ =	swait.ge [sflag:s15], $0x2000  }
0x340: {  	[sflag:s15] =	ssyncset.done $0x0  }
0x341: {  	[sflag:s15] =	ssyncadd.s32 $0xFFFFE000  }
0x342: {  	_ =	swait.ge [sflag:s15], $0x2000  }
0x343: {  	[sflag:s15] =	ssyncset.done $0x0  }
0x344: {  	[sflag:s15] =	ssyncadd.s32 $0xFFFFE000  }
0x345: {  	_ =	swait.ge [sflag:s15], $0x2000  }
0x346: {  	[sflag:s15] =	ssyncset.done $0x0  }
0x347: {  	[sflag:s15] =	ssyncadd.s32 $0xFFFFE000  }
0x348: {  	_ =	swait.ge [sflag:s15], $0x2000  }
0x349: {  	[sflag:s15] =	ssyncset.done $0x0  }
0x34a: {  	[sflag:s15] =	ssyncadd.s32 $0xFFFFE000  }
0x34b: {  	_ =	swait.ge [sflag:s4], $0x2000  }
0x34c: {  	[sflag:s4] =	ssyncset.done $0x0  }
0x34d: {  	s20 =	simm.s32 $0x3040;
	[sflag:s4] =	ssyncadd.s32 $0xFFFFE000  }
0x34e: {  	v1 =	vld [tilespmem:s20+$0x30]  }
0x34f: {  	v2 =	vld [tilespmem:s20+$0xFFFFFFD0]  }
0x350: {  	v3 =	vld [tilespmem:s20+$0xFFFFFFE0]  }
0x351: {  	v4 =	vld [tilespmem:s20+$0xFFFFFFF0]  }
0x352: {  	v5 =	vld [tilespmem:s20+$0x0]  }
0x353: {  	v6 =	vld [tilespmem:s20+$0x10];
	vm0 =	vlt.s32 v1, $0x0  }
0x354: {  	v7 =	vld [tilespmem:s20+$0x20];
	vm1 =	vlt.s32 v2, $0x0;
	v8 =	vsel vm0, $0x3E8, v1  }
0x355: {  	v10 =	vld [tilespmem:s20+$0xFFFFFFC0];
	vm10 =	vlt.s32 v3, $0x0;
	v9 =	vsel vm1, $0x3E8, v2  }
0x356: {  	vm11 =	vlt.s32 v4, $0x0;
	v11 =	vsel vm10, $0x3E8, v3  }
0x357: {  	vm12 =	vlt.s32 v5, $0x0;
	v12 =	vsel vm11, $0x3E8, v4  }
0x358: {  	vm13 =	vlt.s32 v6, $0x0;
	v13 =	vsel vm12, $0x3E8, v5  }
0x359: {  	vm14 =	vlt.s32 v7, $0x0;
	v1 =	vsel vm13, $0x3E8, v6;
	v4 =	vld.idx.msk [tilespmem:v8+s1+$0x0], $0xffff  }
0x35a: {  	vm15 =	vlt.s32 v10, $0x0;
	v2 =	vsel vm14, $0x3E8, v7;
	v5 =	vld.idx.msk [tilespmem:v9+s1+$0x0], $0xffff  }
0x35b: {  	v3 =	vsel vm15, $0x3E8, v10;
	v6 =	vld.idx.msk [tilespmem:v11+s1+$0x0], $0xffff  }
0x35c: {  	v7 =	vld.idx.msk [tilespmem:v12+s1+$0x0], $0xffff  }
0x35d: {  	v10 =	vld.idx.msk [tilespmem:v13+s1+$0x0], $0xffff  }
0x35e: {  	s17 =	simm.s32 $0x15040;
	v14 =	vld.idx.msk [tilespmem:v1+s1+$0x0], $0xffff  }
0x35f: {  	v15 =	vld.idx.msk [tilespmem:v2+s1+$0x0], $0xffff;
	[tilespmem:s17+$0x30] =	vst v4  }
0x360: {  	[tilespmem:s17+$0xFFFFFFD0] =	vst v5;
	v5 =	vld.idx.msk [tilespmem:v3+s1+$0x0], $0xffff  }
0x361: {  	[tilespmem:s17+$0xFFFFFFE0] =	vst v6;
	v4 =	vld.idx.msk [tilespmem:v8+s28+$0x0], $0xffff  }
0x362: {  	[tilespmem:s17+$0xFFFFFFF0] =	vst v7;
	v6 =	vld.idx.msk [tilespmem:v9+s28+$0x0], $0xffff  }
0x363: {  	[tilespmem:s17+$0x0] =	vst v10;
	v7 =	vld.idx.msk [tilespmem:v11+s28+$0x0], $0xffff  }
0x364: {  	[tilespmem:s17+$0x10] =	vst v14;
	v10 =	vld.idx.msk [tilespmem:v12+s28+$0x0], $0xffff  }
0x365: {  	[tilespmem:s17+$0x20] =	vst v15;
	v60 =	vld.idx.msk [tilespmem:v13+s28+$0x0], $0xffff  }
0x366: {  	s18 =	simm.s32 $0x17040;
	v61 =	vld.idx.msk [tilespmem:v1+s28+$0x0], $0xffff;
	[tilespmem:s17+$0xFFFFFFC0] =	vst v5  }
0x367: {  	[tilespmem:s18+$0x30] =	vst v4;
	v5 =	vld.idx.msk [tilespmem:v3+s28+$0x0], $0xffff  }
0x368: {  	[tilespmem:s18+$0xFFFFFFD0] =	vst v6;
	v6 =	vld.idx.msk [tilespmem:v2+s28+$0x0], $0xffff  }
0x369: {  	[tilespmem:s18+$0xFFFFFFE0] =	vst v7;
	v4 =	vld.idx.msk [tilespmem:v8+s29+$0x0], $0xffff  }
0x36a: {  	[tilespmem:s18+$0xFFFFFFF0] =	vst v10;
	v7 =	vld.idx.msk [tilespmem:v9+s29+$0x0], $0xffff  }
0x36b: {  	[tilespmem:s18+$0x0] =	vst v60;
	v10 =	vld.idx.msk [tilespmem:v11+s29+$0x0], $0xffff  }
0x36c: {  	[tilespmem:s18+$0x10] =	vst v61;
	v62 =	vld.idx.msk [tilespmem:v12+s29+$0x0], $0xffff  }
0x36d: {  	v63 =	vld.idx.msk [tilespmem:v13+s29+$0x0], $0xffff;
	[tilespmem:s18+$0xFFFFFFC0] =	vst v5  }
0x36e: {  	s5 =	simm.s32 $0x19040;
	[tilespmem:s18+$0x20] =	vst v6;
	v6 =	vld.idx.msk [tilespmem:v1+s29+$0x0], $0xffff  }
0x36f: {  	[tilespmem:s5+$0x30] =	vst v4;
	v17 =	vld.idx.msk [tilespmem:v3+s29+$0x0], $0xffff  }
0x370: {  	[tilespmem:s5+$0xFFFFFFD0] =	vst v7;
	v16 =	vld.idx.msk [tilespmem:v8+s30+$0x0], $0xffff  }
0x371: {  	[tilespmem:s5+$0xFFFFFFE0] =	vst v10;
	v7 =	vld.idx.msk [tilespmem:v2+s29+$0x0], $0xffff  }
0x372: {  	[tilespmem:s5+$0xFFFFFFF0] =	vst v62;
	v4 =	vld.idx.msk [tilespmem:v9+s30+$0x0], $0xffff  }
0x373: {  	[tilespmem:s5+$0x0] =	vst v63;
	v5 =	vld.idx.msk [tilespmem:v11+s30+$0x0], $0xffff  }
0x374: {  	s19 =	simm.s32 $0x1B040;
	v8 =	vld.idx.msk [tilespmem:v12+s30+$0x0], $0xffff;
	[tilespmem:s5+$0xFFFFFFC0] =	vst v17  }
0x375: {  	s6 =	simm.s32 $0x0;
	s20 =	simm.s32 $0x30C0;
	v9 =	vld.idx.msk [tilespmem:v13+s30+$0x0], $0xffff;
	[tilespmem:s19+$0x30] =	vst v16  }
.LBB2_14:
0x376: {  	v10 =	vld [tilespmem:s20+$0x30];
	s6 =	sadd.s32 $0x80, s6;
	[tilespmem:s5+$0x10] =	vst v6  }
0x377: {  	v6 =	vld [tilespmem:s20+$0xFFFFFFD0];
	p0 =	slt.u32 s6, $0x1F80;
	[tilespmem:s5+$0x20] =	vst v7  }
0x378: {  	v7 =	vld [tilespmem:s20+$0xFFFFFFE0];
	[tilespmem:s19+$0xFFFFFFD0] =	vst v4  }
0x379: {  	v4 =	vld [tilespmem:s20+$0xFFFFFFF0];
	[tilespmem:s19+$0xFFFFFFE0] =	vst v5  }
0x37a: {  	v5 =	vld [tilespmem:s20+$0x0];
	[tilespmem:s19+$0xFFFFFFF0] =	vst v8  }
0x37b: {  	v8 =	vld [tilespmem:s20+$0x10];
	vm0 =	vlt.s32 v10, $0x0;
	[tilespmem:s19+$0x0] =	vst v9  }
0x37c: {  	vm1 =	vlt.s32 v6, $0x0;
	v9 =	vld [tilespmem:s20+$0x20];
	v10 =	vsel vm0, $0x3E8, v10  }
0x37d: {  	v11 =	vld [tilespmem:s20+$0xFFFFFFC0];
	v12 =	vsel vm1, $0x3E8, v6;
	vm0 =	vlt.s32 v7, $0x0  }
0x37e: {  	v13 =	vsel vm0, $0x3E8, v7;
	vm0 =	vlt.s32 v4, $0x0;
	v6 =	vld.idx.msk [tilespmem:v3+s30+$0x0], $0xffff  }
0x37f: {  	v14 =	vsel vm0, $0x3E8, v4;
	vm0 =	vlt.s32 v5, $0x0;
	v4 =	vld.idx.msk [tilespmem:v1+s30+$0x0], $0xffff  }
0x380: {  	v15 =	vsel vm0, $0x3E8, v5;
	vm0 =	vlt.s32 v8, $0x0;
	v5 =	vld.idx.msk [tilespmem:v2+s30+$0x0], $0xffff  }
0x381: {  	v1 =	vsel vm0, $0x3E8, v8;
	vm0 =	vlt.s32 v9, $0x0;
	v7 =	vld.idx.msk [tilespmem:v10+s1+$0x0], $0xffff  }
0x382: {  	vm1 =	vlt.s32 v11, $0x0;
	v8 =	vld.idx.msk [tilespmem:v12+s1+$0x0], $0xffff;
	v2 =	vsel vm0, $0x3E8, v9  }
0x383: {  	v3 =	vsel vm1, $0x3E8, v11;
	v9 =	vld.idx.msk [tilespmem:v13+s1+$0x0], $0xffff  }
0x384: {  	v11 =	vld.idx.msk [tilespmem:v14+s1+$0x0], $0xffff;
	[tilespmem:s19+$0xFFFFFFC0] =	vst v6  }
0x385: {  	v6 =	vld.idx.msk [tilespmem:v15+s1+$0x0], $0xffff;
	[tilespmem:s19+$0x10] =	vst v4  }
0x386: {  	s17 =	sadd.s32 $0x80, s17;
	v4 =	vld.idx.msk [tilespmem:v1+s1+$0x0], $0xffff;
	[tilespmem:s19+$0x20] =	vst v5  }
0x387: {  	v5 =	vld.idx.msk [tilespmem:v2+s1+$0x0], $0xffff;
	[tilespmem:s17+$0x30] =	vst v7  }
0x388: {  	[tilespmem:s17+$0xFFFFFFD0] =	vst v8;
	v7 =	vld.idx.msk [tilespmem:v10+s28+$0x0], $0xffff  }
0x389: {  	v8 =	vld.idx.msk [tilespmem:v3+s1+$0x0], $0xffff;
	[tilespmem:s17+$0xFFFFFFE0] =	vst v9  }
0x38a: {  	v9 =	vld.idx.msk [tilespmem:v12+s28+$0x0], $0xffff;
	[tilespmem:s17+$0xFFFFFFF0] =	vst v11  }
0x38b: {  	v11 =	vld.idx.msk [tilespmem:v13+s28+$0x0], $0xffff;
	[tilespmem:s17+$0x0] =	vst v6  }
0x38c: {  	v6 =	vld.idx.msk [tilespmem:v14+s28+$0x0], $0xffff;
	[tilespmem:s17+$0x10] =	vst v4  }
0x38d: {  	s18 =	sadd.s32 $0x80, s18;
	v4 =	vld.idx.msk [tilespmem:v15+s28+$0x0], $0xffff;
	[tilespmem:s17+$0x20] =	vst v5  }
0x38e: {  	v5 =	vld.idx.msk [tilespmem:v1+s28+$0x0], $0xffff;
	[tilespmem:s18+$0x30] =	vst v7  }
0x38f: {  	[tilespmem:s17+$0xFFFFFFC0] =	vst v8;
	v7 =	vld.idx.msk [tilespmem:v10+s29+$0x0], $0xffff  }
0x390: {  	v8 =	vld.idx.msk [tilespmem:v3+s28+$0x0], $0xffff;
	[tilespmem:s18+$0xFFFFFFD0] =	vst v9  }
0x391: {  	[tilespmem:s18+$0xFFFFFFE0] =	vst v11;
	v9 =	vld.idx.msk [tilespmem:v2+s28+$0x0], $0xffff  }
0x392: {  	v11 =	vld.idx.msk [tilespmem:v12+s29+$0x0], $0xffff;
	[tilespmem:s18+$0xFFFFFFF0] =	vst v6  }
0x393: {  	v16 =	vld.idx.msk [tilespmem:v13+s29+$0x0], $0xffff;
	[tilespmem:s18+$0x0] =	vst v4  }
0x394: {  	s5 =	sadd.s32 $0x80, s5;
	v17 =	vld.idx.msk [tilespmem:v14+s29+$0x0], $0xffff;
	[tilespmem:s18+$0x10] =	vst v5  }
0x395: {  	v18 =	vld.idx.msk [tilespmem:v15+s29+$0x0], $0xffff;
	[tilespmem:s5+$0x30] =	vst v7  }
0x396: {  	[tilespmem:s18+$0xFFFFFFC0] =	vst v8;
	v10 =	vld.idx.msk [tilespmem:v10+s30+$0x0], $0xffff  }
0x397: {  	v19 =	vld.idx.msk [tilespmem:v3+s29+$0x0], $0xffff;
	[tilespmem:s18+$0x20] =	vst v9  }
0x398: {  	[tilespmem:s5+$0xFFFFFFD0] =	vst v11;
	v6 =	vld.idx.msk [tilespmem:v1+s29+$0x0], $0xffff  }
.Ltmp6:
0x399: {  	[tilespmem:s5+$0xFFFFFFE0] =	vst v16;
	v7 =	vld.idx.msk [tilespmem:v2+s29+$0x0], $0xffff;
	(pc) =	sbr.rel @p0 .LBB2_14-.Ltmp6, $4  }
0x39a: {  	v4 =	vld.idx.msk [tilespmem:v12+s30+$0x0], $0xffff;
	[tilespmem:s5+$0xFFFFFFF0] =	vst v17  }
0x39b: {  	s19 =	sadd.s32 $0x80, s19;
	v5 =	vld.idx.msk [tilespmem:v13+s30+$0x0], $0xffff;
	[tilespmem:s5+$0x0] =	vst v18  }
0x39c: {  	v8 =	vld.idx.msk [tilespmem:v14+s30+$0x0], $0xffff;
	[tilespmem:s19+$0x30] =	vst v10  }
0x39d: {  	s20 =	sadd.s32 $0x80, s20;
	[tilespmem:s5+$0xFFFFFFC0] =	vst v19;
	v9 =	vld.idx.msk [tilespmem:v15+s30+$0x0], $0xffff  }
0x39e: {  	_ =	sdelay $0x2  }
0x39f: {  	[tilespmem:s5+$0x10] =	vst v6  }
0x3a0: {  	[tilespmem:s5+$0x20] =	vst v7;
	v3 =	vld.idx.msk [tilespmem:v3+s30+$0x0], $0xffff  }
0x3a1: {  	[tilespmem:s19+$0xFFFFFFD0] =	vst v4;
	v1 =	vld.idx.msk [tilespmem:v1+s30+$0x0], $0xffff  }
0x3a2: {  	v2 =	vld.idx.msk [tilespmem:v2+s30+$0x0], $0xffff;
	[tilespmem:s19+$0xFFFFFFE0] =	vst v5  }
0x3a3: {  	[tilespmem:s19+$0xFFFFFFF0] =	vst v8  }
0x3a4: {  	[tilespmem:s19+$0x0] =	vst v9  }
0x3a5: {  	[tilespmem:s19+$0xFFFFFFC0] =	vst v3  }
0x3a6: {  	[tilespmem:s19+$0x10] =	vst v1  }
0x3a7: {  	[tilespmem:s19+$0x20] =	vst v2  }
0x3a8: {  	s5 =	rddreg [dreg:$0x1e]  }
0x3a9: {  	s6 =	rddreg [dreg:$0x1f]  }
0x3aa: {  	[hbm4b:s5+s1] =	stream.linear.scatter [tilespmem:s11], [sflag:$0x5], $0x2000, $0x38;
	[tilespmem:$0x1D000] =	vst v63  }
0x3ab: {  	s17 =	sld [smem:$0x7C4]  }
0x3ac: {  	[hbm4b:s6+s1] =	stream.linear.scatter [tilespmem:s21], [sflag:$0x5], $0x2000, $0x38;
	[tilespmem:$0x1D000] =	vst v63  }
0x3ad: {  	s18 =	sld [smem:$0x7C5]  }
0x3ae: {  	[hbm4b:s17+s1] =	stream.linear.scatter [tilespmem:s22], [sflag:$0x5], $0x2000, $0x38;
	[tilespmem:$0x1D000] =	vst v63  }
0x3af: {  	s19 =	sld [smem:$0x7CB]  }
0x3b0: {  	[hbm4b:s18+s1] =	stream.linear.scatter [tilespmem:s12], [sflag:$0x5], $0x2000, $0x38;
	[tilespmem:$0x1D000] =	vst v63  }
0x3b1: {  	_ = 	snop  }
0x3b2: {  	[tilespmem:s25], [sflag:$0x2] =	stream.linear.gather [hbm4b:s19+s1], $0x2000, $0x38;
	[tilespmem:$0x1D000] =	vst v63  }
0x3b3: {  	_ =	swait.ge [sflag:s13], $0x2000  }
0x3b4: {  	[sflag:s13] =	ssyncset.done $0x0  }
0x3b5: {  	[sflag:s13] =	ssyncadd.s32 $0xFFFFE000  }
0x3b6: {  	_ =	swait.ge [sflag:s13], $0x2000  }
0x3b7: {  	[sflag:s13] =	ssyncset.done $0x0  }
0x3b8: {  	[sflag:s13] =	ssyncadd.s32 $0xFFFFE000  }
0x3b9: {  	_ =	swait.ge [sflag:s13], $0x2000  }
0x3ba: {  	[sflag:s13] =	ssyncset.done $0x0  }
0x3bb: {  	[sflag:s13] =	ssyncadd.s32 $0xFFFFE000  }
0x3bc: {  	_ =	swait.ge [sflag:s13], $0x2000  }
0x3bd: {  	[sflag:s13] =	ssyncset.done $0x0  }
0x3be: {  	[sflag:s13] =	ssyncadd.s32 $0xFFFFE000  }
0x3bf: {  	_ =	swait.ge [sflag:s26], $0x2000  }
0x3c0: {  	[sflag:s26] =	ssyncset.done $0x0  }
0x3c1: {  	s20 =	simm.s32 $0x1040;
	[sflag:s26] =	ssyncadd.s32 $0xFFFFE000  }
0x3c2: {  	v1 =	vld [tilespmem:s20+$0x30]  }
0x3c3: {  	v2 =	vld [tilespmem:s20+$0xFFFFFFD0]  }
0x3c4: {  	v3 =	vld [tilespmem:s20+$0xFFFFFFE0]  }
0x3c5: {  	v4 =	vld [tilespmem:s20+$0xFFFFFFF0]  }
0x3c6: {  	v5 =	vld [tilespmem:s20+$0x0]  }
0x3c7: {  	v6 =	vld [tilespmem:s20+$0x10];
	vm0 =	vlt.s32 v1, $0x0  }
0x3c8: {  	v7 =	vld [tilespmem:s20+$0x20];
	vm1 =	vlt.s32 v2, $0x0;
	v8 =	vsel vm0, $0x3E8, v1  }
0x3c9: {  	v10 =	vld [tilespmem:s20+$0xFFFFFFC0];
	vm10 =	vlt.s32 v3, $0x0;
	v9 =	vsel vm1, $0x3E8, v2  }
0x3ca: {  	vm11 =	vlt.s32 v4, $0x0;
	v11 =	vsel vm10, $0x3E8, v3  }
0x3cb: {  	vm12 =	vlt.s32 v5, $0x0;
	v12 =	vsel vm11, $0x3E8, v4  }
0x3cc: {  	vm13 =	vlt.s32 v6, $0x0;
	v13 =	vsel vm12, $0x3E8, v5  }
0x3cd: {  	vm14 =	vlt.s32 v7, $0x0;
	v1 =	vsel vm13, $0x3E8, v6;
	v4 =	vld.idx.msk [tilespmem:v8+s1+$0x0], $0xffff  }
0x3ce: {  	vm15 =	vlt.s32 v10, $0x0;
	v2 =	vsel vm14, $0x3E8, v7;
	v5 =	vld.idx.msk [tilespmem:v9+s1+$0x0], $0xffff  }
0x3cf: {  	v3 =	vsel vm15, $0x3E8, v10;
	v6 =	vld.idx.msk [tilespmem:v11+s1+$0x0], $0xffff  }
0x3d0: {  	v7 =	vld.idx.msk [tilespmem:v12+s1+$0x0], $0xffff  }
0x3d1: {  	v10 =	vld.idx.msk [tilespmem:v13+s1+$0x0], $0xffff  }
0x3d2: {  	s17 =	simm.s32 $0x5040;
	v14 =	vld.idx.msk [tilespmem:v1+s1+$0x0], $0xffff  }
0x3d3: {  	v15 =	vld.idx.msk [tilespmem:v2+s1+$0x0], $0xffff;
	[tilespmem:s17+$0x30] =	vst v4  }
0x3d4: {  	[tilespmem:s17+$0xFFFFFFD0] =	vst v5;
	v5 =	vld.idx.msk [tilespmem:v3+s1+$0x0], $0xffff  }
0x3d5: {  	[tilespmem:s17+$0xFFFFFFE0] =	vst v6;
	v4 =	vld.idx.msk [tilespmem:v8+s28+$0x0], $0xffff  }
0x3d6: {  	[tilespmem:s17+$0xFFFFFFF0] =	vst v7;
	v6 =	vld.idx.msk [tilespmem:v9+s28+$0x0], $0xffff  }
0x3d7: {  	[tilespmem:s17+$0x0] =	vst v10;
	v7 =	vld.idx.msk [tilespmem:v11+s28+$0x0], $0xffff  }
0x3d8: {  	[tilespmem:s17+$0x10] =	vst v14;
	v10 =	vld.idx.msk [tilespmem:v12+s28+$0x0], $0xffff  }
0x3d9: {  	[tilespmem:s17+$0x20] =	vst v15;
	v60 =	vld.idx.msk [tilespmem:v13+s28+$0x0], $0xffff  }
0x3da: {  	s18 =	simm.s32 $0x7040;
	v61 =	vld.idx.msk [tilespmem:v1+s28+$0x0], $0xffff;
	[tilespmem:s17+$0xFFFFFFC0] =	vst v5  }
0x3db: {  	[tilespmem:s18+$0x30] =	vst v4;
	v5 =	vld.idx.msk [tilespmem:v3+s28+$0x0], $0xffff  }
0x3dc: {  	[tilespmem:s18+$0xFFFFFFD0] =	vst v6;
	v6 =	vld.idx.msk [tilespmem:v2+s28+$0x0], $0xffff  }
0x3dd: {  	[tilespmem:s18+$0xFFFFFFE0] =	vst v7;
	v4 =	vld.idx.msk [tilespmem:v8+s29+$0x0], $0xffff  }
0x3de: {  	[tilespmem:s18+$0xFFFFFFF0] =	vst v10;
	v7 =	vld.idx.msk [tilespmem:v9+s29+$0x0], $0xffff  }
0x3df: {  	[tilespmem:s18+$0x0] =	vst v60;
	v10 =	vld.idx.msk [tilespmem:v11+s29+$0x0], $0xffff  }
0x3e0: {  	[tilespmem:s18+$0x10] =	vst v61;
	v62 =	vld.idx.msk [tilespmem:v12+s29+$0x0], $0xffff  }
0x3e1: {  	v63 =	vld.idx.msk [tilespmem:v13+s29+$0x0], $0xffff;
	[tilespmem:s18+$0xFFFFFFC0] =	vst v5  }
0x3e2: {  	s5 =	simm.s32 $0x9040;
	[tilespmem:s18+$0x20] =	vst v6;
	v6 =	vld.idx.msk [tilespmem:v1+s29+$0x0], $0xffff  }
0x3e3: {  	[tilespmem:s5+$0x30] =	vst v4;
	v17 =	vld.idx.msk [tilespmem:v3+s29+$0x0], $0xffff  }
0x3e4: {  	[tilespmem:s5+$0xFFFFFFD0] =	vst v7;
	v16 =	vld.idx.msk [tilespmem:v8+s30+$0x0], $0xffff  }
0x3e5: {  	[tilespmem:s5+$0xFFFFFFE0] =	vst v10;
	v7 =	vld.idx.msk [tilespmem:v2+s29+$0x0], $0xffff  }
0x3e6: {  	[tilespmem:s5+$0xFFFFFFF0] =	vst v62;
	v4 =	vld.idx.msk [tilespmem:v9+s30+$0x0], $0xffff  }
0x3e7: {  	[tilespmem:s5+$0x0] =	vst v63;
	v5 =	vld.idx.msk [tilespmem:v11+s30+$0x0], $0xffff  }
0x3e8: {  	s19 =	simm.s32 $0xB040;
	v8 =	vld.idx.msk [tilespmem:v12+s30+$0x0], $0xffff;
	[tilespmem:s5+$0xFFFFFFC0] =	vst v17  }
0x3e9: {  	s6 =	simm.s32 $0x0;
	s20 =	simm.s32 $0x10C0;
	v9 =	vld.idx.msk [tilespmem:v13+s30+$0x0], $0xffff;
	[tilespmem:s19+$0x30] =	vst v16  }
.LBB2_16:
0x3ea: {  	v10 =	vld [tilespmem:s20+$0x30];
	s6 =	sadd.s32 $0x80, s6;
	[tilespmem:s5+$0x10] =	vst v6  }
0x3eb: {  	v6 =	vld [tilespmem:s20+$0xFFFFFFD0];
	p0 =	slt.u32 s6, $0x1F80;
	[tilespmem:s5+$0x20] =	vst v7  }
0x3ec: {  	v7 =	vld [tilespmem:s20+$0xFFFFFFE0];
	[tilespmem:s19+$0xFFFFFFD0] =	vst v4  }
0x3ed: {  	v4 =	vld [tilespmem:s20+$0xFFFFFFF0];
	[tilespmem:s19+$0xFFFFFFE0] =	vst v5  }
0x3ee: {  	v5 =	vld [tilespmem:s20+$0x0];
	[tilespmem:s19+$0xFFFFFFF0] =	vst v8  }
0x3ef: {  	v8 =	vld [tilespmem:s20+$0x10];
	vm0 =	vlt.s32 v10, $0x0;
	[tilespmem:s19+$0x0] =	vst v9  }
0x3f0: {  	vm1 =	vlt.s32 v6, $0x0;
	v9 =	vld [tilespmem:s20+$0x20];
	v10 =	vsel vm0, $0x3E8, v10  }
0x3f1: {  	v11 =	vld [tilespmem:s20+$0xFFFFFFC0];
	v12 =	vsel vm1, $0x3E8, v6;
	vm0 =	vlt.s32 v7, $0x0  }
0x3f2: {  	v13 =	vsel vm0, $0x3E8, v7;
	vm0 =	vlt.s32 v4, $0x0;
	v6 =	vld.idx.msk [tilespmem:v3+s30+$0x0], $0xffff  }
0x3f3: {  	v14 =	vsel vm0, $0x3E8, v4;
	vm0 =	vlt.s32 v5, $0x0;
	v4 =	vld.idx.msk [tilespmem:v1+s30+$0x0], $0xffff  }
0x3f4: {  	v15 =	vsel vm0, $0x3E8, v5;
	vm0 =	vlt.s32 v8, $0x0;
	v5 =	vld.idx.msk [tilespmem:v2+s30+$0x0], $0xffff  }
0x3f5: {  	v1 =	vsel vm0, $0x3E8, v8;
	vm0 =	vlt.s32 v9, $0x0;
	v7 =	vld.idx.msk [tilespmem:v10+s1+$0x0], $0xffff  }
0x3f6: {  	vm1 =	vlt.s32 v11, $0x0;
	v8 =	vld.idx.msk [tilespmem:v12+s1+$0x0], $0xffff;
	v2 =	vsel vm0, $0x3E8, v9  }
0x3f7: {  	v3 =	vsel vm1, $0x3E8, v11;
	v9 =	vld.idx.msk [tilespmem:v13+s1+$0x0], $0xffff  }
0x3f8: {  	v11 =	vld.idx.msk [tilespmem:v14+s1+$0x0], $0xffff;
	[tilespmem:s19+$0xFFFFFFC0] =	vst v6  }
0x3f9: {  	v6 =	vld.idx.msk [tilespmem:v15+s1+$0x0], $0xffff;
	[tilespmem:s19+$0x10] =	vst v4  }
0x3fa: {  	s17 =	sadd.s32 $0x80, s17;
	v4 =	vld.idx.msk [tilespmem:v1+s1+$0x0], $0xffff;
	[tilespmem:s19+$0x20] =	vst v5  }
0x3fb: {  	v5 =	vld.idx.msk [tilespmem:v2+s1+$0x0], $0xffff;
	[tilespmem:s17+$0x30] =	vst v7  }
0x3fc: {  	[tilespmem:s17+$0xFFFFFFD0] =	vst v8;
	v7 =	vld.idx.msk [tilespmem:v10+s28+$0x0], $0xffff  }
0x3fd: {  	v8 =	vld.idx.msk [tilespmem:v3+s1+$0x0], $0xffff;
	[tilespmem:s17+$0xFFFFFFE0] =	vst v9  }
0x3fe: {  	v9 =	vld.idx.msk [tilespmem:v12+s28+$0x0], $0xffff;
	[tilespmem:s17+$0xFFFFFFF0] =	vst v11  }
0x3ff: {  	v11 =	vld.idx.msk [tilespmem:v13+s28+$0x0], $0xffff;
	[tilespmem:s17+$0x0] =	vst v6  }
0x400: {  	v6 =	vld.idx.msk [tilespmem:v14+s28+$0x0], $0xffff;
	[tilespmem:s17+$0x10] =	vst v4  }
0x401: {  	s18 =	sadd.s32 $0x80, s18;
	v4 =	vld.idx.msk [tilespmem:v15+s28+$0x0], $0xffff;
	[tilespmem:s17+$0x20] =	vst v5  }
0x402: {  	v5 =	vld.idx.msk [tilespmem:v1+s28+$0x0], $0xffff;
	[tilespmem:s18+$0x30] =	vst v7  }
0x403: {  	[tilespmem:s17+$0xFFFFFFC0] =	vst v8;
	v7 =	vld.idx.msk [tilespmem:v10+s29+$0x0], $0xffff  }
0x404: {  	v8 =	vld.idx.msk [tilespmem:v3+s28+$0x0], $0xffff;
	[tilespmem:s18+$0xFFFFFFD0] =	vst v9  }
0x405: {  	[tilespmem:s18+$0xFFFFFFE0] =	vst v11;
	v9 =	vld.idx.msk [tilespmem:v2+s28+$0x0], $0xffff  }
0x406: {  	v11 =	vld.idx.msk [tilespmem:v12+s29+$0x0], $0xffff;
	[tilespmem:s18+$0xFFFFFFF0] =	vst v6  }
0x407: {  	v16 =	vld.idx.msk [tilespmem:v13+s29+$0x0], $0xffff;
	[tilespmem:s18+$0x0] =	vst v4  }
0x408: {  	s5 =	sadd.s32 $0x80, s5;
	v17 =	vld.idx.msk [tilespmem:v14+s29+$0x0], $0xffff;
	[tilespmem:s18+$0x10] =	vst v5  }
0x409: {  	v18 =	vld.idx.msk [tilespmem:v15+s29+$0x0], $0xffff;
	[tilespmem:s5+$0x30] =	vst v7  }
0x40a: {  	[tilespmem:s18+$0xFFFFFFC0] =	vst v8;
	v10 =	vld.idx.msk [tilespmem:v10+s30+$0x0], $0xffff  }
0x40b: {  	v19 =	vld.idx.msk [tilespmem:v3+s29+$0x0], $0xffff;
	[tilespmem:s18+$0x20] =	vst v9  }
0x40c: {  	[tilespmem:s5+$0xFFFFFFD0] =	vst v11;
	v6 =	vld.idx.msk [tilespmem:v1+s29+$0x0], $0xffff  }
.Ltmp7:
0x40d: {  	[tilespmem:s5+$0xFFFFFFE0] =	vst v16;
	v7 =	vld.idx.msk [tilespmem:v2+s29+$0x0], $0xffff;
	(pc) =	sbr.rel @p0 .LBB2_16-.Ltmp7, $4  }
0x40e: {  	v4 =	vld.idx.msk [tilespmem:v12+s30+$0x0], $0xffff;
	[tilespmem:s5+$0xFFFFFFF0] =	vst v17  }
0x40f: {  	s19 =	sadd.s32 $0x80, s19;
	v5 =	vld.idx.msk [tilespmem:v13+s30+$0x0], $0xffff;
	[tilespmem:s5+$0x0] =	vst v18  }
0x410: {  	v8 =	vld.idx.msk [tilespmem:v14+s30+$0x0], $0xffff;
	[tilespmem:s19+$0x30] =	vst v10  }
0x411: {  	s20 =	sadd.s32 $0x80, s20;
	[tilespmem:s5+$0xFFFFFFC0] =	vst v19;
	v9 =	vld.idx.msk [tilespmem:v15+s30+$0x0], $0xffff  }
0x412: {  	_ =	sdelay $0x2  }
0x413: {  	[tilespmem:s5+$0x10] =	vst v6  }
0x414: {  	[tilespmem:s5+$0x20] =	vst v7;
	v3 =	vld.idx.msk [tilespmem:v3+s30+$0x0], $0xffff  }
0x415: {  	[tilespmem:s19+$0xFFFFFFD0] =	vst v4;
	v1 =	vld.idx.msk [tilespmem:v1+s30+$0x0], $0xffff  }
0x416: {  	v2 =	vld.idx.msk [tilespmem:v2+s30+$0x0], $0xffff;
	[tilespmem:s19+$0xFFFFFFE0] =	vst v5  }
0x417: {  	[tilespmem:s19+$0xFFFFFFF0] =	vst v8  }
0x418: {  	[tilespmem:s19+$0x0] =	vst v9  }
0x419: {  	[tilespmem:s19+$0xFFFFFFC0] =	vst v3  }
0x41a: {  	[tilespmem:s19+$0x10] =	vst v1  }
0x41b: {  	[tilespmem:s19+$0x20] =	vst v2  }
0x41c: {  	s5 =	sld [smem:$0x7C7];
	_ =	sdelay $0x1  }
0x41d: {  	s6 =	sld [smem:$0x7C8]  }
0x41e: {  	[hbm4b:s5+s1] =	stream.linear.scatter [tilespmem:s31], [sflag:$0x3], $0x2000, $0x38;
	[tilespmem:$0x1D000] =	vst v63  }
0x41f: {  	s17 =	sld [smem:$0x7C9]  }
0x420: {  	[hbm4b:s6+s1] =	stream.linear.scatter [tilespmem:s0], [sflag:$0x3], $0x2000, $0x38;
	[tilespmem:$0x1D000] =	vst v63  }
0x421: {  	s18 =	sld [smem:$0x7CA]  }
0x422: {  	[hbm4b:s17+s1] =	stream.linear.scatter [tilespmem:s2], [sflag:$0x3], $0x2000, $0x38;
	[tilespmem:$0x1D000] =	vst v63  }
0x423: {  	s19 =	sld [smem:$0x7D0]  }
0x424: {  	[hbm4b:s18+s1] =	stream.linear.scatter [tilespmem:s3], [sflag:$0x3], $0x2000, $0x38;
	[tilespmem:$0x1D000] =	vst v63  }
0x425: {  	_ = 	snop  }
0x426: {  	[tilespmem:s24], [sflag:$0x1] =	stream.linear.gather [hbm4b:s19+s1], $0x2000, $0x38;
	[tilespmem:$0x1D000] =	vst v63  }
0x427: {  	_ =	swait.ge [sflag:s14], $0x2000  }
0x428: {  	[sflag:s14] =	ssyncset.done $0x0  }
0x429: {  	[sflag:s14] =	ssyncadd.s32 $0xFFFFE000  }
0x42a: {  	_ =	swait.ge [sflag:s14], $0x2000  }
0x42b: {  	[sflag:s14] =	ssyncset.done $0x0  }
0x42c: {  	[sflag:s14] =	ssyncadd.s32 $0xFFFFE000  }
0x42d: {  	_ =	swait.ge [sflag:s14], $0x2000  }
0x42e: {  	[sflag:s14] =	ssyncset.done $0x0  }
0x42f: {  	[sflag:s14] =	ssyncadd.s32 $0xFFFFE000  }
0x430: {  	_ =	swait.ge [sflag:s14], $0x2000  }
0x431: {  	[sflag:s14] =	ssyncset.done $0x0  }
0x432: {  	[sflag:s14] =	ssyncadd.s32 $0xFFFFE000  }
0x433: {  	_ =	swait.ge [sflag:s4], $0x2000  }
0x434: {  	[sflag:s4] =	ssyncset.done $0x0  }
0x435: {  	s20 =	simm.s32 $0x3040;
	[sflag:s4] =	ssyncadd.s32 $0xFFFFE000  }
0x436: {  	v1 =	vld [tilespmem:s20+$0x30]  }
0x437: {  	v2 =	vld [tilespmem:s20+$0xFFFFFFD0]  }
0x438: {  	v3 =	vld [tilespmem:s20+$0xFFFFFFE0]  }
0x439: {  	v4 =	vld [tilespmem:s20+$0xFFFFFFF0]  }
0x43a: {  	v5 =	vld [tilespmem:s20+$0x0]  }
0x43b: {  	v6 =	vld [tilespmem:s20+$0x10];
	vm0 =	vlt.s32 v1, $0x0  }
0x43c: {  	v7 =	vld [tilespmem:s20+$0x20];
	vm1 =	vlt.s32 v2, $0x0;
	v8 =	vsel vm0, $0x3E8, v1  }
0x43d: {  	v10 =	vld [tilespmem:s20+$0xFFFFFFC0];
	vm10 =	vlt.s32 v3, $0x0;
	v9 =	vsel vm1, $0x3E8, v2  }
0x43e: {  	vm11 =	vlt.s32 v4, $0x0;
	v11 =	vsel vm10, $0x3E8, v3  }
0x43f: {  	vm12 =	vlt.s32 v5, $0x0;
	v12 =	vsel vm11, $0x3E8, v4  }
0x440: {  	vm13 =	vlt.s32 v6, $0x0;
	v13 =	vsel vm12, $0x3E8, v5  }
0x441: {  	vm14 =	vlt.s32 v7, $0x0;
	v1 =	vsel vm13, $0x3E8, v6;
	v4 =	vld.idx.msk [tilespmem:v8+s1+$0x0], $0xffff  }
0x442: {  	vm15 =	vlt.s32 v10, $0x0;
	v2 =	vsel vm14, $0x3E8, v7;
	v5 =	vld.idx.msk [tilespmem:v9+s1+$0x0], $0xffff  }
0x443: {  	v3 =	vsel vm15, $0x3E8, v10;
	v6 =	vld.idx.msk [tilespmem:v11+s1+$0x0], $0xffff  }
0x444: {  	v7 =	vld.idx.msk [tilespmem:v12+s1+$0x0], $0xffff  }
0x445: {  	v10 =	vld.idx.msk [tilespmem:v13+s1+$0x0], $0xffff  }
0x446: {  	s17 =	simm.s32 $0xD040;
	v14 =	vld.idx.msk [tilespmem:v1+s1+$0x0], $0xffff  }
0x447: {  	v15 =	vld.idx.msk [tilespmem:v2+s1+$0x0], $0xffff;
	[tilespmem:s17+$0x30] =	vst v4  }
0x448: {  	[tilespmem:s17+$0xFFFFFFD0] =	vst v5;
	v5 =	vld.idx.msk [tilespmem:v3+s1+$0x0], $0xffff  }
0x449: {  	[tilespmem:s17+$0xFFFFFFE0] =	vst v6;
	v4 =	vld.idx.msk [tilespmem:v8+s28+$0x0], $0xffff  }
0x44a: {  	[tilespmem:s17+$0xFFFFFFF0] =	vst v7;
	v6 =	vld.idx.msk [tilespmem:v9+s28+$0x0], $0xffff  }
0x44b: {  	[tilespmem:s17+$0x0] =	vst v10;
	v7 =	vld.idx.msk [tilespmem:v11+s28+$0x0], $0xffff  }
0x44c: {  	[tilespmem:s17+$0x10] =	vst v14;
	v10 =	vld.idx.msk [tilespmem:v12+s28+$0x0], $0xffff  }
0x44d: {  	[tilespmem:s17+$0x20] =	vst v15;
	v60 =	vld.idx.msk [tilespmem:v13+s28+$0x0], $0xffff  }
0x44e: {  	s18 =	simm.s32 $0xF040;
	v61 =	vld.idx.msk [tilespmem:v1+s28+$0x0], $0xffff;
	[tilespmem:s17+$0xFFFFFFC0] =	vst v5  }
0x44f: {  	[tilespmem:s18+$0x30] =	vst v4;
	v5 =	vld.idx.msk [tilespmem:v3+s28+$0x0], $0xffff  }
0x450: {  	[tilespmem:s18+$0xFFFFFFD0] =	vst v6;
	v6 =	vld.idx.msk [tilespmem:v2+s28+$0x0], $0xffff  }
0x451: {  	[tilespmem:s18+$0xFFFFFFE0] =	vst v7;
	v4 =	vld.idx.msk [tilespmem:v8+s29+$0x0], $0xffff  }
0x452: {  	[tilespmem:s18+$0xFFFFFFF0] =	vst v10;
	v7 =	vld.idx.msk [tilespmem:v9+s29+$0x0], $0xffff  }
0x453: {  	[tilespmem:s18+$0x0] =	vst v60;
	v10 =	vld.idx.msk [tilespmem:v11+s29+$0x0], $0xffff  }
0x454: {  	[tilespmem:s18+$0x10] =	vst v61;
	v62 =	vld.idx.msk [tilespmem:v12+s29+$0x0], $0xffff  }
0x455: {  	v63 =	vld.idx.msk [tilespmem:v13+s29+$0x0], $0xffff;
	[tilespmem:s18+$0xFFFFFFC0] =	vst v5  }
0x456: {  	s5 =	simm.s32 $0x11040;
	[tilespmem:s18+$0x20] =	vst v6;
	v6 =	vld.idx.msk [tilespmem:v1+s29+$0x0], $0xffff  }
0x457: {  	[tilespmem:s5+$0x30] =	vst v4;
	v17 =	vld.idx.msk [tilespmem:v3+s29+$0x0], $0xffff  }
0x458: {  	[tilespmem:s5+$0xFFFFFFD0] =	vst v7;
	v16 =	vld.idx.msk [tilespmem:v8+s30+$0x0], $0xffff  }
0x459: {  	[tilespmem:s5+$0xFFFFFFE0] =	vst v10;
	v7 =	vld.idx.msk [tilespmem:v2+s29+$0x0], $0xffff  }
0x45a: {  	[tilespmem:s5+$0xFFFFFFF0] =	vst v62;
	v4 =	vld.idx.msk [tilespmem:v9+s30+$0x0], $0xffff  }
0x45b: {  	[tilespmem:s5+$0x0] =	vst v63;
	v5 =	vld.idx.msk [tilespmem:v11+s30+$0x0], $0xffff  }
0x45c: {  	s19 =	simm.s32 $0x13040;
	v8 =	vld.idx.msk [tilespmem:v12+s30+$0x0], $0xffff;
	[tilespmem:s5+$0xFFFFFFC0] =	vst v17  }
0x45d: {  	s6 =	simm.s32 $0x0;
	s20 =	simm.s32 $0x30C0;
	v9 =	vld.idx.msk [tilespmem:v13+s30+$0x0], $0xffff;
	[tilespmem:s19+$0x30] =	vst v16  }
.LBB2_18:
0x45e: {  	v10 =	vld [tilespmem:s20+$0x30];
	s6 =	sadd.s32 $0x80, s6;
	[tilespmem:s5+$0x10] =	vst v6  }
0x45f: {  	v6 =	vld [tilespmem:s20+$0xFFFFFFD0];
	p0 =	slt.u32 s6, $0x1F80;
	[tilespmem:s5+$0x20] =	vst v7  }
0x460: {  	v7 =	vld [tilespmem:s20+$0xFFFFFFE0];
	[tilespmem:s19+$0xFFFFFFD0] =	vst v4  }
0x461: {  	v4 =	vld [tilespmem:s20+$0xFFFFFFF0];
	[tilespmem:s19+$0xFFFFFFE0] =	vst v5  }
0x462: {  	v5 =	vld [tilespmem:s20+$0x0];
	[tilespmem:s19+$0xFFFFFFF0] =	vst v8  }
0x463: {  	v8 =	vld [tilespmem:s20+$0x10];
	vm0 =	vlt.s32 v10, $0x0;
	[tilespmem:s19+$0x0] =	vst v9  }
0x464: {  	vm1 =	vlt.s32 v6, $0x0;
	v9 =	vld [tilespmem:s20+$0x20];
	v10 =	vsel vm0, $0x3E8, v10  }
0x465: {  	v11 =	vld [tilespmem:s20+$0xFFFFFFC0];
	v12 =	vsel vm1, $0x3E8, v6;
	vm0 =	vlt.s32 v7, $0x0  }
0x466: {  	v13 =	vsel vm0, $0x3E8, v7;
	vm0 =	vlt.s32 v4, $0x0;
	v6 =	vld.idx.msk [tilespmem:v3+s30+$0x0], $0xffff  }
0x467: {  	v14 =	vsel vm0, $0x3E8, v4;
	vm0 =	vlt.s32 v5, $0x0;
	v4 =	vld.idx.msk [tilespmem:v1+s30+$0x0], $0xffff  }
0x468: {  	v15 =	vsel vm0, $0x3E8, v5;
	vm0 =	vlt.s32 v8, $0x0;
	v5 =	vld.idx.msk [tilespmem:v2+s30+$0x0], $0xffff  }
0x469: {  	v1 =	vsel vm0, $0x3E8, v8;
	vm0 =	vlt.s32 v9, $0x0;
	v7 =	vld.idx.msk [tilespmem:v10+s1+$0x0], $0xffff  }
0x46a: {  	vm1 =	vlt.s32 v11, $0x0;
	v8 =	vld.idx.msk [tilespmem:v12+s1+$0x0], $0xffff;
	v2 =	vsel vm0, $0x3E8, v9  }
0x46b: {  	v3 =	vsel vm1, $0x3E8, v11;
	v9 =	vld.idx.msk [tilespmem:v13+s1+$0x0], $0xffff  }
0x46c: {  	v11 =	vld.idx.msk [tilespmem:v14+s1+$0x0], $0xffff;
	[tilespmem:s19+$0xFFFFFFC0] =	vst v6  }
0x46d: {  	v6 =	vld.idx.msk [tilespmem:v15+s1+$0x0], $0xffff;
	[tilespmem:s19+$0x10] =	vst v4  }
0x46e: {  	s17 =	sadd.s32 $0x80, s17;
	v4 =	vld.idx.msk [tilespmem:v1+s1+$0x0], $0xffff;
	[tilespmem:s19+$0x20] =	vst v5  }
0x46f: {  	v5 =	vld.idx.msk [tilespmem:v2+s1+$0x0], $0xffff;
	[tilespmem:s17+$0x30] =	vst v7  }
0x470: {  	[tilespmem:s17+$0xFFFFFFD0] =	vst v8;
	v7 =	vld.idx.msk [tilespmem:v10+s28+$0x0], $0xffff  }
0x471: {  	v8 =	vld.idx.msk [tilespmem:v3+s1+$0x0], $0xffff;
	[tilespmem:s17+$0xFFFFFFE0] =	vst v9  }
0x472: {  	v9 =	vld.idx.msk [tilespmem:v12+s28+$0x0], $0xffff;
	[tilespmem:s17+$0xFFFFFFF0] =	vst v11  }
0x473: {  	v11 =	vld.idx.msk [tilespmem:v13+s28+$0x0], $0xffff;
	[tilespmem:s17+$0x0] =	vst v6  }
0x474: {  	v6 =	vld.idx.msk [tilespmem:v14+s28+$0x0], $0xffff;
	[tilespmem:s17+$0x10] =	vst v4  }
0x475: {  	s18 =	sadd.s32 $0x80, s18;
	v4 =	vld.idx.msk [tilespmem:v15+s28+$0x0], $0xffff;
	[tilespmem:s17+$0x20] =	vst v5  }
0x476: {  	v5 =	vld.idx.msk [tilespmem:v1+s28+$0x0], $0xffff;
	[tilespmem:s18+$0x30] =	vst v7  }
0x477: {  	[tilespmem:s17+$0xFFFFFFC0] =	vst v8;
	v7 =	vld.idx.msk [tilespmem:v10+s29+$0x0], $0xffff  }
0x478: {  	v8 =	vld.idx.msk [tilespmem:v3+s28+$0x0], $0xffff;
	[tilespmem:s18+$0xFFFFFFD0] =	vst v9  }
0x479: {  	[tilespmem:s18+$0xFFFFFFE0] =	vst v11;
	v9 =	vld.idx.msk [tilespmem:v2+s28+$0x0], $0xffff  }
0x47a: {  	v11 =	vld.idx.msk [tilespmem:v12+s29+$0x0], $0xffff;
	[tilespmem:s18+$0xFFFFFFF0] =	vst v6  }
0x47b: {  	v16 =	vld.idx.msk [tilespmem:v13+s29+$0x0], $0xffff;
	[tilespmem:s18+$0x0] =	vst v4  }
0x47c: {  	s5 =	sadd.s32 $0x80, s5;
	v17 =	vld.idx.msk [tilespmem:v14+s29+$0x0], $0xffff;
	[tilespmem:s18+$0x10] =	vst v5  }
0x47d: {  	v18 =	vld.idx.msk [tilespmem:v15+s29+$0x0], $0xffff;
	[tilespmem:s5+$0x30] =	vst v7  }
0x47e: {  	[tilespmem:s18+$0xFFFFFFC0] =	vst v8;
	v10 =	vld.idx.msk [tilespmem:v10+s30+$0x0], $0xffff  }
0x47f: {  	v19 =	vld.idx.msk [tilespmem:v3+s29+$0x0], $0xffff;
	[tilespmem:s18+$0x20] =	vst v9  }
0x480: {  	[tilespmem:s5+$0xFFFFFFD0] =	vst v11;
	v6 =	vld.idx.msk [tilespmem:v1+s29+$0x0], $0xffff  }
.Ltmp8:
0x481: {  	[tilespmem:s5+$0xFFFFFFE0] =	vst v16;
	v7 =	vld.idx.msk [tilespmem:v2+s29+$0x0], $0xffff;
	(pc) =	sbr.rel @p0 .LBB2_18-.Ltmp8, $4  }
0x482: {  	v4 =	vld.idx.msk [tilespmem:v12+s30+$0x0], $0xffff;
	[tilespmem:s5+$0xFFFFFFF0] =	vst v17  }
0x483: {  	s19 =	sadd.s32 $0x80, s19;
	v5 =	vld.idx.msk [tilespmem:v13+s30+$0x0], $0xffff;
	[tilespmem:s5+$0x0] =	vst v18  }
0x484: {  	v8 =	vld.idx.msk [tilespmem:v14+s30+$0x0], $0xffff;
	[tilespmem:s19+$0x30] =	vst v10  }
0x485: {  	s20 =	sadd.s32 $0x80, s20;
	[tilespmem:s5+$0xFFFFFFC0] =	vst v19;
	v9 =	vld.idx.msk [tilespmem:v15+s30+$0x0], $0xffff  }
0x486: {  	_ =	sdelay $0x2  }
0x487: {  	[tilespmem:s5+$0x10] =	vst v6  }
0x488: {  	[tilespmem:s5+$0x20] =	vst v7;
	v3 =	vld.idx.msk [tilespmem:v3+s30+$0x0], $0xffff  }
0x489: {  	[tilespmem:s19+$0xFFFFFFD0] =	vst v4;
	v1 =	vld.idx.msk [tilespmem:v1+s30+$0x0], $0xffff  }
0x48a: {  	v2 =	vld.idx.msk [tilespmem:v2+s30+$0x0], $0xffff;
	[tilespmem:s19+$0xFFFFFFE0] =	vst v5  }
0x48b: {  	[tilespmem:s19+$0xFFFFFFF0] =	vst v8  }
0x48c: {  	[tilespmem:s19+$0x0] =	vst v9  }
0x48d: {  	[tilespmem:s19+$0xFFFFFFC0] =	vst v3  }
0x48e: {  	[tilespmem:s19+$0x10] =	vst v1  }
0x48f: {  	[tilespmem:s19+$0x20] =	vst v2  }
0x490: {  	s5 =	sld [smem:$0x7CC];
	_ =	sdelay $0x1  }
0x491: {  	s6 =	sld [smem:$0x7CD]  }
0x492: {  	[hbm4b:s5+s1] =	stream.linear.scatter [tilespmem:s7], [sflag:$0x4], $0x2000, $0x38;
	[tilespmem:$0x1D000] =	vst v63  }
0x493: {  	s17 =	sld [smem:$0x7CE]  }
0x494: {  	[hbm4b:s6+s1] =	stream.linear.scatter [tilespmem:s8], [sflag:$0x4], $0x2000, $0x38;
	[tilespmem:$0x1D000] =	vst v63  }
0x495: {  	s18 =	sld [smem:$0x7CF]  }
0x496: {  	[hbm4b:s17+s1] =	stream.linear.scatter [tilespmem:s9], [sflag:$0x4], $0x2000, $0x38;
	[tilespmem:$0x1D000] =	vst v63  }
0x497: {  	s19 =	sld [smem:$0x7D5]  }
0x498: {  	[hbm4b:s18+s1] =	stream.linear.scatter [tilespmem:s10], [sflag:$0x4], $0x2000, $0x38;
	[tilespmem:$0x1D000] =	vst v63  }
0x499: {  	_ = 	snop  }
0x49a: {  	[tilespmem:s25], [sflag:$0x2] =	stream.linear.gather [hbm4b:s19+s1], $0x2000, $0x38;
	[tilespmem:$0x1D000] =	vst v63  }
0x49b: {  	_ =	swait.ge [sflag:s15], $0x2000  }
0x49c: {  	[sflag:s15] =	ssyncset.done $0x0  }
0x49d: {  	[sflag:s15] =	ssyncadd.s32 $0xFFFFE000  }
0x49e: {  	_ =	swait.ge [sflag:s15], $0x2000  }
0x49f: {  	[sflag:s15] =	ssyncset.done $0x0  }
0x4a0: {  	[sflag:s15] =	ssyncadd.s32 $0xFFFFE000  }
0x4a1: {  	_ =	swait.ge [sflag:s15], $0x2000  }
0x4a2: {  	[sflag:s15] =	ssyncset.done $0x0  }
0x4a3: {  	[sflag:s15] =	ssyncadd.s32 $0xFFFFE000  }
0x4a4: {  	_ =	swait.ge [sflag:s15], $0x2000  }
0x4a5: {  	[sflag:s15] =	ssyncset.done $0x0  }
0x4a6: {  	[sflag:s15] =	ssyncadd.s32 $0xFFFFE000  }
0x4a7: {  	_ =	swait.ge [sflag:s26], $0x2000  }
0x4a8: {  	[sflag:s26] =	ssyncset.done $0x0  }
0x4a9: {  	s20 =	simm.s32 $0x1040;
	[sflag:s26] =	ssyncadd.s32 $0xFFFFE000  }
0x4aa: {  	v1 =	vld [tilespmem:s20+$0x30]  }
0x4ab: {  	v2 =	vld [tilespmem:s20+$0xFFFFFFD0]  }
0x4ac: {  	v3 =	vld [tilespmem:s20+$0xFFFFFFE0]  }
0x4ad: {  	v4 =	vld [tilespmem:s20+$0xFFFFFFF0]  }
0x4ae: {  	v5 =	vld [tilespmem:s20+$0x0]  }
0x4af: {  	v6 =	vld [tilespmem:s20+$0x10];
	vm0 =	vlt.s32 v1, $0x0  }
0x4b0: {  	v7 =	vld [tilespmem:s20+$0x20];
	vm1 =	vlt.s32 v2, $0x0;
	v8 =	vsel vm0, $0x3E8, v1  }
0x4b1: {  	v10 =	vld [tilespmem:s20+$0xFFFFFFC0];
	vm10 =	vlt.s32 v3, $0x0;
	v9 =	vsel vm1, $0x3E8, v2  }
0x4b2: {  	vm11 =	vlt.s32 v4, $0x0;
	v11 =	vsel vm10, $0x3E8, v3  }
0x4b3: {  	vm12 =	vlt.s32 v5, $0x0;
	v12 =	vsel vm11, $0x3E8, v4  }
0x4b4: {  	vm13 =	vlt.s32 v6, $0x0;
	v13 =	vsel vm12, $0x3E8, v5  }
0x4b5: {  	vm14 =	vlt.s32 v7, $0x0;
	v1 =	vsel vm13, $0x3E8, v6;
	v4 =	vld.idx.msk [tilespmem:v8+s1+$0x0], $0xffff  }
0x4b6: {  	vm15 =	vlt.s32 v10, $0x0;
	v2 =	vsel vm14, $0x3E8, v7;
	v5 =	vld.idx.msk [tilespmem:v9+s1+$0x0], $0xffff  }
0x4b7: {  	v3 =	vsel vm15, $0x3E8, v10;
	v6 =	vld.idx.msk [tilespmem:v11+s1+$0x0], $0xffff  }
0x4b8: {  	v7 =	vld.idx.msk [tilespmem:v12+s1+$0x0], $0xffff  }
0x4b9: {  	v10 =	vld.idx.msk [tilespmem:v13+s1+$0x0], $0xffff  }
0x4ba: {  	s17 =	simm.s32 $0x15040;
	v14 =	vld.idx.msk [tilespmem:v1+s1+$0x0], $0xffff  }
0x4bb: {  	v15 =	vld.idx.msk [tilespmem:v2+s1+$0x0], $0xffff;
	[tilespmem:s17+$0x30] =	vst v4  }
0x4bc: {  	[tilespmem:s17+$0xFFFFFFD0] =	vst v5;
	v5 =	vld.idx.msk [tilespmem:v3+s1+$0x0], $0xffff  }
0x4bd: {  	[tilespmem:s17+$0xFFFFFFE0] =	vst v6;
	v4 =	vld.idx.msk [tilespmem:v8+s28+$0x0], $0xffff  }
0x4be: {  	[tilespmem:s17+$0xFFFFFFF0] =	vst v7;
	v6 =	vld.idx.msk [tilespmem:v9+s28+$0x0], $0xffff  }
0x4bf: {  	[tilespmem:s17+$0x0] =	vst v10;
	v7 =	vld.idx.msk [tilespmem:v11+s28+$0x0], $0xffff  }
0x4c0: {  	[tilespmem:s17+$0x10] =	vst v14;
	v10 =	vld.idx.msk [tilespmem:v12+s28+$0x0], $0xffff  }
0x4c1: {  	[tilespmem:s17+$0x20] =	vst v15;
	v60 =	vld.idx.msk [tilespmem:v13+s28+$0x0], $0xffff  }
0x4c2: {  	s18 =	simm.s32 $0x17040;
	v61 =	vld.idx.msk [tilespmem:v1+s28+$0x0], $0xffff;
	[tilespmem:s17+$0xFFFFFFC0] =	vst v5  }
0x4c3: {  	[tilespmem:s18+$0x30] =	vst v4;
	v5 =	vld.idx.msk [tilespmem:v3+s28+$0x0], $0xffff  }
0x4c4: {  	[tilespmem:s18+$0xFFFFFFD0] =	vst v6;
	v6 =	vld.idx.msk [tilespmem:v2+s28+$0x0], $0xffff  }
0x4c5: {  	[tilespmem:s18+$0xFFFFFFE0] =	vst v7;
	v4 =	vld.idx.msk [tilespmem:v8+s29+$0x0], $0xffff  }
0x4c6: {  	[tilespmem:s18+$0xFFFFFFF0] =	vst v10;
	v7 =	vld.idx.msk [tilespmem:v9+s29+$0x0], $0xffff  }
0x4c7: {  	[tilespmem:s18+$0x0] =	vst v60;
	v10 =	vld.idx.msk [tilespmem:v11+s29+$0x0], $0xffff  }
0x4c8: {  	[tilespmem:s18+$0x10] =	vst v61;
	v62 =	vld.idx.msk [tilespmem:v12+s29+$0x0], $0xffff  }
0x4c9: {  	v63 =	vld.idx.msk [tilespmem:v13+s29+$0x0], $0xffff;
	[tilespmem:s18+$0xFFFFFFC0] =	vst v5  }
0x4ca: {  	s5 =	simm.s32 $0x19040;
	[tilespmem:s18+$0x20] =	vst v6;
	v6 =	vld.idx.msk [tilespmem:v1+s29+$0x0], $0xffff  }
0x4cb: {  	[tilespmem:s5+$0x30] =	vst v4;
	v17 =	vld.idx.msk [tilespmem:v3+s29+$0x0], $0xffff  }
0x4cc: {  	[tilespmem:s5+$0xFFFFFFD0] =	vst v7;
	v16 =	vld.idx.msk [tilespmem:v8+s30+$0x0], $0xffff  }
0x4cd: {  	[tilespmem:s5+$0xFFFFFFE0] =	vst v10;
	v7 =	vld.idx.msk [tilespmem:v2+s29+$0x0], $0xffff  }
0x4ce: {  	[tilespmem:s5+$0xFFFFFFF0] =	vst v62;
	v4 =	vld.idx.msk [tilespmem:v9+s30+$0x0], $0xffff  }
0x4cf: {  	[tilespmem:s5+$0x0] =	vst v63;
	v5 =	vld.idx.msk [tilespmem:v11+s30+$0x0], $0xffff  }
0x4d0: {  	s19 =	simm.s32 $0x1B040;
	v8 =	vld.idx.msk [tilespmem:v12+s30+$0x0], $0xffff;
	[tilespmem:s5+$0xFFFFFFC0] =	vst v17  }
0x4d1: {  	s6 =	simm.s32 $0x0;
	s20 =	simm.s32 $0x10C0;
	v9 =	vld.idx.msk [tilespmem:v13+s30+$0x0], $0xffff;
	[tilespmem:s19+$0x30] =	vst v16  }
.LBB2_20:
0x4d2: {  	v10 =	vld [tilespmem:s20+$0x30];
	s6 =	sadd.s32 $0x80, s6;
	[tilespmem:s5+$0x10] =	vst v6  }
0x4d3: {  	v6 =	vld [tilespmem:s20+$0xFFFFFFD0];
	p0 =	slt.u32 s6, $0x1F80;
	[tilespmem:s5+$0x20] =	vst v7  }
0x4d4: {  	v7 =	vld [tilespmem:s20+$0xFFFFFFE0];
	[tilespmem:s19+$0xFFFFFFD0] =	vst v4  }
0x4d5: {  	v4 =	vld [tilespmem:s20+$0xFFFFFFF0];
	[tilespmem:s19+$0xFFFFFFE0] =	vst v5  }
0x4d6: {  	v5 =	vld [tilespmem:s20+$0x0];
	[tilespmem:s19+$0xFFFFFFF0] =	vst v8  }
0x4d7: {  	v8 =	vld [tilespmem:s20+$0x10];
	vm0 =	vlt.s32 v10, $0x0;
	[tilespmem:s19+$0x0] =	vst v9  }
0x4d8: {  	vm1 =	vlt.s32 v6, $0x0;
	v9 =	vld [tilespmem:s20+$0x20];
	v10 =	vsel vm0, $0x3E8, v10  }
0x4d9: {  	v11 =	vld [tilespmem:s20+$0xFFFFFFC0];
	v12 =	vsel vm1, $0x3E8, v6;
	vm0 =	vlt.s32 v7, $0x0  }
0x4da: {  	v13 =	vsel vm0, $0x3E8, v7;
	vm0 =	vlt.s32 v4, $0x0;
	v6 =	vld.idx.msk [tilespmem:v3+s30+$0x0], $0xffff  }
0x4db: {  	v14 =	vsel vm0, $0x3E8, v4;
	vm0 =	vlt.s32 v5, $0x0;
	v4 =	vld.idx.msk [tilespmem:v1+s30+$0x0], $0xffff  }
0x4dc: {  	v15 =	vsel vm0, $0x3E8, v5;
	vm0 =	vlt.s32 v8, $0x0;
	v5 =	vld.idx.msk [tilespmem:v2+s30+$0x0], $0xffff  }
0x4dd: {  	v1 =	vsel vm0, $0x3E8, v8;
	vm0 =	vlt.s32 v9, $0x0;
	v7 =	vld.idx.msk [tilespmem:v10+s1+$0x0], $0xffff  }
0x4de: {  	vm1 =	vlt.s32 v11, $0x0;
	v8 =	vld.idx.msk [tilespmem:v12+s1+$0x0], $0xffff;
	v2 =	vsel vm0, $0x3E8, v9  }
0x4df: {  	v3 =	vsel vm1, $0x3E8, v11;
	v9 =	vld.idx.msk [tilespmem:v13+s1+$0x0], $0xffff  }
0x4e0: {  	v11 =	vld.idx.msk [tilespmem:v14+s1+$0x0], $0xffff;
	[tilespmem:s19+$0xFFFFFFC0] =	vst v6  }
0x4e1: {  	v6 =	vld.idx.msk [tilespmem:v15+s1+$0x0], $0xffff;
	[tilespmem:s19+$0x10] =	vst v4  }
0x4e2: {  	s17 =	sadd.s32 $0x80, s17;
	v4 =	vld.idx.msk [tilespmem:v1+s1+$0x0], $0xffff;
	[tilespmem:s19+$0x20] =	vst v5  }
0x4e3: {  	v5 =	vld.idx.msk [tilespmem:v2+s1+$0x0], $0xffff;
	[tilespmem:s17+$0x30] =	vst v7  }
0x4e4: {  	[tilespmem:s17+$0xFFFFFFD0] =	vst v8;
	v7 =	vld.idx.msk [tilespmem:v10+s28+$0x0], $0xffff  }
0x4e5: {  	v8 =	vld.idx.msk [tilespmem:v3+s1+$0x0], $0xffff;
	[tilespmem:s17+$0xFFFFFFE0] =	vst v9  }
0x4e6: {  	v9 =	vld.idx.msk [tilespmem:v12+s28+$0x0], $0xffff;
	[tilespmem:s17+$0xFFFFFFF0] =	vst v11  }
0x4e7: {  	v11 =	vld.idx.msk [tilespmem:v13+s28+$0x0], $0xffff;
	[tilespmem:s17+$0x0] =	vst v6  }
0x4e8: {  	v6 =	vld.idx.msk [tilespmem:v14+s28+$0x0], $0xffff;
	[tilespmem:s17+$0x10] =	vst v4  }
0x4e9: {  	s18 =	sadd.s32 $0x80, s18;
	v4 =	vld.idx.msk [tilespmem:v15+s28+$0x0], $0xffff;
	[tilespmem:s17+$0x20] =	vst v5  }
0x4ea: {  	v5 =	vld.idx.msk [tilespmem:v1+s28+$0x0], $0xffff;
	[tilespmem:s18+$0x30] =	vst v7  }
0x4eb: {  	[tilespmem:s17+$0xFFFFFFC0] =	vst v8;
	v7 =	vld.idx.msk [tilespmem:v10+s29+$0x0], $0xffff  }
0x4ec: {  	v8 =	vld.idx.msk [tilespmem:v3+s28+$0x0], $0xffff;
	[tilespmem:s18+$0xFFFFFFD0] =	vst v9  }
0x4ed: {  	[tilespmem:s18+$0xFFFFFFE0] =	vst v11;
	v9 =	vld.idx.msk [tilespmem:v2+s28+$0x0], $0xffff  }
0x4ee: {  	v11 =	vld.idx.msk [tilespmem:v12+s29+$0x0], $0xffff;
	[tilespmem:s18+$0xFFFFFFF0] =	vst v6  }
0x4ef: {  	v16 =	vld.idx.msk [tilespmem:v13+s29+$0x0], $0xffff;
	[tilespmem:s18+$0x0] =	vst v4  }
0x4f0: {  	s5 =	sadd.s32 $0x80, s5;
	v17 =	vld.idx.msk [tilespmem:v14+s29+$0x0], $0xffff;
	[tilespmem:s18+$0x10] =	vst v5  }
0x4f1: {  	v18 =	vld.idx.msk [tilespmem:v15+s29+$0x0], $0xffff;
	[tilespmem:s5+$0x30] =	vst v7  }
0x4f2: {  	[tilespmem:s18+$0xFFFFFFC0] =	vst v8;
	v10 =	vld.idx.msk [tilespmem:v10+s30+$0x0], $0xffff  }
0x4f3: {  	v19 =	vld.idx.msk [tilespmem:v3+s29+$0x0], $0xffff;
	[tilespmem:s18+$0x20] =	vst v9  }
0x4f4: {  	[tilespmem:s5+$0xFFFFFFD0] =	vst v11;
	v6 =	vld.idx.msk [tilespmem:v1+s29+$0x0], $0xffff  }
.Ltmp9:
0x4f5: {  	[tilespmem:s5+$0xFFFFFFE0] =	vst v16;
	v7 =	vld.idx.msk [tilespmem:v2+s29+$0x0], $0xffff;
	(pc) =	sbr.rel @p0 .LBB2_20-.Ltmp9, $4  }
0x4f6: {  	v4 =	vld.idx.msk [tilespmem:v12+s30+$0x0], $0xffff;
	[tilespmem:s5+$0xFFFFFFF0] =	vst v17  }
0x4f7: {  	s19 =	sadd.s32 $0x80, s19;
	v5 =	vld.idx.msk [tilespmem:v13+s30+$0x0], $0xffff;
	[tilespmem:s5+$0x0] =	vst v18  }
0x4f8: {  	v8 =	vld.idx.msk [tilespmem:v14+s30+$0x0], $0xffff;
	[tilespmem:s19+$0x30] =	vst v10  }
0x4f9: {  	s20 =	sadd.s32 $0x80, s20;
	[tilespmem:s5+$0xFFFFFFC0] =	vst v19;
	v9 =	vld.idx.msk [tilespmem:v15+s30+$0x0], $0xffff  }
0x4fa: {  	_ =	sdelay $0x2  }
0x4fb: {  	[tilespmem:s5+$0x10] =	vst v6  }
0x4fc: {  	[tilespmem:s5+$0x20] =	vst v7;
	v3 =	vld.idx.msk [tilespmem:v3+s30+$0x0], $0xffff  }
0x4fd: {  	[tilespmem:s19+$0xFFFFFFD0] =	vst v4;
	v1 =	vld.idx.msk [tilespmem:v1+s30+$0x0], $0xffff  }
0x4fe: {  	v2 =	vld.idx.msk [tilespmem:v2+s30+$0x0], $0xffff;
	[tilespmem:s19+$0xFFFFFFE0] =	vst v5  }
0x4ff: {  	[tilespmem:s19+$0xFFFFFFF0] =	vst v8  }
0x500: {  	[tilespmem:s19+$0x0] =	vst v9  }
0x501: {  	[tilespmem:s19+$0xFFFFFFC0] =	vst v3  }
0x502: {  	[tilespmem:s19+$0x10] =	vst v1  }
0x503: {  	[tilespmem:s19+$0x20] =	vst v2  }
0x504: {  	s5 =	sld [smem:$0x7D1];
	_ =	sdelay $0x1  }
0x505: {  	s6 =	sld [smem:$0x7D2]  }
0x506: {  	[hbm4b:s5+s1] =	stream.linear.scatter [tilespmem:s11], [sflag:$0x5], $0x2000, $0x38;
	[tilespmem:$0x1D000] =	vst v63  }
0x507: {  	s17 =	sld [smem:$0x7D3]  }
0x508: {  	[hbm4b:s6+s1] =	stream.linear.scatter [tilespmem:s21], [sflag:$0x5], $0x2000, $0x38;
	[tilespmem:$0x1D000] =	vst v63  }
0x509: {  	s18 =	sld [smem:$0x7D4]  }
0x50a: {  	[hbm4b:s17+s1] =	stream.linear.scatter [tilespmem:s22], [sflag:$0x5], $0x2000, $0x38;
	[tilespmem:$0x1D000] =	vst v63  }
0x50b: {  	s19 =	sld [smem:$0x7DA]  }
0x50c: {  	[hbm4b:s18+s1] =	stream.linear.scatter [tilespmem:s12], [sflag:$0x5], $0x2000, $0x38;
	[tilespmem:$0x1D000] =	vst v63  }
0x50d: {  	_ = 	snop  }
0x50e: {  	[tilespmem:s24], [sflag:$0x1] =	stream.linear.gather [hbm4b:s19+s1], $0x2000, $0x38;
	[tilespmem:$0x1D000] =	vst v63  }
0x50f: {  	_ =	swait.ge [sflag:s13], $0x2000  }
0x510: {  	[sflag:s13] =	ssyncset.done $0x0  }
0x511: {  	[sflag:s13] =	ssyncadd.s32 $0xFFFFE000  }
0x512: {  	_ =	swait.ge [sflag:s13], $0x2000  }
0x513: {  	[sflag:s13] =	ssyncset.done $0x0  }
0x514: {  	[sflag:s13] =	ssyncadd.s32 $0xFFFFE000  }
0x515: {  	_ =	swait.ge [sflag:s13], $0x2000  }
0x516: {  	[sflag:s13] =	ssyncset.done $0x0  }
0x517: {  	[sflag:s13] =	ssyncadd.s32 $0xFFFFE000  }
0x518: {  	_ =	swait.ge [sflag:s13], $0x2000  }
0x519: {  	[sflag:s13] =	ssyncset.done $0x0  }
0x51a: {  	[sflag:s13] =	ssyncadd.s32 $0xFFFFE000  }
0x51b: {  	_ =	swait.ge [sflag:s4], $0x2000  }
0x51c: {  	[sflag:s4] =	ssyncset.done $0x0  }
0x51d: {  	s20 =	simm.s32 $0x3040;
	[sflag:s4] =	ssyncadd.s32 $0xFFFFE000  }
0x51e: {  	v1 =	vld [tilespmem:s20+$0x30]  }
0x51f: {  	v2 =	vld [tilespmem:s20+$0xFFFFFFD0]  }
0x520: {  	v3 =	vld [tilespmem:s20+$0xFFFFFFE0]  }
0x521: {  	v4 =	vld [tilespmem:s20+$0xFFFFFFF0]  }
0x522: {  	v5 =	vld [tilespmem:s20+$0x0]  }
0x523: {  	v6 =	vld [tilespmem:s20+$0x10];
	vm0 =	vlt.s32 v1, $0x0  }
0x524: {  	v7 =	vld [tilespmem:s20+$0x20];
	vm1 =	vlt.s32 v2, $0x0;
	v8 =	vsel vm0, $0x3E8, v1  }
0x525: {  	v10 =	vld [tilespmem:s20+$0xFFFFFFC0];
	vm10 =	vlt.s32 v3, $0x0;
	v9 =	vsel vm1, $0x3E8, v2  }
0x526: {  	vm11 =	vlt.s32 v4, $0x0;
	v11 =	vsel vm10, $0x3E8, v3  }
0x527: {  	vm12 =	vlt.s32 v5, $0x0;
	v12 =	vsel vm11, $0x3E8, v4  }
0x528: {  	vm13 =	vlt.s32 v6, $0x0;
	v13 =	vsel vm12, $0x3E8, v5  }
0x529: {  	vm14 =	vlt.s32 v7, $0x0;
	v1 =	vsel vm13, $0x3E8, v6;
	v4 =	vld.idx.msk [tilespmem:v8+s1+$0x0], $0xffff  }
0x52a: {  	vm15 =	vlt.s32 v10, $0x0;
	v2 =	vsel vm14, $0x3E8, v7;
	v5 =	vld.idx.msk [tilespmem:v9+s1+$0x0], $0xffff  }
0x52b: {  	v3 =	vsel vm15, $0x3E8, v10;
	v6 =	vld.idx.msk [tilespmem:v11+s1+$0x0], $0xffff  }
0x52c: {  	v7 =	vld.idx.msk [tilespmem:v12+s1+$0x0], $0xffff  }
0x52d: {  	v10 =	vld.idx.msk [tilespmem:v13+s1+$0x0], $0xffff  }
0x52e: {  	s17 =	simm.s32 $0x5040;
	v14 =	vld.idx.msk [tilespmem:v1+s1+$0x0], $0xffff  }
0x52f: {  	v15 =	vld.idx.msk [tilespmem:v2+s1+$0x0], $0xffff;
	[tilespmem:s17+$0x30] =	vst v4  }
0x530: {  	[tilespmem:s17+$0xFFFFFFD0] =	vst v5;
	v5 =	vld.idx.msk [tilespmem:v3+s1+$0x0], $0xffff  }
0x531: {  	[tilespmem:s17+$0xFFFFFFE0] =	vst v6;
	v4 =	vld.idx.msk [tilespmem:v8+s28+$0x0], $0xffff  }
0x532: {  	[tilespmem:s17+$0xFFFFFFF0] =	vst v7;
	v6 =	vld.idx.msk [tilespmem:v9+s28+$0x0], $0xffff  }
0x533: {  	[tilespmem:s17+$0x0] =	vst v10;
	v7 =	vld.idx.msk [tilespmem:v11+s28+$0x0], $0xffff  }
0x534: {  	[tilespmem:s17+$0x10] =	vst v14;
	v10 =	vld.idx.msk [tilespmem:v12+s28+$0x0], $0xffff  }
0x535: {  	[tilespmem:s17+$0x20] =	vst v15;
	v60 =	vld.idx.msk [tilespmem:v13+s28+$0x0], $0xffff  }
0x536: {  	s18 =	simm.s32 $0x7040;
	v61 =	vld.idx.msk [tilespmem:v1+s28+$0x0], $0xffff;
	[tilespmem:s17+$0xFFFFFFC0] =	vst v5  }
0x537: {  	[tilespmem:s18+$0x30] =	vst v4;
	v5 =	vld.idx.msk [tilespmem:v3+s28+$0x0], $0xffff  }
0x538: {  	[tilespmem:s18+$0xFFFFFFD0] =	vst v6;
	v6 =	vld.idx.msk [tilespmem:v2+s28+$0x0], $0xffff  }
0x539: {  	[tilespmem:s18+$0xFFFFFFE0] =	vst v7;
	v4 =	vld.idx.msk [tilespmem:v8+s29+$0x0], $0xffff  }
0x53a: {  	[tilespmem:s18+$0xFFFFFFF0] =	vst v10;
	v7 =	vld.idx.msk [tilespmem:v9+s29+$0x0], $0xffff  }
0x53b: {  	[tilespmem:s18+$0x0] =	vst v60;
	v10 =	vld.idx.msk [tilespmem:v11+s29+$0x0], $0xffff  }
0x53c: {  	[tilespmem:s18+$0x10] =	vst v61;
	v62 =	vld.idx.msk [tilespmem:v12+s29+$0x0], $0xffff  }
0x53d: {  	v63 =	vld.idx.msk [tilespmem:v13+s29+$0x0], $0xffff;
	[tilespmem:s18+$0xFFFFFFC0] =	vst v5  }
0x53e: {  	s5 =	simm.s32 $0x9040;
	[tilespmem:s18+$0x20] =	vst v6;
	v6 =	vld.idx.msk [tilespmem:v1+s29+$0x0], $0xffff  }
0x53f: {  	[tilespmem:s5+$0x30] =	vst v4;
	v17 =	vld.idx.msk [tilespmem:v3+s29+$0x0], $0xffff  }
0x540: {  	[tilespmem:s5+$0xFFFFFFD0] =	vst v7;
	v16 =	vld.idx.msk [tilespmem:v8+s30+$0x0], $0xffff  }
0x541: {  	[tilespmem:s5+$0xFFFFFFE0] =	vst v10;
	v7 =	vld.idx.msk [tilespmem:v2+s29+$0x0], $0xffff  }
0x542: {  	[tilespmem:s5+$0xFFFFFFF0] =	vst v62;
	v4 =	vld.idx.msk [tilespmem:v9+s30+$0x0], $0xffff  }
0x543: {  	[tilespmem:s5+$0x0] =	vst v63;
	v5 =	vld.idx.msk [tilespmem:v11+s30+$0x0], $0xffff  }
0x544: {  	s19 =	simm.s32 $0xB040;
	v8 =	vld.idx.msk [tilespmem:v12+s30+$0x0], $0xffff;
	[tilespmem:s5+$0xFFFFFFC0] =	vst v17  }
0x545: {  	s6 =	simm.s32 $0x0;
	s20 =	simm.s32 $0x30C0;
	v9 =	vld.idx.msk [tilespmem:v13+s30+$0x0], $0xffff;
	[tilespmem:s19+$0x30] =	vst v16  }
.LBB2_22:
0x546: {  	v10 =	vld [tilespmem:s20+$0x30];
	s6 =	sadd.s32 $0x80, s6;
	[tilespmem:s5+$0x10] =	vst v6  }
0x547: {  	v6 =	vld [tilespmem:s20+$0xFFFFFFD0];
	p0 =	slt.u32 s6, $0x1F80;
	[tilespmem:s5+$0x20] =	vst v7  }
0x548: {  	v7 =	vld [tilespmem:s20+$0xFFFFFFE0];
	[tilespmem:s19+$0xFFFFFFD0] =	vst v4  }
0x549: {  	v4 =	vld [tilespmem:s20+$0xFFFFFFF0];
	[tilespmem:s19+$0xFFFFFFE0] =	vst v5  }
0x54a: {  	v5 =	vld [tilespmem:s20+$0x0];
	[tilespmem:s19+$0xFFFFFFF0] =	vst v8  }
0x54b: {  	v8 =	vld [tilespmem:s20+$0x10];
	vm0 =	vlt.s32 v10, $0x0;
	[tilespmem:s19+$0x0] =	vst v9  }
0x54c: {  	vm1 =	vlt.s32 v6, $0x0;
	v9 =	vld [tilespmem:s20+$0x20];
	v10 =	vsel vm0, $0x3E8, v10  }
0x54d: {  	v11 =	vld [tilespmem:s20+$0xFFFFFFC0];
	v12 =	vsel vm1, $0x3E8, v6;
	vm0 =	vlt.s32 v7, $0x0  }
0x54e: {  	v13 =	vsel vm0, $0x3E8, v7;
	vm0 =	vlt.s32 v4, $0x0;
	v6 =	vld.idx.msk [tilespmem:v3+s30+$0x0], $0xffff  }
0x54f: {  	v14 =	vsel vm0, $0x3E8, v4;
	vm0 =	vlt.s32 v5, $0x0;
	v4 =	vld.idx.msk [tilespmem:v1+s30+$0x0], $0xffff  }
0x550: {  	v15 =	vsel vm0, $0x3E8, v5;
	vm0 =	vlt.s32 v8, $0x0;
	v5 =	vld.idx.msk [tilespmem:v2+s30+$0x0], $0xffff  }
0x551: {  	v1 =	vsel vm0, $0x3E8, v8;
	vm0 =	vlt.s32 v9, $0x0;
	v7 =	vld.idx.msk [tilespmem:v10+s1+$0x0], $0xffff  }
0x552: {  	vm1 =	vlt.s32 v11, $0x0;
	v8 =	vld.idx.msk [tilespmem:v12+s1+$0x0], $0xffff;
	v2 =	vsel vm0, $0x3E8, v9  }
0x553: {  	v3 =	vsel vm1, $0x3E8, v11;
	v9 =	vld.idx.msk [tilespmem:v13+s1+$0x0], $0xffff  }
0x554: {  	v11 =	vld.idx.msk [tilespmem:v14+s1+$0x0], $0xffff;
	[tilespmem:s19+$0xFFFFFFC0] =	vst v6  }
0x555: {  	v6 =	vld.idx.msk [tilespmem:v15+s1+$0x0], $0xffff;
	[tilespmem:s19+$0x10] =	vst v4  }
0x556: {  	s17 =	sadd.s32 $0x80, s17;
	v4 =	vld.idx.msk [tilespmem:v1+s1+$0x0], $0xffff;
	[tilespmem:s19+$0x20] =	vst v5  }
0x557: {  	v5 =	vld.idx.msk [tilespmem:v2+s1+$0x0], $0xffff;
	[tilespmem:s17+$0x30] =	vst v7  }
0x558: {  	[tilespmem:s17+$0xFFFFFFD0] =	vst v8;
	v7 =	vld.idx.msk [tilespmem:v10+s28+$0x0], $0xffff  }
0x559: {  	v8 =	vld.idx.msk [tilespmem:v3+s1+$0x0], $0xffff;
	[tilespmem:s17+$0xFFFFFFE0] =	vst v9  }
0x55a: {  	v9 =	vld.idx.msk [tilespmem:v12+s28+$0x0], $0xffff;
	[tilespmem:s17+$0xFFFFFFF0] =	vst v11  }
0x55b: {  	v11 =	vld.idx.msk [tilespmem:v13+s28+$0x0], $0xffff;
	[tilespmem:s17+$0x0] =	vst v6  }
0x55c: {  	v6 =	vld.idx.msk [tilespmem:v14+s28+$0x0], $0xffff;
	[tilespmem:s17+$0x10] =	vst v4  }
0x55d: {  	s18 =	sadd.s32 $0x80, s18;
	v4 =	vld.idx.msk [tilespmem:v15+s28+$0x0], $0xffff;
	[tilespmem:s17+$0x20] =	vst v5  }
0x55e: {  	v5 =	vld.idx.msk [tilespmem:v1+s28+$0x0], $0xffff;
	[tilespmem:s18+$0x30] =	vst v7  }
0x55f: {  	[tilespmem:s17+$0xFFFFFFC0] =	vst v8;
	v7 =	vld.idx.msk [tilespmem:v10+s29+$0x0], $0xffff  }
0x560: {  	v8 =	vld.idx.msk [tilespmem:v3+s28+$0x0], $0xffff;
	[tilespmem:s18+$0xFFFFFFD0] =	vst v9  }
0x561: {  	[tilespmem:s18+$0xFFFFFFE0] =	vst v11;
	v9 =	vld.idx.msk [tilespmem:v2+s28+$0x0], $0xffff  }
0x562: {  	v11 =	vld.idx.msk [tilespmem:v12+s29+$0x0], $0xffff;
	[tilespmem:s18+$0xFFFFFFF0] =	vst v6  }
0x563: {  	v16 =	vld.idx.msk [tilespmem:v13+s29+$0x0], $0xffff;
	[tilespmem:s18+$0x0] =	vst v4  }
0x564: {  	s5 =	sadd.s32 $0x80, s5;
	v17 =	vld.idx.msk [tilespmem:v14+s29+$0x0], $0xffff;
	[tilespmem:s18+$0x10] =	vst v5  }
0x565: {  	v18 =	vld.idx.msk [tilespmem:v15+s29+$0x0], $0xffff;
	[tilespmem:s5+$0x30] =	vst v7  }
0x566: {  	[tilespmem:s18+$0xFFFFFFC0] =	vst v8;
	v10 =	vld.idx.msk [tilespmem:v10+s30+$0x0], $0xffff  }
0x567: {  	v19 =	vld.idx.msk [tilespmem:v3+s29+$0x0], $0xffff;
	[tilespmem:s18+$0x20] =	vst v9  }
0x568: {  	[tilespmem:s5+$0xFFFFFFD0] =	vst v11;
	v6 =	vld.idx.msk [tilespmem:v1+s29+$0x0], $0xffff  }
.Ltmp10:
0x569: {  	[tilespmem:s5+$0xFFFFFFE0] =	vst v16;
	v7 =	vld.idx.msk [tilespmem:v2+s29+$0x0], $0xffff;
	(pc) =	sbr.rel @p0 .LBB2_22-.Ltmp10, $4  }
0x56a: {  	v4 =	vld.idx.msk [tilespmem:v12+s30+$0x0], $0xffff;
	[tilespmem:s5+$0xFFFFFFF0] =	vst v17  }
0x56b: {  	s19 =	sadd.s32 $0x80, s19;
	v5 =	vld.idx.msk [tilespmem:v13+s30+$0x0], $0xffff;
	[tilespmem:s5+$0x0] =	vst v18  }
0x56c: {  	v8 =	vld.idx.msk [tilespmem:v14+s30+$0x0], $0xffff;
	[tilespmem:s19+$0x30] =	vst v10  }
0x56d: {  	s20 =	sadd.s32 $0x80, s20;
	[tilespmem:s5+$0xFFFFFFC0] =	vst v19;
	v9 =	vld.idx.msk [tilespmem:v15+s30+$0x0], $0xffff  }
0x56e: {  	_ =	sdelay $0x2  }
0x56f: {  	[tilespmem:s5+$0x10] =	vst v6  }
0x570: {  	[tilespmem:s5+$0x20] =	vst v7;
	v3 =	vld.idx.msk [tilespmem:v3+s30+$0x0], $0xffff  }
0x571: {  	[tilespmem:s19+$0xFFFFFFD0] =	vst v4;
	v1 =	vld.idx.msk [tilespmem:v1+s30+$0x0], $0xffff  }
0x572: {  	v2 =	vld.idx.msk [tilespmem:v2+s30+$0x0], $0xffff;
	[tilespmem:s19+$0xFFFFFFE0] =	vst v5  }
0x573: {  	[tilespmem:s19+$0xFFFFFFF0] =	vst v8  }
0x574: {  	[tilespmem:s19+$0x0] =	vst v9  }
0x575: {  	[tilespmem:s19+$0xFFFFFFC0] =	vst v3  }
0x576: {  	[tilespmem:s19+$0x10] =	vst v1  }
0x577: {  	[tilespmem:s19+$0x20] =	vst v2  }
0x578: {  	s5 =	sld [smem:$0x7D6];
	_ =	sdelay $0x1  }
0x579: {  	s6 =	sld [smem:$0x7D7]  }
0x57a: {  	[hbm4b:s5+s1] =	stream.linear.scatter [tilespmem:s31], [sflag:$0x3], $0x2000, $0x38;
	[tilespmem:$0x1D000] =	vst v63  }
0x57b: {  	s17 =	sld [smem:$0x7D8]  }
0x57c: {  	[hbm4b:s6+s1] =	stream.linear.scatter [tilespmem:s0], [sflag:$0x3], $0x2000, $0x38;
	[tilespmem:$0x1D000] =	vst v63  }
0x57d: {  	s18 =	sld [smem:$0x7D9]  }
0x57e: {  	[hbm4b:s17+s1] =	stream.linear.scatter [tilespmem:s2], [sflag:$0x3], $0x2000, $0x38;
	[tilespmem:$0x1D000] =	vst v63  }
0x57f: {  	s19 =	sld [smem:$0x7DF]  }
0x580: {  	[hbm4b:s18+s1] =	stream.linear.scatter [tilespmem:s3], [sflag:$0x3], $0x2000, $0x38;
	[tilespmem:$0x1D000] =	vst v63  }
0x581: {  	_ = 	snop  }
0x582: {  	[tilespmem:s25], [sflag:$0x2] =	stream.linear.gather [hbm4b:s19+s1], $0x2000, $0x38;
	[tilespmem:$0x1D000] =	vst v63  }
0x583: {  	_ =	swait.ge [sflag:s14], $0x2000  }
0x584: {  	[sflag:s14] =	ssyncset.done $0x0  }
0x585: {  	[sflag:s14] =	ssyncadd.s32 $0xFFFFE000  }
0x586: {  	_ =	swait.ge [sflag:s14], $0x2000  }
0x587: {  	[sflag:s14] =	ssyncset.done $0x0  }
0x588: {  	[sflag:s14] =	ssyncadd.s32 $0xFFFFE000  }
0x589: {  	_ =	swait.ge [sflag:s14], $0x2000  }
0x58a: {  	[sflag:s14] =	ssyncset.done $0x0  }
0x58b: {  	[sflag:s14] =	ssyncadd.s32 $0xFFFFE000  }
0x58c: {  	_ =	swait.ge [sflag:s14], $0x2000  }
0x58d: {  	[sflag:s14] =	ssyncset.done $0x0  }
0x58e: {  	[sflag:s14] =	ssyncadd.s32 $0xFFFFE000  }
0x58f: {  	_ =	swait.ge [sflag:s26], $0x2000  }
0x590: {  	[sflag:s26] =	ssyncset.done $0x0  }
0x591: {  	s20 =	simm.s32 $0x1040;
	[sflag:s26] =	ssyncadd.s32 $0xFFFFE000  }
0x592: {  	v1 =	vld [tilespmem:s20+$0x30]  }
0x593: {  	v2 =	vld [tilespmem:s20+$0xFFFFFFD0]  }
0x594: {  	v3 =	vld [tilespmem:s20+$0xFFFFFFE0]  }
0x595: {  	v4 =	vld [tilespmem:s20+$0xFFFFFFF0]  }
0x596: {  	v5 =	vld [tilespmem:s20+$0x0]  }
0x597: {  	v6 =	vld [tilespmem:s20+$0x10];
	vm0 =	vlt.s32 v1, $0x0  }
0x598: {  	v7 =	vld [tilespmem:s20+$0x20];
	vm1 =	vlt.s32 v2, $0x0;
	v8 =	vsel vm0, $0x3E8, v1  }
0x599: {  	v10 =	vld [tilespmem:s20+$0xFFFFFFC0];
	vm10 =	vlt.s32 v3, $0x0;
	v9 =	vsel vm1, $0x3E8, v2  }
0x59a: {  	vm11 =	vlt.s32 v4, $0x0;
	v11 =	vsel vm10, $0x3E8, v3  }
0x59b: {  	vm12 =	vlt.s32 v5, $0x0;
	v12 =	vsel vm11, $0x3E8, v4  }
0x59c: {  	vm13 =	vlt.s32 v6, $0x0;
	v13 =	vsel vm12, $0x3E8, v5  }
0x59d: {  	vm14 =	vlt.s32 v7, $0x0;
	v1 =	vsel vm13, $0x3E8, v6;
	v4 =	vld.idx.msk [tilespmem:v8+s1+$0x0], $0xffff  }
0x59e: {  	vm15 =	vlt.s32 v10, $0x0;
	v2 =	vsel vm14, $0x3E8, v7;
	v5 =	vld.idx.msk [tilespmem:v9+s1+$0x0], $0xffff  }
0x59f: {  	v3 =	vsel vm15, $0x3E8, v10;
	v6 =	vld.idx.msk [tilespmem:v11+s1+$0x0], $0xffff  }
0x5a0: {  	v7 =	vld.idx.msk [tilespmem:v12+s1+$0x0], $0xffff  }
0x5a1: {  	v10 =	vld.idx.msk [tilespmem:v13+s1+$0x0], $0xffff  }
0x5a2: {  	s17 =	simm.s32 $0xD040;
	v14 =	vld.idx.msk [tilespmem:v1+s1+$0x0], $0xffff  }
0x5a3: {  	v15 =	vld.idx.msk [tilespmem:v2+s1+$0x0], $0xffff;
	[tilespmem:s17+$0x30] =	vst v4  }
0x5a4: {  	[tilespmem:s17+$0xFFFFFFD0] =	vst v5;
	v5 =	vld.idx.msk [tilespmem:v3+s1+$0x0], $0xffff  }
0x5a5: {  	[tilespmem:s17+$0xFFFFFFE0] =	vst v6;
	v4 =	vld.idx.msk [tilespmem:v8+s28+$0x0], $0xffff  }
0x5a6: {  	[tilespmem:s17+$0xFFFFFFF0] =	vst v7;
	v6 =	vld.idx.msk [tilespmem:v9+s28+$0x0], $0xffff  }
0x5a7: {  	[tilespmem:s17+$0x0] =	vst v10;
	v7 =	vld.idx.msk [tilespmem:v11+s28+$0x0], $0xffff  }
0x5a8: {  	[tilespmem:s17+$0x10] =	vst v14;
	v10 =	vld.idx.msk [tilespmem:v12+s28+$0x0], $0xffff  }
0x5a9: {  	[tilespmem:s17+$0x20] =	vst v15;
	v60 =	vld.idx.msk [tilespmem:v13+s28+$0x0], $0xffff  }
0x5aa: {  	s18 =	simm.s32 $0xF040;
	v61 =	vld.idx.msk [tilespmem:v1+s28+$0x0], $0xffff;
	[tilespmem:s17+$0xFFFFFFC0] =	vst v5  }
0x5ab: {  	[tilespmem:s18+$0x30] =	vst v4;
	v5 =	vld.idx.msk [tilespmem:v3+s28+$0x0], $0xffff  }
0x5ac: {  	[tilespmem:s18+$0xFFFFFFD0] =	vst v6;
	v6 =	vld.idx.msk [tilespmem:v2+s28+$0x0], $0xffff  }
0x5ad: {  	[tilespmem:s18+$0xFFFFFFE0] =	vst v7;
	v4 =	vld.idx.msk [tilespmem:v8+s29+$0x0], $0xffff  }
0x5ae: {  	[tilespmem:s18+$0xFFFFFFF0] =	vst v10;
	v7 =	vld.idx.msk [tilespmem:v9+s29+$0x0], $0xffff  }
0x5af: {  	[tilespmem:s18+$0x0] =	vst v60;
	v10 =	vld.idx.msk [tilespmem:v11+s29+$0x0], $0xffff  }
0x5b0: {  	[tilespmem:s18+$0x10] =	vst v61;
	v62 =	vld.idx.msk [tilespmem:v12+s29+$0x0], $0xffff  }
0x5b1: {  	v63 =	vld.idx.msk [tilespmem:v13+s29+$0x0], $0xffff;
	[tilespmem:s18+$0xFFFFFFC0] =	vst v5  }
0x5b2: {  	s5 =	simm.s32 $0x11040;
	[tilespmem:s18+$0x20] =	vst v6;
	v6 =	vld.idx.msk [tilespmem:v1+s29+$0x0], $0xffff  }
0x5b3: {  	[tilespmem:s5+$0x30] =	vst v4;
	v17 =	vld.idx.msk [tilespmem:v3+s29+$0x0], $0xffff  }
0x5b4: {  	[tilespmem:s5+$0xFFFFFFD0] =	vst v7;
	v16 =	vld.idx.msk [tilespmem:v8+s30+$0x0], $0xffff  }
0x5b5: {  	[tilespmem:s5+$0xFFFFFFE0] =	vst v10;
	v7 =	vld.idx.msk [tilespmem:v2+s29+$0x0], $0xffff  }
0x5b6: {  	[tilespmem:s5+$0xFFFFFFF0] =	vst v62;
	v4 =	vld.idx.msk [tilespmem:v9+s30+$0x0], $0xffff  }
0x5b7: {  	[tilespmem:s5+$0x0] =	vst v63;
	v5 =	vld.idx.msk [tilespmem:v11+s30+$0x0], $0xffff  }
0x5b8: {  	s19 =	simm.s32 $0x13040;
	v8 =	vld.idx.msk [tilespmem:v12+s30+$0x0], $0xffff;
	[tilespmem:s5+$0xFFFFFFC0] =	vst v17  }
0x5b9: {  	s6 =	simm.s32 $0x0;
	s20 =	simm.s32 $0x10C0;
	v9 =	vld.idx.msk [tilespmem:v13+s30+$0x0], $0xffff;
	[tilespmem:s19+$0x30] =	vst v16  }
.LBB2_24:
0x5ba: {  	v10 =	vld [tilespmem:s20+$0x30];
	s6 =	sadd.s32 $0x80, s6;
	[tilespmem:s5+$0x10] =	vst v6  }
0x5bb: {  	v6 =	vld [tilespmem:s20+$0xFFFFFFD0];
	p0 =	slt.u32 s6, $0x1F80;
	[tilespmem:s5+$0x20] =	vst v7  }
0x5bc: {  	v7 =	vld [tilespmem:s20+$0xFFFFFFE0];
	[tilespmem:s19+$0xFFFFFFD0] =	vst v4  }
0x5bd: {  	v4 =	vld [tilespmem:s20+$0xFFFFFFF0];
	[tilespmem:s19+$0xFFFFFFE0] =	vst v5  }
0x5be: {  	v5 =	vld [tilespmem:s20+$0x0];
	[tilespmem:s19+$0xFFFFFFF0] =	vst v8  }
0x5bf: {  	v8 =	vld [tilespmem:s20+$0x10];
	vm0 =	vlt.s32 v10, $0x0;
	[tilespmem:s19+$0x0] =	vst v9  }
0x5c0: {  	vm1 =	vlt.s32 v6, $0x0;
	v9 =	vld [tilespmem:s20+$0x20];
	v10 =	vsel vm0, $0x3E8, v10  }
0x5c1: {  	v11 =	vld [tilespmem:s20+$0xFFFFFFC0];
	v12 =	vsel vm1, $0x3E8, v6;
	vm0 =	vlt.s32 v7, $0x0  }
0x5c2: {  	v13 =	vsel vm0, $0x3E8, v7;
	vm0 =	vlt.s32 v4, $0x0;
	v6 =	vld.idx.msk [tilespmem:v3+s30+$0x0], $0xffff  }
0x5c3: {  	v14 =	vsel vm0, $0x3E8, v4;
	vm0 =	vlt.s32 v5, $0x0;
	v4 =	vld.idx.msk [tilespmem:v1+s30+$0x0], $0xffff  }
0x5c4: {  	v15 =	vsel vm0, $0x3E8, v5;
	vm0 =	vlt.s32 v8, $0x0;
	v5 =	vld.idx.msk [tilespmem:v2+s30+$0x0], $0xffff  }
0x5c5: {  	v1 =	vsel vm0, $0x3E8, v8;
	vm0 =	vlt.s32 v9, $0x0;
	v7 =	vld.idx.msk [tilespmem:v10+s1+$0x0], $0xffff  }
0x5c6: {  	vm1 =	vlt.s32 v11, $0x0;
	v8 =	vld.idx.msk [tilespmem:v12+s1+$0x0], $0xffff;
	v2 =	vsel vm0, $0x3E8, v9  }
0x5c7: {  	v3 =	vsel vm1, $0x3E8, v11;
	v9 =	vld.idx.msk [tilespmem:v13+s1+$0x0], $0xffff  }
0x5c8: {  	v11 =	vld.idx.msk [tilespmem:v14+s1+$0x0], $0xffff;
	[tilespmem:s19+$0xFFFFFFC0] =	vst v6  }
0x5c9: {  	v6 =	vld.idx.msk [tilespmem:v15+s1+$0x0], $0xffff;
	[tilespmem:s19+$0x10] =	vst v4  }
0x5ca: {  	s17 =	sadd.s32 $0x80, s17;
	v4 =	vld.idx.msk [tilespmem:v1+s1+$0x0], $0xffff;
	[tilespmem:s19+$0x20] =	vst v5  }
0x5cb: {  	v5 =	vld.idx.msk [tilespmem:v2+s1+$0x0], $0xffff;
	[tilespmem:s17+$0x30] =	vst v7  }
0x5cc: {  	[tilespmem:s17+$0xFFFFFFD0] =	vst v8;
	v7 =	vld.idx.msk [tilespmem:v10+s28+$0x0], $0xffff  }
0x5cd: {  	v8 =	vld.idx.msk [tilespmem:v3+s1+$0x0], $0xffff;
	[tilespmem:s17+$0xFFFFFFE0] =	vst v9  }
0x5ce: {  	v9 =	vld.idx.msk [tilespmem:v12+s28+$0x0], $0xffff;
	[tilespmem:s17+$0xFFFFFFF0] =	vst v11  }
0x5cf: {  	v11 =	vld.idx.msk [tilespmem:v13+s28+$0x0], $0xffff;
	[tilespmem:s17+$0x0] =	vst v6  }
0x5d0: {  	v6 =	vld.idx.msk [tilespmem:v14+s28+$0x0], $0xffff;
	[tilespmem:s17+$0x10] =	vst v4  }
0x5d1: {  	s18 =	sadd.s32 $0x80, s18;
	v4 =	vld.idx.msk [tilespmem:v15+s28+$0x0], $0xffff;
	[tilespmem:s17+$0x20] =	vst v5  }
0x5d2: {  	v5 =	vld.idx.msk [tilespmem:v1+s28+$0x0], $0xffff;
	[tilespmem:s18+$0x30] =	vst v7  }
0x5d3: {  	[tilespmem:s17+$0xFFFFFFC0] =	vst v8;
	v7 =	vld.idx.msk [tilespmem:v10+s29+$0x0], $0xffff  }
0x5d4: {  	v8 =	vld.idx.msk [tilespmem:v3+s28+$0x0], $0xffff;
	[tilespmem:s18+$0xFFFFFFD0] =	vst v9  }
0x5d5: {  	[tilespmem:s18+$0xFFFFFFE0] =	vst v11;
	v9 =	vld.idx.msk [tilespmem:v2+s28+$0x0], $0xffff  }
0x5d6: {  	v11 =	vld.idx.msk [tilespmem:v12+s29+$0x0], $0xffff;
	[tilespmem:s18+$0xFFFFFFF0] =	vst v6  }
0x5d7: {  	v16 =	vld.idx.msk [tilespmem:v13+s29+$0x0], $0xffff;
	[tilespmem:s18+$0x0] =	vst v4  }
0x5d8: {  	s5 =	sadd.s32 $0x80, s5;
	v17 =	vld.idx.msk [tilespmem:v14+s29+$0x0], $0xffff;
	[tilespmem:s18+$0x10] =	vst v5  }
0x5d9: {  	v18 =	vld.idx.msk [tilespmem:v15+s29+$0x0], $0xffff;
	[tilespmem:s5+$0x30] =	vst v7  }
0x5da: {  	[tilespmem:s18+$0xFFFFFFC0] =	vst v8;
	v10 =	vld.idx.msk [tilespmem:v10+s30+$0x0], $0xffff  }
0x5db: {  	v19 =	vld.idx.msk [tilespmem:v3+s29+$0x0], $0xffff;
	[tilespmem:s18+$0x20] =	vst v9  }
0x5dc: {  	[tilespmem:s5+$0xFFFFFFD0] =	vst v11;
	v6 =	vld.idx.msk [tilespmem:v1+s29+$0x0], $0xffff  }
.Ltmp11:
0x5dd: {  	[tilespmem:s5+$0xFFFFFFE0] =	vst v16;
	v7 =	vld.idx.msk [tilespmem:v2+s29+$0x0], $0xffff;
	(pc) =	sbr.rel @p0 .LBB2_24-.Ltmp11, $4  }
0x5de: {  	v4 =	vld.idx.msk [tilespmem:v12+s30+$0x0], $0xffff;
	[tilespmem:s5+$0xFFFFFFF0] =	vst v17  }
0x5df: {  	s19 =	sadd.s32 $0x80, s19;
	v5 =	vld.idx.msk [tilespmem:v13+s30+$0x0], $0xffff;
	[tilespmem:s5+$0x0] =	vst v18  }
0x5e0: {  	v8 =	vld.idx.msk [tilespmem:v14+s30+$0x0], $0xffff;
	[tilespmem:s19+$0x30] =	vst v10  }
0x5e1: {  	s20 =	sadd.s32 $0x80, s20;
	[tilespmem:s5+$0xFFFFFFC0] =	vst v19;
	v9 =	vld.idx.msk [tilespmem:v15+s30+$0x0], $0xffff  }
0x5e2: {  	_ =	sdelay $0x2  }
0x5e3: {  	[tilespmem:s5+$0x10] =	vst v6  }
0x5e4: {  	[tilespmem:s5+$0x20] =	vst v7;
	v3 =	vld.idx.msk [tilespmem:v3+s30+$0x0], $0xffff  }
0x5e5: {  	[tilespmem:s19+$0xFFFFFFD0] =	vst v4;
	v1 =	vld.idx.msk [tilespmem:v1+s30+$0x0], $0xffff  }
0x5e6: {  	v2 =	vld.idx.msk [tilespmem:v2+s30+$0x0], $0xffff;
	[tilespmem:s19+$0xFFFFFFE0] =	vst v5  }
0x5e7: {  	[tilespmem:s19+$0xFFFFFFF0] =	vst v8  }
0x5e8: {  	[tilespmem:s19+$0x0] =	vst v9  }
0x5e9: {  	[tilespmem:s19+$0xFFFFFFC0] =	vst v3  }
0x5ea: {  	[tilespmem:s19+$0x10] =	vst v1  }
0x5eb: {  	[tilespmem:s19+$0x20] =	vst v2  }
0x5ec: {  	s5 =	sld [smem:$0x7DB];
	_ =	sdelay $0x1  }
0x5ed: {  	s6 =	sld [smem:$0x7DC]  }
0x5ee: {  	[hbm4b:s5+s1] =	stream.linear.scatter [tilespmem:s7], [sflag:$0x4], $0x2000, $0x38;
	[tilespmem:$0x1D000] =	vst v63  }
0x5ef: {  	s17 =	sld [smem:$0x7DD]  }
0x5f0: {  	[hbm4b:s6+s1] =	stream.linear.scatter [tilespmem:s8], [sflag:$0x4], $0x2000, $0x38;
	[tilespmem:$0x1D000] =	vst v63  }
0x5f1: {  	s18 =	sld [smem:$0x7DE]  }
0x5f2: {  	[hbm4b:s17+s1] =	stream.linear.scatter [tilespmem:s9], [sflag:$0x4], $0x2000, $0x38;
	[tilespmem:$0x1D000] =	vst v63  }
0x5f3: {  	s19 =	sld [smem:$0x7E4]  }
0x5f4: {  	[hbm4b:s18+s1] =	stream.linear.scatter [tilespmem:s10], [sflag:$0x4], $0x2000, $0x38;
	[tilespmem:$0x1D000] =	vst v63  }
0x5f5: {  	_ = 	snop  }
0x5f6: {  	[tilespmem:s24], [sflag:$0x1] =	stream.linear.gather [hbm4b:s19+s1], $0x2000, $0x38;
	[tilespmem:$0x1D000] =	vst v63  }
0x5f7: {  	_ =	swait.ge [sflag:s15], $0x2000  }
0x5f8: {  	[sflag:s15] =	ssyncset.done $0x0  }
0x5f9: {  	[sflag:s15] =	ssyncadd.s32 $0xFFFFE000  }
0x5fa: {  	_ =	swait.ge [sflag:s15], $0x2000  }
0x5fb: {  	[sflag:s15] =	ssyncset.done $0x0  }
0x5fc: {  	[sflag:s15] =	ssyncadd.s32 $0xFFFFE000  }
0x5fd: {  	_ =	swait.ge [sflag:s15], $0x2000  }
0x5fe: {  	[sflag:s15] =	ssyncset.done $0x0  }
0x5ff: {  	[sflag:s15] =	ssyncadd.s32 $0xFFFFE000  }
0x600: {  	_ =	swait.ge [sflag:s15], $0x2000  }
0x601: {  	[sflag:s15] =	ssyncset.done $0x0  }
0x602: {  	[sflag:s15] =	ssyncadd.s32 $0xFFFFE000  }
0x603: {  	_ =	swait.ge [sflag:s4], $0x2000  }
0x604: {  	[sflag:s4] =	ssyncset.done $0x0  }
0x605: {  	s20 =	simm.s32 $0x3040;
	[sflag:s4] =	ssyncadd.s32 $0xFFFFE000  }
0x606: {  	v1 =	vld [tilespmem:s20+$0x30]  }
0x607: {  	v2 =	vld [tilespmem:s20+$0xFFFFFFD0]  }
0x608: {  	v3 =	vld [tilespmem:s20+$0xFFFFFFE0]  }
0x609: {  	v4 =	vld [tilespmem:s20+$0xFFFFFFF0]  }
0x60a: {  	v5 =	vld [tilespmem:s20+$0x0]  }
0x60b: {  	v6 =	vld [tilespmem:s20+$0x10];
	vm0 =	vlt.s32 v1, $0x0  }
0x60c: {  	v7 =	vld [tilespmem:s20+$0x20];
	vm1 =	vlt.s32 v2, $0x0;
	v8 =	vsel vm0, $0x3E8, v1  }
0x60d: {  	v10 =	vld [tilespmem:s20+$0xFFFFFFC0];
	vm10 =	vlt.s32 v3, $0x0;
	v9 =	vsel vm1, $0x3E8, v2  }
0x60e: {  	vm11 =	vlt.s32 v4, $0x0;
	v11 =	vsel vm10, $0x3E8, v3  }
0x60f: {  	vm12 =	vlt.s32 v5, $0x0;
	v12 =	vsel vm11, $0x3E8, v4  }
0x610: {  	vm13 =	vlt.s32 v6, $0x0;
	v13 =	vsel vm12, $0x3E8, v5  }
0x611: {  	vm14 =	vlt.s32 v7, $0x0;
	v1 =	vsel vm13, $0x3E8, v6;
	v4 =	vld.idx.msk [tilespmem:v8+s1+$0x0], $0xffff  }
0x612: {  	vm15 =	vlt.s32 v10, $0x0;
	v2 =	vsel vm14, $0x3E8, v7;
	v5 =	vld.idx.msk [tilespmem:v9+s1+$0x0], $0xffff  }
0x613: {  	v3 =	vsel vm15, $0x3E8, v10;
	v6 =	vld.idx.msk [tilespmem:v11+s1+$0x0], $0xffff  }
0x614: {  	v7 =	vld.idx.msk [tilespmem:v12+s1+$0x0], $0xffff  }
0x615: {  	v10 =	vld.idx.msk [tilespmem:v13+s1+$0x0], $0xffff  }
0x616: {  	s17 =	simm.s32 $0x15040;
	v14 =	vld.idx.msk [tilespmem:v1+s1+$0x0], $0xffff  }
0x617: {  	v15 =	vld.idx.msk [tilespmem:v2+s1+$0x0], $0xffff;
	[tilespmem:s17+$0x30] =	vst v4  }
0x618: {  	[tilespmem:s17+$0xFFFFFFD0] =	vst v5;
	v5 =	vld.idx.msk [tilespmem:v3+s1+$0x0], $0xffff  }
0x619: {  	[tilespmem:s17+$0xFFFFFFE0] =	vst v6;
	v4 =	vld.idx.msk [tilespmem:v8+s28+$0x0], $0xffff  }
0x61a: {  	[tilespmem:s17+$0xFFFFFFF0] =	vst v7;
	v6 =	vld.idx.msk [tilespmem:v9+s28+$0x0], $0xffff  }
0x61b: {  	[tilespmem:s17+$0x0] =	vst v10;
	v7 =	vld.idx.msk [tilespmem:v11+s28+$0x0], $0xffff  }
0x61c: {  	[tilespmem:s17+$0x10] =	vst v14;
	v10 =	vld.idx.msk [tilespmem:v12+s28+$0x0], $0xffff  }
0x61d: {  	[tilespmem:s17+$0x20] =	vst v15;
	v60 =	vld.idx.msk [tilespmem:v13+s28+$0x0], $0xffff  }
0x61e: {  	s18 =	simm.s32 $0x17040;
	v61 =	vld.idx.msk [tilespmem:v1+s28+$0x0], $0xffff;
	[tilespmem:s17+$0xFFFFFFC0] =	vst v5  }
0x61f: {  	[tilespmem:s18+$0x30] =	vst v4;
	v5 =	vld.idx.msk [tilespmem:v3+s28+$0x0], $0xffff  }
0x620: {  	[tilespmem:s18+$0xFFFFFFD0] =	vst v6;
	v6 =	vld.idx.msk [tilespmem:v2+s28+$0x0], $0xffff  }
0x621: {  	[tilespmem:s18+$0xFFFFFFE0] =	vst v7;
	v4 =	vld.idx.msk [tilespmem:v8+s29+$0x0], $0xffff  }
0x622: {  	[tilespmem:s18+$0xFFFFFFF0] =	vst v10;
	v7 =	vld.idx.msk [tilespmem:v9+s29+$0x0], $0xffff  }
0x623: {  	[tilespmem:s18+$0x0] =	vst v60;
	v10 =	vld.idx.msk [tilespmem:v11+s29+$0x0], $0xffff  }
0x624: {  	[tilespmem:s18+$0x10] =	vst v61;
	v62 =	vld.idx.msk [tilespmem:v12+s29+$0x0], $0xffff  }
0x625: {  	v63 =	vld.idx.msk [tilespmem:v13+s29+$0x0], $0xffff;
	[tilespmem:s18+$0xFFFFFFC0] =	vst v5  }
0x626: {  	s5 =	simm.s32 $0x19040;
	[tilespmem:s18+$0x20] =	vst v6;
	v6 =	vld.idx.msk [tilespmem:v1+s29+$0x0], $0xffff  }
0x627: {  	[tilespmem:s5+$0x30] =	vst v4;
	v17 =	vld.idx.msk [tilespmem:v3+s29+$0x0], $0xffff  }
0x628: {  	[tilespmem:s5+$0xFFFFFFD0] =	vst v7;
	v16 =	vld.idx.msk [tilespmem:v8+s30+$0x0], $0xffff  }
0x629: {  	[tilespmem:s5+$0xFFFFFFE0] =	vst v10;
	v7 =	vld.idx.msk [tilespmem:v2+s29+$0x0], $0xffff  }
0x62a: {  	[tilespmem:s5+$0xFFFFFFF0] =	vst v62;
	v4 =	vld.idx.msk [tilespmem:v9+s30+$0x0], $0xffff  }
0x62b: {  	[tilespmem:s5+$0x0] =	vst v63;
	v5 =	vld.idx.msk [tilespmem:v11+s30+$0x0], $0xffff  }
0x62c: {  	s19 =	simm.s32 $0x1B040;
	v8 =	vld.idx.msk [tilespmem:v12+s30+$0x0], $0xffff;
	[tilespmem:s5+$0xFFFFFFC0] =	vst v17  }
0x62d: {  	s6 =	simm.s32 $0x0;
	s20 =	simm.s32 $0x30C0;
	v9 =	vld.idx.msk [tilespmem:v13+s30+$0x0], $0xffff;
	[tilespmem:s19+$0x30] =	vst v16  }
.LBB2_26:
0x62e: {  	v10 =	vld [tilespmem:s20+$0x30];
	s6 =	sadd.s32 $0x80, s6;
	[tilespmem:s5+$0x10] =	vst v6  }
0x62f: {  	v6 =	vld [tilespmem:s20+$0xFFFFFFD0];
	p0 =	slt.u32 s6, $0x1F80;
	[tilespmem:s5+$0x20] =	vst v7  }
0x630: {  	v7 =	vld [tilespmem:s20+$0xFFFFFFE0];
	[tilespmem:s19+$0xFFFFFFD0] =	vst v4  }
0x631: {  	v4 =	vld [tilespmem:s20+$0xFFFFFFF0];
	[tilespmem:s19+$0xFFFFFFE0] =	vst v5  }
0x632: {  	v5 =	vld [tilespmem:s20+$0x0];
	[tilespmem:s19+$0xFFFFFFF0] =	vst v8  }
0x633: {  	v8 =	vld [tilespmem:s20+$0x10];
	vm0 =	vlt.s32 v10, $0x0;
	[tilespmem:s19+$0x0] =	vst v9  }
0x634: {  	vm1 =	vlt.s32 v6, $0x0;
	v9 =	vld [tilespmem:s20+$0x20];
	v10 =	vsel vm0, $0x3E8, v10  }
0x635: {  	v11 =	vld [tilespmem:s20+$0xFFFFFFC0];
	v12 =	vsel vm1, $0x3E8, v6;
	vm0 =	vlt.s32 v7, $0x0  }
0x636: {  	v13 =	vsel vm0, $0x3E8, v7;
	vm0 =	vlt.s32 v4, $0x0;
	v6 =	vld.idx.msk [tilespmem:v3+s30+$0x0], $0xffff  }
0x637: {  	v14 =	vsel vm0, $0x3E8, v4;
	vm0 =	vlt.s32 v5, $0x0;
	v4 =	vld.idx.msk [tilespmem:v1+s30+$0x0], $0xffff  }
0x638: {  	v15 =	vsel vm0, $0x3E8, v5;
	vm0 =	vlt.s32 v8, $0x0;
	v5 =	vld.idx.msk [tilespmem:v2+s30+$0x0], $0xffff  }
0x639: {  	v1 =	vsel vm0, $0x3E8, v8;
	vm0 =	vlt.s32 v9, $0x0;
	v7 =	vld.idx.msk [tilespmem:v10+s1+$0x0], $0xffff  }
0x63a: {  	vm1 =	vlt.s32 v11, $0x0;
	v8 =	vld.idx.msk [tilespmem:v12+s1+$0x0], $0xffff;
	v2 =	vsel vm0, $0x3E8, v9  }
0x63b: {  	v3 =	vsel vm1, $0x3E8, v11;
	v9 =	vld.idx.msk [tilespmem:v13+s1+$0x0], $0xffff  }
0x63c: {  	v11 =	vld.idx.msk [tilespmem:v14+s1+$0x0], $0xffff;
	[tilespmem:s19+$0xFFFFFFC0] =	vst v6  }
0x63d: {  	v6 =	vld.idx.msk [tilespmem:v15+s1+$0x0], $0xffff;
	[tilespmem:s19+$0x10] =	vst v4  }
0x63e: {  	s17 =	sadd.s32 $0x80, s17;
	v4 =	vld.idx.msk [tilespmem:v1+s1+$0x0], $0xffff;
	[tilespmem:s19+$0x20] =	vst v5  }
0x63f: {  	v5 =	vld.idx.msk [tilespmem:v2+s1+$0x0], $0xffff;
	[tilespmem:s17+$0x30] =	vst v7  }
0x640: {  	[tilespmem:s17+$0xFFFFFFD0] =	vst v8;
	v7 =	vld.idx.msk [tilespmem:v10+s28+$0x0], $0xffff  }
0x641: {  	v8 =	vld.idx.msk [tilespmem:v3+s1+$0x0], $0xffff;
	[tilespmem:s17+$0xFFFFFFE0] =	vst v9  }
0x642: {  	v9 =	vld.idx.msk [tilespmem:v12+s28+$0x0], $0xffff;
	[tilespmem:s17+$0xFFFFFFF0] =	vst v11  }
0x643: {  	v11 =	vld.idx.msk [tilespmem:v13+s28+$0x0], $0xffff;
	[tilespmem:s17+$0x0] =	vst v6  }
0x644: {  	v6 =	vld.idx.msk [tilespmem:v14+s28+$0x0], $0xffff;
	[tilespmem:s17+$0x10] =	vst v4  }
0x645: {  	s18 =	sadd.s32 $0x80, s18;
	v4 =	vld.idx.msk [tilespmem:v15+s28+$0x0], $0xffff;
	[tilespmem:s17+$0x20] =	vst v5  }
0x646: {  	v5 =	vld.idx.msk [tilespmem:v1+s28+$0x0], $0xffff;
	[tilespmem:s18+$0x30] =	vst v7  }
0x647: {  	[tilespmem:s17+$0xFFFFFFC0] =	vst v8;
	v7 =	vld.idx.msk [tilespmem:v10+s29+$0x0], $0xffff  }
0x648: {  	v8 =	vld.idx.msk [tilespmem:v3+s28+$0x0], $0xffff;
	[tilespmem:s18+$0xFFFFFFD0] =	vst v9  }
0x649: {  	[tilespmem:s18+$0xFFFFFFE0] =	vst v11;
	v9 =	vld.idx.msk [tilespmem:v2+s28+$0x0], $0xffff  }
0x64a: {  	v11 =	vld.idx.msk [tilespmem:v12+s29+$0x0], $0xffff;
	[tilespmem:s18+$0xFFFFFFF0] =	vst v6  }
0x64b: {  	v16 =	vld.idx.msk [tilespmem:v13+s29+$0x0], $0xffff;
	[tilespmem:s18+$0x0] =	vst v4  }
0x64c: {  	s5 =	sadd.s32 $0x80, s5;
	v17 =	vld.idx.msk [tilespmem:v14+s29+$0x0], $0xffff;
	[tilespmem:s18+$0x10] =	vst v5  }
0x64d: {  	v18 =	vld.idx.msk [tilespmem:v15+s29+$0x0], $0xffff;
	[tilespmem:s5+$0x30] =	vst v7  }
0x64e: {  	[tilespmem:s18+$0xFFFFFFC0] =	vst v8;
	v10 =	vld.idx.msk [tilespmem:v10+s30+$0x0], $0xffff  }
0x64f: {  	v19 =	vld.idx.msk [tilespmem:v3+s29+$0x0], $0xffff;
	[tilespmem:s18+$0x20] =	vst v9  }
0x650: {  	[tilespmem:s5+$0xFFFFFFD0] =	vst v11;
	v6 =	vld.idx.msk [tilespmem:v1+s29+$0x0], $0xffff  }
.Ltmp12:
0x651: {  	[tilespmem:s5+$0xFFFFFFE0] =	vst v16;
	v7 =	vld.idx.msk [tilespmem:v2+s29+$0x0], $0xffff;
	(pc) =	sbr.rel @p0 .LBB2_26-.Ltmp12, $4  }
0x652: {  	v4 =	vld.idx.msk [tilespmem:v12+s30+$0x0], $0xffff;
	[tilespmem:s5+$0xFFFFFFF0] =	vst v17  }
0x653: {  	s19 =	sadd.s32 $0x80, s19;
	v5 =	vld.idx.msk [tilespmem:v13+s30+$0x0], $0xffff;
	[tilespmem:s5+$0x0] =	vst v18  }
0x654: {  	v8 =	vld.idx.msk [tilespmem:v14+s30+$0x0], $0xffff;
	[tilespmem:s19+$0x30] =	vst v10  }
0x655: {  	s20 =	sadd.s32 $0x80, s20;
	[tilespmem:s5+$0xFFFFFFC0] =	vst v19;
	v9 =	vld.idx.msk [tilespmem:v15+s30+$0x0], $0xffff  }
0x656: {  	_ =	sdelay $0x2  }
0x657: {  	[tilespmem:s5+$0x10] =	vst v6  }
0x658: {  	[tilespmem:s5+$0x20] =	vst v7;
	v3 =	vld.idx.msk [tilespmem:v3+s30+$0x0], $0xffff  }
0x659: {  	[tilespmem:s19+$0xFFFFFFD0] =	vst v4;
	v1 =	vld.idx.msk [tilespmem:v1+s30+$0x0], $0xffff  }
0x65a: {  	v2 =	vld.idx.msk [tilespmem:v2+s30+$0x0], $0xffff;
	[tilespmem:s19+$0xFFFFFFE0] =	vst v5  }
0x65b: {  	[tilespmem:s19+$0xFFFFFFF0] =	vst v8  }
0x65c: {  	[tilespmem:s19+$0x0] =	vst v9  }
0x65d: {  	[tilespmem:s19+$0xFFFFFFC0] =	vst v3  }
0x65e: {  	[tilespmem:s19+$0x10] =	vst v1  }
0x65f: {  	[tilespmem:s19+$0x20] =	vst v2  }
0x660: {  	s5 =	sld [smem:$0x7E0];
	_ =	sdelay $0x1  }
0x661: {  	s6 =	sld [smem:$0x7E1]  }
0x662: {  	[hbm4b:s5+s1] =	stream.linear.scatter [tilespmem:s11], [sflag:$0x5], $0x2000, $0x38;
	[tilespmem:$0x1D000] =	vst v63  }
0x663: {  	s17 =	sld [smem:$0x7E2]  }
0x664: {  	[hbm4b:s6+s1] =	stream.linear.scatter [tilespmem:s21], [sflag:$0x5], $0x2000, $0x38;
	[tilespmem:$0x1D000] =	vst v63  }
0x665: {  	s18 =	sld [smem:$0x7E3]  }
0x666: {  	[hbm4b:s17+s1] =	stream.linear.scatter [tilespmem:s22], [sflag:$0x5], $0x2000, $0x38;
	[tilespmem:$0x1D000] =	vst v63  }
0x667: {  	s19 =	sld [smem:$0x7E9]  }
0x668: {  	[hbm4b:s18+s1] =	stream.linear.scatter [tilespmem:s12], [sflag:$0x5], $0x2000, $0x38;
	[tilespmem:$0x1D000] =	vst v63  }
0x669: {  	_ = 	snop  }
0x66a: {  	[tilespmem:s25], [sflag:$0x2] =	stream.linear.gather [hbm4b:s19+s1], $0x2000, $0x38;
	[tilespmem:$0x1D000] =	vst v63  }
0x66b: {  	_ =	swait.ge [sflag:s13], $0x2000  }
0x66c: {  	[sflag:s13] =	ssyncset.done $0x0  }
0x66d: {  	[sflag:s13] =	ssyncadd.s32 $0xFFFFE000  }
0x66e: {  	_ =	swait.ge [sflag:s13], $0x2000  }
0x66f: {  	[sflag:s13] =	ssyncset.done $0x0  }
0x670: {  	[sflag:s13] =	ssyncadd.s32 $0xFFFFE000  }
0x671: {  	_ =	swait.ge [sflag:s13], $0x2000  }
0x672: {  	[sflag:s13] =	ssyncset.done $0x0  }
0x673: {  	[sflag:s13] =	ssyncadd.s32 $0xFFFFE000  }
0x674: {  	_ =	swait.ge [sflag:s13], $0x2000  }
0x675: {  	[sflag:s13] =	ssyncset.done $0x0  }
0x676: {  	[sflag:s13] =	ssyncadd.s32 $0xFFFFE000  }
0x677: {  	_ =	swait.ge [sflag:s26], $0x2000  }
0x678: {  	[sflag:s26] =	ssyncset.done $0x0  }
0x679: {  	s20 =	simm.s32 $0x1040;
	[sflag:s26] =	ssyncadd.s32 $0xFFFFE000  }
0x67a: {  	v1 =	vld [tilespmem:s20+$0x30]  }
0x67b: {  	v2 =	vld [tilespmem:s20+$0xFFFFFFD0]  }
0x67c: {  	v3 =	vld [tilespmem:s20+$0xFFFFFFE0]  }
0x67d: {  	v4 =	vld [tilespmem:s20+$0xFFFFFFF0]  }
0x67e: {  	v5 =	vld [tilespmem:s20+$0x0]  }
0x67f: {  	v6 =	vld [tilespmem:s20+$0x10];
	vm0 =	vlt.s32 v1, $0x0  }
0x680: {  	v7 =	vld [tilespmem:s20+$0x20];
	vm1 =	vlt.s32 v2, $0x0;
	v8 =	vsel vm0, $0x3E8, v1  }
0x681: {  	v10 =	vld [tilespmem:s20+$0xFFFFFFC0];
	vm10 =	vlt.s32 v3, $0x0;
	v9 =	vsel vm1, $0x3E8, v2  }
0x682: {  	vm11 =	vlt.s32 v4, $0x0;
	v11 =	vsel vm10, $0x3E8, v3  }
0x683: {  	vm12 =	vlt.s32 v5, $0x0;
	v12 =	vsel vm11, $0x3E8, v4  }
0x684: {  	vm13 =	vlt.s32 v6, $0x0;
	v13 =	vsel vm12, $0x3E8, v5  }
0x685: {  	vm14 =	vlt.s32 v7, $0x0;
	v1 =	vsel vm13, $0x3E8, v6;
	v4 =	vld.idx.msk [tilespmem:v8+s1+$0x0], $0xffff  }
0x686: {  	vm15 =	vlt.s32 v10, $0x0;
	v2 =	vsel vm14, $0x3E8, v7;
	v5 =	vld.idx.msk [tilespmem:v9+s1+$0x0], $0xffff  }
0x687: {  	v3 =	vsel vm15, $0x3E8, v10;
	v6 =	vld.idx.msk [tilespmem:v11+s1+$0x0], $0xffff  }
0x688: {  	v7 =	vld.idx.msk [tilespmem:v12+s1+$0x0], $0xffff  }
0x689: {  	v10 =	vld.idx.msk [tilespmem:v13+s1+$0x0], $0xffff  }
0x68a: {  	s17 =	simm.s32 $0x5040;
	v14 =	vld.idx.msk [tilespmem:v1+s1+$0x0], $0xffff  }
0x68b: {  	v15 =	vld.idx.msk [tilespmem:v2+s1+$0x0], $0xffff;
	[tilespmem:s17+$0x30] =	vst v4  }
0x68c: {  	[tilespmem:s17+$0xFFFFFFD0] =	vst v5;
	v5 =	vld.idx.msk [tilespmem:v3+s1+$0x0], $0xffff  }
0x68d: {  	[tilespmem:s17+$0xFFFFFFE0] =	vst v6;
	v4 =	vld.idx.msk [tilespmem:v8+s28+$0x0], $0xffff  }
0x68e: {  	[tilespmem:s17+$0xFFFFFFF0] =	vst v7;
	v6 =	vld.idx.msk [tilespmem:v9+s28+$0x0], $0xffff  }
0x68f: {  	[tilespmem:s17+$0x0] =	vst v10;
	v7 =	vld.idx.msk [tilespmem:v11+s28+$0x0], $0xffff  }
0x690: {  	[tilespmem:s17+$0x10] =	vst v14;
	v10 =	vld.idx.msk [tilespmem:v12+s28+$0x0], $0xffff  }
0x691: {  	[tilespmem:s17+$0x20] =	vst v15;
	v60 =	vld.idx.msk [tilespmem:v13+s28+$0x0], $0xffff  }
0x692: {  	s18 =	simm.s32 $0x7040;
	v61 =	vld.idx.msk [tilespmem:v1+s28+$0x0], $0xffff;
	[tilespmem:s17+$0xFFFFFFC0] =	vst v5  }
0x693: {  	[tilespmem:s18+$0x30] =	vst v4;
	v5 =	vld.idx.msk [tilespmem:v3+s28+$0x0], $0xffff  }
0x694: {  	[tilespmem:s18+$0xFFFFFFD0] =	vst v6;
	v6 =	vld.idx.msk [tilespmem:v2+s28+$0x0], $0xffff  }
0x695: {  	[tilespmem:s18+$0xFFFFFFE0] =	vst v7;
	v4 =	vld.idx.msk [tilespmem:v8+s29+$0x0], $0xffff  }
0x696: {  	[tilespmem:s18+$0xFFFFFFF0] =	vst v10;
	v7 =	vld.idx.msk [tilespmem:v9+s29+$0x0], $0xffff  }
0x697: {  	[tilespmem:s18+$0x0] =	vst v60;
	v10 =	vld.idx.msk [tilespmem:v11+s29+$0x0], $0xffff  }
0x698: {  	[tilespmem:s18+$0x10] =	vst v61;
	v62 =	vld.idx.msk [tilespmem:v12+s29+$0x0], $0xffff  }
0x699: {  	v63 =	vld.idx.msk [tilespmem:v13+s29+$0x0], $0xffff;
	[tilespmem:s18+$0xFFFFFFC0] =	vst v5  }
0x69a: {  	s5 =	simm.s32 $0x9040;
	[tilespmem:s18+$0x20] =	vst v6;
	v6 =	vld.idx.msk [tilespmem:v1+s29+$0x0], $0xffff  }
0x69b: {  	[tilespmem:s5+$0x30] =	vst v4;
	v17 =	vld.idx.msk [tilespmem:v3+s29+$0x0], $0xffff  }
0x69c: {  	[tilespmem:s5+$0xFFFFFFD0] =	vst v7;
	v16 =	vld.idx.msk [tilespmem:v8+s30+$0x0], $0xffff  }
0x69d: {  	[tilespmem:s5+$0xFFFFFFE0] =	vst v10;
	v7 =	vld.idx.msk [tilespmem:v2+s29+$0x0], $0xffff  }
0x69e: {  	[tilespmem:s5+$0xFFFFFFF0] =	vst v62;
	v4 =	vld.idx.msk [tilespmem:v9+s30+$0x0], $0xffff  }
0x69f: {  	[tilespmem:s5+$0x0] =	vst v63;
	v5 =	vld.idx.msk [tilespmem:v11+s30+$0x0], $0xffff  }
0x6a0: {  	s19 =	simm.s32 $0xB040;
	v8 =	vld.idx.msk [tilespmem:v12+s30+$0x0], $0xffff;
	[tilespmem:s5+$0xFFFFFFC0] =	vst v17  }
0x6a1: {  	s6 =	simm.s32 $0x0;
	s20 =	simm.s32 $0x10C0;
	v9 =	vld.idx.msk [tilespmem:v13+s30+$0x0], $0xffff;
	[tilespmem:s19+$0x30] =	vst v16  }
.LBB2_28:
0x6a2: {  	v10 =	vld [tilespmem:s20+$0x30];
	s6 =	sadd.s32 $0x80, s6;
	[tilespmem:s5+$0x10] =	vst v6  }
0x6a3: {  	v6 =	vld [tilespmem:s20+$0xFFFFFFD0];
	p0 =	slt.u32 s6, $0x1F80;
	[tilespmem:s5+$0x20] =	vst v7  }
0x6a4: {  	v7 =	vld [tilespmem:s20+$0xFFFFFFE0];
	[tilespmem:s19+$0xFFFFFFD0] =	vst v4  }
0x6a5: {  	v4 =	vld [tilespmem:s20+$0xFFFFFFF0];
	[tilespmem:s19+$0xFFFFFFE0] =	vst v5  }
0x6a6: {  	v5 =	vld [tilespmem:s20+$0x0];
	[tilespmem:s19+$0xFFFFFFF0] =	vst v8  }
0x6a7: {  	v8 =	vld [tilespmem:s20+$0x10];
	vm0 =	vlt.s32 v10, $0x0;
	[tilespmem:s19+$0x0] =	vst v9  }
0x6a8: {  	vm1 =	vlt.s32 v6, $0x0;
	v9 =	vld [tilespmem:s20+$0x20];
	v10 =	vsel vm0, $0x3E8, v10  }
0x6a9: {  	v11 =	vld [tilespmem:s20+$0xFFFFFFC0];
	v12 =	vsel vm1, $0x3E8, v6;
	vm0 =	vlt.s32 v7, $0x0  }
0x6aa: {  	v13 =	vsel vm0, $0x3E8, v7;
	vm0 =	vlt.s32 v4, $0x0;
	v6 =	vld.idx.msk [tilespmem:v3+s30+$0x0], $0xffff  }
0x6ab: {  	v14 =	vsel vm0, $0x3E8, v4;
	vm0 =	vlt.s32 v5, $0x0;
	v4 =	vld.idx.msk [tilespmem:v1+s30+$0x0], $0xffff  }
0x6ac: {  	v15 =	vsel vm0, $0x3E8, v5;
	vm0 =	vlt.s32 v8, $0x0;
	v5 =	vld.idx.msk [tilespmem:v2+s30+$0x0], $0xffff  }
0x6ad: {  	v1 =	vsel vm0, $0x3E8, v8;
	vm0 =	vlt.s32 v9, $0x0;
	v7 =	vld.idx.msk [tilespmem:v10+s1+$0x0], $0xffff  }
0x6ae: {  	vm1 =	vlt.s32 v11, $0x0;
	v8 =	vld.idx.msk [tilespmem:v12+s1+$0x0], $0xffff;
	v2 =	vsel vm0, $0x3E8, v9  }
0x6af: {  	v3 =	vsel vm1, $0x3E8, v11;
	v9 =	vld.idx.msk [tilespmem:v13+s1+$0x0], $0xffff  }
0x6b0: {  	v11 =	vld.idx.msk [tilespmem:v14+s1+$0x0], $0xffff;
	[tilespmem:s19+$0xFFFFFFC0] =	vst v6  }
0x6b1: {  	v6 =	vld.idx.msk [tilespmem:v15+s1+$0x0], $0xffff;
	[tilespmem:s19+$0x10] =	vst v4  }
0x6b2: {  	s17 =	sadd.s32 $0x80, s17;
	v4 =	vld.idx.msk [tilespmem:v1+s1+$0x0], $0xffff;
	[tilespmem:s19+$0x20] =	vst v5  }
0x6b3: {  	v5 =	vld.idx.msk [tilespmem:v2+s1+$0x0], $0xffff;
	[tilespmem:s17+$0x30] =	vst v7  }
0x6b4: {  	[tilespmem:s17+$0xFFFFFFD0] =	vst v8;
	v7 =	vld.idx.msk [tilespmem:v10+s28+$0x0], $0xffff  }
0x6b5: {  	v8 =	vld.idx.msk [tilespmem:v3+s1+$0x0], $0xffff;
	[tilespmem:s17+$0xFFFFFFE0] =	vst v9  }
0x6b6: {  	v9 =	vld.idx.msk [tilespmem:v12+s28+$0x0], $0xffff;
	[tilespmem:s17+$0xFFFFFFF0] =	vst v11  }
0x6b7: {  	v11 =	vld.idx.msk [tilespmem:v13+s28+$0x0], $0xffff;
	[tilespmem:s17+$0x0] =	vst v6  }
0x6b8: {  	v6 =	vld.idx.msk [tilespmem:v14+s28+$0x0], $0xffff;
	[tilespmem:s17+$0x10] =	vst v4  }
0x6b9: {  	s18 =	sadd.s32 $0x80, s18;
	v4 =	vld.idx.msk [tilespmem:v15+s28+$0x0], $0xffff;
	[tilespmem:s17+$0x20] =	vst v5  }
0x6ba: {  	v5 =	vld.idx.msk [tilespmem:v1+s28+$0x0], $0xffff;
	[tilespmem:s18+$0x30] =	vst v7  }
0x6bb: {  	[tilespmem:s17+$0xFFFFFFC0] =	vst v8;
	v7 =	vld.idx.msk [tilespmem:v10+s29+$0x0], $0xffff  }
0x6bc: {  	v8 =	vld.idx.msk [tilespmem:v3+s28+$0x0], $0xffff;
	[tilespmem:s18+$0xFFFFFFD0] =	vst v9  }
0x6bd: {  	[tilespmem:s18+$0xFFFFFFE0] =	vst v11;
	v9 =	vld.idx.msk [tilespmem:v2+s28+$0x0], $0xffff  }
0x6be: {  	v11 =	vld.idx.msk [tilespmem:v12+s29+$0x0], $0xffff;
	[tilespmem:s18+$0xFFFFFFF0] =	vst v6  }
0x6bf: {  	v16 =	vld.idx.msk [tilespmem:v13+s29+$0x0], $0xffff;
	[tilespmem:s18+$0x0] =	vst v4  }
0x6c0: {  	s5 =	sadd.s32 $0x80, s5;
	v17 =	vld.idx.msk [tilespmem:v14+s29+$0x0], $0xffff;
	[tilespmem:s18+$0x10] =	vst v5  }
0x6c1: {  	v18 =	vld.idx.msk [tilespmem:v15+s29+$0x0], $0xffff;
	[tilespmem:s5+$0x30] =	vst v7  }
0x6c2: {  	[tilespmem:s18+$0xFFFFFFC0] =	vst v8;
	v10 =	vld.idx.msk [tilespmem:v10+s30+$0x0], $0xffff  }
0x6c3: {  	v19 =	vld.idx.msk [tilespmem:v3+s29+$0x0], $0xffff;
	[tilespmem:s18+$0x20] =	vst v9  }
0x6c4: {  	[tilespmem:s5+$0xFFFFFFD0] =	vst v11;
	v6 =	vld.idx.msk [tilespmem:v1+s29+$0x0], $0xffff  }
.Ltmp13:
0x6c5: {  	[tilespmem:s5+$0xFFFFFFE0] =	vst v16;
	v7 =	vld.idx.msk [tilespmem:v2+s29+$0x0], $0xffff;
	(pc) =	sbr.rel @p0 .LBB2_28-.Ltmp13, $4  }
0x6c6: {  	v4 =	vld.idx.msk [tilespmem:v12+s30+$0x0], $0xffff;
	[tilespmem:s5+$0xFFFFFFF0] =	vst v17  }
0x6c7: {  	s19 =	sadd.s32 $0x80, s19;
	v5 =	vld.idx.msk [tilespmem:v13+s30+$0x0], $0xffff;
	[tilespmem:s5+$0x0] =	vst v18  }
0x6c8: {  	v8 =	vld.idx.msk [tilespmem:v14+s30+$0x0], $0xffff;
	[tilespmem:s19+$0x30] =	vst v10  }
0x6c9: {  	s20 =	sadd.s32 $0x80, s20;
	[tilespmem:s5+$0xFFFFFFC0] =	vst v19;
	v9 =	vld.idx.msk [tilespmem:v15+s30+$0x0], $0xffff  }
0x6ca: {  	_ =	sdelay $0x2  }
0x6cb: {  	[tilespmem:s5+$0x10] =	vst v6  }
0x6cc: {  	[tilespmem:s5+$0x20] =	vst v7;
	v3 =	vld.idx.msk [tilespmem:v3+s30+$0x0], $0xffff  }
0x6cd: {  	[tilespmem:s19+$0xFFFFFFD0] =	vst v4;
	v1 =	vld.idx.msk [tilespmem:v1+s30+$0x0], $0xffff  }
0x6ce: {  	v2 =	vld.idx.msk [tilespmem:v2+s30+$0x0], $0xffff;
	[tilespmem:s19+$0xFFFFFFE0] =	vst v5  }
0x6cf: {  	[tilespmem:s19+$0xFFFFFFF0] =	vst v8  }
0x6d0: {  	[tilespmem:s19+$0x0] =	vst v9  }
0x6d1: {  	[tilespmem:s19+$0xFFFFFFC0] =	vst v3  }
0x6d2: {  	[tilespmem:s19+$0x10] =	vst v1  }
0x6d3: {  	[tilespmem:s19+$0x20] =	vst v2  }
0x6d4: {  	s5 =	sld [smem:$0x7E5];
	_ =	sdelay $0x1  }
0x6d5: {  	s6 =	sld [smem:$0x7E6]  }
0x6d6: {  	[hbm4b:s5+s1] =	stream.linear.scatter [tilespmem:s31], [sflag:$0x3], $0x2000, $0x38;
	[tilespmem:$0x1D000] =	vst v63  }
0x6d7: {  	s17 =	sld [smem:$0x7E7]  }
0x6d8: {  	[hbm4b:s6+s1] =	stream.linear.scatter [tilespmem:s0], [sflag:$0x3], $0x2000, $0x38;
	[tilespmem:$0x1D000] =	vst v63  }
0x6d9: {  	s18 =	sld [smem:$0x7E8]  }
0x6da: {  	[hbm4b:s17+s1] =	stream.linear.scatter [tilespmem:s2], [sflag:$0x3], $0x2000, $0x38;
	[tilespmem:$0x1D000] =	vst v63  }
0x6db: {  	s19 =	sld [smem:$0x7F3]  }
0x6dc: {  	[hbm4b:s18+s1] =	stream.linear.scatter [tilespmem:s3], [sflag:$0x3], $0x2000, $0x38;
	[tilespmem:$0x1D000] =	vst v63  }
0x6dd: {  	_ = 	snop  }
0x6de: {  	[tilespmem:s24], [sflag:$0x1] =	stream.linear.gather [hbm4b:s19+s1], $0x2000, $0x38;
	[tilespmem:$0x1D000] =	vst v63  }
0x6df: {  	_ =	swait.ge [sflag:s14], $0x2000  }
0x6e0: {  	[sflag:s14] =	ssyncset.done $0x0  }
0x6e1: {  	[sflag:s14] =	ssyncadd.s32 $0xFFFFE000  }
0x6e2: {  	_ =	swait.ge [sflag:s14], $0x2000  }
0x6e3: {  	[sflag:s14] =	ssyncset.done $0x0  }
0x6e4: {  	[sflag:s14] =	ssyncadd.s32 $0xFFFFE000  }
0x6e5: {  	_ =	swait.ge [sflag:s14], $0x2000  }
0x6e6: {  	[sflag:s14] =	ssyncset.done $0x0  }
0x6e7: {  	[sflag:s14] =	ssyncadd.s32 $0xFFFFE000  }
0x6e8: {  	_ =	swait.ge [sflag:s14], $0x2000  }
0x6e9: {  	[sflag:s14] =	ssyncset.done $0x0  }
0x6ea: {  	[sflag:s14] =	ssyncadd.s32 $0xFFFFE000  }
0x6eb: {  	_ =	swait.ge [sflag:s4], $0x2000  }
0x6ec: {  	[sflag:s4] =	ssyncset.done $0x0  }
0x6ed: {  	s20 =	simm.s32 $0x3040;
	[sflag:s4] =	ssyncadd.s32 $0xFFFFE000  }
0x6ee: {  	v1 =	vld [tilespmem:s20+$0x30]  }
0x6ef: {  	v2 =	vld [tilespmem:s20+$0xFFFFFFD0]  }
0x6f0: {  	v3 =	vld [tilespmem:s20+$0xFFFFFFE0]  }
0x6f1: {  	v4 =	vld [tilespmem:s20+$0xFFFFFFF0]  }
0x6f2: {  	v5 =	vld [tilespmem:s20+$0x0]  }
0x6f3: {  	v6 =	vld [tilespmem:s20+$0x10];
	vm0 =	vlt.s32 v1, $0x0  }
0x6f4: {  	v7 =	vld [tilespmem:s20+$0x20];
	vm1 =	vlt.s32 v2, $0x0;
	v8 =	vsel vm0, $0x3E8, v1  }
0x6f5: {  	v10 =	vld [tilespmem:s20+$0xFFFFFFC0];
	vm10 =	vlt.s32 v3, $0x0;
	v9 =	vsel vm1, $0x3E8, v2  }
0x6f6: {  	vm11 =	vlt.s32 v4, $0x0;
	v11 =	vsel vm10, $0x3E8, v3  }
0x6f7: {  	vm12 =	vlt.s32 v5, $0x0;
	v12 =	vsel vm11, $0x3E8, v4  }
0x6f8: {  	vm13 =	vlt.s32 v6, $0x0;
	v13 =	vsel vm12, $0x3E8, v5  }
0x6f9: {  	vm14 =	vlt.s32 v7, $0x0;
	v1 =	vsel vm13, $0x3E8, v6;
	v4 =	vld.idx.msk [tilespmem:v8+s1+$0x0], $0xffff  }
0x6fa: {  	vm15 =	vlt.s32 v10, $0x0;
	v2 =	vsel vm14, $0x3E8, v7;
	v5 =	vld.idx.msk [tilespmem:v9+s1+$0x0], $0xffff  }
0x6fb: {  	v3 =	vsel vm15, $0x3E8, v10;
	v6 =	vld.idx.msk [tilespmem:v11+s1+$0x0], $0xffff  }
0x6fc: {  	v7 =	vld.idx.msk [tilespmem:v12+s1+$0x0], $0xffff  }
0x6fd: {  	v10 =	vld.idx.msk [tilespmem:v13+s1+$0x0], $0xffff  }
0x6fe: {  	s17 =	simm.s32 $0xD040;
	v14 =	vld.idx.msk [tilespmem:v1+s1+$0x0], $0xffff  }
0x6ff: {  	v15 =	vld.idx.msk [tilespmem:v2+s1+$0x0], $0xffff;
	[tilespmem:s17+$0x30] =	vst v4  }
0x700: {  	[tilespmem:s17+$0xFFFFFFD0] =	vst v5;
	v5 =	vld.idx.msk [tilespmem:v3+s1+$0x0], $0xffff  }
0x701: {  	[tilespmem:s17+$0xFFFFFFE0] =	vst v6;
	v4 =	vld.idx.msk [tilespmem:v8+s28+$0x0], $0xffff  }
0x702: {  	[tilespmem:s17+$0xFFFFFFF0] =	vst v7;
	v6 =	vld.idx.msk [tilespmem:v9+s28+$0x0], $0xffff  }
0x703: {  	[tilespmem:s17+$0x0] =	vst v10;
	v7 =	vld.idx.msk [tilespmem:v11+s28+$0x0], $0xffff  }
0x704: {  	[tilespmem:s17+$0x10] =	vst v14;
	v10 =	vld.idx.msk [tilespmem:v12+s28+$0x0], $0xffff  }
0x705: {  	[tilespmem:s17+$0x20] =	vst v15;
	v60 =	vld.idx.msk [tilespmem:v13+s28+$0x0], $0xffff  }
0x706: {  	s18 =	simm.s32 $0xF040;
	v61 =	vld.idx.msk [tilespmem:v1+s28+$0x0], $0xffff;
	[tilespmem:s17+$0xFFFFFFC0] =	vst v5  }
0x707: {  	[tilespmem:s18+$0x30] =	vst v4;
	v5 =	vld.idx.msk [tilespmem:v3+s28+$0x0], $0xffff  }
0x708: {  	[tilespmem:s18+$0xFFFFFFD0] =	vst v6;
	v6 =	vld.idx.msk [tilespmem:v2+s28+$0x0], $0xffff  }
0x709: {  	[tilespmem:s18+$0xFFFFFFE0] =	vst v7;
	v4 =	vld.idx.msk [tilespmem:v8+s29+$0x0], $0xffff  }
0x70a: {  	[tilespmem:s18+$0xFFFFFFF0] =	vst v10;
	v7 =	vld.idx.msk [tilespmem:v9+s29+$0x0], $0xffff  }
0x70b: {  	[tilespmem:s18+$0x0] =	vst v60;
	v10 =	vld.idx.msk [tilespmem:v11+s29+$0x0], $0xffff  }
0x70c: {  	[tilespmem:s18+$0x10] =	vst v61;
	v62 =	vld.idx.msk [tilespmem:v12+s29+$0x0], $0xffff  }
0x70d: {  	v63 =	vld.idx.msk [tilespmem:v13+s29+$0x0], $0xffff;
	[tilespmem:s18+$0xFFFFFFC0] =	vst v5  }
0x70e: {  	s5 =	simm.s32 $0x11040;
	[tilespmem:s18+$0x20] =	vst v6;
	v6 =	vld.idx.msk [tilespmem:v1+s29+$0x0], $0xffff  }
0x70f: {  	[tilespmem:s5+$0x30] =	vst v4;
	v17 =	vld.idx.msk [tilespmem:v3+s29+$0x0], $0xffff  }
0x710: {  	[tilespmem:s5+$0xFFFFFFD0] =	vst v7;
	v16 =	vld.idx.msk [tilespmem:v8+s30+$0x0], $0xffff  }
0x711: {  	[tilespmem:s5+$0xFFFFFFE0] =	vst v10;
	v7 =	vld.idx.msk [tilespmem:v2+s29+$0x0], $0xffff  }
0x712: {  	[tilespmem:s5+$0xFFFFFFF0] =	vst v62;
	v4 =	vld.idx.msk [tilespmem:v9+s30+$0x0], $0xffff  }
0x713: {  	[tilespmem:s5+$0x0] =	vst v63;
	v5 =	vld.idx.msk [tilespmem:v11+s30+$0x0], $0xffff  }
0x714: {  	s19 =	simm.s32 $0x13040;
	v8 =	vld.idx.msk [tilespmem:v12+s30+$0x0], $0xffff;
	[tilespmem:s5+$0xFFFFFFC0] =	vst v17  }
0x715: {  	s6 =	simm.s32 $0x0;
	s20 =	simm.s32 $0x30C0;
	v9 =	vld.idx.msk [tilespmem:v13+s30+$0x0], $0xffff;
	[tilespmem:s19+$0x30] =	vst v16  }
.LBB2_30:
0x716: {  	v10 =	vld [tilespmem:s20+$0x30];
	s6 =	sadd.s32 $0x80, s6;
	[tilespmem:s5+$0x10] =	vst v6  }
0x717: {  	v6 =	vld [tilespmem:s20+$0xFFFFFFD0];
	p0 =	slt.u32 s6, $0x1F80;
	[tilespmem:s5+$0x20] =	vst v7  }
0x718: {  	v7 =	vld [tilespmem:s20+$0xFFFFFFE0];
	[tilespmem:s19+$0xFFFFFFD0] =	vst v4  }
0x719: {  	v4 =	vld [tilespmem:s20+$0xFFFFFFF0];
	[tilespmem:s19+$0xFFFFFFE0] =	vst v5  }
0x71a: {  	v5 =	vld [tilespmem:s20+$0x0];
	[tilespmem:s19+$0xFFFFFFF0] =	vst v8  }
0x71b: {  	v8 =	vld [tilespmem:s20+$0x10];
	vm0 =	vlt.s32 v10, $0x0;
	[tilespmem:s19+$0x0] =	vst v9  }
0x71c: {  	vm1 =	vlt.s32 v6, $0x0;
	v9 =	vld [tilespmem:s20+$0x20];
	v10 =	vsel vm0, $0x3E8, v10  }
0x71d: {  	v11 =	vld [tilespmem:s20+$0xFFFFFFC0];
	v12 =	vsel vm1, $0x3E8, v6;
	vm0 =	vlt.s32 v7, $0x0  }
0x71e: {  	v13 =	vsel vm0, $0x3E8, v7;
	vm0 =	vlt.s32 v4, $0x0;
	v6 =	vld.idx.msk [tilespmem:v3+s30+$0x0], $0xffff  }
0x71f: {  	v14 =	vsel vm0, $0x3E8, v4;
	vm0 =	vlt.s32 v5, $0x0;
	v4 =	vld.idx.msk [tilespmem:v1+s30+$0x0], $0xffff  }
0x720: {  	v15 =	vsel vm0, $0x3E8, v5;
	vm0 =	vlt.s32 v8, $0x0;
	v5 =	vld.idx.msk [tilespmem:v2+s30+$0x0], $0xffff  }
0x721: {  	v1 =	vsel vm0, $0x3E8, v8;
	vm0 =	vlt.s32 v9, $0x0;
	v7 =	vld.idx.msk [tilespmem:v10+s1+$0x0], $0xffff  }
0x722: {  	vm1 =	vlt.s32 v11, $0x0;
	v8 =	vld.idx.msk [tilespmem:v12+s1+$0x0], $0xffff;
	v2 =	vsel vm0, $0x3E8, v9  }
0x723: {  	v3 =	vsel vm1, $0x3E8, v11;
	v9 =	vld.idx.msk [tilespmem:v13+s1+$0x0], $0xffff  }
0x724: {  	v11 =	vld.idx.msk [tilespmem:v14+s1+$0x0], $0xffff;
	[tilespmem:s19+$0xFFFFFFC0] =	vst v6  }
0x725: {  	v6 =	vld.idx.msk [tilespmem:v15+s1+$0x0], $0xffff;
	[tilespmem:s19+$0x10] =	vst v4  }
0x726: {  	s17 =	sadd.s32 $0x80, s17;
	v4 =	vld.idx.msk [tilespmem:v1+s1+$0x0], $0xffff;
	[tilespmem:s19+$0x20] =	vst v5  }
0x727: {  	v5 =	vld.idx.msk [tilespmem:v2+s1+$0x0], $0xffff;
	[tilespmem:s17+$0x30] =	vst v7  }
0x728: {  	[tilespmem:s17+$0xFFFFFFD0] =	vst v8;
	v7 =	vld.idx.msk [tilespmem:v10+s28+$0x0], $0xffff  }
0x729: {  	v8 =	vld.idx.msk [tilespmem:v3+s1+$0x0], $0xffff;
	[tilespmem:s17+$0xFFFFFFE0] =	vst v9  }
0x72a: {  	v9 =	vld.idx.msk [tilespmem:v12+s28+$0x0], $0xffff;
	[tilespmem:s17+$0xFFFFFFF0] =	vst v11  }
0x72b: {  	v11 =	vld.idx.msk [tilespmem:v13+s28+$0x0], $0xffff;
	[tilespmem:s17+$0x0] =	vst v6  }
0x72c: {  	v6 =	vld.idx.msk [tilespmem:v14+s28+$0x0], $0xffff;
	[tilespmem:s17+$0x10] =	vst v4  }
0x72d: {  	s18 =	sadd.s32 $0x80, s18;
	v4 =	vld.idx.msk [tilespmem:v15+s28+$0x0], $0xffff;
	[tilespmem:s17+$0x20] =	vst v5  }
0x72e: {  	v5 =	vld.idx.msk [tilespmem:v1+s28+$0x0], $0xffff;
	[tilespmem:s18+$0x30] =	vst v7  }
0x72f: {  	[tilespmem:s17+$0xFFFFFFC0] =	vst v8;
	v7 =	vld.idx.msk [tilespmem:v10+s29+$0x0], $0xffff  }
0x730: {  	v8 =	vld.idx.msk [tilespmem:v3+s28+$0x0], $0xffff;
	[tilespmem:s18+$0xFFFFFFD0] =	vst v9  }
0x731: {  	[tilespmem:s18+$0xFFFFFFE0] =	vst v11;
	v9 =	vld.idx.msk [tilespmem:v2+s28+$0x0], $0xffff  }
0x732: {  	v11 =	vld.idx.msk [tilespmem:v12+s29+$0x0], $0xffff;
	[tilespmem:s18+$0xFFFFFFF0] =	vst v6  }
0x733: {  	v16 =	vld.idx.msk [tilespmem:v13+s29+$0x0], $0xffff;
	[tilespmem:s18+$0x0] =	vst v4  }
0x734: {  	s5 =	sadd.s32 $0x80, s5;
	v17 =	vld.idx.msk [tilespmem:v14+s29+$0x0], $0xffff;
	[tilespmem:s18+$0x10] =	vst v5  }
0x735: {  	v18 =	vld.idx.msk [tilespmem:v15+s29+$0x0], $0xffff;
	[tilespmem:s5+$0x30] =	vst v7  }
0x736: {  	[tilespmem:s18+$0xFFFFFFC0] =	vst v8;
	v10 =	vld.idx.msk [tilespmem:v10+s30+$0x0], $0xffff  }
0x737: {  	v19 =	vld.idx.msk [tilespmem:v3+s29+$0x0], $0xffff;
	[tilespmem:s18+$0x20] =	vst v9  }
0x738: {  	[tilespmem:s5+$0xFFFFFFD0] =	vst v11;
	v6 =	vld.idx.msk [tilespmem:v1+s29+$0x0], $0xffff  }
.Ltmp14:
0x739: {  	[tilespmem:s5+$0xFFFFFFE0] =	vst v16;
	v7 =	vld.idx.msk [tilespmem:v2+s29+$0x0], $0xffff;
	(pc) =	sbr.rel @p0 .LBB2_30-.Ltmp14, $4  }
0x73a: {  	v4 =	vld.idx.msk [tilespmem:v12+s30+$0x0], $0xffff;
	[tilespmem:s5+$0xFFFFFFF0] =	vst v17  }
0x73b: {  	s19 =	sadd.s32 $0x80, s19;
	v5 =	vld.idx.msk [tilespmem:v13+s30+$0x0], $0xffff;
	[tilespmem:s5+$0x0] =	vst v18  }
0x73c: {  	v8 =	vld.idx.msk [tilespmem:v14+s30+$0x0], $0xffff;
	[tilespmem:s19+$0x30] =	vst v10  }
0x73d: {  	s20 =	sadd.s32 $0x80, s20;
	[tilespmem:s5+$0xFFFFFFC0] =	vst v19;
	v9 =	vld.idx.msk [tilespmem:v15+s30+$0x0], $0xffff  }
0x73e: {  	_ =	sdelay $0x2  }
0x73f: {  	[tilespmem:s5+$0x10] =	vst v6  }
0x740: {  	[tilespmem:s5+$0x20] =	vst v7;
	v3 =	vld.idx.msk [tilespmem:v3+s30+$0x0], $0xffff  }
0x741: {  	[tilespmem:s19+$0xFFFFFFD0] =	vst v4;
	v1 =	vld.idx.msk [tilespmem:v1+s30+$0x0], $0xffff  }
0x742: {  	v2 =	vld.idx.msk [tilespmem:v2+s30+$0x0], $0xffff;
	[tilespmem:s19+$0xFFFFFFE0] =	vst v5  }
0x743: {  	[tilespmem:s19+$0xFFFFFFF0] =	vst v8  }
0x744: {  	[tilespmem:s19+$0x0] =	vst v9  }
0x745: {  	[tilespmem:s19+$0xFFFFFFC0] =	vst v3  }
0x746: {  	[tilespmem:s19+$0x10] =	vst v1  }
0x747: {  	[tilespmem:s19+$0x20] =	vst v2  }
0x748: {  	s5 =	sld [smem:$0x7EA];
	_ =	sdelay $0x2  }
0x749: {  	[hbm4b:s5+s1] =	stream.linear.scatter [tilespmem:s7], [sflag:$0x4], $0x2000, $0x38;
	[tilespmem:$0x1D000] =	vst v63  }
0x74a: {  	s7 =	sld [smem:$0x7EB];
	_ =	sdelay $0x1  }
0x74b: {  	s17 =	sld [smem:$0x7EC]  }
0x74c: {  	[hbm4b:s7+s1] =	stream.linear.scatter [tilespmem:s8], [sflag:$0x4], $0x2000, $0x38;
	[tilespmem:$0x1D000] =	vst v63  }
0x74d: {  	s18 =	sld [smem:$0x7ED]  }
0x74e: {  	[hbm4b:s17+s1] =	stream.linear.scatter [tilespmem:s9], [sflag:$0x4], $0x2000, $0x38;
	[tilespmem:$0x1D000] =	vst v63  }
0x74f: {  	s19 =	sld [smem:$0x7F4]  }
0x750: {  	[hbm4b:s18+s1] =	stream.linear.scatter [tilespmem:s10], [sflag:$0x4], $0x2000, $0x38;
	[tilespmem:$0x1D000] =	vst v63  }
0x751: {  	_ = 	snop  }
0x752: {  	[tilespmem:s25], [sflag:$0x2] =	stream.linear.gather [hbm4b:s19+s1], $0x2000, $0x38;
	[tilespmem:$0x1D000] =	vst v63  }
0x753: {  	_ =	swait.ge [sflag:s15], $0x2000  }
0x754: {  	[sflag:s15] =	ssyncset.done $0x0  }
0x755: {  	[sflag:s15] =	ssyncadd.s32 $0xFFFFE000  }
0x756: {  	_ =	swait.ge [sflag:s15], $0x2000  }
0x757: {  	[sflag:s15] =	ssyncset.done $0x0  }
0x758: {  	[sflag:s15] =	ssyncadd.s32 $0xFFFFE000  }
0x759: {  	_ =	swait.ge [sflag:s15], $0x2000  }
0x75a: {  	[sflag:s15] =	ssyncset.done $0x0  }
0x75b: {  	[sflag:s15] =	ssyncadd.s32 $0xFFFFE000  }
0x75c: {  	_ =	swait.ge [sflag:s15], $0x2000  }
0x75d: {  	[sflag:s15] =	ssyncset.done $0x0  }
0x75e: {  	[sflag:s15] =	ssyncadd.s32 $0xFFFFE000  }
0x75f: {  	_ =	swait.ge [sflag:s26], $0x2000  }
0x760: {  	[sflag:s26] =	ssyncset.done $0x0  }
0x761: {  	s20 =	simm.s32 $0x1040;
	[sflag:s26] =	ssyncadd.s32 $0xFFFFE000  }
0x762: {  	v1 =	vld [tilespmem:s20+$0x30]  }
0x763: {  	v2 =	vld [tilespmem:s20+$0xFFFFFFD0]  }
0x764: {  	v3 =	vld [tilespmem:s20+$0xFFFFFFE0]  }
0x765: {  	v4 =	vld [tilespmem:s20+$0xFFFFFFF0]  }
0x766: {  	v5 =	vld [tilespmem:s20+$0x0]  }
0x767: {  	v6 =	vld [tilespmem:s20+$0x10];
	vm0 =	vlt.s32 v1, $0x0  }
0x768: {  	v7 =	vld [tilespmem:s20+$0x20];
	vm1 =	vlt.s32 v2, $0x0;
	v8 =	vsel vm0, $0x3E8, v1  }
0x769: {  	v10 =	vld [tilespmem:s20+$0xFFFFFFC0];
	vm10 =	vlt.s32 v3, $0x0;
	v9 =	vsel vm1, $0x3E8, v2  }
0x76a: {  	vm11 =	vlt.s32 v4, $0x0;
	v11 =	vsel vm10, $0x3E8, v3  }
0x76b: {  	vm12 =	vlt.s32 v5, $0x0;
	v12 =	vsel vm11, $0x3E8, v4  }
0x76c: {  	vm13 =	vlt.s32 v6, $0x0;
	v13 =	vsel vm12, $0x3E8, v5  }
0x76d: {  	vm14 =	vlt.s32 v7, $0x0;
	v1 =	vsel vm13, $0x3E8, v6;
	v4 =	vld.idx.msk [tilespmem:v8+s1+$0x0], $0xffff  }
0x76e: {  	vm15 =	vlt.s32 v10, $0x0;
	v2 =	vsel vm14, $0x3E8, v7;
	v5 =	vld.idx.msk [tilespmem:v9+s1+$0x0], $0xffff  }
0x76f: {  	v3 =	vsel vm15, $0x3E8, v10;
	v6 =	vld.idx.msk [tilespmem:v11+s1+$0x0], $0xffff  }
0x770: {  	v7 =	vld.idx.msk [tilespmem:v12+s1+$0x0], $0xffff  }
0x771: {  	v10 =	vld.idx.msk [tilespmem:v13+s1+$0x0], $0xffff  }
0x772: {  	s17 =	simm.s32 $0x15040;
	v14 =	vld.idx.msk [tilespmem:v1+s1+$0x0], $0xffff  }
0x773: {  	v15 =	vld.idx.msk [tilespmem:v2+s1+$0x0], $0xffff;
	[tilespmem:s17+$0x30] =	vst v4  }
0x774: {  	[tilespmem:s17+$0xFFFFFFD0] =	vst v5;
	v5 =	vld.idx.msk [tilespmem:v3+s1+$0x0], $0xffff  }
0x775: {  	[tilespmem:s17+$0xFFFFFFE0] =	vst v6;
	v4 =	vld.idx.msk [tilespmem:v8+s28+$0x0], $0xffff  }
0x776: {  	[tilespmem:s17+$0xFFFFFFF0] =	vst v7;
	v6 =	vld.idx.msk [tilespmem:v9+s28+$0x0], $0xffff  }
0x777: {  	[tilespmem:s17+$0x0] =	vst v10;
	v7 =	vld.idx.msk [tilespmem:v11+s28+$0x0], $0xffff  }
0x778: {  	[tilespmem:s17+$0x10] =	vst v14;
	v10 =	vld.idx.msk [tilespmem:v12+s28+$0x0], $0xffff  }
0x779: {  	[tilespmem:s17+$0x20] =	vst v15;
	v60 =	vld.idx.msk [tilespmem:v13+s28+$0x0], $0xffff  }
0x77a: {  	s18 =	simm.s32 $0x17040;
	v61 =	vld.idx.msk [tilespmem:v1+s28+$0x0], $0xffff;
	[tilespmem:s17+$0xFFFFFFC0] =	vst v5  }
0x77b: {  	[tilespmem:s18+$0x30] =	vst v4;
	v5 =	vld.idx.msk [tilespmem:v3+s28+$0x0], $0xffff  }
0x77c: {  	[tilespmem:s18+$0xFFFFFFD0] =	vst v6;
	v6 =	vld.idx.msk [tilespmem:v2+s28+$0x0], $0xffff  }
0x77d: {  	[tilespmem:s18+$0xFFFFFFE0] =	vst v7;
	v4 =	vld.idx.msk [tilespmem:v8+s29+$0x0], $0xffff  }
0x77e: {  	[tilespmem:s18+$0xFFFFFFF0] =	vst v10;
	v7 =	vld.idx.msk [tilespmem:v9+s29+$0x0], $0xffff  }
0x77f: {  	[tilespmem:s18+$0x0] =	vst v60;
	v10 =	vld.idx.msk [tilespmem:v11+s29+$0x0], $0xffff  }
0x780: {  	[tilespmem:s18+$0x10] =	vst v61;
	v62 =	vld.idx.msk [tilespmem:v12+s29+$0x0], $0xffff  }
0x781: {  	v63 =	vld.idx.msk [tilespmem:v13+s29+$0x0], $0xffff;
	[tilespmem:s18+$0xFFFFFFC0] =	vst v5  }
0x782: {  	s5 =	simm.s32 $0x19040;
	[tilespmem:s18+$0x20] =	vst v6;
	v6 =	vld.idx.msk [tilespmem:v1+s29+$0x0], $0xffff  }
0x783: {  	[tilespmem:s5+$0x30] =	vst v4;
	v17 =	vld.idx.msk [tilespmem:v3+s29+$0x0], $0xffff  }
0x784: {  	[tilespmem:s5+$0xFFFFFFD0] =	vst v7;
	v16 =	vld.idx.msk [tilespmem:v8+s30+$0x0], $0xffff  }
0x785: {  	[tilespmem:s5+$0xFFFFFFE0] =	vst v10;
	v7 =	vld.idx.msk [tilespmem:v2+s29+$0x0], $0xffff  }
0x786: {  	[tilespmem:s5+$0xFFFFFFF0] =	vst v62;
	v4 =	vld.idx.msk [tilespmem:v9+s30+$0x0], $0xffff  }
0x787: {  	[tilespmem:s5+$0x0] =	vst v63;
	v5 =	vld.idx.msk [tilespmem:v11+s30+$0x0], $0xffff  }
0x788: {  	s19 =	simm.s32 $0x1B040;
	v8 =	vld.idx.msk [tilespmem:v12+s30+$0x0], $0xffff;
	[tilespmem:s5+$0xFFFFFFC0] =	vst v17  }
0x789: {  	s6 =	simm.s32 $0x0;
	s20 =	simm.s32 $0x10C0;
	v9 =	vld.idx.msk [tilespmem:v13+s30+$0x0], $0xffff;
	[tilespmem:s19+$0x30] =	vst v16  }
.LBB2_32:
0x78a: {  	v10 =	vld [tilespmem:s20+$0x30];
	s6 =	sadd.s32 $0x80, s6;
	[tilespmem:s5+$0x10] =	vst v6  }
0x78b: {  	v6 =	vld [tilespmem:s20+$0xFFFFFFD0];
	p0 =	slt.u32 s6, $0x1F80;
	[tilespmem:s5+$0x20] =	vst v7  }
0x78c: {  	v7 =	vld [tilespmem:s20+$0xFFFFFFE0];
	[tilespmem:s19+$0xFFFFFFD0] =	vst v4  }
0x78d: {  	v4 =	vld [tilespmem:s20+$0xFFFFFFF0];
	[tilespmem:s19+$0xFFFFFFE0] =	vst v5  }
0x78e: {  	v5 =	vld [tilespmem:s20+$0x0];
	[tilespmem:s19+$0xFFFFFFF0] =	vst v8  }
0x78f: {  	v8 =	vld [tilespmem:s20+$0x10];
	vm0 =	vlt.s32 v10, $0x0;
	[tilespmem:s19+$0x0] =	vst v9  }
0x790: {  	vm1 =	vlt.s32 v6, $0x0;
	v9 =	vld [tilespmem:s20+$0x20];
	v10 =	vsel vm0, $0x3E8, v10  }
0x791: {  	v11 =	vld [tilespmem:s20+$0xFFFFFFC0];
	v12 =	vsel vm1, $0x3E8, v6;
	vm0 =	vlt.s32 v7, $0x0  }
0x792: {  	v13 =	vsel vm0, $0x3E8, v7;
	vm0 =	vlt.s32 v4, $0x0;
	v6 =	vld.idx.msk [tilespmem:v3+s30+$0x0], $0xffff  }
0x793: {  	v14 =	vsel vm0, $0x3E8, v4;
	vm0 =	vlt.s32 v5, $0x0;
	v4 =	vld.idx.msk [tilespmem:v1+s30+$0x0], $0xffff  }
0x794: {  	v15 =	vsel vm0, $0x3E8, v5;
	vm0 =	vlt.s32 v8, $0x0;
	v5 =	vld.idx.msk [tilespmem:v2+s30+$0x0], $0xffff  }
0x795: {  	v1 =	vsel vm0, $0x3E8, v8;
	vm0 =	vlt.s32 v9, $0x0;
	v7 =	vld.idx.msk [tilespmem:v10+s1+$0x0], $0xffff  }
0x796: {  	vm1 =	vlt.s32 v11, $0x0;
	v8 =	vld.idx.msk [tilespmem:v12+s1+$0x0], $0xffff;
	v2 =	vsel vm0, $0x3E8, v9  }
0x797: {  	v3 =	vsel vm1, $0x3E8, v11;
	v9 =	vld.idx.msk [tilespmem:v13+s1+$0x0], $0xffff  }
0x798: {  	v11 =	vld.idx.msk [tilespmem:v14+s1+$0x0], $0xffff;
	[tilespmem:s19+$0xFFFFFFC0] =	vst v6  }
0x799: {  	v6 =	vld.idx.msk [tilespmem:v15+s1+$0x0], $0xffff;
	[tilespmem:s19+$0x10] =	vst v4  }
0x79a: {  	s17 =	sadd.s32 $0x80, s17;
	v4 =	vld.idx.msk [tilespmem:v1+s1+$0x0], $0xffff;
	[tilespmem:s19+$0x20] =	vst v5  }
0x79b: {  	v5 =	vld.idx.msk [tilespmem:v2+s1+$0x0], $0xffff;
	[tilespmem:s17+$0x30] =	vst v7  }
0x79c: {  	[tilespmem:s17+$0xFFFFFFD0] =	vst v8;
	v7 =	vld.idx.msk [tilespmem:v10+s28+$0x0], $0xffff  }
0x79d: {  	v8 =	vld.idx.msk [tilespmem:v3+s1+$0x0], $0xffff;
	[tilespmem:s17+$0xFFFFFFE0] =	vst v9  }
0x79e: {  	v9 =	vld.idx.msk [tilespmem:v12+s28+$0x0], $0xffff;
	[tilespmem:s17+$0xFFFFFFF0] =	vst v11  }
0x79f: {  	v11 =	vld.idx.msk [tilespmem:v13+s28+$0x0], $0xffff;
	[tilespmem:s17+$0x0] =	vst v6  }
0x7a0: {  	v6 =	vld.idx.msk [tilespmem:v14+s28+$0x0], $0xffff;
	[tilespmem:s17+$0x10] =	vst v4  }
0x7a1: {  	s18 =	sadd.s32 $0x80, s18;
	v4 =	vld.idx.msk [tilespmem:v15+s28+$0x0], $0xffff;
	[tilespmem:s17+$0x20] =	vst v5  }
0x7a2: {  	v5 =	vld.idx.msk [tilespmem:v1+s28+$0x0], $0xffff;
	[tilespmem:s18+$0x30] =	vst v7  }
0x7a3: {  	[tilespmem:s17+$0xFFFFFFC0] =	vst v8;
	v7 =	vld.idx.msk [tilespmem:v10+s29+$0x0], $0xffff  }
0x7a4: {  	v8 =	vld.idx.msk [tilespmem:v3+s28+$0x0], $0xffff;
	[tilespmem:s18+$0xFFFFFFD0] =	vst v9  }
0x7a5: {  	[tilespmem:s18+$0xFFFFFFE0] =	vst v11;
	v9 =	vld.idx.msk [tilespmem:v2+s28+$0x0], $0xffff  }
0x7a6: {  	v11 =	vld.idx.msk [tilespmem:v12+s29+$0x0], $0xffff;
	[tilespmem:s18+$0xFFFFFFF0] =	vst v6  }
0x7a7: {  	v16 =	vld.idx.msk [tilespmem:v13+s29+$0x0], $0xffff;
	[tilespmem:s18+$0x0] =	vst v4  }
0x7a8: {  	s5 =	sadd.s32 $0x80, s5;
	v17 =	vld.idx.msk [tilespmem:v14+s29+$0x0], $0xffff;
	[tilespmem:s18+$0x10] =	vst v5  }
0x7a9: {  	v18 =	vld.idx.msk [tilespmem:v15+s29+$0x0], $0xffff;
	[tilespmem:s5+$0x30] =	vst v7  }
0x7aa: {  	[tilespmem:s18+$0xFFFFFFC0] =	vst v8;
	v10 =	vld.idx.msk [tilespmem:v10+s30+$0x0], $0xffff  }
0x7ab: {  	v19 =	vld.idx.msk [tilespmem:v3+s29+$0x0], $0xffff;
	[tilespmem:s18+$0x20] =	vst v9  }
0x7ac: {  	[tilespmem:s5+$0xFFFFFFD0] =	vst v11;
	v6 =	vld.idx.msk [tilespmem:v1+s29+$0x0], $0xffff  }
.Ltmp15:
0x7ad: {  	[tilespmem:s5+$0xFFFFFFE0] =	vst v16;
	v7 =	vld.idx.msk [tilespmem:v2+s29+$0x0], $0xffff;
	(pc) =	sbr.rel @p0 .LBB2_32-.Ltmp15, $4  }
0x7ae: {  	v4 =	vld.idx.msk [tilespmem:v12+s30+$0x0], $0xffff;
	[tilespmem:s5+$0xFFFFFFF0] =	vst v17  }
0x7af: {  	s19 =	sadd.s32 $0x80, s19;
	v5 =	vld.idx.msk [tilespmem:v13+s30+$0x0], $0xffff;
	[tilespmem:s5+$0x0] =	vst v18  }
0x7b0: {  	v8 =	vld.idx.msk [tilespmem:v14+s30+$0x0], $0xffff;
	[tilespmem:s19+$0x30] =	vst v10  }
0x7b1: {  	s20 =	sadd.s32 $0x80, s20;
	[tilespmem:s5+$0xFFFFFFC0] =	vst v19;
	v9 =	vld.idx.msk [tilespmem:v15+s30+$0x0], $0xffff  }
0x7b2: {  	_ =	sdelay $0x2  }
0x7b3: {  	[tilespmem:s5+$0x10] =	vst v6  }
0x7b4: {  	[tilespmem:s5+$0x20] =	vst v7;
	v3 =	vld.idx.msk [tilespmem:v3+s30+$0x0], $0xffff  }
0x7b5: {  	[tilespmem:s19+$0xFFFFFFD0] =	vst v4;
	v1 =	vld.idx.msk [tilespmem:v1+s30+$0x0], $0xffff  }
0x7b6: {  	v2 =	vld.idx.msk [tilespmem:v2+s30+$0x0], $0xffff;
	[tilespmem:s19+$0xFFFFFFE0] =	vst v5  }
0x7b7: {  	[tilespmem:s19+$0xFFFFFFF0] =	vst v8  }
0x7b8: {  	[tilespmem:s19+$0x0] =	vst v9  }
0x7b9: {  	[tilespmem:s19+$0xFFFFFFC0] =	vst v3  }
0x7ba: {  	[tilespmem:s19+$0x10] =	vst v1  }
0x7bb: {  	[tilespmem:s19+$0x20] =	vst v2  }
0x7bc: {  	s5 =	sld [smem:$0x7F5];
	_ =	sdelay $0x1  }
0x7bd: {  	s19 =	sld [smem:$0x7F6]  }
0x7be: {  	[hbm4b:s5+s1] =	stream.linear.scatter [tilespmem:s11], [sflag:$0x5], $0x2000, $0x38;
	[tilespmem:$0x1D000] =	vst v63  }
0x7bf: {  	s20 =	sld [smem:$0x7F7]  }
0x7c0: {  	[hbm4b:s19+s1] =	stream.linear.scatter [tilespmem:s21], [sflag:$0x5], $0x2000, $0x38;
	[tilespmem:$0x1D000] =	vst v63  }
0x7c1: {  	s21 =	sld [smem:$0x7F8]  }
0x7c2: {  	[hbm4b:s20+s1] =	stream.linear.scatter [tilespmem:s22], [sflag:$0x5], $0x2000, $0x38;
	[tilespmem:$0x1D000] =	vst v63  }
0x7c3: {  	_ = 	snop  }
0x7c4: {  	[hbm4b:s21+s1] =	stream.linear.scatter [tilespmem:s12], [sflag:$0x5], $0x2000, $0x38;
	[tilespmem:$0x1D000] =	vst v63  }
0x7c5: {  	_ =	swait.ge [sflag:s13], $0x2000  }
0x7c6: {  	[sflag:s13] =	ssyncset.done $0x0  }
0x7c7: {  	[sflag:s13] =	ssyncadd.s32 $0xFFFFE000  }
0x7c8: {  	_ =	swait.ge [sflag:s13], $0x2000  }
0x7c9: {  	[sflag:s13] =	ssyncset.done $0x0  }
0x7ca: {  	[sflag:s13] =	ssyncadd.s32 $0xFFFFE000  }
0x7cb: {  	_ =	swait.ge [sflag:s13], $0x2000  }
0x7cc: {  	[sflag:s13] =	ssyncset.done $0x0  }
0x7cd: {  	[sflag:s13] =	ssyncadd.s32 $0xFFFFE000  }
0x7ce: {  	_ =	swait.ge [sflag:s13], $0x2000  }
0x7cf: {  	[sflag:s13] =	ssyncset.done $0x0  }
0x7d0: {  	[sflag:s13] =	ssyncadd.s32 $0xFFFFE000  }
0x7d1: {  	_ =	swait.ge [sflag:s4], $0x2000  }
0x7d2: {  	[sflag:s4] =	ssyncset.done $0x0  }
0x7d3: {  	s22 =	simm.s32 $0x3040;
	[sflag:s4] =	ssyncadd.s32 $0xFFFFE000  }
0x7d4: {  	v1 =	vld [tilespmem:s22+$0x30]  }
0x7d5: {  	v2 =	vld [tilespmem:s22+$0xFFFFFFD0]  }
0x7d6: {  	v3 =	vld [tilespmem:s22+$0xFFFFFFE0]  }
0x7d7: {  	v4 =	vld [tilespmem:s22+$0xFFFFFFF0]  }
0x7d8: {  	v5 =	vld [tilespmem:s22+$0x0]  }
0x7d9: {  	v6 =	vld [tilespmem:s22+$0x10];
	vm0 =	vlt.s32 v1, $0x0  }
0x7da: {  	v7 =	vld [tilespmem:s22+$0x20];
	vm1 =	vlt.s32 v2, $0x0;
	v8 =	vsel vm0, $0x3E8, v1  }
0x7db: {  	v10 =	vld [tilespmem:s22+$0xFFFFFFC0];
	vm10 =	vlt.s32 v3, $0x0;
	v9 =	vsel vm1, $0x3E8, v2  }
0x7dc: {  	vm11 =	vlt.s32 v4, $0x0;
	v11 =	vsel vm10, $0x3E8, v3  }
0x7dd: {  	vm12 =	vlt.s32 v5, $0x0;
	v12 =	vsel vm11, $0x3E8, v4  }
0x7de: {  	vm13 =	vlt.s32 v6, $0x0;
	v13 =	vsel vm12, $0x3E8, v5  }
0x7df: {  	vm14 =	vlt.s32 v7, $0x0;
	v1 =	vsel vm13, $0x3E8, v6;
	v4 =	vld.idx.msk [tilespmem:v8+s1+$0x0], $0xffff  }
0x7e0: {  	vm15 =	vlt.s32 v10, $0x0;
	v2 =	vsel vm14, $0x3E8, v7;
	v5 =	vld.idx.msk [tilespmem:v9+s1+$0x0], $0xffff  }
0x7e1: {  	v3 =	vsel vm15, $0x3E8, v10;
	v6 =	vld.idx.msk [tilespmem:v11+s1+$0x0], $0xffff  }
0x7e2: {  	v7 =	vld.idx.msk [tilespmem:v12+s1+$0x0], $0xffff  }
0x7e3: {  	v10 =	vld.idx.msk [tilespmem:v13+s1+$0x0], $0xffff  }
0x7e4: {  	s17 =	simm.s32 $0x5040;
	v14 =	vld.idx.msk [tilespmem:v1+s1+$0x0], $0xffff  }
0x7e5: {  	v15 =	vld.idx.msk [tilespmem:v2+s1+$0x0], $0xffff;
	[tilespmem:s17+$0x30] =	vst v4  }
0x7e6: {  	[tilespmem:s17+$0xFFFFFFD0] =	vst v5;
	v5 =	vld.idx.msk [tilespmem:v3+s1+$0x0], $0xffff  }
0x7e7: {  	[tilespmem:s17+$0xFFFFFFE0] =	vst v6;
	v4 =	vld.idx.msk [tilespmem:v8+s28+$0x0], $0xffff  }
0x7e8: {  	[tilespmem:s17+$0xFFFFFFF0] =	vst v7;
	v6 =	vld.idx.msk [tilespmem:v9+s28+$0x0], $0xffff  }
0x7e9: {  	[tilespmem:s17+$0x0] =	vst v10;
	v7 =	vld.idx.msk [tilespmem:v11+s28+$0x0], $0xffff  }
0x7ea: {  	[tilespmem:s17+$0x10] =	vst v14;
	v10 =	vld.idx.msk [tilespmem:v12+s28+$0x0], $0xffff  }
0x7eb: {  	[tilespmem:s17+$0x20] =	vst v15;
	v60 =	vld.idx.msk [tilespmem:v13+s28+$0x0], $0xffff  }
0x7ec: {  	s18 =	simm.s32 $0x7040;
	v61 =	vld.idx.msk [tilespmem:v1+s28+$0x0], $0xffff;
	[tilespmem:s17+$0xFFFFFFC0] =	vst v5  }
0x7ed: {  	[tilespmem:s18+$0x30] =	vst v4;
	v5 =	vld.idx.msk [tilespmem:v3+s28+$0x0], $0xffff  }
0x7ee: {  	[tilespmem:s18+$0xFFFFFFD0] =	vst v6;
	v6 =	vld.idx.msk [tilespmem:v2+s28+$0x0], $0xffff  }
0x7ef: {  	[tilespmem:s18+$0xFFFFFFE0] =	vst v7;
	v4 =	vld.idx.msk [tilespmem:v8+s29+$0x0], $0xffff  }
0x7f0: {  	[tilespmem:s18+$0xFFFFFFF0] =	vst v10;
	v7 =	vld.idx.msk [tilespmem:v9+s29+$0x0], $0xffff  }
0x7f1: {  	[tilespmem:s18+$0x0] =	vst v60;
	v10 =	vld.idx.msk [tilespmem:v11+s29+$0x0], $0xffff  }
0x7f2: {  	[tilespmem:s18+$0x10] =	vst v61;
	v62 =	vld.idx.msk [tilespmem:v12+s29+$0x0], $0xffff  }
0x7f3: {  	v63 =	vld.idx.msk [tilespmem:v13+s29+$0x0], $0xffff;
	[tilespmem:s18+$0xFFFFFFC0] =	vst v5  }
0x7f4: {  	s5 =	simm.s32 $0x9040;
	[tilespmem:s18+$0x20] =	vst v6;
	v6 =	vld.idx.msk [tilespmem:v1+s29+$0x0], $0xffff  }
0x7f5: {  	[tilespmem:s5+$0x30] =	vst v4;
	v17 =	vld.idx.msk [tilespmem:v3+s29+$0x0], $0xffff  }
0x7f6: {  	[tilespmem:s5+$0xFFFFFFD0] =	vst v7;
	v16 =	vld.idx.msk [tilespmem:v8+s30+$0x0], $0xffff  }
0x7f7: {  	[tilespmem:s5+$0xFFFFFFE0] =	vst v10;
	v7 =	vld.idx.msk [tilespmem:v2+s29+$0x0], $0xffff  }
0x7f8: {  	[tilespmem:s5+$0xFFFFFFF0] =	vst v62;
	v4 =	vld.idx.msk [tilespmem:v9+s30+$0x0], $0xffff  }
0x7f9: {  	[tilespmem:s5+$0x0] =	vst v63;
	v5 =	vld.idx.msk [tilespmem:v11+s30+$0x0], $0xffff  }
0x7fa: {  	s19 =	simm.s32 $0xB040;
	v8 =	vld.idx.msk [tilespmem:v12+s30+$0x0], $0xffff;
	[tilespmem:s5+$0xFFFFFFC0] =	vst v17  }
0x7fb: {  	s6 =	simm.s32 $0x0;
	s20 =	simm.s32 $0x30C0;
	v9 =	vld.idx.msk [tilespmem:v13+s30+$0x0], $0xffff;
	[tilespmem:s19+$0x30] =	vst v16  }
.LBB2_34:
0x7fc: {  	v10 =	vld [tilespmem:s20+$0x30];
	s6 =	sadd.s32 $0x80, s6;
	[tilespmem:s5+$0x10] =	vst v6  }
0x7fd: {  	v6 =	vld [tilespmem:s20+$0xFFFFFFD0];
	p0 =	slt.u32 s6, $0x1F80;
	[tilespmem:s5+$0x20] =	vst v7  }
0x7fe: {  	v7 =	vld [tilespmem:s20+$0xFFFFFFE0];
	[tilespmem:s19+$0xFFFFFFD0] =	vst v4  }
0x7ff: {  	v4 =	vld [tilespmem:s20+$0xFFFFFFF0];
	[tilespmem:s19+$0xFFFFFFE0] =	vst v5  }
0x800: {  	v5 =	vld [tilespmem:s20+$0x0];
	[tilespmem:s19+$0xFFFFFFF0] =	vst v8  }
0x801: {  	v8 =	vld [tilespmem:s20+$0x10];
	vm0 =	vlt.s32 v10, $0x0;
	[tilespmem:s19+$0x0] =	vst v9  }
0x802: {  	vm1 =	vlt.s32 v6, $0x0;
	v9 =	vld [tilespmem:s20+$0x20];
	v10 =	vsel vm0, $0x3E8, v10  }
0x803: {  	v11 =	vld [tilespmem:s20+$0xFFFFFFC0];
	v12 =	vsel vm1, $0x3E8, v6;
	vm0 =	vlt.s32 v7, $0x0  }
0x804: {  	v13 =	vsel vm0, $0x3E8, v7;
	vm0 =	vlt.s32 v4, $0x0;
	v6 =	vld.idx.msk [tilespmem:v3+s30+$0x0], $0xffff  }
0x805: {  	v14 =	vsel vm0, $0x3E8, v4;
	vm0 =	vlt.s32 v5, $0x0;
	v4 =	vld.idx.msk [tilespmem:v1+s30+$0x0], $0xffff  }
0x806: {  	v15 =	vsel vm0, $0x3E8, v5;
	vm0 =	vlt.s32 v8, $0x0;
	v5 =	vld.idx.msk [tilespmem:v2+s30+$0x0], $0xffff  }
0x807: {  	v1 =	vsel vm0, $0x3E8, v8;
	vm0 =	vlt.s32 v9, $0x0;
	v7 =	vld.idx.msk [tilespmem:v10+s1+$0x0], $0xffff  }
0x808: {  	vm1 =	vlt.s32 v11, $0x0;
	v8 =	vld.idx.msk [tilespmem:v12+s1+$0x0], $0xffff;
	v2 =	vsel vm0, $0x3E8, v9  }
0x809: {  	v3 =	vsel vm1, $0x3E8, v11;
	v9 =	vld.idx.msk [tilespmem:v13+s1+$0x0], $0xffff  }
0x80a: {  	v11 =	vld.idx.msk [tilespmem:v14+s1+$0x0], $0xffff;
	[tilespmem:s19+$0xFFFFFFC0] =	vst v6  }
0x80b: {  	v6 =	vld.idx.msk [tilespmem:v15+s1+$0x0], $0xffff;
	[tilespmem:s19+$0x10] =	vst v4  }
0x80c: {  	s17 =	sadd.s32 $0x80, s17;
	v4 =	vld.idx.msk [tilespmem:v1+s1+$0x0], $0xffff;
	[tilespmem:s19+$0x20] =	vst v5  }
0x80d: {  	v5 =	vld.idx.msk [tilespmem:v2+s1+$0x0], $0xffff;
	[tilespmem:s17+$0x30] =	vst v7  }
0x80e: {  	[tilespmem:s17+$0xFFFFFFD0] =	vst v8;
	v7 =	vld.idx.msk [tilespmem:v10+s28+$0x0], $0xffff  }
0x80f: {  	v8 =	vld.idx.msk [tilespmem:v3+s1+$0x0], $0xffff;
	[tilespmem:s17+$0xFFFFFFE0] =	vst v9  }
0x810: {  	v9 =	vld.idx.msk [tilespmem:v12+s28+$0x0], $0xffff;
	[tilespmem:s17+$0xFFFFFFF0] =	vst v11  }
0x811: {  	v11 =	vld.idx.msk [tilespmem:v13+s28+$0x0], $0xffff;
	[tilespmem:s17+$0x0] =	vst v6  }
0x812: {  	v6 =	vld.idx.msk [tilespmem:v14+s28+$0x0], $0xffff;
	[tilespmem:s17+$0x10] =	vst v4  }
0x813: {  	s18 =	sadd.s32 $0x80, s18;
	v4 =	vld.idx.msk [tilespmem:v15+s28+$0x0], $0xffff;
	[tilespmem:s17+$0x20] =	vst v5  }
0x814: {  	v5 =	vld.idx.msk [tilespmem:v1+s28+$0x0], $0xffff;
	[tilespmem:s18+$0x30] =	vst v7  }
0x815: {  	[tilespmem:s17+$0xFFFFFFC0] =	vst v8;
	v7 =	vld.idx.msk [tilespmem:v10+s29+$0x0], $0xffff  }
0x816: {  	v8 =	vld.idx.msk [tilespmem:v3+s28+$0x0], $0xffff;
	[tilespmem:s18+$0xFFFFFFD0] =	vst v9  }
0x817: {  	[tilespmem:s18+$0xFFFFFFE0] =	vst v11;
	v9 =	vld.idx.msk [tilespmem:v2+s28+$0x0], $0xffff  }
0x818: {  	v11 =	vld.idx.msk [tilespmem:v12+s29+$0x0], $0xffff;
	[tilespmem:s18+$0xFFFFFFF0] =	vst v6  }
0x819: {  	v16 =	vld.idx.msk [tilespmem:v13+s29+$0x0], $0xffff;
	[tilespmem:s18+$0x0] =	vst v4  }
0x81a: {  	s5 =	sadd.s32 $0x80, s5;
	v17 =	vld.idx.msk [tilespmem:v14+s29+$0x0], $0xffff;
	[tilespmem:s18+$0x10] =	vst v5  }
0x81b: {  	v18 =	vld.idx.msk [tilespmem:v15+s29+$0x0], $0xffff;
	[tilespmem:s5+$0x30] =	vst v7  }
0x81c: {  	[tilespmem:s18+$0xFFFFFFC0] =	vst v8;
	v10 =	vld.idx.msk [tilespmem:v10+s30+$0x0], $0xffff  }
0x81d: {  	v19 =	vld.idx.msk [tilespmem:v3+s29+$0x0], $0xffff;
	[tilespmem:s18+$0x20] =	vst v9  }
0x81e: {  	[tilespmem:s5+$0xFFFFFFD0] =	vst v11;
	v6 =	vld.idx.msk [tilespmem:v1+s29+$0x0], $0xffff  }
.Ltmp16:
0x81f: {  	[tilespmem:s5+$0xFFFFFFE0] =	vst v16;
	v7 =	vld.idx.msk [tilespmem:v2+s29+$0x0], $0xffff;
	(pc) =	sbr.rel @p0 .LBB2_34-.Ltmp16, $4  }
0x820: {  	v4 =	vld.idx.msk [tilespmem:v12+s30+$0x0], $0xffff;
	[tilespmem:s5+$0xFFFFFFF0] =	vst v17  }
0x821: {  	s19 =	sadd.s32 $0x80, s19;
	v5 =	vld.idx.msk [tilespmem:v13+s30+$0x0], $0xffff;
	[tilespmem:s5+$0x0] =	vst v18  }
0x822: {  	v8 =	vld.idx.msk [tilespmem:v14+s30+$0x0], $0xffff;
	[tilespmem:s19+$0x30] =	vst v10  }
0x823: {  	s20 =	sadd.s32 $0x80, s20;
	[tilespmem:s5+$0xFFFFFFC0] =	vst v19;
	v9 =	vld.idx.msk [tilespmem:v15+s30+$0x0], $0xffff  }
0x824: {  	_ =	sdelay $0x2  }
0x825: {  	[tilespmem:s5+$0x10] =	vst v6  }
0x826: {  	[tilespmem:s5+$0x20] =	vst v7;
	v3 =	vld.idx.msk [tilespmem:v3+s30+$0x0], $0xffff  }
0x827: {  	[tilespmem:s19+$0xFFFFFFD0] =	vst v4;
	v1 =	vld.idx.msk [tilespmem:v1+s30+$0x0], $0xffff  }
0x828: {  	v2 =	vld.idx.msk [tilespmem:v2+s30+$0x0], $0xffff;
	[tilespmem:s19+$0xFFFFFFE0] =	vst v5  }
0x829: {  	[tilespmem:s19+$0xFFFFFFF0] =	vst v8  }
0x82a: {  	[tilespmem:s19+$0x0] =	vst v9  }
0x82b: {  	[tilespmem:s19+$0xFFFFFFC0] =	vst v3  }
0x82c: {  	[tilespmem:s19+$0x10] =	vst v1  }
0x82d: {  	[tilespmem:s19+$0x20] =	vst v2  }
0x82e: {  	s5 =	sld [smem:$0x7F9];
	_ =	sdelay $0x1  }
0x82f: {  	s19 =	sld [smem:$0x7FA]  }
0x830: {  	[hbm4b:s5+s1] =	stream.linear.scatter [tilespmem:s31], [sflag:$0x3], $0x2000, $0x38;
	[tilespmem:$0x1D000] =	vst v63  }
0x831: {  	s20 =	sld [smem:$0x7FB]  }
0x832: {  	[hbm4b:s19+s1] =	stream.linear.scatter [tilespmem:s0], [sflag:$0x3], $0x2000, $0x38;
	[tilespmem:$0x1D000] =	vst v63  }
0x833: {  	s21 =	sld [smem:$0x7FC]  }
0x834: {  	[hbm4b:s20+s1] =	stream.linear.scatter [tilespmem:s2], [sflag:$0x3], $0x2000, $0x38;
	[tilespmem:$0x1D000] =	vst v63  }
0x835: {  	_ = 	snop  }
0x836: {  	[hbm4b:s21+s1] =	stream.linear.scatter [tilespmem:s3], [sflag:$0x3], $0x2000, $0x38;
	[tilespmem:$0x1D000] =	vst v63  }
0x837: {  	_ =	swait.ge [sflag:s13], $0x2000  }
0x838: {  	[sflag:s13] =	ssyncset.done $0x0  }
0x839: {  	[sflag:s13] =	ssyncadd.s32 $0xFFFFE000  }
0x83a: {  	_ =	swait.ge [sflag:s13], $0x2000  }
0x83b: {  	[sflag:s13] =	ssyncset.done $0x0  }
0x83c: {  	[sflag:s13] =	ssyncadd.s32 $0xFFFFE000  }
0x83d: {  	_ =	swait.ge [sflag:s13], $0x2000  }
0x83e: {  	[sflag:s13] =	ssyncset.done $0x0  }
0x83f: {  	[sflag:s13] =	ssyncadd.s32 $0xFFFFE000  }
0x840: {  	_ =	swait.ge [sflag:s13], $0x2000  }
0x841: {  	[sflag:s13] =	ssyncset.done $0x0  }
0x842: {  	[sflag:s13] =	ssyncadd.s32 $0xFFFFE000  }
0x843: {  	_ =	swait.ge [sflag:s14], $0x2000  }
0x844: {  	[sflag:s14] =	ssyncset.done $0x0  }
0x845: {  	[sflag:s14] =	ssyncadd.s32 $0xFFFFE000  }
0x846: {  	_ =	swait.ge [sflag:s14], $0x2000  }
0x847: {  	[sflag:s14] =	ssyncset.done $0x0  }
0x848: {  	[sflag:s14] =	ssyncadd.s32 $0xFFFFE000  }
0x849: {  	_ =	swait.ge [sflag:s14], $0x2000  }
0x84a: {  	[sflag:s14] =	ssyncset.done $0x0  }
0x84b: {  	[sflag:s14] =	ssyncadd.s32 $0xFFFFE000  }
0x84c: {  	_ =	swait.ge [sflag:s14], $0x2000  }
0x84d: {  	[sflag:s14] =	ssyncset.done $0x0  }
0x84e: {  	[sflag:s14] =	ssyncadd.s32 $0xFFFFE000  }
0x84f: {  	_ =	swait.ge [sflag:s15], $0x2000  }
0x850: {  	[sflag:s15] =	ssyncset.done $0x0  }
0x851: {  	[sflag:s15] =	ssyncadd.s32 $0xFFFFE000  }
0x852: {  	_ =	swait.ge [sflag:s15], $0x2000  }
0x853: {  	[sflag:s15] =	ssyncset.done $0x0  }
0x854: {  	[sflag:s15] =	ssyncadd.s32 $0xFFFFE000  }
0x855: {  	_ =	swait.ge [sflag:s15], $0x2000  }
0x856: {  	[sflag:s15] =	ssyncset.done $0x0  }
0x857: {  	[sflag:s15] =	ssyncadd.s32 $0xFFFFE000  }
0x858: {  	_ =	swait.ge [sflag:s15], $0x2000  }
0x859: {  	s22 =	sld [smem:$0x7FD];
	_ =	sdelay $0x1  }
0x85a: {  	s16 =	sadd.s32 $0x1, s16  }
0x85b: {  	p0 =	sne.s32 s16, s22  }
.Ltmp17:
0x85c: {  	_ = 	snop;
	(pc) =	sbr.rel @p0 .LBB2_1-.Ltmp17, $3  }
0x85d: {  	_ =	sdelay $0x1  }
0x85e: {  	[sflag:s15] =	ssyncset.done $0x0  }
0x85f: {  	[sflag:s15] =	ssyncadd.s32 $0xFFFFE000  }
0x860: {  	_ =	sfence.sel $0x180000  }
0x861: {  	[bflag:$0x0] =	sbarrier.arrive $0xFFFF  }
0x862: {  	_ =	strace $0x90000047  }
0x863: {  	s0 =	stileid.u32;
	[bflag:$0x2] =	sbarrier.arrive $0xFFFF  }
0x864: {  	p0 =	sne.s32 s0, $0x0;
	s0 =	rddreg [dreg:$0x8]  }
0x865: {  	s0 =	sadd.s32 @!p0 $0x100000, s0  }
0x866: {  	[sflag:s0] =	ssyncadd.tile.s32 @!p0 $0x1;
	_ =	shalt  }
.Lfunc_end2:
_tile_overlayer_lowered:
.L_overlay_start_2:
0x867: {  	(tag) =	ssettag $0x2  }
0x868: {  	s0 =	rddreg [dreg:$0x0];
	s2 =	stileid.u32  }
0x869: {  	s1 =	rddreg [dreg:$0x1];
	p0 =	sne.s32 s2, $0x0  }
0x86a: {  	s3 =	rddreg [dreg:$0x2];
	[bflag:$0x3] =	sbarrier.arrive $0xFFFF;
	s2 =	simm.s32 @!p0 $0x1C06  }
0x86b: {  	[timem:s3], [sflag:s2] =	dma.local @!p0 [hbm:s0], s1  }
0x86c: {  	s0 =	simm.s32 @!p0 $0x6  }
0x86d: {  	_ =	swait.ge @!p0 [sflag:s0], s1  }
0x86e: {  	s1 =	ssub.s32 @!p0 $0x0, s1;
	[sflag:s0] =	ssyncset.done @!p0 $0x0  }
0x86f: {  	[sflag:s0] =	ssyncadd.s32 @!p0 s1  }
0x870: {  	[bflag:$0x3] =	sbarrier.arrive $0xFFFF  }
0x871: {  	_ =	shalt  }

</sc_bundles>
